<compile_context>
chip_gen: v7x
topology: tpu7x:2x2x1
jax: 0.10.2.dev20260603
libtpu: 0.0.44.dev20260713+nightly
codegen_flags: <defaults>
</compile_context>

<pallas_src>
import functools

import jax
import jax.numpy as jnp
from jax import lax
from jax.experimental import pallas as pl
from jax.experimental.pallas import tpu as pltpu
from jax.experimental.pallas import tpu_sc as plsc

NUM_USER = 6000
NUM_ITEM = 4000
NTOT = NUM_USER + NUM_ITEM
NPAD = 10240
E = 640000
D = 64
DP = 64

NC = 2
NS = 16
NW = NC * NS
EPW = E // NW
C = 128
NCH = 160
NSCAT = 158
RPT = NPAD // NS
HN = NPAD // NC
JROW = HN
ACCR = HN + 8
OPT = HN // NS

_mesh = plsc.VectorSubcoreMesh(
    core_axis_name="c", subcore_axis_name="s", num_cores=NC, num_subcores=NS)


def _fill_pad(ref, start, count, value, dtype):
    vec = jnp.full((16,), value, dtype)

    def body(g, _):
        ref[pl.ds(start + g * 16, 16)] = vec
        return 0

    lax.fori_loop(0, count // 16, body, 0)


def _load_edges(src_hbm, dst_hbm, slot, srcb, dstb):
    base = slot * EPW
    pltpu.sync_copy(src_hbm.at[pl.ds(base, EPW)], srcb.at[pl.ds(0, EPW)])
    pltpu.sync_copy(dst_hbm.at[pl.ds(base, EPW)], dstb.at[pl.ds(0, EPW)])
    _fill_pad(srcb, EPW, NCH * C - EPW, NTOT, jnp.int32)
    _fill_pad(dstb, EPW, NCH * C - EPW, NTOT, jnp.int32)


def _make_deg():
    @functools.partial(
        pl.kernel,
        out_type=jax.ShapeDtypeStruct((NC, NS, RPT), jnp.float32),
        mesh=_mesh,
        compiler_params=pltpu.CompilerParams(use_tc_tiling_on_sc=False),
        scratch_types=[
            pltpu.VMEM((NCH * C,), jnp.int32),
            pltpu.VMEM((NCH * C,), jnp.int32),
            pltpu.VMEM((NCH, C), jnp.int32),
            pltpu.VMEM((NCH, C), jnp.float32),
            pltpu.VMEM((RPT,), jnp.float32),
            pltpu.VMEM_SHARED((NPAD,), jnp.float32),
            pltpu.SemaphoreType.DMA,
            pltpu.SemaphoreType.DMA,
        ],
    )
    def deg_kernel(src_hbm, dst_hbm, out_hbm, srcb, dstb, src2d, val2d, zdeg,
                   degacc, sem0, sem1):
        cid = lax.axis_index("c")
        sid = lax.axis_index("s")
        wid = sid * NC + cid

        _load_edges(src_hbm, dst_hbm, wid, srcb, dstb)

        def fix(ch, _):
            for k in range(8):
                off = ch * C + k * 16
                s = srcb[pl.ds(off, 16)]
                d = dstb[pl.ds(off, 16)]
                src2d[ch, pl.ds(k * 16, 16)] = s
                val2d[ch, pl.ds(k * 16, 16)] = jnp.where(
                    s == d, jnp.zeros((16,), jnp.float32),
                    jnp.ones((16,), jnp.float32))
            return 0

        lax.fori_loop(0, NCH, fix, 0)

        _fill_pad(zdeg, 0, RPT, 0.0, jnp.float32)
        pltpu.sync_copy(zdeg, degacc.at[pl.ds(sid * RPT, RPT)])
        plsc.subcore_barrier()

        def sstart(j, sem):
            pltpu.async_copy(val2d.at[j], degacc.at[src2d.at[j]], sem, add=True)

        def swait(j, sem):
            pltpu.make_async_copy(val2d.at[j], degacc.at[src2d.at[j]], sem).wait()

        def loop(i, _):
            jj = 2 * i
            sstart(jj, sem0)
            sstart(jj + 1, sem1)
            swait(jj, sem0)
            swait(jj + 1, sem1)
            return 0

        lax.fori_loop(0, NSCAT // 2, loop, 0)
        plsc.subcore_barrier()
        pltpu.sync_copy(degacc.at[pl.ds(sid * RPT, RPT)], out_hbm.at[cid, sid])

    return deg_kernel


NQ = 2
EPQ = E // (NS * NQ)
NBUF = 3
CC = 64
QSCAT = 315
QCH = QSCAT + 2


def _make_conv():
    @functools.partial(
        pl.kernel,
        out_type=jax.ShapeDtypeStruct((NC, NS, OPT, DP), jnp.float32),
        mesh=_mesh,
        compiler_params=pltpu.CompilerParams(use_tc_tiling_on_sc=False),
        scratch_types=[
            pltpu.VMEM((QCH * CC,), jnp.int32),
            pltpu.VMEM((QCH * CC,), jnp.int32),
            pltpu.VMEM((QCH, CC), jnp.int32),
            [pltpu.VMEM((CC, DP), jnp.float32)] * NBUF,
            pltpu.VMEM((64, DP), jnp.float32),
            pltpu.VMEM_SHARED((ACCR, DP), jnp.float32),
            [pltpu.SemaphoreType.DMA] * NBUF,
            [pltpu.SemaphoreType.DMA] * NBUF,
        ],
    )
    def conv_kernel(table_hbm, src_hbm, dst_hbm, out_hbm, srcb, dstb, dst2d,
                    bufs, zbuf, acc, gsems, ssems):
        cid = lax.axis_index("c")
        sid = lax.axis_index("s")
        row0 = cid * HN

        def zfill(r, _):
            for k in range(DP // 16):
                zbuf[r, pl.ds(k * 16, 16)] = jnp.zeros((16,), jnp.float32)
            return 0

        lax.fori_loop(0, 64, zfill, 0)
        for i in range(OPT // 64):
            pltpu.sync_copy(zbuf, acc.at[pl.ds(sid * OPT + i * 64, 64)])

        @pl.when(sid == 0)
        def _():
            pltpu.sync_copy(zbuf.at[pl.ds(0, ACCR - HN)],
                            acc.at[pl.ds(HN, ACCR - HN)])

        def gstart(j, b):
            pltpu.async_copy(
                table_hbm.at[srcb.at[pl.ds(j * CC, CC)]], bufs[b], gsems[b])

        def gwait(j, b):
            pltpu.make_async_copy(
                table_hbm.at[srcb.at[pl.ds(j * CC, CC)]], bufs[b],
                gsems[b]).wait()

        def sstart(j, b):
            pltpu.async_copy(bufs[b], acc.at[dst2d.at[j]], ssems[b], add=True)

        def swait(j, b):
            pltpu.make_async_copy(bufs[b], acc.at[dst2d.at[j]],
                                  ssems[b]).wait()

        for q in range(NQ):
            base = (sid * NQ + q) * EPQ
            pltpu.sync_copy(src_hbm.at[pl.ds(base, EPQ)],
                            srcb.at[pl.ds(0, EPQ)])
            pltpu.sync_copy(dst_hbm.at[pl.ds(base, EPQ)],
                            dstb.at[pl.ds(0, EPQ)])
            _fill_pad(srcb, EPQ, QCH * CC - EPQ, NTOT, jnp.int32)
            _fill_pad(dstb, EPQ, QCH * CC - EPQ, NTOT, jnp.int32)

            def fix(ch, _):
                for k in range(CC // 16):
                    off = ch * CC + k * 16
                    s = srcb[pl.ds(off, 16)]
                    d = dstb[pl.ds(off, 16)]
                    srcb[pl.ds(off, 16)] = jnp.where(
                        s == d, jnp.full((16,), NTOT, jnp.int32), s)
                    dloc = d - row0
                    ooh = (dloc < 0) | (dloc >= HN)
                    dst2d[ch, pl.ds(k * 16, 16)] = jnp.where(
                        ooh, jnp.full((16,), JROW, jnp.int32), dloc)
                return 0

            lax.fori_loop(0, QCH, fix, 0)
            if q == 0:
                plsc.subcore_barrier()

            gstart(0, 0)
            gstart(1, 1)
            for j in range(3):
                gwait(j, j % 3)
                sstart(j, j % 3)
                if j >= 1:
                    swait(j - 1, (j - 1) % 3)
                gstart(j + 2, (j + 2) % 3)

            def loop(i, _):
                jj = 3 * i
                for p in range(3):
                    j = jj + p
                    gwait(j, p)
                    sstart(j, p)
                    swait(j - 1, (p + 2) % 3)
                    gstart(j + 2, (p + 2) % 3)
                return 0

            lax.fori_loop(1, QSCAT // 3, loop, 0)
            swait(QSCAT - 1, (QSCAT - 1) % 3)
            gwait(QSCAT, QSCAT % 3)
            gwait(QSCAT + 1, (QSCAT + 1) % 3)

        plsc.subcore_barrier()
        pltpu.sync_copy(acc.at[pl.ds(sid * OPT, OPT)], out_hbm.at[cid, sid])

    return conv_kernel


def _mlp_body(f_ref, w1_ref, b1_ref, w2_ref, b2_ref, o_ref):
    h = jnp.dot(f_ref[...], w1_ref[...], preferred_element_type=jnp.float32)
    h = h + b1_ref[...]
    h = jnp.where(h > 0, h, 0.01 * h)
    t = jnp.dot(h, w2_ref[...], preferred_element_type=jnp.float32)
    t = t + b2_ref[...]
    n = jnp.sqrt(jnp.sum(t * t, axis=1, keepdims=True))
    o_ref[...] = t / jnp.maximum(n, 1e-12)


def _pref_body(p_ref, o_ref):
    p = p_ref[...]
    n = jnp.sqrt(jnp.sum(p * p, axis=1, keepdims=True))
    o_ref[...] = p / jnp.maximum(n, 1e-12)


def _scale_body(degp_ref, x_ref, dinv_ref, xs_ref):
    deg = degp_ref[:, 0:1] + degp_ref[:, 1:2]
    dinv = jnp.where(deg > 0.0, lax.rsqrt(jnp.maximum(deg, 1e-12)), 0.0)
    dinv_ref[...] = dinv
    xs_ref[...] = x_ref[...] * dinv


def _mid_body(a_ref, dinv_ref, h_ref, ys_ref):
    dinv = dinv_ref[...]
    h = a_ref[...] * dinv
    h_ref[...] = h
    ys_ref[...] = h * dinv


def _final_body(x_ref, h_ref, b_ref, dinv_ref, o_ref):
    o_ref[...] = x_ref[...] + h_ref[...] + b_ref[...] * dinv_ref[...]


_deg_call = _make_deg()
_conv_call = _make_conv()


def kernel(features, preference, W1, b1, W2, b2, edge_index):
    temp_n = pl.pallas_call(
        _mlp_body,
        out_shape=jax.ShapeDtypeStruct((NUM_ITEM, D), jnp.float32),
    )(features, W1, b1.reshape(1, -1), W2, b2.reshape(1, -1))

    pref_n = pl.pallas_call(
        _pref_body,
        out_shape=jax.ShapeDtypeStruct((NUM_USER, D), jnp.float32),
    )(preference)

    x = jnp.concatenate([pref_n, temp_n], axis=0)
    x = jnp.pad(x, ((0, NPAD - NTOT), (0, 0)))

    e_src = edge_index[0]
    e_dst = edge_index[1]

    degp = _deg_call(e_src, e_dst)
    degp_t = degp.reshape(NC, NPAD).T

    dinv, xs = pl.pallas_call(
        _scale_body,
        out_shape=(
            jax.ShapeDtypeStruct((NPAD, 1), jnp.float32),
            jax.ShapeDtypeStruct((NPAD, DP), jnp.float32),
        ),
    )(degp_t, x)

    acc1 = _conv_call(xs, e_src, e_dst).reshape(NPAD, DP)

    h, ys = pl.pallas_call(
        _mid_body,
        out_shape=(
            jax.ShapeDtypeStruct((NPAD, DP), jnp.float32),
            jax.ShapeDtypeStruct((NPAD, DP), jnp.float32),
        ),
    )(acc1, dinv)

    acc2 = _conv_call(ys, e_src, e_dst).reshape(NPAD, DP)

    x_hat = pl.pallas_call(
        _final_body,
        out_shape=jax.ShapeDtypeStruct((NPAD, DP), jnp.float32),
    )(x, h, acc2, dinv)

    return x_hat[:NTOT]

# --- scband reference (transcript-rebuilt; emitter-appended) ---
"""Pipeline reference for scband-mentor-79774722556360 (READ-ONLY COPY).

The authoritative reference and input builder live on the scoring server;
editing this copy changes nothing except your own understanding.
"""

import jax, jax.numpy as jnp
import numpy as np

NUM_USER = 6000
NUM_ITEM = 4000
N = NUM_USER + NUM_ITEM
E = 640000
DIM_FEAT = 128
DIM_E = 64


def setup_inputs(seed: int = 0):
    key = jax.random.key(seed)
    ks = jax.random.split(key, 8)
    edge_index = jax.random.randint(ks[0], (2, E), 0, N, dtype=jnp.int32)
    features = jax.random.normal(ks[1], (NUM_ITEM, DIM_FEAT), dtype=jnp.float32)
    # learned parameters (xavier-style init scales)
    preference = jax.random.normal(ks[2], (NUM_USER, DIM_E), dtype=jnp.float32) * (2.0 / (NUM_USER + DIM_E)) ** 0.5
    W1 = jax.random.normal(ks[3], (DIM_FEAT, 4 * DIM_E), dtype=jnp.float32) * (2.0 / (DIM_FEAT + 4 * DIM_E)) ** 0.5
    b1 = jnp.zeros((4 * DIM_E,), dtype=jnp.float32)
    W2 = jax.random.normal(ks[4], (4 * DIM_E, DIM_E), dtype=jnp.float32) * (2.0 / (4 * DIM_E + DIM_E)) ** 0.5
    b2 = jnp.zeros((DIM_E,), dtype=jnp.float32)
    return {
        'features': features,
        'preference': preference,
        'W1': W1,
        'b1': b1,
        'W2': W2,
        'b2': b2,
        'edge_index': edge_index,
    }


def _gcn_conv(x, edge_index):
    # Base_gcn with aggr='add': remove self loops, symmetric degree norm, scatter-add at dst
    src = edge_index[0]
    dst = edge_index[1]
    keep = (src != dst).astype(x.dtype)  # remove_self_loops
    deg = jnp.zeros((x.shape[0],), dtype=x.dtype).at[src].add(keep)
    deg_inv_sqrt = jnp.where(deg > 0, 1.0 / jnp.sqrt(jnp.maximum(deg, 1e-12)), 0.0)
    norm = deg_inv_sqrt[src] * deg_inv_sqrt[dst] * keep
    msg = norm[:, None] * jnp.take(x, src, axis=0)
    out = jnp.zeros_like(x).at[dst].add(msg)
    return out


def reference(features, preference, W1, b1, W2, b2, edge_index):
    # GCN.forward (dim_E branch): temp = MLP_1(leaky_relu(MLP(features)))
    temp = jax.nn.leaky_relu(features @ W1 + b1, negative_slope=0.01) @ W2 + b2
    x = jnp.concatenate([preference, temp], axis=0)
    # F.normalize (L2, eps=1e-12)
    nrm = jnp.linalg.norm(x, axis=-1, keepdims=True)
    x = x / jnp.maximum(nrm, 1e-12)
    h = _gcn_conv(x, edge_index)
    h1 = _gcn_conv(h, edge_index)
    x_hat = x + h + h1
    return x_hat

if __name__ == "__main__":
    import jax
    _d = setup_inputs()
    print(jax.jit(kernel)(*tuple(_d.values())))

</pallas_src>

<mosaic_0001>
#map = affine_map<(d0, d1) -> (0)>
#map1 = affine_map<(d0, d1) -> (0, 0, 0)>
module attributes {stable_mosaic.version = 14 : i64} {
  func.func @deg_kernel(%arg0: i32, %arg1: i32, %arg2: memref<640000xi32, #tpu.memory_space<hbm>>, %arg3: memref<640000xi32, #tpu.memory_space<hbm>>, %arg4: memref<2x16x640xf32, #tpu.memory_space<hbm>>, %arg5: memref<20480xi32, #tpu.memory_space<vmem>>, %arg6: memref<20480xi32, #tpu.memory_space<vmem>>, %arg7: memref<160x128xi32, #tpu.memory_space<vmem>>, %arg8: memref<160x128xf32, #tpu.memory_space<vmem>>, %arg9: memref<640xf32, #tpu.memory_space<vmem>>, %arg10: memref<10240xf32, #tpu.memory_space<vmem_shared>>, %arg11: memref<!tpu.dma_semaphore, #tpu.memory_space<semaphore_mem>>, %arg12: memref<!tpu.dma_semaphore, #tpu.memory_space<semaphore_mem>>) attributes {dimension_semantics = [#tpu.dimension_semantics<core_parallel>, #tpu.dimension_semantics<subcore_parallel>], iteration_bounds = array<i64: 2, 16>, scalar_prefetch = 0 : i64, scratch_operands = 8 : i64, tpu.core_type = #tpu.core_type<sc_vector_subcore>, window_params = [{transform_indices = #map}, {transform_indices = #map}, {transform_indices = #map1}]} {
    %mul3A = arith.constant 2 : i32
    %mul3A_0 = arith.muli %arg1, %mul3A : i32
    %add3A = arith.addi %mul3A_0, %arg0 : i32
    %mul3A_1 = arith.constant 20000 : i32
    %mul3A_2 = arith.muli %add3A, %mul3A_1 : i32
    "tpu.region"() ({
      %run_scoped3A = tpu.sem_alloc : memref<!tpu.dma_semaphore, #tpu.memory_space<semaphore_mem>>
      %dma_start3A = arith.constant 0 : i32
      %dma_start3A_47 = tpu.memref_slice %arg5[%dma_start3A] : memref<20480xi32, #tpu.memory_space<vmem>> -> memref<20000xi32, #tpu.memory_space<vmem>>
      %dma_start3A_48 = tpu.memref_slice %arg2[%mul3A_2] : memref<640000xi32, #tpu.memory_space<hbm>> -> memref<20000xi32, #tpu.memory_space<hbm>>
      %dma_start3A_49 = arith.constant 0 : i32
      %dma_start3A_50 = tpu.memref_slice %arg5[%dma_start3A_49] : memref<20480xi32, #tpu.memory_space<vmem>> -> memref<20000xi32, #tpu.memory_space<vmem>>
      %dma_start3A_51 = tpu.memref_slice %arg2[%mul3A_2] : memref<640000xi32, #tpu.memory_space<hbm>> -> memref<20000xi32, #tpu.memory_space<hbm>>
      tpu.enqueue_dma source(%dma_start3A_51 : memref<20000xi32, #tpu.memory_space<hbm>>) target(%dma_start3A_50 : memref<20000xi32, #tpu.memory_space<vmem>>) target_semaphore(%run_scoped3A : memref<!tpu.dma_semaphore, #tpu.memory_space<semaphore_mem>>)
      %dma_wait3A = arith.constant 0 : i32
      %dma_wait3A_52 = tpu.memref_slice %arg5[%dma_wait3A] : memref<20480xi32, #tpu.memory_space<vmem>> -> memref<20000xi32, #tpu.memory_space<vmem>>
      %dma_wait3A_53 = tpu.memref_slice %arg2[%mul3A_2] : memref<640000xi32, #tpu.memory_space<hbm>> -> memref<20000xi32, #tpu.memory_space<hbm>>
      %dma_wait3A_54 = arith.constant 0 : i32
      %dma_wait3A_55 = tpu.memref_slice %arg5[%dma_wait3A_54] : memref<20480xi32, #tpu.memory_space<vmem>> -> memref<20000xi32, #tpu.memory_space<vmem>>
      %dma_wait3A_56 = tpu.memref_slice %arg2[%mul3A_2] : memref<640000xi32, #tpu.memory_space<hbm>> -> memref<20000xi32, #tpu.memory_space<hbm>>
      tpu.wait_dma2 semaphore(%run_scoped3A : memref<!tpu.dma_semaphore, #tpu.memory_space<semaphore_mem>>) src(%dma_wait3A_56 : memref<20000xi32, #tpu.memory_space<hbm>>) dst(%dma_wait3A_55 : memref<20000xi32, #tpu.memory_space<vmem>>)
      tpu.yield
    }) : () -> ()
    "tpu.region"() ({
      %run_scoped3A = tpu.sem_alloc : memref<!tpu.dma_semaphore, #tpu.memory_space<semaphore_mem>>
      %dma_start3A = arith.constant 0 : i32
      %dma_start3A_47 = tpu.memref_slice %arg6[%dma_start3A] : memref<20480xi32, #tpu.memory_space<vmem>> -> memref<20000xi32, #tpu.memory_space<vmem>>
      %dma_start3A_48 = tpu.memref_slice %arg3[%mul3A_2] : memref<640000xi32, #tpu.memory_space<hbm>> -> memref<20000xi32, #tpu.memory_space<hbm>>
      %dma_start3A_49 = arith.constant 0 : i32
      %dma_start3A_50 = tpu.memref_slice %arg6[%dma_start3A_49] : memref<20480xi32, #tpu.memory_space<vmem>> -> memref<20000xi32, #tpu.memory_space<vmem>>
      %dma_start3A_51 = tpu.memref_slice %arg3[%mul3A_2] : memref<640000xi32, #tpu.memory_space<hbm>> -> memref<20000xi32, #tpu.memory_space<hbm>>
      tpu.enqueue_dma source(%dma_start3A_51 : memref<20000xi32, #tpu.memory_space<hbm>>) target(%dma_start3A_50 : memref<20000xi32, #tpu.memory_space<vmem>>) target_semaphore(%run_scoped3A : memref<!tpu.dma_semaphore, #tpu.memory_space<semaphore_mem>>)
      %dma_wait3A = arith.constant 0 : i32
      %dma_wait3A_52 = tpu.memref_slice %arg6[%dma_wait3A] : memref<20480xi32, #tpu.memory_space<vmem>> -> memref<20000xi32, #tpu.memory_space<vmem>>
      %dma_wait3A_53 = tpu.memref_slice %arg3[%mul3A_2] : memref<640000xi32, #tpu.memory_space<hbm>> -> memref<20000xi32, #tpu.memory_space<hbm>>
      %dma_wait3A_54 = arith.constant 0 : i32
      %dma_wait3A_55 = tpu.memref_slice %arg6[%dma_wait3A_54] : memref<20480xi32, #tpu.memory_space<vmem>> -> memref<20000xi32, #tpu.memory_space<vmem>>
      %dma_wait3A_56 = tpu.memref_slice %arg3[%mul3A_2] : memref<640000xi32, #tpu.memory_space<hbm>> -> memref<20000xi32, #tpu.memory_space<hbm>>
      tpu.wait_dma2 semaphore(%run_scoped3A : memref<!tpu.dma_semaphore, #tpu.memory_space<semaphore_mem>>) src(%dma_wait3A_56 : memref<20000xi32, #tpu.memory_space<hbm>>) dst(%dma_wait3A_55 : memref<20000xi32, #tpu.memory_space<vmem>>)
      tpu.yield
    }) : () -> ()
    %broadcast_in_dim3A = arith.constant 10000 : i32
    %broadcast_in_dim3A_3 = vector.broadcast %broadcast_in_dim3A : i32 to vector<16xi32>
    %scan3A = arith.constant 0 : i32
    %scan3A_4 = arith.constant 0 : i32
    %scan3A_5 = arith.constant 30 : i32
    %scan3A_6 = arith.addi %scan3A_4, %scan3A_5 : i32
    %scan3A_7 = arith.constant 1 : i32
    %scan3A_8 = scf.for %scan3A_47 = %scan3A_4 to %scan3A_6 step %scan3A_7 iter_args(%scan3A_48 = %scan3A) -> (i32)  : i32 {
      %mul3A_49 = arith.constant 16 : i32
      %mul3A_50 = arith.muli %scan3A_47, %mul3A_49 : i32
      %add3A_51 = arith.constant 20000 : i32
      %add3A_52 = arith.addi %add3A_51, %mul3A_50 : i32
      %swap3A = arith.index_cast %add3A_52 : i32 to index
      %swap3A_53 = tpu.vector_load %arg5[%swap3A] {strides = array<i32>} : memref<20480xi32, #tpu.memory_space<vmem>>, vector<16xi32>,
      %swap3A_54 = vector.shape_cast %swap3A_53 : vector<16xi32> to vector<16xi32>
      %swap3A_55 = vector.shape_cast %broadcast_in_dim3A_3 : vector<16xi32> to vector<16xi32>
      tpu.vector_store %arg5[%swap3A], %swap3A_55 {strides = array<i32>} : memref<20480xi32, #tpu.memory_space<vmem>>, vector<16xi32>,
      %scan3A_56 = arith.constant 0 : i32
      scf.yield %scan3A_56 : i32
    }
    %scan3A_9 = arith.constant 30 : i32
    %broadcast_in_dim3A_10 = arith.constant 10000 : i32
    %broadcast_in_dim3A_11 = vector.broadcast %broadcast_in_dim3A_10 : i32 to vector<16xi32>
    %scan3A_12 = arith.constant 0 : i32
    %scan3A_13 = arith.constant 0 : i32
    %scan3A_14 = arith.constant 30 : i32
    %scan3A_15 = arith.addi %scan3A_13, %scan3A_14 : i32
    %scan3A_16 = arith.constant 1 : i32
    %scan3A_17 = scf.for %scan3A_47 = %scan3A_13 to %scan3A_15 step %scan3A_16 iter_args(%scan3A_48 = %scan3A_12) -> (i32)  : i32 {
      %mul3A_49 = arith.constant 16 : i32
      %mul3A_50 = arith.muli %scan3A_47, %mul3A_49 : i32
      %add3A_51 = arith.constant 20000 : i32
      %add3A_52 = arith.addi %add3A_51, %mul3A_50 : i32
      %swap3A = arith.index_cast %add3A_52 : i32 to index
      %swap3A_53 = tpu.vector_load %arg6[%swap3A] {strides = array<i32>} : memref<20480xi32, #tpu.memory_space<vmem>>, vector<16xi32>,
      %swap3A_54 = vector.shape_cast %swap3A_53 : vector<16xi32> to vector<16xi32>
      %swap3A_55 = vector.shape_cast %broadcast_in_dim3A_11 : vector<16xi32> to vector<16xi32>
      tpu.vector_store %arg6[%swap3A], %swap3A_55 {strides = array<i32>} : memref<20480xi32, #tpu.memory_space<vmem>>, vector<16xi32>,
      %scan3A_56 = arith.constant 0 : i32
      scf.yield %scan3A_56 : i32
    }
    %scan3A_18 = arith.constant 30 : i32
    %scan3A_19 = arith.constant 0 : i32
    %scan3A_20 = arith.constant 0 : i32
    %scan3A_21 = arith.constant 160 : i32
    %scan3A_22 = arith.addi %scan3A_20, %scan3A_21 : i32
    %scan3A_23 = arith.constant 1 : i32
    %scan3A_24 = scf.for %scan3A_47 = %scan3A_20 to %scan3A_22 step %scan3A_23 iter_args(%scan3A_48 = %scan3A_19) -> (i32)  : i32 {
      %mul3A_49 = arith.constant 128 : i32
      %mul3A_50 = arith.muli %scan3A_47, %mul3A_49 : i32
      %add3A_51 = arith.constant 0 : i32
      %add3A_52 = arith.addi %mul3A_50, %add3A_51 : i32
      %get3A = arith.index_cast %add3A_52 : i32 to index
      %get3A_53 = tpu.vector_load %arg5[%get3A] {strides = array<i32>} : memref<20480xi32, #tpu.memory_space<vmem>>, vector<16xi32>,
      %get3A_54 = vector.shape_cast %get3A_53 : vector<16xi32> to vector<16xi32>
      %get3A_55 = arith.index_cast %add3A_52 : i32 to index
      %get3A_56 = tpu.vector_load %arg6[%get3A_55] {strides = array<i32>} : memref<20480xi32, #tpu.memory_space<vmem>>, vector<16xi32>,
      %get3A_57 = vector.shape_cast %get3A_56 : vector<16xi32> to vector<16xi32>
      %swap3A = arith.index_cast %scan3A_47 : i32 to index
      %swap3A_58 = arith.constant 0 : index
      %swap3A_59 = tpu.vector_load %arg7[%swap3A, %swap3A_58] {strides = array<i32>} : memref<160x128xi32, #tpu.memory_space<vmem>>, vector<1x16xi32>,
      %swap3A_60 = vector.shape_cast %swap3A_59 : vector<1x16xi32> to vector<16xi32>
      %swap3A_61 = vector.shape_cast %get3A_54 : vector<16xi32> to vector<1x16xi32>
      tpu.vector_store %arg7[%swap3A, %swap3A_58], %swap3A_61 {strides = array<i32>} : memref<160x128xi32, #tpu.memory_space<vmem>>, vector<1x16xi32>,
      %eq3A = arith.cmpi eq, %get3A_54, %get3A_57 : vector<16xi32>
      %broadcast_in_dim3A_62 = arith.constant 0.000000e+00 : f32
      %broadcast_in_dim3A_63 = vector.broadcast %broadcast_in_dim3A_62 : f32 to vector<16xf32>
      %broadcast_in_dim3A_64 = arith.constant 1.000000e+00 : f32
      %broadcast_in_dim3A_65 = vector.broadcast %broadcast_in_dim3A_64 : f32 to vector<16xf32>
      %select_n3A = arith.select %eq3A, %broadcast_in_dim3A_63, %broadcast_in_dim3A_65 : vector<16xi1>, vector<16xf32>
      %swap3A_66 = arith.index_cast %scan3A_47 : i32 to index
      %swap3A_67 = arith.constant 0 : index
      %swap3A_68 = tpu.vector_load %arg8[%swap3A_66, %swap3A_67] {strides = array<i32>} : memref<160x128xf32, #tpu.memory_space<vmem>>, vector<1x16xf32>,
      %swap3A_69 = vector.shape_cast %swap3A_68 : vector<1x16xf32> to vector<16xf32>
      %swap3A_70 = vector.shape_cast %select_n3A : vector<16xf32> to vector<1x16xf32>
      tpu.vector_store %arg8[%swap3A_66, %swap3A_67], %swap3A_70 {strides = array<i32>} : memref<160x128xf32, #tpu.memory_space<vmem>>, vector<1x16xf32>,
      %mul3A_71 = arith.constant 128 : i32
      %mul3A_72 = arith.muli %scan3A_47, %mul3A_71 : i32
      %add3A_73 = arith.constant 16 : i32
      %add3A_74 = arith.addi %mul3A_72, %add3A_73 : i32
      %get3A_75 = arith.index_cast %add3A_74 : i32 to index
      %get3A_76 = tpu.vector_load %arg5[%get3A_75] {strides = array<i32>} : memref<20480xi32, #tpu.memory_space<vmem>>, vector<16xi32>,
      %get3A_77 = vector.shape_cast %get3A_76 : vector<16xi32> to vector<16xi32>
      %get3A_78 = arith.index_cast %add3A_74 : i32 to index
      %get3A_79 = tpu.vector_load %arg6[%get3A_78] {strides = array<i32>} : memref<20480xi32, #tpu.memory_space<vmem>>, vector<16xi32>,
      %get3A_80 = vector.shape_cast %get3A_79 : vector<16xi32> to vector<16xi32>
      %swap3A_81 = arith.index_cast %scan3A_47 : i32 to index
      %swap3A_82 = arith.constant 16 : index
      %swap3A_83 = tpu.vector_load %arg7[%swap3A_81, %swap3A_82] {strides = array<i32>} : memref<160x128xi32, #tpu.memory_space<vmem>>, vector<1x16xi32>,
      %swap3A_84 = vector.shape_cast %swap3A_83 : vector<1x16xi32> to vector<16xi32>
      %swap3A_85 = vector.shape_cast %get3A_77 : vector<16xi32> to vector<1x16xi32>
      tpu.vector_store %arg7[%swap3A_81, %swap3A_82], %swap3A_85 {strides = array<i32>} : memref<160x128xi32, #tpu.memory_space<vmem>>, vector<1x16xi32>,
      %eq3A_86 = arith.cmpi eq, %get3A_77, %get3A_80 : vector<16xi32>
      %broadcast_in_dim3A_87 = arith.constant 0.000000e+00 : f32
      %broadcast_in_dim3A_88 = vector.broadcast %broadcast_in_dim3A_87 : f32 to vector<16xf32>
      %broadcast_in_dim3A_89 = arith.constant 1.000000e+00 : f32
      %broadcast_in_dim3A_90 = vector.broadcast %broadcast_in_dim3A_89 : f32 to vector<16xf32>
      %select_n3A_91 = arith.select %eq3A_86, %broadcast_in_dim3A_88, %broadcast_in_dim3A_90 : vector<16xi1>, vector<16xf32>
      %swap3A_92 = arith.index_cast %scan3A_47 : i32 to index
      %swap3A_93 = arith.constant 16 : index
      %swap3A_94 = tpu.vector_load %arg8[%swap3A_92, %swap3A_93] {strides = array<i32>} : memref<160x128xf32, #tpu.memory_space<vmem>>, vector<1x16xf32>,
      %swap3A_95 = vector.shape_cast %swap3A_94 : vector<1x16xf32> to vector<16xf32>
      %swap3A_96 = vector.shape_cast %select_n3A_91 : vector<16xf32> to vector<1x16xf32>
      tpu.vector_store %arg8[%swap3A_92, %swap3A_93], %swap3A_96 {strides = array<i32>} : memref<160x128xf32, #tpu.memory_space<vmem>>, vector<1x16xf32>,
      %mul3A_97 = arith.constant 128 : i32
      %mul3A_98 = arith.muli %scan3A_47, %mul3A_97 : i32
      %add3A_99 = arith.constant 32 : i32
      %add3A_100 = arith.addi %mul3A_98, %add3A_99 : i32
      %get3A_101 = arith.index_cast %add3A_100 : i32 to index
      %get3A_102 = tpu.vector_load %arg5[%get3A_101] {strides = array<i32>} : memref<20480xi32, #tpu.memory_space<vmem>>, vector<16xi32>,
      %get3A_103 = vector.shape_cast %get3A_102 : vector<16xi32> to vector<16xi32>
      %get3A_104 = arith.index_cast %add3A_100 : i32 to index
      %get3A_105 = tpu.vector_load %arg6[%get3A_104] {strides = array<i32>} : memref<20480xi32, #tpu.memory_space<vmem>>, vector<16xi32>,
      %get3A_106 = vector.shape_cast %get3A_105 : vector<16xi32> to vector<16xi32>
      %swap3A_107 = arith.index_cast %scan3A_47 : i32 to index
      %swap3A_108 = arith.constant 32 : index
      %swap3A_109 = tpu.vector_load %arg7[%swap3A_107, %swap3A_108] {strides = array<i32>} : memref<160x128xi32, #tpu.memory_space<vmem>>, vector<1x16xi32>,
      %swap3A_110 = vector.shape_cast %swap3A_109 : vector<1x16xi32> to vector<16xi32>
      %swap3A_111 = vector.shape_cast %get3A_103 : vector<16xi32> to vector<1x16xi32>
      tpu.vector_store %arg7[%swap3A_107, %swap3A_108], %swap3A_111 {strides = array<i32>} : memref<160x128xi32, #tpu.memory_space<vmem>>, vector<1x16xi32>,
      %eq3A_112 = arith.cmpi eq, %get3A_103, %get3A_106 : vector<16xi32>
      %broadcast_in_dim3A_113 = arith.constant 0.000000e+00 : f32
      %broadcast_in_dim3A_114 = vector.broadcast %broadcast_in_dim3A_113 : f32 to vector<16xf32>
      %broadcast_in_dim3A_115 = arith.constant 1.000000e+00 : f32
      %broadcast_in_dim3A_116 = vector.broadcast %broadcast_in_dim3A_115 : f32 to vector<16xf32>
      %select_n3A_117 = arith.select %eq3A_112, %broadcast_in_dim3A_114, %broadcast_in_dim3A_116 : vector<16xi1>, vector<16xf32>
      %swap3A_118 = arith.index_cast %scan3A_47 : i32 to index
      %swap3A_119 = arith.constant 32 : index
      %swap3A_120 = tpu.vector_load %arg8[%swap3A_118, %swap3A_119] {strides = array<i32>} : memref<160x128xf32, #tpu.memory_space<vmem>>, vector<1x16xf32>,
      %swap3A_121 = vector.shape_cast %swap3A_120 : vector<1x16xf32> to vector<16xf32>
      %swap3A_122 = vector.shape_cast %select_n3A_117 : vector<16xf32> to vector<1x16xf32>
      tpu.vector_store %arg8[%swap3A_118, %swap3A_119], %swap3A_122 {strides = array<i32>} : memref<160x128xf32, #tpu.memory_space<vmem>>, vector<1x16xf32>,
      %mul3A_123 = arith.constant 128 : i32
      %mul3A_124 = arith.muli %scan3A_47, %mul3A_123 : i32
      %add3A_125 = arith.constant 48 : i32
      %add3A_126 = arith.addi %mul3A_124, %add3A_125 : i32
      %get3A_127 = arith.index_cast %add3A_126 : i32 to index
      %get3A_128 = tpu.vector_load %arg5[%get3A_127] {strides = array<i32>} : memref<20480xi32, #tpu.memory_space<vmem>>, vector<16xi32>,
      %get3A_129 = vector.shape_cast %get3A_128 : vector<16xi32> to vector<16xi32>
      %get3A_130 = arith.index_cast %add3A_126 : i32 to index
      %get3A_131 = tpu.vector_load %arg6[%get3A_130] {strides = array<i32>} : memref<20480xi32, #tpu.memory_space<vmem>>, vector<16xi32>,
      %get3A_132 = vector.shape_cast %get3A_131 : vector<16xi32> to vector<16xi32>
      %swap3A_133 = arith.index_cast %scan3A_47 : i32 to index
      %swap3A_134 = arith.constant 48 : index
      %swap3A_135 = tpu.vector_load %arg7[%swap3A_133, %swap3A_134] {strides = array<i32>} : memref<160x128xi32, #tpu.memory_space<vmem>>, vector<1x16xi32>,
      %swap3A_136 = vector.shape_cast %swap3A_135 : vector<1x16xi32> to vector<16xi32>
      %swap3A_137 = vector.shape_cast %get3A_129 : vector<16xi32> to vector<1x16xi32>
      tpu.vector_store %arg7[%swap3A_133, %swap3A_134], %swap3A_137 {strides = array<i32>} : memref<160x128xi32, #tpu.memory_space<vmem>>, vector<1x16xi32>,
      %eq3A_138 = arith.cmpi eq, %get3A_129, %get3A_132 : vector<16xi32>
      %broadcast_in_dim3A_139 = arith.constant 0.000000e+00 : f32
      %broadcast_in_dim3A_140 = vector.broadcast %broadcast_in_dim3A_139 : f32 to vector<16xf32>
      %broadcast_in_dim3A_141 = arith.constant 1.000000e+00 : f32
      %broadcast_in_dim3A_142 = vector.broadcast %broadcast_in_dim3A_141 : f32 to vector<16xf32>
      %select_n3A_143 = arith.select %eq3A_138, %broadcast_in_dim3A_140, %broadcast_in_dim3A_142 : vector<16xi1>, vector<16xf32>
      %swap3A_144 = arith.index_cast %scan3A_47 : i32 to index
      %swap3A_145 = arith.constant 48 : index
      %swap3A_146 = tpu.vector_load %arg8[%swap3A_144, %swap3A_145] {strides = array<i32>} : memref<160x128xf32, #tpu.memory_space<vmem>>, vector<1x16xf32>,
      %swap3A_147 = vector.shape_cast %swap3A_146 : vector<1x16xf32> to vector<16xf32>
      %swap3A_148 = vector.shape_cast %select_n3A_143 : vector<16xf32> to vector<1x16xf32>
      tpu.vector_store %arg8[%swap3A_144, %swap3A_145], %swap3A_148 {strides = array<i32>} : memref<160x128xf32, #tpu.memory_space<vmem>>, vector<1x16xf32>,
      %mul3A_149 = arith.constant 128 : i32
      %mul3A_150 = arith.muli %scan3A_47, %mul3A_149 : i32
      %add3A_151 = arith.constant 64 : i32
      %add3A_152 = arith.addi %mul3A_150, %add3A_151 : i32
      %get3A_153 = arith.index_cast %add3A_152 : i32 to index
      %get3A_154 = tpu.vector_load %arg5[%get3A_153] {strides = array<i32>} : memref<20480xi32, #tpu.memory_space<vmem>>, vector<16xi32>,
      %get3A_155 = vector.shape_cast %get3A_154 : vector<16xi32> to vector<16xi32>
      %get3A_156 = arith.index_cast %add3A_152 : i32 to index
      %get3A_157 = tpu.vector_load %arg6[%get3A_156] {strides = array<i32>} : memref<20480xi32, #tpu.memory_space<vmem>>, vector<16xi32>,
      %get3A_158 = vector.shape_cast %get3A_157 : vector<16xi32> to vector<16xi32>
      %swap3A_159 = arith.index_cast %scan3A_47 : i32 to index
      %swap3A_160 = arith.constant 64 : index
      %swap3A_161 = tpu.vector_load %arg7[%swap3A_159, %swap3A_160] {strides = array<i32>} : memref<160x128xi32, #tpu.memory_space<vmem>>, vector<1x16xi32>,
      %swap3A_162 = vector.shape_cast %swap3A_161 : vector<1x16xi32> to vector<16xi32>
      %swap3A_163 = vector.shape_cast %get3A_155 : vector<16xi32> to vector<1x16xi32>
      tpu.vector_store %arg7[%swap3A_159, %swap3A_160], %swap3A_163 {strides = array<i32>} : memref<160x128xi32, #tpu.memory_space<vmem>>, vector<1x16xi32>,
      %eq3A_164 = arith.cmpi eq, %get3A_155, %get3A_158 : vector<16xi32>
      %broadcast_in_dim3A_165 = arith.constant 0.000000e+00 : f32
      %broadcast_in_dim3A_166 = vector.broadcast %broadcast_in_dim3A_165 : f32 to vector<16xf32>
      %broadcast_in_dim3A_167 = arith.constant 1.000000e+00 : f32
      %broadcast_in_dim3A_168 = vector.broadcast %broadcast_in_dim3A_167 : f32 to vector<16xf32>
      %select_n3A_169 = arith.select %eq3A_164, %broadcast_in_dim3A_166, %broadcast_in_dim3A_168 : vector<16xi1>, vector<16xf32>
      %swap3A_170 = arith.index_cast %scan3A_47 : i32 to index
      %swap3A_171 = arith.constant 64 : index
      %swap3A_172 = tpu.vector_load %arg8[%swap3A_170, %swap3A_171] {strides = array<i32>} : memref<160x128xf32, #tpu.memory_space<vmem>>, vector<1x16xf32>,
      %swap3A_173 = vector.shape_cast %swap3A_172 : vector<1x16xf32> to vector<16xf32>
      %swap3A_174 = vector.shape_cast %select_n3A_169 : vector<16xf32> to vector<1x16xf32>
      tpu.vector_store %arg8[%swap3A_170, %swap3A_171], %swap3A_174 {strides = array<i32>} : memref<160x128xf32, #tpu.memory_space<vmem>>, vector<1x16xf32>,
      %mul3A_175 = arith.constant 128 : i32
      %mul3A_176 = arith.muli %scan3A_47, %mul3A_175 : i32
      %add3A_177 = arith.constant 80 : i32
      %add3A_178 = arith.addi %mul3A_176, %add3A_177 : i32
      %get3A_179 = arith.index_cast %add3A_178 : i32 to index
      %get3A_180 = tpu.vector_load %arg5[%get3A_179] {strides = array<i32>} : memref<20480xi32, #tpu.memory_space<vmem>>, vector<16xi32>,
      %get3A_181 = vector.shape_cast %get3A_180 : vector<16xi32> to vector<16xi32>
      %get3A_182 = arith.index_cast %add3A_178 : i32 to index
      %get3A_183 = tpu.vector_load %arg6[%get3A_182] {strides = array<i32>} : memref<20480xi32, #tpu.memory_space<vmem>>, vector<16xi32>,
      %get3A_184 = vector.shape_cast %get3A_183 : vector<16xi32> to vector<16xi32>
      %swap3A_185 = arith.index_cast %scan3A_47 : i32 to index
      %swap3A_186 = arith.constant 80 : index
      %swap3A_187 = tpu.vector_load %arg7[%swap3A_185, %swap3A_186] {strides = array<i32>} : memref<160x128xi32, #tpu.memory_space<vmem>>, vector<1x16xi32>,
      %swap3A_188 = vector.shape_cast %swap3A_187 : vector<1x16xi32> to vector<16xi32>
      %swap3A_189 = vector.shape_cast %get3A_181 : vector<16xi32> to vector<1x16xi32>
      tpu.vector_store %arg7[%swap3A_185, %swap3A_186], %swap3A_189 {strides = array<i32>} : memref<160x128xi32, #tpu.memory_space<vmem>>, vector<1x16xi32>,
      %eq3A_190 = arith.cmpi eq, %get3A_181, %get3A_184 : vector<16xi32>
      %broadcast_in_dim3A_191 = arith.constant 0.000000e+00 : f32
      %broadcast_in_dim3A_192 = vector.broadcast %broadcast_in_dim3A_191 : f32 to vector<16xf32>
      %broadcast_in_dim3A_193 = arith.constant 1.000000e+00 : f32
      %broadcast_in_dim3A_194 = vector.broadcast %broadcast_in_dim3A_193 : f32 to vector<16xf32>
      %select_n3A_195 = arith.select %eq3A_190, %broadcast_in_dim3A_192, %broadcast_in_dim3A_194 : vector<16xi1>, vector<16xf32>
      %swap3A_196 = arith.index_cast %scan3A_47 : i32 to index
      %swap3A_197 = arith.constant 80 : index
      %swap3A_198 = tpu.vector_load %arg8[%swap3A_196, %swap3A_197] {strides = array<i32>} : memref<160x128xf32, #tpu.memory_space<vmem>>, vector<1x16xf32>,
      %swap3A_199 = vector.shape_cast %swap3A_198 : vector<1x16xf32> to vector<16xf32>
      %swap3A_200 = vector.shape_cast %select_n3A_195 : vector<16xf32> to vector<1x16xf32>
      tpu.vector_store %arg8[%swap3A_196, %swap3A_197], %swap3A_200 {strides = array<i32>} : memref<160x128xf32, #tpu.memory_space<vmem>>, vector<1x16xf32>,
      %mul3A_201 = arith.constant 128 : i32
      %mul3A_202 = arith.muli %scan3A_47, %mul3A_201 : i32
      %add3A_203 = arith.constant 96 : i32
      %add3A_204 = arith.addi %mul3A_202, %add3A_203 : i32
      %get3A_205 = arith.index_cast %add3A_204 : i32 to index
      %get3A_206 = tpu.vector_load %arg5[%get3A_205] {strides = array<i32>} : memref<20480xi32, #tpu.memory_space<vmem>>, vector<16xi32>,
      %get3A_207 = vector.shape_cast %get3A_206 : vector<16xi32> to vector<16xi32>
      %get3A_208 = arith.index_cast %add3A_204 : i32 to index
      %get3A_209 = tpu.vector_load %arg6[%get3A_208] {strides = array<i32>} : memref<20480xi32, #tpu.memory_space<vmem>>, vector<16xi32>,
      %get3A_210 = vector.shape_cast %get3A_209 : vector<16xi32> to vector<16xi32>
      %swap3A_211 = arith.index_cast %scan3A_47 : i32 to index
      %swap3A_212 = arith.constant 96 : index
      %swap3A_213 = tpu.vector_load %arg7[%swap3A_211, %swap3A_212] {strides = array<i32>} : memref<160x128xi32, #tpu.memory_space<vmem>>, vector<1x16xi32>,
      %swap3A_214 = vector.shape_cast %swap3A_213 : vector<1x16xi32> to vector<16xi32>
      %swap3A_215 = vector.shape_cast %get3A_207 : vector<16xi32> to vector<1x16xi32>
      tpu.vector_store %arg7[%swap3A_211, %swap3A_212], %swap3A_215 {strides = array<i32>} : memref<160x128xi32, #tpu.memory_space<vmem>>, vector<1x16xi32>,
      %eq3A_216 = arith.cmpi eq, %get3A_207, %get3A_210 : vector<16xi32>
      %broadcast_in_dim3A_217 = arith.constant 0.000000e+00 : f32
      %broadcast_in_dim3A_218 = vector.broadcast %broadcast_in_dim3A_217 : f32 to vector<16xf32>
      %broadcast_in_dim3A_219 = arith.constant 1.000000e+00 : f32
      %broadcast_in_dim3A_220 = vector.broadcast %broadcast_in_dim3A_219 : f32 to vector<16xf32>
      %select_n3A_221 = arith.select %eq3A_216, %broadcast_in_dim3A_218, %broadcast_in_dim3A_220 : vector<16xi1>, vector<16xf32>
      %swap3A_222 = arith.index_cast %scan3A_47 : i32 to index
      %swap3A_223 = arith.constant 96 : index
      %swap3A_224 = tpu.vector_load %arg8[%swap3A_222, %swap3A_223] {strides = array<i32>} : memref<160x128xf32, #tpu.memory_space<vmem>>, vector<1x16xf32>,
      %swap3A_225 = vector.shape_cast %swap3A_224 : vector<1x16xf32> to vector<16xf32>
      %swap3A_226 = vector.shape_cast %select_n3A_221 : vector<16xf32> to vector<1x16xf32>
      tpu.vector_store %arg8[%swap3A_222, %swap3A_223], %swap3A_226 {strides = array<i32>} : memref<160x128xf32, #tpu.memory_space<vmem>>, vector<1x16xf32>,
      %mul3A_227 = arith.constant 128 : i32
      %mul3A_228 = arith.muli %scan3A_47, %mul3A_227 : i32
      %add3A_229 = arith.constant 112 : i32
      %add3A_230 = arith.addi %mul3A_228, %add3A_229 : i32
      %get3A_231 = arith.index_cast %add3A_230 : i32 to index
      %get3A_232 = tpu.vector_load %arg5[%get3A_231] {strides = array<i32>} : memref<20480xi32, #tpu.memory_space<vmem>>, vector<16xi32>,
      %get3A_233 = vector.shape_cast %get3A_232 : vector<16xi32> to vector<16xi32>
      %get3A_234 = arith.index_cast %add3A_230 : i32 to index
      %get3A_235 = tpu.vector_load %arg6[%get3A_234] {strides = array<i32>} : memref<20480xi32, #tpu.memory_space<vmem>>, vector<16xi32>,
      %get3A_236 = vector.shape_cast %get3A_235 : vector<16xi32> to vector<16xi32>
      %swap3A_237 = arith.index_cast %scan3A_47 : i32 to index
      %swap3A_238 = arith.constant 112 : index
      %swap3A_239 = tpu.vector_load %arg7[%swap3A_237, %swap3A_238] {strides = array<i32>} : memref<160x128xi32, #tpu.memory_space<vmem>>, vector<1x16xi32>,
      %swap3A_240 = vector.shape_cast %swap3A_239 : vector<1x16xi32> to vector<16xi32>
      %swap3A_241 = vector.shape_cast %get3A_233 : vector<16xi32> to vector<1x16xi32>
      tpu.vector_store %arg7[%swap3A_237, %swap3A_238], %swap3A_241 {strides = array<i32>} : memref<160x128xi32, #tpu.memory_space<vmem>>, vector<1x16xi32>,
      %eq3A_242 = arith.cmpi eq, %get3A_233, %get3A_236 : vector<16xi32>
      %broadcast_in_dim3A_243 = arith.constant 0.000000e+00 : f32
      %broadcast_in_dim3A_244 = vector.broadcast %broadcast_in_dim3A_243 : f32 to vector<16xf32>
      %broadcast_in_dim3A_245 = arith.constant 1.000000e+00 : f32
      %broadcast_in_dim3A_246 = vector.broadcast %broadcast_in_dim3A_245 : f32 to vector<16xf32>
      %select_n3A_247 = arith.select %eq3A_242, %broadcast_in_dim3A_244, %broadcast_in_dim3A_246 : vector<16xi1>, vector<16xf32>
      %swap3A_248 = arith.index_cast %scan3A_47 : i32 to index
      %swap3A_249 = arith.constant 112 : index
      %swap3A_250 = tpu.vector_load %arg8[%swap3A_248, %swap3A_249] {strides = array<i32>} : memref<160x128xf32, #tpu.memory_space<vmem>>, vector<1x16xf32>,
      %swap3A_251 = vector.shape_cast %swap3A_250 : vector<1x16xf32> to vector<16xf32>
      %swap3A_252 = vector.shape_cast %select_n3A_247 : vector<16xf32> to vector<1x16xf32>
      tpu.vector_store %arg8[%swap3A_248, %swap3A_249], %swap3A_252 {strides = array<i32>} : memref<160x128xf32, #tpu.memory_space<vmem>>, vector<1x16xf32>,
      %scan3A_253 = arith.constant 0 : i32
      scf.yield %scan3A_253 : i32
    }
    %scan3A_25 = arith.constant 160 : i32
    %broadcast_in_dim3A_26 = arith.constant 0.000000e+00 : f32
    %broadcast_in_dim3A_27 = vector.broadcast %broadcast_in_dim3A_26 : f32 to vector<16xf32>
    %scan3A_28 = arith.constant 0 : i32
    %scan3A_29 = arith.constant 0 : i32
    %scan3A_30 = arith.constant 40 : i32
    %scan3A_31 = arith.addi %scan3A_29, %scan3A_30 : i32
    %scan3A_32 = arith.constant 1 : i32
    %scan3A_33 = scf.for %scan3A_47 = %scan3A_29 to %scan3A_31 step %scan3A_32 iter_args(%scan3A_48 = %scan3A_28) -> (i32)  : i32 {
      %mul3A_49 = arith.constant 16 : i32
      %mul3A_50 = arith.muli %scan3A_47, %mul3A_49 : i32
      %add3A_51 = arith.constant 0 : i32
      %add3A_52 = arith.addi %add3A_51, %mul3A_50 : i32
      %swap3A = arith.index_cast %add3A_52 : i32 to index
      %swap3A_53 = tpu.vector_load %arg9[%swap3A] {strides = array<i32>} : memref<640xf32, #tpu.memory_space<vmem>>, vector<16xf32>,
      %swap3A_54 = vector.shape_cast %swap3A_53 : vector<16xf32> to vector<16xf32>
      %swap3A_55 = vector.shape_cast %broadcast_in_dim3A_27 : vector<16xf32> to vector<16xf32>
      tpu.vector_store %arg9[%swap3A], %swap3A_55 {strides = array<i32>} : memref<640xf32, #tpu.memory_space<vmem>>, vector<16xf32>,
      %scan3A_56 = arith.constant 0 : i32
      scf.yield %scan3A_56 : i32
    }
    %scan3A_34 = arith.constant 40 : i32
    %mul3A_35 = arith.constant 640 : i32
    %mul3A_36 = arith.muli %arg1, %mul3A_35 : i32
    "tpu.region"() ({
      %run_scoped3A = tpu.sem_alloc : memref<!tpu.dma_semaphore, #tpu.memory_space<semaphore_mem>>
      %dma_start3A = tpu.memref_slice %arg10[%mul3A_36] : memref<10240xf32, #tpu.memory_space<vmem_shared>> -> memref<640xf32, #tpu.memory_space<vmem_shared>>
      %dma_start3A_47 = tpu.memref_slice %arg10[%mul3A_36] : memref<10240xf32, #tpu.memory_space<vmem_shared>> -> memref<640xf32, #tpu.memory_space<vmem_shared>>
      tpu.enqueue_dma source(%arg9 : memref<640xf32, #tpu.memory_space<vmem>>) target(%dma_start3A_47 : memref<640xf32, #tpu.memory_space<vmem_shared>>) target_semaphore(%run_scoped3A : memref<!tpu.dma_semaphore, #tpu.memory_space<semaphore_mem>>)
      %dma_wait3A = tpu.memref_slice %arg10[%mul3A_36] : memref<10240xf32, #tpu.memory_space<vmem_shared>> -> memref<640xf32, #tpu.memory_space<vmem_shared>>
      %dma_wait3A_48 = tpu.memref_slice %arg10[%mul3A_36] : memref<10240xf32, #tpu.memory_space<vmem_shared>> -> memref<640xf32, #tpu.memory_space<vmem_shared>>
      tpu.wait_dma2 semaphore(%run_scoped3A : memref<!tpu.dma_semaphore, #tpu.memory_space<semaphore_mem>>) src(%arg9 : memref<640xf32, #tpu.memory_space<vmem>>) dst(%dma_wait3A_48 : memref<640xf32, #tpu.memory_space<vmem_shared>>)
      tpu.yield
    }) : () -> ()
    %barrier3A = arith.constant 0 : index
    tpu.barrier barrier_id(%barrier3A)
    %scan3A_37 = arith.constant 0 : i32
    %scan3A_38 = arith.constant 0 : i32
    %scan3A_39 = arith.constant 79 : i32
    %scan3A_40 = arith.addi %scan3A_38, %scan3A_39 : i32
    %scan3A_41 = arith.constant 1 : i32
    %scan3A_42 = scf.for %scan3A_47 = %scan3A_38 to %scan3A_40 step %scan3A_41 iter_args(%scan3A_48 = %scan3A_37) -> (i32)  : i32 {
      %mul3A_49 = arith.constant 2 : i32
      %mul3A_50 = arith.muli %mul3A_49, %scan3A_47 : i32
      %dma_start3A = arith.constant 0 : i32
      %dma_start3A_51 = tpu.memref_slice %arg8[%mul3A_50, %dma_start3A] : memref<160x128xf32, #tpu.memory_space<vmem>> -> memref<1x128xf32, #tpu.memory_space<vmem>>
      %dma_start3A_52 = tpu.memref_squeeze %dma_start3A_51 : memref<1x128xf32, #tpu.memory_space<vmem>> -> memref<128xf32, #tpu.memory_space<vmem>>
      %dma_start3A_53 = arith.constant 0 : i32
      %dma_start3A_54 = tpu.memref_slice %arg7[%mul3A_50, %dma_start3A_53] : memref<160x128xi32, #tpu.memory_space<vmem>> -> memref<1x128xi32, #tpu.memory_space<vmem>>
      %dma_start3A_55 = tpu.memref_squeeze %dma_start3A_54 : memref<1x128xi32, #tpu.memory_space<vmem>> -> memref<128xi32, #tpu.memory_space<vmem>>
      %dma_start3A_56 = arith.constant 0 : i32
      %dma_start3A_57 = tpu.memref_slice %arg10[%dma_start3A_56] : memref<10240xf32, #tpu.memory_space<vmem_shared>> -> memref<10240xf32, #tpu.memory_space<vmem_shared>>
      tpu.enqueue_indirect_dma source(%dma_start3A_52 : memref<128xf32, #tpu.memory_space<vmem>>) target(%dma_start3A_57 : memref<10240xf32, #tpu.memory_space<vmem_shared>>) offsets(%dma_start3A_55 : memref<128xi32, #tpu.memory_space<vmem>>) semaphore(%arg11 : memref<!tpu.dma_semaphore, #tpu.memory_space<semaphore_mem>>) {add = true}
      %add3A_58 = arith.constant 1 : i32
      %add3A_59 = arith.addi %mul3A_50, %add3A_58 : i32
      %dma_start3A_60 = arith.constant 0 : i32
      %dma_start3A_61 = tpu.memref_slice %arg8[%add3A_59, %dma_start3A_60] : memref<160x128xf32, #tpu.memory_space<vmem>> -> memref<1x128xf32, #tpu.memory_space<vmem>>
      %dma_start3A_62 = tpu.memref_squeeze %dma_start3A_61 : memref<1x128xf32, #tpu.memory_space<vmem>> -> memref<128xf32, #tpu.memory_space<vmem>>
      %dma_start3A_63 = arith.constant 0 : i32
      %dma_start3A_64 = tpu.memref_slice %arg7[%add3A_59, %dma_start3A_63] : memref<160x128xi32, #tpu.memory_space<vmem>> -> memref<1x128xi32, #tpu.memory_space<vmem>>
      %dma_start3A_65 = tpu.memref_squeeze %dma_start3A_64 : memref<1x128xi32, #tpu.memory_space<vmem>> -> memref<128xi32, #tpu.memory_space<vmem>>
      %dma_start3A_66 = arith.constant 0 : i32
      %dma_start3A_67 = tpu.memref_slice %arg10[%dma_start3A_66] : memref<10240xf32, #tpu.memory_space<vmem_shared>> -> memref<10240xf32, #tpu.memory_space<vmem_shared>>
      tpu.enqueue_indirect_dma source(%dma_start3A_62 : memref<128xf32, #tpu.memory_space<vmem>>) target(%dma_start3A_67 : memref<10240xf32, #tpu.memory_space<vmem_shared>>) offsets(%dma_start3A_65 : memref<128xi32, #tpu.memory_space<vmem>>) semaphore(%arg12 : memref<!tpu.dma_semaphore, #tpu.memory_space<semaphore_mem>>) {add = true}
      %dma_wait3A = arith.constant 0 : i32
      %dma_wait3A_68 = tpu.memref_slice %arg8[%mul3A_50, %dma_wait3A] : memref<160x128xf32, #tpu.memory_space<vmem>> -> memref<1x128xf32, #tpu.memory_space<vmem>>
      %dma_wait3A_69 = tpu.memref_squeeze %dma_wait3A_68 : memref<1x128xf32, #tpu.memory_space<vmem>> -> memref<128xf32, #tpu.memory_space<vmem>>
      %dma_wait3A_70 = arith.constant 0 : i32
      %dma_wait3A_71 = tpu.memref_slice %arg7[%mul3A_50, %dma_wait3A_70] : memref<160x128xi32, #tpu.memory_space<vmem>> -> memref<1x128xi32, #tpu.memory_space<vmem>>
      %dma_wait3A_72 = tpu.memref_squeeze %dma_wait3A_71 : memref<1x128xi32, #tpu.memory_space<vmem>> -> memref<128xi32, #tpu.memory_space<vmem>>
      %dma_wait3A_73 = arith.constant 0 : i32
      %dma_wait3A_74 = tpu.memref_slice %arg10[%dma_wait3A_73] : memref<10240xf32, #tpu.memory_space<vmem_shared>> -> memref<10240xf32, #tpu.memory_space<vmem_shared>>
      tpu.wait_indirect_dma semaphore(%arg11 : memref<!tpu.dma_semaphore, #tpu.memory_space<semaphore_mem>>) src(%dma_wait3A_69 : memref<128xf32, #tpu.memory_space<vmem>>) dst(%dma_wait3A_74 : memref<10240xf32, #tpu.memory_space<vmem_shared>>)
      %add3A_75 = arith.constant 1 : i32
      %add3A_76 = arith.addi %mul3A_50, %add3A_75 : i32
      %dma_wait3A_77 = arith.constant 0 : i32
      %dma_wait3A_78 = tpu.memref_slice %arg8[%add3A_76, %dma_wait3A_77] : memref<160x128xf32, #tpu.memory_space<vmem>> -> memref<1x128xf32, #tpu.memory_space<vmem>>
      %dma_wait3A_79 = tpu.memref_squeeze %dma_wait3A_78 : memref<1x128xf32, #tpu.memory_space<vmem>> -> memref<128xf32, #tpu.memory_space<vmem>>
      %dma_wait3A_80 = arith.constant 0 : i32
      %dma_wait3A_81 = tpu.memref_slice %arg7[%add3A_76, %dma_wait3A_80] : memref<160x128xi32, #tpu.memory_space<vmem>> -> memref<1x128xi32, #tpu.memory_space<vmem>>
      %dma_wait3A_82 = tpu.memref_squeeze %dma_wait3A_81 : memref<1x128xi32, #tpu.memory_space<vmem>> -> memref<128xi32, #tpu.memory_space<vmem>>
      %dma_wait3A_83 = arith.constant 0 : i32
      %dma_wait3A_84 = tpu.memref_slice %arg10[%dma_wait3A_83] : memref<10240xf32, #tpu.memory_space<vmem_shared>> -> memref<10240xf32, #tpu.memory_space<vmem_shared>>
      tpu.wait_indirect_dma semaphore(%arg12 : memref<!tpu.dma_semaphore, #tpu.memory_space<semaphore_mem>>) src(%dma_wait3A_79 : memref<128xf32, #tpu.memory_space<vmem>>) dst(%dma_wait3A_84 : memref<10240xf32, #tpu.memory_space<vmem_shared>>)
      %scan3A_85 = arith.constant 0 : i32
      scf.yield %scan3A_85 : i32
    }
    %scan3A_43 = arith.constant 79 : i32
    %barrier3A_44 = arith.constant 0 : index
    tpu.barrier barrier_id(%barrier3A_44)
    %mul3A_45 = arith.constant 640 : i32
    %mul3A_46 = arith.muli %arg1, %mul3A_45 : i32
    "tpu.region"() ({
      %run_scoped3A = tpu.sem_alloc : memref<!tpu.dma_semaphore, #tpu.memory_space<semaphore_mem>>
      %dma_start3A = arith.constant 0 : i32
      %dma_start3A_47 = tpu.memref_slice %arg4[%arg0, %arg1, %dma_start3A] : memref<2x16x640xf32, #tpu.memory_space<hbm>> -> memref<1x1x640xf32, #tpu.memory_space<hbm>>
      %dma_start3A_48 = tpu.memref_squeeze %dma_start3A_47 : memref<1x1x640xf32, #tpu.memory_space<hbm>> -> memref<640xf32, #tpu.memory_space<hbm>>
      %dma_start3A_49 = tpu.memref_slice %arg10[%mul3A_46] : memref<10240xf32, #tpu.memory_space<vmem_shared>> -> memref<640xf32, #tpu.memory_space<vmem_shared>>
      tpu.enqueue_dma source(%dma_start3A_49 : memref<640xf32, #tpu.memory_space<vmem_shared>>) target(%dma_start3A_48 : memref<640xf32, #tpu.memory_space<hbm>>) target_semaphore(%run_scoped3A : memref<!tpu.dma_semaphore, #tpu.memory_space<semaphore_mem>>)
      %dma_wait3A = arith.constant 0 : i32
      %dma_wait3A_50 = tpu.memref_slice %arg4[%arg0, %arg1, %dma_wait3A] : memref<2x16x640xf32, #tpu.memory_space<hbm>> -> memref<1x1x640xf32, #tpu.memory_space<hbm>>
      %dma_wait3A_51 = tpu.memref_squeeze %dma_wait3A_50 : memref<1x1x640xf32, #tpu.memory_space<hbm>> -> memref<640xf32, #tpu.memory_space<hbm>>
      %dma_wait3A_52 = tpu.memref_slice %arg10[%mul3A_46] : memref<10240xf32, #tpu.memory_space<vmem_shared>> -> memref<640xf32, #tpu.memory_space<vmem_shared>>
      tpu.wait_dma2 semaphore(%run_scoped3A : memref<!tpu.dma_semaphore, #tpu.memory_space<semaphore_mem>>) src(%dma_wait3A_52 : memref<640xf32, #tpu.memory_space<vmem_shared>>) dst(%dma_wait3A_51 : memref<640xf32, #tpu.memory_space<hbm>>)
      tpu.yield
    }) : () -> ()
    return
  }
}

#map = affine_map<(d0, d1) -> (0, 0)>
#map1 = affine_map<(d0, d1) -> (0)>
#map2 = affine_map<(d0, d1) -> (0, 0, 0, 0)>
module attributes {stable_mosaic.version = 14 : i64} {
  func.func @conv_kernel(%arg0: i32, %arg1: i32, %arg2: memref<10240x64xf32, #tpu.memory_space<hbm>>, %arg3: memref<640000xi32, #tpu.memory_space<hbm>>, %arg4: memref<640000xi32, #tpu.memory_space<hbm>>, %arg5: memref<2x16x320x64xf32, #tpu.memory_space<hbm>>, %arg6: memref<20288xi32, #tpu.memory_space<vmem>>, %arg7: memref<20288xi32, #tpu.memory_space<vmem>>, %arg8: memref<317x64xi32, #tpu.memory_space<vmem>>, %arg9: memref<64x64xf32, #tpu.memory_space<vmem>>, %arg10: memref<64x64xf32, #tpu.memory_space<vmem>>, %arg11: memref<64x64xf32, #tpu.memory_space<vmem>>, %arg12: memref<64x64xf32, #tpu.memory_space<vmem>>, %arg13: memref<5128x64xf32, #tpu.memory_space<vmem_shared>>, %arg14: memref<!tpu.dma_semaphore, #tpu.memory_space<semaphore_mem>>, %arg15: memref<!tpu.dma_semaphore, #tpu.memory_space<semaphore_mem>>, %arg16: memref<!tpu.dma_semaphore, #tpu.memory_space<semaphore_mem>>, %arg17: memref<!tpu.dma_semaphore, #tpu.memory_space<semaphore_mem>>, %arg18: memref<!tpu.dma_semaphore, #tpu.memory_space<semaphore_mem>>, %arg19: memref<!tpu.dma_semaphore, #tpu.memory_space<semaphore_mem>>) attributes {dimension_semantics = [#tpu.dimension_semantics<core_parallel>, #tpu.dimension_semantics<subcore_parallel>], iteration_bounds = array<i64: 2, 16>, scalar_prefetch = 0 : i64, scratch_operands = 14 : i64, tpu.core_type = #tpu.core_type<sc_vector_subcore>, window_params = [{transform_indices = #map}, {transform_indices = #map1}, {transform_indices = #map1}, {transform_indices = #map2}]} {
    %mul3A = arith.constant 5120 : i32
    %mul3A_0 = arith.muli %arg0, %mul3A : i32
    %scan3A = arith.constant 0 : i32
    %scan3A_1 = arith.constant 0 : i32
    %scan3A_2 = arith.constant 64 : i32
    %scan3A_3 = arith.addi %scan3A_1, %scan3A_2 : i32
    %scan3A_4 = arith.constant 1 : i32
    %scan3A_5 = scf.for %scan3A_288 = %scan3A_1 to %scan3A_3 step %scan3A_4 iter_args(%scan3A_289 = %scan3A) -> (i32)  : i32 {
      %broadcast_in_dim3A_290 = arith.constant 0.000000e+00 : f32
      %broadcast_in_dim3A_291 = vector.broadcast %broadcast_in_dim3A_290 : f32 to vector<16xf32>
      %swap3A = arith.index_cast %scan3A_288 : i32 to index
      %swap3A_292 = arith.constant 0 : index
      %swap3A_293 = tpu.vector_load %arg12[%swap3A, %swap3A_292] {strides = array<i32>} : memref<64x64xf32, #tpu.memory_space<vmem>>, vector<1x16xf32>,
      %swap3A_294 = vector.shape_cast %swap3A_293 : vector<1x16xf32> to vector<16xf32>
      %swap3A_295 = vector.shape_cast %broadcast_in_dim3A_291 : vector<16xf32> to vector<1x16xf32>
      tpu.vector_store %arg12[%swap3A, %swap3A_292], %swap3A_295 {strides = array<i32>} : memref<64x64xf32, #tpu.memory_space<vmem>>, vector<1x16xf32>,
      %broadcast_in_dim3A_296 = arith.constant 0.000000e+00 : f32
      %broadcast_in_dim3A_297 = vector.broadcast %broadcast_in_dim3A_296 : f32 to vector<16xf32>
      %swap3A_298 = arith.index_cast %scan3A_288 : i32 to index
      %swap3A_299 = arith.constant 16 : index
      %swap3A_300 = tpu.vector_load %arg12[%swap3A_298, %swap3A_299] {strides = array<i32>} : memref<64x64xf32, #tpu.memory_space<vmem>>, vector<1x16xf32>,
      %swap3A_301 = vector.shape_cast %swap3A_300 : vector<1x16xf32> to vector<16xf32>
      %swap3A_302 = vector.shape_cast %broadcast_in_dim3A_297 : vector<16xf32> to vector<1x16xf32>
      tpu.vector_store %arg12[%swap3A_298, %swap3A_299], %swap3A_302 {strides = array<i32>} : memref<64x64xf32, #tpu.memory_space<vmem>>, vector<1x16xf32>,
      %broadcast_in_dim3A_303 = arith.constant 0.000000e+00 : f32
      %broadcast_in_dim3A_304 = vector.broadcast %broadcast_in_dim3A_303 : f32 to vector<16xf32>
      %swap3A_305 = arith.index_cast %scan3A_288 : i32 to index
      %swap3A_306 = arith.constant 32 : index
      %swap3A_307 = tpu.vector_load %arg12[%swap3A_305, %swap3A_306] {strides = array<i32>} : memref<64x64xf32, #tpu.memory_space<vmem>>, vector<1x16xf32>,
      %swap3A_308 = vector.shape_cast %swap3A_307 : vector<1x16xf32> to vector<16xf32>
      %swap3A_309 = vector.shape_cast %broadcast_in_dim3A_304 : vector<16xf32> to vector<1x16xf32>
      tpu.vector_store %arg12[%swap3A_305, %swap3A_306], %swap3A_309 {strides = array<i32>} : memref<64x64xf32, #tpu.memory_space<vmem>>, vector<1x16xf32>,
      %broadcast_in_dim3A_310 = arith.constant 0.000000e+00 : f32
      %broadcast_in_dim3A_311 = vector.broadcast %broadcast_in_dim3A_310 : f32 to vector<16xf32>
      %swap3A_312 = arith.index_cast %scan3A_288 : i32 to index
      %swap3A_313 = arith.constant 48 : index
      %swap3A_314 = tpu.vector_load %arg12[%swap3A_312, %swap3A_313] {strides = array<i32>} : memref<64x64xf32, #tpu.memory_space<vmem>>, vector<1x16xf32>,
      %swap3A_315 = vector.shape_cast %swap3A_314 : vector<1x16xf32> to vector<16xf32>
      %swap3A_316 = vector.shape_cast %broadcast_in_dim3A_311 : vector<16xf32> to vector<1x16xf32>
      tpu.vector_store %arg12[%swap3A_312, %swap3A_313], %swap3A_316 {strides = array<i32>} : memref<64x64xf32, #tpu.memory_space<vmem>>, vector<1x16xf32>,
      %scan3A_317 = arith.constant 0 : i32
      scf.yield %scan3A_317 : i32
    }
    %scan3A_6 = arith.constant 64 : i32
    %mul3A_7 = arith.constant 320 : i32
    %mul3A_8 = arith.muli %arg1, %mul3A_7 : i32
    %add3A = arith.constant 0 : i32
    %add3A_9 = arith.addi %mul3A_8, %add3A : i32
    "tpu.region"() ({
      %run_scoped3A = tpu.sem_alloc : memref<!tpu.dma_semaphore, #tpu.memory_space<semaphore_mem>>
      %dma_start3A_288 = arith.constant 0 : i32
      %dma_start3A_289 = tpu.memref_slice %arg13[%add3A_9, %dma_start3A_288] : memref<5128x64xf32, #tpu.memory_space<vmem_shared>> -> memref<64x64xf32, #tpu.memory_space<vmem_shared>>
      %dma_start3A_290 = arith.constant 0 : i32
      %dma_start3A_291 = tpu.memref_slice %arg13[%add3A_9, %dma_start3A_290] : memref<5128x64xf32, #tpu.memory_space<vmem_shared>> -> memref<64x64xf32, #tpu.memory_space<vmem_shared>>
      tpu.enqueue_dma source(%arg12 : memref<64x64xf32, #tpu.memory_space<vmem>>) target(%dma_start3A_291 : memref<64x64xf32, #tpu.memory_space<vmem_shared>>) target_semaphore(%run_scoped3A : memref<!tpu.dma_semaphore, #tpu.memory_space<semaphore_mem>>)
      %dma_wait3A_292 = arith.constant 0 : i32
      %dma_wait3A_293 = tpu.memref_slice %arg13[%add3A_9, %dma_wait3A_292] : memref<5128x64xf32, #tpu.memory_space<vmem_shared>> -> memref<64x64xf32, #tpu.memory_space<vmem_shared>>
      %dma_wait3A_294 = arith.constant 0 : i32
      %dma_wait3A_295 = tpu.memref_slice %arg13[%add3A_9, %dma_wait3A_294] : memref<5128x64xf32, #tpu.memory_space<vmem_shared>> -> memref<64x64xf32, #tpu.memory_space<vmem_shared>>
      tpu.wait_dma2 semaphore(%run_scoped3A : memref<!tpu.dma_semaphore, #tpu.memory_space<semaphore_mem>>) src(%arg12 : memref<64x64xf32, #tpu.memory_space<vmem>>) dst(%dma_wait3A_295 : memref<64x64xf32, #tpu.memory_space<vmem_shared>>)
      tpu.yield
    }) : () -> ()
    %mul3A_10 = arith.constant 320 : i32
    %mul3A_11 = arith.muli %arg1, %mul3A_10 : i32
    %add3A_12 = arith.constant 64 : i32
    %add3A_13 = arith.addi %mul3A_11, %add3A_12 : i32
    "tpu.region"() ({
      %run_scoped3A = tpu.sem_alloc : memref<!tpu.dma_semaphore, #tpu.memory_space<semaphore_mem>>
      %dma_start3A_288 = arith.constant 0 : i32
      %dma_start3A_289 = tpu.memref_slice %arg13[%add3A_13, %dma_start3A_288] : memref<5128x64xf32, #tpu.memory_space<vmem_shared>> -> memref<64x64xf32, #tpu.memory_space<vmem_shared>>
      %dma_start3A_290 = arith.constant 0 : i32
      %dma_start3A_291 = tpu.memref_slice %arg13[%add3A_13, %dma_start3A_290] : memref<5128x64xf32, #tpu.memory_space<vmem_shared>> -> memref<64x64xf32, #tpu.memory_space<vmem_shared>>
      tpu.enqueue_dma source(%arg12 : memref<64x64xf32, #tpu.memory_space<vmem>>) target(%dma_start3A_291 : memref<64x64xf32, #tpu.memory_space<vmem_shared>>) target_semaphore(%run_scoped3A : memref<!tpu.dma_semaphore, #tpu.memory_space<semaphore_mem>>)
      %dma_wait3A_292 = arith.constant 0 : i32
      %dma_wait3A_293 = tpu.memref_slice %arg13[%add3A_13, %dma_wait3A_292] : memref<5128x64xf32, #tpu.memory_space<vmem_shared>> -> memref<64x64xf32, #tpu.memory_space<vmem_shared>>
      %dma_wait3A_294 = arith.constant 0 : i32
      %dma_wait3A_295 = tpu.memref_slice %arg13[%add3A_13, %dma_wait3A_294] : memref<5128x64xf32, #tpu.memory_space<vmem_shared>> -> memref<64x64xf32, #tpu.memory_space<vmem_shared>>
      tpu.wait_dma2 semaphore(%run_scoped3A : memref<!tpu.dma_semaphore, #tpu.memory_space<semaphore_mem>>) src(%arg12 : memref<64x64xf32, #tpu.memory_space<vmem>>) dst(%dma_wait3A_295 : memref<64x64xf32, #tpu.memory_space<vmem_shared>>)
      tpu.yield
    }) : () -> ()
    %mul3A_14 = arith.constant 320 : i32
    %mul3A_15 = arith.muli %arg1, %mul3A_14 : i32
    %add3A_16 = arith.constant 128 : i32
    %add3A_17 = arith.addi %mul3A_15, %add3A_16 : i32
    "tpu.region"() ({
      %run_scoped3A = tpu.sem_alloc : memref<!tpu.dma_semaphore, #tpu.memory_space<semaphore_mem>>
      %dma_start3A_288 = arith.constant 0 : i32
      %dma_start3A_289 = tpu.memref_slice %arg13[%add3A_17, %dma_start3A_288] : memref<5128x64xf32, #tpu.memory_space<vmem_shared>> -> memref<64x64xf32, #tpu.memory_space<vmem_shared>>
      %dma_start3A_290 = arith.constant 0 : i32
      %dma_start3A_291 = tpu.memref_slice %arg13[%add3A_17, %dma_start3A_290] : memref<5128x64xf32, #tpu.memory_space<vmem_shared>> -> memref<64x64xf32, #tpu.memory_space<vmem_shared>>
      tpu.enqueue_dma source(%arg12 : memref<64x64xf32, #tpu.memory_space<vmem>>) target(%dma_start3A_291 : memref<64x64xf32, #tpu.memory_space<vmem_shared>>) target_semaphore(%run_scoped3A : memref<!tpu.dma_semaphore, #tpu.memory_space<semaphore_mem>>)
      %dma_wait3A_292 = arith.constant 0 : i32
      %dma_wait3A_293 = tpu.memref_slice %arg13[%add3A_17, %dma_wait3A_292] : memref<5128x64xf32, #tpu.memory_space<vmem_shared>> -> memref<64x64xf32, #tpu.memory_space<vmem_shared>>
      %dma_wait3A_294 = arith.constant 0 : i32
      %dma_wait3A_295 = tpu.memref_slice %arg13[%add3A_17, %dma_wait3A_294] : memref<5128x64xf32, #tpu.memory_space<vmem_shared>> -> memref<64x64xf32, #tpu.memory_space<vmem_shared>>
      tpu.wait_dma2 semaphore(%run_scoped3A : memref<!tpu.dma_semaphore, #tpu.memory_space<semaphore_mem>>) src(%arg12 : memref<64x64xf32, #tpu.memory_space<vmem>>) dst(%dma_wait3A_295 : memref<64x64xf32, #tpu.memory_space<vmem_shared>>)
      tpu.yield
    }) : () -> ()
    %mul3A_18 = arith.constant 320 : i32
    %mul3A_19 = arith.muli %arg1, %mul3A_18 : i32
    %add3A_20 = arith.constant 192 : i32
    %add3A_21 = arith.addi %mul3A_19, %add3A_20 : i32
    "tpu.region"() ({
      %run_scoped3A = tpu.sem_alloc : memref<!tpu.dma_semaphore, #tpu.memory_space<semaphore_mem>>
      %dma_start3A_288 = arith.constant 0 : i32
      %dma_start3A_289 = tpu.memref_slice %arg13[%add3A_21, %dma_start3A_288] : memref<5128x64xf32, #tpu.memory_space<vmem_shared>> -> memref<64x64xf32, #tpu.memory_space<vmem_shared>>
      %dma_start3A_290 = arith.constant 0 : i32
      %dma_start3A_291 = tpu.memref_slice %arg13[%add3A_21, %dma_start3A_290] : memref<5128x64xf32, #tpu.memory_space<vmem_shared>> -> memref<64x64xf32, #tpu.memory_space<vmem_shared>>
      tpu.enqueue_dma source(%arg12 : memref<64x64xf32, #tpu.memory_space<vmem>>) target(%dma_start3A_291 : memref<64x64xf32, #tpu.memory_space<vmem_shared>>) target_semaphore(%run_scoped3A : memref<!tpu.dma_semaphore, #tpu.memory_space<semaphore_mem>>)
      %dma_wait3A_292 = arith.constant 0 : i32
      %dma_wait3A_293 = tpu.memref_slice %arg13[%add3A_21, %dma_wait3A_292] : memref<5128x64xf32, #tpu.memory_space<vmem_shared>> -> memref<64x64xf32, #tpu.memory_space<vmem_shared>>
      %dma_wait3A_294 = arith.constant 0 : i32
      %dma_wait3A_295 = tpu.memref_slice %arg13[%add3A_21, %dma_wait3A_294] : memref<5128x64xf32, #tpu.memory_space<vmem_shared>> -> memref<64x64xf32, #tpu.memory_space<vmem_shared>>
      tpu.wait_dma2 semaphore(%run_scoped3A : memref<!tpu.dma_semaphore, #tpu.memory_space<semaphore_mem>>) src(%arg12 : memref<64x64xf32, #tpu.memory_space<vmem>>) dst(%dma_wait3A_295 : memref<64x64xf32, #tpu.memory_space<vmem_shared>>)
      tpu.yield
    }) : () -> ()
    %mul3A_22 = arith.constant 320 : i32
    %mul3A_23 = arith.muli %arg1, %mul3A_22 : i32
    %add3A_24 = arith.constant 256 : i32
    %add3A_25 = arith.addi %mul3A_23, %add3A_24 : i32
    "tpu.region"() ({
      %run_scoped3A = tpu.sem_alloc : memref<!tpu.dma_semaphore, #tpu.memory_space<semaphore_mem>>
      %dma_start3A_288 = arith.constant 0 : i32
      %dma_start3A_289 = tpu.memref_slice %arg13[%add3A_25, %dma_start3A_288] : memref<5128x64xf32, #tpu.memory_space<vmem_shared>> -> memref<64x64xf32, #tpu.memory_space<vmem_shared>>
      %dma_start3A_290 = arith.constant 0 : i32
      %dma_start3A_291 = tpu.memref_slice %arg13[%add3A_25, %dma_start3A_290] : memref<5128x64xf32, #tpu.memory_space<vmem_shared>> -> memref<64x64xf32, #tpu.memory_space<vmem_shared>>
      tpu.enqueue_dma source(%arg12 : memref<64x64xf32, #tpu.memory_space<vmem>>) target(%dma_start3A_291 : memref<64x64xf32, #tpu.memory_space<vmem_shared>>) target_semaphore(%run_scoped3A : memref<!tpu.dma_semaphore, #tpu.memory_space<semaphore_mem>>)
      %dma_wait3A_292 = arith.constant 0 : i32
      %dma_wait3A_293 = tpu.memref_slice %arg13[%add3A_25, %dma_wait3A_292] : memref<5128x64xf32, #tpu.memory_space<vmem_shared>> -> memref<64x64xf32, #tpu.memory_space<vmem_shared>>
      %dma_wait3A_294 = arith.constant 0 : i32
      %dma_wait3A_295 = tpu.memref_slice %arg13[%add3A_25, %dma_wait3A_294] : memref<5128x64xf32, #tpu.memory_space<vmem_shared>> -> memref<64x64xf32, #tpu.memory_space<vmem_shared>>
      tpu.wait_dma2 semaphore(%run_scoped3A : memref<!tpu.dma_semaphore, #tpu.memory_space<semaphore_mem>>) src(%arg12 : memref<64x64xf32, #tpu.memory_space<vmem>>) dst(%dma_wait3A_295 : memref<64x64xf32, #tpu.memory_space<vmem_shared>>)
      tpu.yield
    }) : () -> ()
    %eq3A = arith.constant 0 : i32
    %eq3A_26 = arith.cmpi eq, %arg1, %eq3A : i32
    %convert_element_type3A = arith.extui %eq3A_26 : i1 to i32
    %cond3A = arith.constant 0 : i32
    %cond3A_27 = arith.cmpi ne, %convert_element_type3A, %cond3A : i32
    scf.if %cond3A_27 {
      "tpu.region"() ({
        %run_scoped3A = tpu.sem_alloc : memref<!tpu.dma_semaphore, #tpu.memory_space<semaphore_mem>>
        %dma_start3A_288 = arith.constant 0 : i32
        %dma_start3A_289 = arith.constant 0 : i32
        %dma_start3A_290 = tpu.memref_slice %arg12[%dma_start3A_288, %dma_start3A_289] : memref<64x64xf32, #tpu.memory_space<vmem>> -> memref<8x64xf32, #tpu.memory_space<vmem>>
        %dma_start3A_291 = arith.constant 5120 : i32
        %dma_start3A_292 = arith.constant 0 : i32
        %dma_start3A_293 = tpu.memref_slice %arg13[%dma_start3A_291, %dma_start3A_292] : memref<5128x64xf32, #tpu.memory_space<vmem_shared>> -> memref<8x64xf32, #tpu.memory_space<vmem_shared>>
        %dma_start3A_294 = arith.constant 5120 : i32
        %dma_start3A_295 = arith.constant 0 : i32
        %dma_start3A_296 = tpu.memref_slice %arg13[%dma_start3A_294, %dma_start3A_295] : memref<5128x64xf32, #tpu.memory_space<vmem_shared>> -> memref<8x64xf32, #tpu.memory_space<vmem_shared>>
        %dma_start3A_297 = arith.constant 0 : i32
        %dma_start3A_298 = arith.constant 0 : i32
        %dma_start3A_299 = tpu.memref_slice %arg12[%dma_start3A_297, %dma_start3A_298] : memref<64x64xf32, #tpu.memory_space<vmem>> -> memref<8x64xf32, #tpu.memory_space<vmem>>
        tpu.enqueue_dma source(%dma_start3A_299 : memref<8x64xf32, #tpu.memory_space<vmem>>) target(%dma_start3A_296 : memref<8x64xf32, #tpu.memory_space<vmem_shared>>) target_semaphore(%run_scoped3A : memref<!tpu.dma_semaphore, #tpu.memory_space<semaphore_mem>>)
        %dma_wait3A_300 = arith.constant 0 : i32
        %dma_wait3A_301 = arith.constant 0 : i32
        %dma_wait3A_302 = tpu.memref_slice %arg12[%dma_wait3A_300, %dma_wait3A_301] : memref<64x64xf32, #tpu.memory_space<vmem>> -> memref<8x64xf32, #tpu.memory_space<vmem>>
        %dma_wait3A_303 = arith.constant 5120 : i32
        %dma_wait3A_304 = arith.constant 0 : i32
        %dma_wait3A_305 = tpu.memref_slice %arg13[%dma_wait3A_303, %dma_wait3A_304] : memref<5128x64xf32, #tpu.memory_space<vmem_shared>> -> memref<8x64xf32, #tpu.memory_space<vmem_shared>>
        %dma_wait3A_306 = arith.constant 5120 : i32
        %dma_wait3A_307 = arith.constant 0 : i32
        %dma_wait3A_308 = tpu.memref_slice %arg13[%dma_wait3A_306, %dma_wait3A_307] : memref<5128x64xf32, #tpu.memory_space<vmem_shared>> -> memref<8x64xf32, #tpu.memory_space<vmem_shared>>
        %dma_wait3A_309 = arith.constant 0 : i32
        %dma_wait3A_310 = arith.constant 0 : i32
        %dma_wait3A_311 = tpu.memref_slice %arg12[%dma_wait3A_309, %dma_wait3A_310] : memref<64x64xf32, #tpu.memory_space<vmem>> -> memref<8x64xf32, #tpu.memory_space<vmem>>
        tpu.wait_dma2 semaphore(%run_scoped3A : memref<!tpu.dma_semaphore, #tpu.memory_space<semaphore_mem>>) src(%dma_wait3A_311 : memref<8x64xf32, #tpu.memory_space<vmem>>) dst(%dma_wait3A_308 : memref<8x64xf32, #tpu.memory_space<vmem_shared>>)
        tpu.yield
      }) : () -> ()
    } else {
    }
    %mul3A_28 = arith.constant 2 : i32
    %mul3A_29 = arith.muli %arg1, %mul3A_28 : i32
    %add3A_30 = arith.constant 0 : i32
    %add3A_31 = arith.addi %mul3A_29, %add3A_30 : i32
    %mul3A_32 = arith.constant 20000 : i32
    %mul3A_33 = arith.muli %add3A_31, %mul3A_32 : i32
    "tpu.region"() ({
      %run_scoped3A = tpu.sem_alloc : memref<!tpu.dma_semaphore, #tpu.memory_space<semaphore_mem>>
      %dma_start3A_288 = arith.constant 0 : i32
      %dma_start3A_289 = tpu.memref_slice %arg6[%dma_start3A_288] : memref<20288xi32, #tpu.memory_space<vmem>> -> memref<20000xi32, #tpu.memory_space<vmem>>
      %dma_start3A_290 = tpu.memref_slice %arg3[%mul3A_33] : memref<640000xi32, #tpu.memory_space<hbm>> -> memref<20000xi32, #tpu.memory_space<hbm>>
      %dma_start3A_291 = arith.constant 0 : i32
      %dma_start3A_292 = tpu.memref_slice %arg6[%dma_start3A_291] : memref<20288xi32, #tpu.memory_space<vmem>> -> memref<20000xi32, #tpu.memory_space<vmem>>
      %dma_start3A_293 = tpu.memref_slice %arg3[%mul3A_33] : memref<640000xi32, #tpu.memory_space<hbm>> -> memref<20000xi32, #tpu.memory_space<hbm>>
      tpu.enqueue_dma source(%dma_start3A_293 : memref<20000xi32, #tpu.memory_space<hbm>>) target(%dma_start3A_292 : memref<20000xi32, #tpu.memory_space<vmem>>) target_semaphore(%run_scoped3A : memref<!tpu.dma_semaphore, #tpu.memory_space<semaphore_mem>>)
      %dma_wait3A_294 = arith.constant 0 : i32
      %dma_wait3A_295 = tpu.memref_slice %arg6[%dma_wait3A_294] : memref<20288xi32, #tpu.memory_space<vmem>> -> memref<20000xi32, #tpu.memory_space<vmem>>
      %dma_wait3A_296 = tpu.memref_slice %arg3[%mul3A_33] : memref<640000xi32, #tpu.memory_space<hbm>> -> memref<20000xi32, #tpu.memory_space<hbm>>
      %dma_wait3A_297 = arith.constant 0 : i32
      %dma_wait3A_298 = tpu.memref_slice %arg6[%dma_wait3A_297] : memref<20288xi32, #tpu.memory_space<vmem>> -> memref<20000xi32, #tpu.memory_space<vmem>>
      %dma_wait3A_299 = tpu.memref_slice %arg3[%mul3A_33] : memref<640000xi32, #tpu.memory_space<hbm>> -> memref<20000xi32, #tpu.memory_space<hbm>>
      tpu.wait_dma2 semaphore(%run_scoped3A : memref<!tpu.dma_semaphore, #tpu.memory_space<semaphore_mem>>) src(%dma_wait3A_299 : memref<20000xi32, #tpu.memory_space<hbm>>) dst(%dma_wait3A_298 : memref<20000xi32, #tpu.memory_space<vmem>>)
      tpu.yield
    }) : () -> ()
    "tpu.region"() ({
      %run_scoped3A = tpu.sem_alloc : memref<!tpu.dma_semaphore, #tpu.memory_space<semaphore_mem>>
      %dma_start3A_288 = arith.constant 0 : i32
      %dma_start3A_289 = tpu.memref_slice %arg7[%dma_start3A_288] : memref<20288xi32, #tpu.memory_space<vmem>> -> memref<20000xi32, #tpu.memory_space<vmem>>
      %dma_start3A_290 = tpu.memref_slice %arg4[%mul3A_33] : memref<640000xi32, #tpu.memory_space<hbm>> -> memref<20000xi32, #tpu.memory_space<hbm>>
      %dma_start3A_291 = arith.constant 0 : i32
      %dma_start3A_292 = tpu.memref_slice %arg7[%dma_start3A_291] : memref<20288xi32, #tpu.memory_space<vmem>> -> memref<20000xi32, #tpu.memory_space<vmem>>
      %dma_start3A_293 = tpu.memref_slice %arg4[%mul3A_33] : memref<640000xi32, #tpu.memory_space<hbm>> -> memref<20000xi32, #tpu.memory_space<hbm>>
      tpu.enqueue_dma source(%dma_start3A_293 : memref<20000xi32, #tpu.memory_space<hbm>>) target(%dma_start3A_292 : memref<20000xi32, #tpu.memory_space<vmem>>) target_semaphore(%run_scoped3A : memref<!tpu.dma_semaphore, #tpu.memory_space<semaphore_mem>>)
      %dma_wait3A_294 = arith.constant 0 : i32
      %dma_wait3A_295 = tpu.memref_slice %arg7[%dma_wait3A_294] : memref<20288xi32, #tpu.memory_space<vmem>> -> memref<20000xi32, #tpu.memory_space<vmem>>
      %dma_wait3A_296 = tpu.memref_slice %arg4[%mul3A_33] : memref<640000xi32, #tpu.memory_space<hbm>> -> memref<20000xi32, #tpu.memory_space<hbm>>
      %dma_wait3A_297 = arith.constant 0 : i32
      %dma_wait3A_298 = tpu.memref_slice %arg7[%dma_wait3A_297] : memref<20288xi32, #tpu.memory_space<vmem>> -> memref<20000xi32, #tpu.memory_space<vmem>>
      %dma_wait3A_299 = tpu.memref_slice %arg4[%mul3A_33] : memref<640000xi32, #tpu.memory_space<hbm>> -> memref<20000xi32, #tpu.memory_space<hbm>>
      tpu.wait_dma2 semaphore(%run_scoped3A : memref<!tpu.dma_semaphore, #tpu.memory_space<semaphore_mem>>) src(%dma_wait3A_299 : memref<20000xi32, #tpu.memory_space<hbm>>) dst(%dma_wait3A_298 : memref<20000xi32, #tpu.memory_space<vmem>>)
      tpu.yield
    }) : () -> ()
    %broadcast_in_dim3A = arith.constant 10000 : i32
    %broadcast_in_dim3A_34 = vector.broadcast %broadcast_in_dim3A : i32 to vector<16xi32>
    %scan3A_35 = arith.constant 0 : i32
    %scan3A_36 = arith.constant 0 : i32
    %scan3A_37 = arith.constant 18 : i32
    %scan3A_38 = arith.addi %scan3A_36, %scan3A_37 : i32
    %scan3A_39 = arith.constant 1 : i32
    %scan3A_40 = scf.for %scan3A_288 = %scan3A_36 to %scan3A_38 step %scan3A_39 iter_args(%scan3A_289 = %scan3A_35) -> (i32)  : i32 {
      %mul3A_290 = arith.constant 16 : i32
      %mul3A_291 = arith.muli %scan3A_288, %mul3A_290 : i32
      %add3A_292 = arith.constant 20000 : i32
      %add3A_293 = arith.addi %add3A_292, %mul3A_291 : i32
      %swap3A = arith.index_cast %add3A_293 : i32 to index
      %swap3A_294 = tpu.vector_load %arg6[%swap3A] {strides = array<i32>} : memref<20288xi32, #tpu.memory_space<vmem>>, vector<16xi32>,
      %swap3A_295 = vector.shape_cast %swap3A_294 : vector<16xi32> to vector<16xi32>
      %swap3A_296 = vector.shape_cast %broadcast_in_dim3A_34 : vector<16xi32> to vector<16xi32>
      tpu.vector_store %arg6[%swap3A], %swap3A_296 {strides = array<i32>} : memref<20288xi32, #tpu.memory_space<vmem>>, vector<16xi32>,
      %scan3A_297 = arith.constant 0 : i32
      scf.yield %scan3A_297 : i32
    }
    %scan3A_41 = arith.constant 18 : i32
    %broadcast_in_dim3A_42 = arith.constant 10000 : i32
    %broadcast_in_dim3A_43 = vector.broadcast %broadcast_in_dim3A_42 : i32 to vector<16xi32>
    %scan3A_44 = arith.constant 0 : i32
    %scan3A_45 = arith.constant 0 : i32
    %scan3A_46 = arith.constant 18 : i32
    %scan3A_47 = arith.addi %scan3A_45, %scan3A_46 : i32
    %scan3A_48 = arith.constant 1 : i32
    %scan3A_49 = scf.for %scan3A_288 = %scan3A_45 to %scan3A_47 step %scan3A_48 iter_args(%scan3A_289 = %scan3A_44) -> (i32)  : i32 {
      %mul3A_290 = arith.constant 16 : i32
      %mul3A_291 = arith.muli %scan3A_288, %mul3A_290 : i32
      %add3A_292 = arith.constant 20000 : i32
      %add3A_293 = arith.addi %add3A_292, %mul3A_291 : i32
      %swap3A = arith.index_cast %add3A_293 : i32 to index
      %swap3A_294 = tpu.vector_load %arg7[%swap3A] {strides = array<i32>} : memref<20288xi32, #tpu.memory_space<vmem>>, vector<16xi32>,
      %swap3A_295 = vector.shape_cast %swap3A_294 : vector<16xi32> to vector<16xi32>
      %swap3A_296 = vector.shape_cast %broadcast_in_dim3A_43 : vector<16xi32> to vector<16xi32>
      tpu.vector_store %arg7[%swap3A], %swap3A_296 {strides = array<i32>} : memref<20288xi32, #tpu.memory_space<vmem>>, vector<16xi32>,
      %scan3A_297 = arith.constant 0 : i32
      scf.yield %scan3A_297 : i32
    }
    %scan3A_50 = arith.constant 18 : i32
    %scan3A_51 = arith.constant 0 : i32
    %scan3A_52 = arith.constant 0 : i32
    %scan3A_53 = arith.constant 317 : i32
    %scan3A_54 = arith.addi %scan3A_52, %scan3A_53 : i32
    %scan3A_55 = arith.constant 1 : i32
    %scan3A_56 = scf.for %scan3A_288 = %scan3A_52 to %scan3A_54 step %scan3A_55 iter_args(%scan3A_289 = %scan3A_51) -> (i32)  : i32 {
      %mul3A_290 = arith.constant 64 : i32
      %mul3A_291 = arith.muli %scan3A_288, %mul3A_290 : i32
      %add3A_292 = arith.constant 0 : i32
      %add3A_293 = arith.addi %mul3A_291, %add3A_292 : i32
      %get3A = arith.index_cast %add3A_293 : i32 to index
      %get3A_294 = tpu.vector_load %arg6[%get3A] {strides = array<i32>} : memref<20288xi32, #tpu.memory_space<vmem>>, vector<16xi32>,
      %get3A_295 = vector.shape_cast %get3A_294 : vector<16xi32> to vector<16xi32>
      %get3A_296 = arith.index_cast %add3A_293 : i32 to index
      %get3A_297 = tpu.vector_load %arg7[%get3A_296] {strides = array<i32>} : memref<20288xi32, #tpu.memory_space<vmem>>, vector<16xi32>,
      %get3A_298 = vector.shape_cast %get3A_297 : vector<16xi32> to vector<16xi32>
      %eq3A_299 = arith.cmpi eq, %get3A_295, %get3A_298 : vector<16xi32>
      %broadcast_in_dim3A_300 = arith.constant 10000 : i32
      %broadcast_in_dim3A_301 = vector.broadcast %broadcast_in_dim3A_300 : i32 to vector<16xi32>
      %select_n3A = arith.select %eq3A_299, %broadcast_in_dim3A_301, %get3A_295 : vector<16xi1>, vector<16xi32>
      %swap3A = arith.index_cast %add3A_293 : i32 to index
      %swap3A_302 = tpu.vector_load %arg6[%swap3A] {strides = array<i32>} : memref<20288xi32, #tpu.memory_space<vmem>>, vector<16xi32>,
      %swap3A_303 = vector.shape_cast %swap3A_302 : vector<16xi32> to vector<16xi32>
      %swap3A_304 = vector.shape_cast %select_n3A : vector<16xi32> to vector<16xi32>
      tpu.vector_store %arg6[%swap3A], %swap3A_304 {strides = array<i32>} : memref<20288xi32, #tpu.memory_space<vmem>>, vector<16xi32>,
      %sub3A = vector.broadcast %mul3A_0 : i32 to vector<16xi32>
      %sub3A_305 = arith.subi %get3A_298, %sub3A : vector<16xi32>
      %lt3A = arith.constant 0 : i32
      %lt3A_306 = vector.broadcast %lt3A : i32 to vector<16xi32>
      %lt3A_307 = arith.cmpi slt, %sub3A_305, %lt3A_306 : vector<16xi32>
      %ge3A = arith.constant 5120 : i32
      %ge3A_308 = vector.broadcast %ge3A : i32 to vector<16xi32>
      %ge3A_309 = arith.cmpi sge, %sub3A_305, %ge3A_308 : vector<16xi32>
      %or3A = arith.ori %lt3A_307, %ge3A_309 : vector<16xi1>
      %broadcast_in_dim3A_310 = arith.constant 5120 : i32
      %broadcast_in_dim3A_311 = vector.broadcast %broadcast_in_dim3A_310 : i32 to vector<16xi32>
      %select_n3A_312 = arith.select %or3A, %broadcast_in_dim3A_311, %sub3A_305 : vector<16xi1>, vector<16xi32>
      %swap3A_313 = arith.index_cast %scan3A_288 : i32 to index
      %swap3A_314 = arith.constant 0 : index
      %swap3A_315 = tpu.vector_load %arg8[%swap3A_313, %swap3A_314] {strides = array<i32>} : memref<317x64xi32, #tpu.memory_space<vmem>>, vector<1x16xi32>,
      %swap3A_316 = vector.shape_cast %swap3A_315 : vector<1x16xi32> to vector<16xi32>
      %swap3A_317 = vector.shape_cast %select_n3A_312 : vector<16xi32> to vector<1x16xi32>
      tpu.vector_store %arg8[%swap3A_313, %swap3A_314], %swap3A_317 {strides = array<i32>} : memref<317x64xi32, #tpu.memory_space<vmem>>, vector<1x16xi32>,
      %mul3A_318 = arith.constant 64 : i32
      %mul3A_319 = arith.muli %scan3A_288, %mul3A_318 : i32
      %add3A_320 = arith.constant 16 : i32
      %add3A_321 = arith.addi %mul3A_319, %add3A_320 : i32
      %get3A_322 = arith.index_cast %add3A_321 : i32 to index
      %get3A_323 = tpu.vector_load %arg6[%get3A_322] {strides = array<i32>} : memref<20288xi32, #tpu.memory_space<vmem>>, vector<16xi32>,
      %get3A_324 = vector.shape_cast %get3A_323 : vector<16xi32> to vector<16xi32>
      %get3A_325 = arith.index_cast %add3A_321 : i32 to index
      %get3A_326 = tpu.vector_load %arg7[%get3A_325] {strides = array<i32>} : memref<20288xi32, #tpu.memory_space<vmem>>, vector<16xi32>,
      %get3A_327 = vector.shape_cast %get3A_326 : vector<16xi32> to vector<16xi32>
      %eq3A_328 = arith.cmpi eq, %get3A_324, %get3A_327 : vector<16xi32>
      %broadcast_in_dim3A_329 = arith.constant 10000 : i32
      %broadcast_in_dim3A_330 = vector.broadcast %broadcast_in_dim3A_329 : i32 to vector<16xi32>
      %select_n3A_331 = arith.select %eq3A_328, %broadcast_in_dim3A_330, %get3A_324 : vector<16xi1>, vector<16xi32>
      %swap3A_332 = arith.index_cast %add3A_321 : i32 to index
      %swap3A_333 = tpu.vector_load %arg6[%swap3A_332] {strides = array<i32>} : memref<20288xi32, #tpu.memory_space<vmem>>, vector<16xi32>,
      %swap3A_334 = vector.shape_cast %swap3A_333 : vector<16xi32> to vector<16xi32>
      %swap3A_335 = vector.shape_cast %select_n3A_331 : vector<16xi32> to vector<16xi32>
      tpu.vector_store %arg6[%swap3A_332], %swap3A_335 {strides = array<i32>} : memref<20288xi32, #tpu.memory_space<vmem>>, vector<16xi32>,
      %sub3A_336 = vector.broadcast %mul3A_0 : i32 to vector<16xi32>
      %sub3A_337 = arith.subi %get3A_327, %sub3A_336 : vector<16xi32>
      %lt3A_338 = arith.constant 0 : i32
      %lt3A_339 = vector.broadcast %lt3A_338 : i32 to vector<16xi32>
      %lt3A_340 = arith.cmpi slt, %sub3A_337, %lt3A_339 : vector<16xi32>
      %ge3A_341 = arith.constant 5120 : i32
      %ge3A_342 = vector.broadcast %ge3A_341 : i32 to vector<16xi32>
      %ge3A_343 = arith.cmpi sge, %sub3A_337, %ge3A_342 : vector<16xi32>
      %or3A_344 = arith.ori %lt3A_340, %ge3A_343 : vector<16xi1>
      %broadcast_in_dim3A_345 = arith.constant 5120 : i32
      %broadcast_in_dim3A_346 = vector.broadcast %broadcast_in_dim3A_345 : i32 to vector<16xi32>
      %select_n3A_347 = arith.select %or3A_344, %broadcast_in_dim3A_346, %sub3A_337 : vector<16xi1>, vector<16xi32>
      %swap3A_348 = arith.index_cast %scan3A_288 : i32 to index
      %swap3A_349 = arith.constant 16 : index
      %swap3A_350 = tpu.vector_load %arg8[%swap3A_348, %swap3A_349] {strides = array<i32>} : memref<317x64xi32, #tpu.memory_space<vmem>>, vector<1x16xi32>,
      %swap3A_351 = vector.shape_cast %swap3A_350 : vector<1x16xi32> to vector<16xi32>
      %swap3A_352 = vector.shape_cast %select_n3A_347 : vector<16xi32> to vector<1x16xi32>
      tpu.vector_store %arg8[%swap3A_348, %swap3A_349], %swap3A_352 {strides = array<i32>} : memref<317x64xi32, #tpu.memory_space<vmem>>, vector<1x16xi32>,
      %mul3A_353 = arith.constant 64 : i32
      %mul3A_354 = arith.muli %scan3A_288, %mul3A_353 : i32
      %add3A_355 = arith.constant 32 : i32
      %add3A_356 = arith.addi %mul3A_354, %add3A_355 : i32
      %get3A_357 = arith.index_cast %add3A_356 : i32 to index
      %get3A_358 = tpu.vector_load %arg6[%get3A_357] {strides = array<i32>} : memref<20288xi32, #tpu.memory_space<vmem>>, vector<16xi32>,
      %get3A_359 = vector.shape_cast %get3A_358 : vector<16xi32> to vector<16xi32>
      %get3A_360 = arith.index_cast %add3A_356 : i32 to index
      %get3A_361 = tpu.vector_load %arg7[%get3A_360] {strides = array<i32>} : memref<20288xi32, #tpu.memory_space<vmem>>, vector<16xi32>,
      %get3A_362 = vector.shape_cast %get3A_361 : vector<16xi32> to vector<16xi32>
      %eq3A_363 = arith.cmpi eq, %get3A_359, %get3A_362 : vector<16xi32>
      %broadcast_in_dim3A_364 = arith.constant 10000 : i32
      %broadcast_in_dim3A_365 = vector.broadcast %broadcast_in_dim3A_364 : i32 to vector<16xi32>
      %select_n3A_366 = arith.select %eq3A_363, %broadcast_in_dim3A_365, %get3A_359 : vector<16xi1>, vector<16xi32>
      %swap3A_367 = arith.index_cast %add3A_356 : i32 to index
      %swap3A_368 = tpu.vector_load %arg6[%swap3A_367] {strides = array<i32>} : memref<20288xi32, #tpu.memory_space<vmem>>, vector<16xi32>,
      %swap3A_369 = vector.shape_cast %swap3A_368 : vector<16xi32> to vector<16xi32>
      %swap3A_370 = vector.shape_cast %select_n3A_366 : vector<16xi32> to vector<16xi32>
      tpu.vector_store %arg6[%swap3A_367], %swap3A_370 {strides = array<i32>} : memref<20288xi32, #tpu.memory_space<vmem>>, vector<16xi32>,
      %sub3A_371 = vector.broadcast %mul3A_0 : i32 to vector<16xi32>
      %sub3A_372 = arith.subi %get3A_362, %sub3A_371 : vector<16xi32>
      %lt3A_373 = arith.constant 0 : i32
      %lt3A_374 = vector.broadcast %lt3A_373 : i32 to vector<16xi32>
      %lt3A_375 = arith.cmpi slt, %sub3A_372, %lt3A_374 : vector<16xi32>
      %ge3A_376 = arith.constant 5120 : i32
      %ge3A_377 = vector.broadcast %ge3A_376 : i32 to vector<16xi32>
      %ge3A_378 = arith.cmpi sge, %sub3A_372, %ge3A_377 : vector<16xi32>
      %or3A_379 = arith.ori %lt3A_375, %ge3A_378 : vector<16xi1>
      %broadcast_in_dim3A_380 = arith.constant 5120 : i32
      %broadcast_in_dim3A_381 = vector.broadcast %broadcast_in_dim3A_380 : i32 to vector<16xi32>
      %select_n3A_382 = arith.select %or3A_379, %broadcast_in_dim3A_381, %sub3A_372 : vector<16xi1>, vector<16xi32>
      %swap3A_383 = arith.index_cast %scan3A_288 : i32 to index
      %swap3A_384 = arith.constant 32 : index
      %swap3A_385 = tpu.vector_load %arg8[%swap3A_383, %swap3A_384] {strides = array<i32>} : memref<317x64xi32, #tpu.memory_space<vmem>>, vector<1x16xi32>,
      %swap3A_386 = vector.shape_cast %swap3A_385 : vector<1x16xi32> to vector<16xi32>
      %swap3A_387 = vector.shape_cast %select_n3A_382 : vector<16xi32> to vector<1x16xi32>
      tpu.vector_store %arg8[%swap3A_383, %swap3A_384], %swap3A_387 {strides = array<i32>} : memref<317x64xi32, #tpu.memory_space<vmem>>, vector<1x16xi32>,
      %mul3A_388 = arith.constant 64 : i32
      %mul3A_389 = arith.muli %scan3A_288, %mul3A_388 : i32
      %add3A_390 = arith.constant 48 : i32
      %add3A_391 = arith.addi %mul3A_389, %add3A_390 : i32
      %get3A_392 = arith.index_cast %add3A_391 : i32 to index
      %get3A_393 = tpu.vector_load %arg6[%get3A_392] {strides = array<i32>} : memref<20288xi32, #tpu.memory_space<vmem>>, vector<16xi32>,
      %get3A_394 = vector.shape_cast %get3A_393 : vector<16xi32> to vector<16xi32>
      %get3A_395 = arith.index_cast %add3A_391 : i32 to index
      %get3A_396 = tpu.vector_load %arg7[%get3A_395] {strides = array<i32>} : memref<20288xi32, #tpu.memory_space<vmem>>, vector<16xi32>,
      %get3A_397 = vector.shape_cast %get3A_396 : vector<16xi32> to vector<16xi32>
      %eq3A_398 = arith.cmpi eq, %get3A_394, %get3A_397 : vector<16xi32>
      %broadcast_in_dim3A_399 = arith.constant 10000 : i32
      %broadcast_in_dim3A_400 = vector.broadcast %broadcast_in_dim3A_399 : i32 to vector<16xi32>
      %select_n3A_401 = arith.select %eq3A_398, %broadcast_in_dim3A_400, %get3A_394 : vector<16xi1>, vector<16xi32>
      %swap3A_402 = arith.index_cast %add3A_391 : i32 to index
      %swap3A_403 = tpu.vector_load %arg6[%swap3A_402] {strides = array<i32>} : memref<20288xi32, #tpu.memory_space<vmem>>, vector<16xi32>,
      %swap3A_404 = vector.shape_cast %swap3A_403 : vector<16xi32> to vector<16xi32>
      %swap3A_405 = vector.shape_cast %select_n3A_401 : vector<16xi32> to vector<16xi32>
      tpu.vector_store %arg6[%swap3A_402], %swap3A_405 {strides = array<i32>} : memref<20288xi32, #tpu.memory_space<vmem>>, vector<16xi32>,
      %sub3A_406 = vector.broadcast %mul3A_0 : i32 to vector<16xi32>
      %sub3A_407 = arith.subi %get3A_397, %sub3A_406 : vector<16xi32>
      %lt3A_408 = arith.constant 0 : i32
      %lt3A_409 = vector.broadcast %lt3A_408 : i32 to vector<16xi32>
      %lt3A_410 = arith.cmpi slt, %sub3A_407, %lt3A_409 : vector<16xi32>
      %ge3A_411 = arith.constant 5120 : i32
      %ge3A_412 = vector.broadcast %ge3A_411 : i32 to vector<16xi32>
      %ge3A_413 = arith.cmpi sge, %sub3A_407, %ge3A_412 : vector<16xi32>
      %or3A_414 = arith.ori %lt3A_410, %ge3A_413 : vector<16xi1>
      %broadcast_in_dim3A_415 = arith.constant 5120 : i32
      %broadcast_in_dim3A_416 = vector.broadcast %broadcast_in_dim3A_415 : i32 to vector<16xi32>
      %select_n3A_417 = arith.select %or3A_414, %broadcast_in_dim3A_416, %sub3A_407 : vector<16xi1>, vector<16xi32>
      %swap3A_418 = arith.index_cast %scan3A_288 : i32 to index
      %swap3A_419 = arith.constant 48 : index
      %swap3A_420 = tpu.vector_load %arg8[%swap3A_418, %swap3A_419] {strides = array<i32>} : memref<317x64xi32, #tpu.memory_space<vmem>>, vector<1x16xi32>,
      %swap3A_421 = vector.shape_cast %swap3A_420 : vector<1x16xi32> to vector<16xi32>
      %swap3A_422 = vector.shape_cast %select_n3A_417 : vector<16xi32> to vector<1x16xi32>
      tpu.vector_store %arg8[%swap3A_418, %swap3A_419], %swap3A_422 {strides = array<i32>} : memref<317x64xi32, #tpu.memory_space<vmem>>, vector<1x16xi32>,
      %scan3A_423 = arith.constant 0 : i32
      scf.yield %scan3A_423 : i32
    }
    %scan3A_57 = arith.constant 317 : i32
    %barrier3A = arith.constant 0 : index
    tpu.barrier barrier_id(%barrier3A)
    %dma_start3A = arith.constant 0 : i32
    %dma_start3A_58 = tpu.memref_slice %arg6[%dma_start3A] : memref<20288xi32, #tpu.memory_space<vmem>> -> memref<64xi32, #tpu.memory_space<vmem>>
    %dma_start3A_59 = arith.constant 0 : i32
    %dma_start3A_60 = arith.constant 0 : i32
    %dma_start3A_61 = tpu.memref_slice %arg2[%dma_start3A_59, %dma_start3A_60] : memref<10240x64xf32, #tpu.memory_space<hbm>> -> memref<10240x64xf32, #tpu.memory_space<hbm>>
    tpu.enqueue_indirect_dma source(%dma_start3A_61 : memref<10240x64xf32, #tpu.memory_space<hbm>>) target(%arg9 : memref<64x64xf32, #tpu.memory_space<vmem>>) offsets(%dma_start3A_58 : memref<64xi32, #tpu.memory_space<vmem>>) semaphore(%arg14 : memref<!tpu.dma_semaphore, #tpu.memory_space<semaphore_mem>>)
    %dma_start3A_62 = arith.constant 64 : i32
    %dma_start3A_63 = tpu.memref_slice %arg6[%dma_start3A_62] : memref<20288xi32, #tpu.memory_space<vmem>> -> memref<64xi32, #tpu.memory_space<vmem>>
    %dma_start3A_64 = arith.constant 0 : i32
    %dma_start3A_65 = arith.constant 0 : i32
    %dma_start3A_66 = tpu.memref_slice %arg2[%dma_start3A_64, %dma_start3A_65] : memref<10240x64xf32, #tpu.memory_space<hbm>> -> memref<10240x64xf32, #tpu.memory_space<hbm>>
    tpu.enqueue_indirect_dma source(%dma_start3A_66 : memref<10240x64xf32, #tpu.memory_space<hbm>>) target(%arg10 : memref<64x64xf32, #tpu.memory_space<vmem>>) offsets(%dma_start3A_63 : memref<64xi32, #tpu.memory_space<vmem>>) semaphore(%arg15 : memref<!tpu.dma_semaphore, #tpu.memory_space<semaphore_mem>>)
    %dma_wait3A = arith.constant 0 : i32
    %dma_wait3A_67 = tpu.memref_slice %arg6[%dma_wait3A] : memref<20288xi32, #tpu.memory_space<vmem>> -> memref<64xi32, #tpu.memory_space<vmem>>
    %dma_wait3A_68 = arith.constant 0 : i32
    %dma_wait3A_69 = arith.constant 0 : i32
    %dma_wait3A_70 = tpu.memref_slice %arg2[%dma_wait3A_68, %dma_wait3A_69] : memref<10240x64xf32, #tpu.memory_space<hbm>> -> memref<10240x64xf32, #tpu.memory_space<hbm>>
    tpu.wait_indirect_dma semaphore(%arg14 : memref<!tpu.dma_semaphore, #tpu.memory_space<semaphore_mem>>) src(%dma_wait3A_70 : memref<10240x64xf32, #tpu.memory_space<hbm>>) dst(%arg9 : memref<64x64xf32, #tpu.memory_space<vmem>>)
    %dma_start3A_71 = arith.constant 0 : i32
    %dma_start3A_72 = arith.constant 0 : i32
    %dma_start3A_73 = tpu.memref_slice %arg8[%dma_start3A_71, %dma_start3A_72] : memref<317x64xi32, #tpu.memory_space<vmem>> -> memref<1x64xi32, #tpu.memory_space<vmem>>
    %dma_start3A_74 = tpu.memref_squeeze %dma_start3A_73 : memref<1x64xi32, #tpu.memory_space<vmem>> -> memref<64xi32, #tpu.memory_space<vmem>>
    %dma_start3A_75 = arith.constant 0 : i32
    %dma_start3A_76 = arith.constant 0 : i32
    %dma_start3A_77 = tpu.memref_slice %arg13[%dma_start3A_75, %dma_start3A_76] : memref<5128x64xf32, #tpu.memory_space<vmem_shared>> -> memref<5128x64xf32, #tpu.memory_space<vmem_shared>>
    tpu.enqueue_indirect_dma source(%arg9 : memref<64x64xf32, #tpu.memory_space<vmem>>) target(%dma_start3A_77 : memref<5128x64xf32, #tpu.memory_space<vmem_shared>>) offsets(%dma_start3A_74 : memref<64xi32, #tpu.memory_space<vmem>>) semaphore(%arg17 : memref<!tpu.dma_semaphore, #tpu.memory_space<semaphore_mem>>) {add = true}
    %dma_start3A_78 = arith.constant 128 : i32
    %dma_start3A_79 = tpu.memref_slice %arg6[%dma_start3A_78] : memref<20288xi32, #tpu.memory_space<vmem>> -> memref<64xi32, #tpu.memory_space<vmem>>
    %dma_start3A_80 = arith.constant 0 : i32
    %dma_start3A_81 = arith.constant 0 : i32
    %dma_start3A_82 = tpu.memref_slice %arg2[%dma_start3A_80, %dma_start3A_81] : memref<10240x64xf32, #tpu.memory_space<hbm>> -> memref<10240x64xf32, #tpu.memory_space<hbm>>
    tpu.enqueue_indirect_dma source(%dma_start3A_82 : memref<10240x64xf32, #tpu.memory_space<hbm>>) target(%arg11 : memref<64x64xf32, #tpu.memory_space<vmem>>) offsets(%dma_start3A_79 : memref<64xi32, #tpu.memory_space<vmem>>) semaphore(%arg16 : memref<!tpu.dma_semaphore, #tpu.memory_space<semaphore_mem>>)
    %dma_wait3A_83 = arith.constant 64 : i32
    %dma_wait3A_84 = tpu.memref_slice %arg6[%dma_wait3A_83] : memref<20288xi32, #tpu.memory_space<vmem>> -> memref<64xi32, #tpu.memory_space<vmem>>
    %dma_wait3A_85 = arith.constant 0 : i32
    %dma_wait3A_86 = arith.constant 0 : i32
    %dma_wait3A_87 = tpu.memref_slice %arg2[%dma_wait3A_85, %dma_wait3A_86] : memref<10240x64xf32, #tpu.memory_space<hbm>> -> memref<10240x64xf32, #tpu.memory_space<hbm>>
    tpu.wait_indirect_dma semaphore(%arg15 : memref<!tpu.dma_semaphore, #tpu.memory_space<semaphore_mem>>) src(%dma_wait3A_87 : memref<10240x64xf32, #tpu.memory_space<hbm>>) dst(%arg10 : memref<64x64xf32, #tpu.memory_space<vmem>>)
    %dma_start3A_88 = arith.constant 1 : i32
    %dma_start3A_89 = arith.constant 0 : i32
    %dma_start3A_90 = tpu.memref_slice %arg8[%dma_start3A_88, %dma_start3A_89] : memref<317x64xi32, #tpu.memory_space<vmem>> -> memref<1x64xi32, #tpu.memory_space<vmem>>
    %dma_start3A_91 = tpu.memref_squeeze %dma_start3A_90 : memref<1x64xi32, #tpu.memory_space<vmem>> -> memref<64xi32, #tpu.memory_space<vmem>>
    %dma_start3A_92 = arith.constant 0 : i32
    %dma_start3A_93 = arith.constant 0 : i32
    %dma_start3A_94 = tpu.memref_slice %arg13[%dma_start3A_92, %dma_start3A_93] : memref<5128x64xf32, #tpu.memory_space<vmem_shared>> -> memref<5128x64xf32, #tpu.memory_space<vmem_shared>>
    tpu.enqueue_indirect_dma source(%arg10 : memref<64x64xf32, #tpu.memory_space<vmem>>) target(%dma_start3A_94 : memref<5128x64xf32, #tpu.memory_space<vmem_shared>>) offsets(%dma_start3A_91 : memref<64xi32, #tpu.memory_space<vmem>>) semaphore(%arg18 : memref<!tpu.dma_semaphore, #tpu.memory_space<semaphore_mem>>) {add = true}
    %dma_wait3A_95 = arith.constant 0 : i32
    %dma_wait3A_96 = arith.constant 0 : i32
    %dma_wait3A_97 = tpu.memref_slice %arg8[%dma_wait3A_95, %dma_wait3A_96] : memref<317x64xi32, #tpu.memory_space<vmem>> -> memref<1x64xi32, #tpu.memory_space<vmem>>
    %dma_wait3A_98 = tpu.memref_squeeze %dma_wait3A_97 : memref<1x64xi32, #tpu.memory_space<vmem>> -> memref<64xi32, #tpu.memory_space<vmem>>
    %dma_wait3A_99 = arith.constant 0 : i32
    %dma_wait3A_100 = arith.constant 0 : i32
    %dma_wait3A_101 = tpu.memref_slice %arg13[%dma_wait3A_99, %dma_wait3A_100] : memref<5128x64xf32, #tpu.memory_space<vmem_shared>> -> memref<5128x64xf32, #tpu.memory_space<vmem_shared>>
    tpu.wait_indirect_dma semaphore(%arg17 : memref<!tpu.dma_semaphore, #tpu.memory_space<semaphore_mem>>) src(%arg9 : memref<64x64xf32, #tpu.memory_space<vmem>>) dst(%dma_wait3A_101 : memref<5128x64xf32, #tpu.memory_space<vmem_shared>>)
    %dma_start3A_102 = arith.constant 192 : i32
    %dma_start3A_103 = tpu.memref_slice %arg6[%dma_start3A_102] : memref<20288xi32, #tpu.memory_space<vmem>> -> memref<64xi32, #tpu.memory_space<vmem>>
    %dma_start3A_104 = arith.constant 0 : i32
    %dma_start3A_105 = arith.constant 0 : i32
    %dma_start3A_106 = tpu.memref_slice %arg2[%dma_start3A_104, %dma_start3A_105] : memref<10240x64xf32, #tpu.memory_space<hbm>> -> memref<10240x64xf32, #tpu.memory_space<hbm>>
    tpu.enqueue_indirect_dma source(%dma_start3A_106 : memref<10240x64xf32, #tpu.memory_space<hbm>>) target(%arg9 : memref<64x64xf32, #tpu.memory_space<vmem>>) offsets(%dma_start3A_103 : memref<64xi32, #tpu.memory_space<vmem>>) semaphore(%arg14 : memref<!tpu.dma_semaphore, #tpu.memory_space<semaphore_mem>>)
    %dma_wait3A_107 = arith.constant 128 : i32
    %dma_wait3A_108 = tpu.memref_slice %arg6[%dma_wait3A_107] : memref<20288xi32, #tpu.memory_space<vmem>> -> memref<64xi32, #tpu.memory_space<vmem>>
    %dma_wait3A_109 = arith.constant 0 : i32
    %dma_wait3A_110 = arith.constant 0 : i32
    %dma_wait3A_111 = tpu.memref_slice %arg2[%dma_wait3A_109, %dma_wait3A_110] : memref<10240x64xf32, #tpu.memory_space<hbm>> -> memref<10240x64xf32, #tpu.memory_space<hbm>>
    tpu.wait_indirect_dma semaphore(%arg16 : memref<!tpu.dma_semaphore, #tpu.memory_space<semaphore_mem>>) src(%dma_wait3A_111 : memref<10240x64xf32, #tpu.memory_space<hbm>>) dst(%arg11 : memref<64x64xf32, #tpu.memory_space<vmem>>)
    %dma_start3A_112 = arith.constant 2 : i32
    %dma_start3A_113 = arith.constant 0 : i32
    %dma_start3A_114 = tpu.memref_slice %arg8[%dma_start3A_112, %dma_start3A_113] : memref<317x64xi32, #tpu.memory_space<vmem>> -> memref<1x64xi32, #tpu.memory_space<vmem>>
    %dma_start3A_115 = tpu.memref_squeeze %dma_start3A_114 : memref<1x64xi32, #tpu.memory_space<vmem>> -> memref<64xi32, #tpu.memory_space<vmem>>
    %dma_start3A_116 = arith.constant 0 : i32
    %dma_start3A_117 = arith.constant 0 : i32
    %dma_start3A_118 = tpu.memref_slice %arg13[%dma_start3A_116, %dma_start3A_117] : memref<5128x64xf32, #tpu.memory_space<vmem_shared>> -> memref<5128x64xf32, #tpu.memory_space<vmem_shared>>
    tpu.enqueue_indirect_dma source(%arg11 : memref<64x64xf32, #tpu.memory_space<vmem>>) target(%dma_start3A_118 : memref<5128x64xf32, #tpu.memory_space<vmem_shared>>) offsets(%dma_start3A_115 : memref<64xi32, #tpu.memory_space<vmem>>) semaphore(%arg19 : memref<!tpu.dma_semaphore, #tpu.memory_space<semaphore_mem>>) {add = true}
    %dma_wait3A_119 = arith.constant 1 : i32
    %dma_wait3A_120 = arith.constant 0 : i32
    %dma_wait3A_121 = tpu.memref_slice %arg8[%dma_wait3A_119, %dma_wait3A_120] : memref<317x64xi32, #tpu.memory_space<vmem>> -> memref<1x64xi32, #tpu.memory_space<vmem>>
    %dma_wait3A_122 = tpu.memref_squeeze %dma_wait3A_121 : memref<1x64xi32, #tpu.memory_space<vmem>> -> memref<64xi32, #tpu.memory_space<vmem>>
    %dma_wait3A_123 = arith.constant 0 : i32
    %dma_wait3A_124 = arith.constant 0 : i32
    %dma_wait3A_125 = tpu.memref_slice %arg13[%dma_wait3A_123, %dma_wait3A_124] : memref<5128x64xf32, #tpu.memory_space<vmem_shared>> -> memref<5128x64xf32, #tpu.memory_space<vmem_shared>>
    tpu.wait_indirect_dma semaphore(%arg18 : memref<!tpu.dma_semaphore, #tpu.memory_space<semaphore_mem>>) src(%arg10 : memref<64x64xf32, #tpu.memory_space<vmem>>) dst(%dma_wait3A_125 : memref<5128x64xf32, #tpu.memory_space<vmem_shared>>)
    %dma_start3A_126 = arith.constant 256 : i32
    %dma_start3A_127 = tpu.memref_slice %arg6[%dma_start3A_126] : memref<20288xi32, #tpu.memory_space<vmem>> -> memref<64xi32, #tpu.memory_space<vmem>>
    %dma_start3A_128 = arith.constant 0 : i32
    %dma_start3A_129 = arith.constant 0 : i32
    %dma_start3A_130 = tpu.memref_slice %arg2[%dma_start3A_128, %dma_start3A_129] : memref<10240x64xf32, #tpu.memory_space<hbm>> -> memref<10240x64xf32, #tpu.memory_space<hbm>>
    tpu.enqueue_indirect_dma source(%dma_start3A_130 : memref<10240x64xf32, #tpu.memory_space<hbm>>) target(%arg10 : memref<64x64xf32, #tpu.memory_space<vmem>>) offsets(%dma_start3A_127 : memref<64xi32, #tpu.memory_space<vmem>>) semaphore(%arg15 : memref<!tpu.dma_semaphore, #tpu.memory_space<semaphore_mem>>)
    %scan3A_131 = arith.constant 0 : i32
    %scan3A_132 = arith.constant 1 : i32
    %scan3A_133 = arith.constant 104 : i32
    %scan3A_134 = arith.addi %scan3A_132, %scan3A_133 : i32
    %scan3A_135 = arith.constant 1 : i32
    %scan3A_136 = scf.for %scan3A_288 = %scan3A_132 to %scan3A_134 step %scan3A_135 iter_args(%scan3A_289 = %scan3A_131) -> (i32)  : i32 {
      %mul3A_290 = arith.constant 3 : i32
      %mul3A_291 = arith.muli %mul3A_290, %scan3A_288 : i32
      %add3A_292 = arith.constant 0 : i32
      %add3A_293 = arith.addi %mul3A_291, %add3A_292 : i32
      %mul3A_294 = arith.constant 64 : i32
      %mul3A_295 = arith.muli %add3A_293, %mul3A_294 : i32
      %dma_wait3A_296 = tpu.memref_slice %arg6[%mul3A_295] : memref<20288xi32, #tpu.memory_space<vmem>> -> memref<64xi32, #tpu.memory_space<vmem>>
      %dma_wait3A_297 = arith.constant 0 : i32
      %dma_wait3A_298 = arith.constant 0 : i32
      %dma_wait3A_299 = tpu.memref_slice %arg2[%dma_wait3A_297, %dma_wait3A_298] : memref<10240x64xf32, #tpu.memory_space<hbm>> -> memref<10240x64xf32, #tpu.memory_space<hbm>>
      tpu.wait_indirect_dma semaphore(%arg14 : memref<!tpu.dma_semaphore, #tpu.memory_space<semaphore_mem>>) src(%dma_wait3A_299 : memref<10240x64xf32, #tpu.memory_space<hbm>>) dst(%arg9 : memref<64x64xf32, #tpu.memory_space<vmem>>)
      %dma_start3A_300 = arith.constant 0 : i32
      %dma_start3A_301 = tpu.memref_slice %arg8[%add3A_293, %dma_start3A_300] : memref<317x64xi32, #tpu.memory_space<vmem>> -> memref<1x64xi32, #tpu.memory_space<vmem>>
      %dma_start3A_302 = tpu.memref_squeeze %dma_start3A_301 : memref<1x64xi32, #tpu.memory_space<vmem>> -> memref<64xi32, #tpu.memory_space<vmem>>
      %dma_start3A_303 = arith.constant 0 : i32
      %dma_start3A_304 = arith.constant 0 : i32
      %dma_start3A_305 = tpu.memref_slice %arg13[%dma_start3A_303, %dma_start3A_304] : memref<5128x64xf32, #tpu.memory_space<vmem_shared>> -> memref<5128x64xf32, #tpu.memory_space<vmem_shared>>
      tpu.enqueue_indirect_dma source(%arg9 : memref<64x64xf32, #tpu.memory_space<vmem>>) target(%dma_start3A_305 : memref<5128x64xf32, #tpu.memory_space<vmem_shared>>) offsets(%dma_start3A_302 : memref<64xi32, #tpu.memory_space<vmem>>) semaphore(%arg17 : memref<!tpu.dma_semaphore, #tpu.memory_space<semaphore_mem>>) {add = true}
      %sub3A = arith.constant 1 : i32
      %sub3A_306 = arith.subi %add3A_293, %sub3A : i32
      %dma_wait3A_307 = arith.constant 0 : i32
      %dma_wait3A_308 = tpu.memref_slice %arg8[%sub3A_306, %dma_wait3A_307] : memref<317x64xi32, #tpu.memory_space<vmem>> -> memref<1x64xi32, #tpu.memory_space<vmem>>
      %dma_wait3A_309 = tpu.memref_squeeze %dma_wait3A_308 : memref<1x64xi32, #tpu.memory_space<vmem>> -> memref<64xi32, #tpu.memory_space<vmem>>
      %dma_wait3A_310 = arith.constant 0 : i32
      %dma_wait3A_311 = arith.constant 0 : i32
      %dma_wait3A_312 = tpu.memref_slice %arg13[%dma_wait3A_310, %dma_wait3A_311] : memref<5128x64xf32, #tpu.memory_space<vmem_shared>> -> memref<5128x64xf32, #tpu.memory_space<vmem_shared>>
      tpu.wait_indirect_dma semaphore(%arg19 : memref<!tpu.dma_semaphore, #tpu.memory_space<semaphore_mem>>) src(%arg11 : memref<64x64xf32, #tpu.memory_space<vmem>>) dst(%dma_wait3A_312 : memref<5128x64xf32, #tpu.memory_space<vmem_shared>>)
      %add3A_313 = arith.constant 2 : i32
      %add3A_314 = arith.addi %add3A_293, %add3A_313 : i32
      %mul3A_315 = arith.constant 64 : i32
      %mul3A_316 = arith.muli %add3A_314, %mul3A_315 : i32
      %dma_start3A_317 = tpu.memref_slice %arg6[%mul3A_316] : memref<20288xi32, #tpu.memory_space<vmem>> -> memref<64xi32, #tpu.memory_space<vmem>>
      %dma_start3A_318 = arith.constant 0 : i32
      %dma_start3A_319 = arith.constant 0 : i32
      %dma_start3A_320 = tpu.memref_slice %arg2[%dma_start3A_318, %dma_start3A_319] : memref<10240x64xf32, #tpu.memory_space<hbm>> -> memref<10240x64xf32, #tpu.memory_space<hbm>>
      tpu.enqueue_indirect_dma source(%dma_start3A_320 : memref<10240x64xf32, #tpu.memory_space<hbm>>) target(%arg11 : memref<64x64xf32, #tpu.memory_space<vmem>>) offsets(%dma_start3A_317 : memref<64xi32, #tpu.memory_space<vmem>>) semaphore(%arg16 : memref<!tpu.dma_semaphore, #tpu.memory_space<semaphore_mem>>)
      %add3A_321 = arith.constant 1 : i32
      %add3A_322 = arith.addi %mul3A_291, %add3A_321 : i32
      %mul3A_323 = arith.constant 64 : i32
      %mul3A_324 = arith.muli %add3A_322, %mul3A_323 : i32
      %dma_wait3A_325 = tpu.memref_slice %arg6[%mul3A_324] : memref<20288xi32, #tpu.memory_space<vmem>> -> memref<64xi32, #tpu.memory_space<vmem>>
      %dma_wait3A_326 = arith.constant 0 : i32
      %dma_wait3A_327 = arith.constant 0 : i32
      %dma_wait3A_328 = tpu.memref_slice %arg2[%dma_wait3A_326, %dma_wait3A_327] : memref<10240x64xf32, #tpu.memory_space<hbm>> -> memref<10240x64xf32, #tpu.memory_space<hbm>>
      tpu.wait_indirect_dma semaphore(%arg15 : memref<!tpu.dma_semaphore, #tpu.memory_space<semaphore_mem>>) src(%dma_wait3A_328 : memref<10240x64xf32, #tpu.memory_space<hbm>>) dst(%arg10 : memref<64x64xf32, #tpu.memory_space<vmem>>)
      %dma_start3A_329 = arith.constant 0 : i32
      %dma_start3A_330 = tpu.memref_slice %arg8[%add3A_322, %dma_start3A_329] : memref<317x64xi32, #tpu.memory_space<vmem>> -> memref<1x64xi32, #tpu.memory_space<vmem>>
      %dma_start3A_331 = tpu.memref_squeeze %dma_start3A_330 : memref<1x64xi32, #tpu.memory_space<vmem>> -> memref<64xi32, #tpu.memory_space<vmem>>
      %dma_start3A_332 = arith.constant 0 : i32
      %dma_start3A_333 = arith.constant 0 : i32
      %dma_start3A_334 = tpu.memref_slice %arg13[%dma_start3A_332, %dma_start3A_333] : memref<5128x64xf32, #tpu.memory_space<vmem_shared>> -> memref<5128x64xf32, #tpu.memory_space<vmem_shared>>
      tpu.enqueue_indirect_dma source(%arg10 : memref<64x64xf32, #tpu.memory_space<vmem>>) target(%dma_start3A_334 : memref<5128x64xf32, #tpu.memory_space<vmem_shared>>) offsets(%dma_start3A_331 : memref<64xi32, #tpu.memory_space<vmem>>) semaphore(%arg18 : memref<!tpu.dma_semaphore, #tpu.memory_space<semaphore_mem>>) {add = true}
      %sub3A_335 = arith.constant 1 : i32
      %sub3A_336 = arith.subi %add3A_322, %sub3A_335 : i32
      %dma_wait3A_337 = arith.constant 0 : i32
      %dma_wait3A_338 = tpu.memref_slice %arg8[%sub3A_336, %dma_wait3A_337] : memref<317x64xi32, #tpu.memory_space<vmem>> -> memref<1x64xi32, #tpu.memory_space<vmem>>
      %dma_wait3A_339 = tpu.memref_squeeze %dma_wait3A_338 : memref<1x64xi32, #tpu.memory_space<vmem>> -> memref<64xi32, #tpu.memory_space<vmem>>
      %dma_wait3A_340 = arith.constant 0 : i32
      %dma_wait3A_341 = arith.constant 0 : i32
      %dma_wait3A_342 = tpu.memref_slice %arg13[%dma_wait3A_340, %dma_wait3A_341] : memref<5128x64xf32, #tpu.memory_space<vmem_shared>> -> memref<5128x64xf32, #tpu.memory_space<vmem_shared>>
      tpu.wait_indirect_dma semaphore(%arg17 : memref<!tpu.dma_semaphore, #tpu.memory_space<semaphore_mem>>) src(%arg9 : memref<64x64xf32, #tpu.memory_space<vmem>>) dst(%dma_wait3A_342 : memref<5128x64xf32, #tpu.memory_space<vmem_shared>>)
      %add3A_343 = arith.constant 2 : i32
      %add3A_344 = arith.addi %add3A_322, %add3A_343 : i32
      %mul3A_345 = arith.constant 64 : i32
      %mul3A_346 = arith.muli %add3A_344, %mul3A_345 : i32
      %dma_start3A_347 = tpu.memref_slice %arg6[%mul3A_346] : memref<20288xi32, #tpu.memory_space<vmem>> -> memref<64xi32, #tpu.memory_space<vmem>>
      %dma_start3A_348 = arith.constant 0 : i32
      %dma_start3A_349 = arith.constant 0 : i32
      %dma_start3A_350 = tpu.memref_slice %arg2[%dma_start3A_348, %dma_start3A_349] : memref<10240x64xf32, #tpu.memory_space<hbm>> -> memref<10240x64xf32, #tpu.memory_space<hbm>>
      tpu.enqueue_indirect_dma source(%dma_start3A_350 : memref<10240x64xf32, #tpu.memory_space<hbm>>) target(%arg9 : memref<64x64xf32, #tpu.memory_space<vmem>>) offsets(%dma_start3A_347 : memref<64xi32, #tpu.memory_space<vmem>>) semaphore(%arg14 : memref<!tpu.dma_semaphore, #tpu.memory_space<semaphore_mem>>)
      %add3A_351 = arith.constant 2 : i32
      %add3A_352 = arith.addi %mul3A_291, %add3A_351 : i32
      %mul3A_353 = arith.constant 64 : i32
      %mul3A_354 = arith.muli %add3A_352, %mul3A_353 : i32
      %dma_wait3A_355 = tpu.memref_slice %arg6[%mul3A_354] : memref<20288xi32, #tpu.memory_space<vmem>> -> memref<64xi32, #tpu.memory_space<vmem>>
      %dma_wait3A_356 = arith.constant 0 : i32
      %dma_wait3A_357 = arith.constant 0 : i32
      %dma_wait3A_358 = tpu.memref_slice %arg2[%dma_wait3A_356, %dma_wait3A_357] : memref<10240x64xf32, #tpu.memory_space<hbm>> -> memref<10240x64xf32, #tpu.memory_space<hbm>>
      tpu.wait_indirect_dma semaphore(%arg16 : memref<!tpu.dma_semaphore, #tpu.memory_space<semaphore_mem>>) src(%dma_wait3A_358 : memref<10240x64xf32, #tpu.memory_space<hbm>>) dst(%arg11 : memref<64x64xf32, #tpu.memory_space<vmem>>)
      %dma_start3A_359 = arith.constant 0 : i32
      %dma_start3A_360 = tpu.memref_slice %arg8[%add3A_352, %dma_start3A_359] : memref<317x64xi32, #tpu.memory_space<vmem>> -> memref<1x64xi32, #tpu.memory_space<vmem>>
      %dma_start3A_361 = tpu.memref_squeeze %dma_start3A_360 : memref<1x64xi32, #tpu.memory_space<vmem>> -> memref<64xi32, #tpu.memory_space<vmem>>
      %dma_start3A_362 = arith.constant 0 : i32
      %dma_start3A_363 = arith.constant 0 : i32
      %dma_start3A_364 = tpu.memref_slice %arg13[%dma_start3A_362, %dma_start3A_363] : memref<5128x64xf32, #tpu.memory_space<vmem_shared>> -> memref<5128x64xf32, #tpu.memory_space<vmem_shared>>
      tpu.enqueue_indirect_dma source(%arg11 : memref<64x64xf32, #tpu.memory_space<vmem>>) target(%dma_start3A_364 : memref<5128x64xf32, #tpu.memory_space<vmem_shared>>) offsets(%dma_start3A_361 : memref<64xi32, #tpu.memory_space<vmem>>) semaphore(%arg19 : memref<!tpu.dma_semaphore, #tpu.memory_space<semaphore_mem>>) {add = true}
      %sub3A_365 = arith.constant 1 : i32
      %sub3A_366 = arith.subi %add3A_352, %sub3A_365 : i32
      %dma_wait3A_367 = arith.constant 0 : i32
      %dma_wait3A_368 = tpu.memref_slice %arg8[%sub3A_366, %dma_wait3A_367] : memref<317x64xi32, #tpu.memory_space<vmem>> -> memref<1x64xi32, #tpu.memory_space<vmem>>
      %dma_wait3A_369 = tpu.memref_squeeze %dma_wait3A_368 : memref<1x64xi32, #tpu.memory_space<vmem>> -> memref<64xi32, #tpu.memory_space<vmem>>
      %dma_wait3A_370 = arith.constant 0 : i32
      %dma_wait3A_371 = arith.constant 0 : i32
      %dma_wait3A_372 = tpu.memref_slice %arg13[%dma_wait3A_370, %dma_wait3A_371] : memref<5128x64xf32, #tpu.memory_space<vmem_shared>> -> memref<5128x64xf32, #tpu.memory_space<vmem_shared>>
      tpu.wait_indirect_dma semaphore(%arg18 : memref<!tpu.dma_semaphore, #tpu.memory_space<semaphore_mem>>) src(%arg10 : memref<64x64xf32, #tpu.memory_space<vmem>>) dst(%dma_wait3A_372 : memref<5128x64xf32, #tpu.memory_space<vmem_shared>>)
      %add3A_373 = arith.constant 2 : i32
      %add3A_374 = arith.addi %add3A_352, %add3A_373 : i32
      %mul3A_375 = arith.constant 64 : i32
      %mul3A_376 = arith.muli %add3A_374, %mul3A_375 : i32
      %dma_start3A_377 = tpu.memref_slice %arg6[%mul3A_376] : memref<20288xi32, #tpu.memory_space<vmem>> -> memref<64xi32, #tpu.memory_space<vmem>>
      %dma_start3A_378 = arith.constant 0 : i32
      %dma_start3A_379 = arith.constant 0 : i32
      %dma_start3A_380 = tpu.memref_slice %arg2[%dma_start3A_378, %dma_start3A_379] : memref<10240x64xf32, #tpu.memory_space<hbm>> -> memref<10240x64xf32, #tpu.memory_space<hbm>>
      tpu.enqueue_indirect_dma source(%dma_start3A_380 : memref<10240x64xf32, #tpu.memory_space<hbm>>) target(%arg10 : memref<64x64xf32, #tpu.memory_space<vmem>>) offsets(%dma_start3A_377 : memref<64xi32, #tpu.memory_space<vmem>>) semaphore(%arg15 : memref<!tpu.dma_semaphore, #tpu.memory_space<semaphore_mem>>)
      %scan3A_381 = arith.constant 0 : i32
      scf.yield %scan3A_381 : i32
    }
    %scan3A_137 = arith.constant 104 : i32
    %dma_wait3A_138 = arith.constant 314 : i32
    %dma_wait3A_139 = arith.constant 0 : i32
    %dma_wait3A_140 = tpu.memref_slice %arg8[%dma_wait3A_138, %dma_wait3A_139] : memref<317x64xi32, #tpu.memory_space<vmem>> -> memref<1x64xi32, #tpu.memory_space<vmem>>
    %dma_wait3A_141 = tpu.memref_squeeze %dma_wait3A_140 : memref<1x64xi32, #tpu.memory_space<vmem>> -> memref<64xi32, #tpu.memory_space<vmem>>
    %dma_wait3A_142 = arith.constant 0 : i32
    %dma_wait3A_143 = arith.constant 0 : i32
    %dma_wait3A_144 = tpu.memref_slice %arg13[%dma_wait3A_142, %dma_wait3A_143] : memref<5128x64xf32, #tpu.memory_space<vmem_shared>> -> memref<5128x64xf32, #tpu.memory_space<vmem_shared>>
    tpu.wait_indirect_dma semaphore(%arg19 : memref<!tpu.dma_semaphore, #tpu.memory_space<semaphore_mem>>) src(%arg11 : memref<64x64xf32, #tpu.memory_space<vmem>>) dst(%dma_wait3A_144 : memref<5128x64xf32, #tpu.memory_space<vmem_shared>>)
    %dma_wait3A_145 = arith.constant 20160 : i32
    %dma_wait3A_146 = tpu.memref_slice %arg6[%dma_wait3A_145] : memref<20288xi32, #tpu.memory_space<vmem>> -> memref<64xi32, #tpu.memory_space<vmem>>
    %dma_wait3A_147 = arith.constant 0 : i32
    %dma_wait3A_148 = arith.constant 0 : i32
    %dma_wait3A_149 = tpu.memref_slice %arg2[%dma_wait3A_147, %dma_wait3A_148] : memref<10240x64xf32, #tpu.memory_space<hbm>> -> memref<10240x64xf32, #tpu.memory_space<hbm>>
    tpu.wait_indirect_dma semaphore(%arg14 : memref<!tpu.dma_semaphore, #tpu.memory_space<semaphore_mem>>) src(%dma_wait3A_149 : memref<10240x64xf32, #tpu.memory_space<hbm>>) dst(%arg9 : memref<64x64xf32, #tpu.memory_space<vmem>>)
    %dma_wait3A_150 = arith.constant 20224 : i32
    %dma_wait3A_151 = tpu.memref_slice %arg6[%dma_wait3A_150] : memref<20288xi32, #tpu.memory_space<vmem>> -> memref<64xi32, #tpu.memory_space<vmem>>
    %dma_wait3A_152 = arith.constant 0 : i32
    %dma_wait3A_153 = arith.constant 0 : i32
    %dma_wait3A_154 = tpu.memref_slice %arg2[%dma_wait3A_152, %dma_wait3A_153] : memref<10240x64xf32, #tpu.memory_space<hbm>> -> memref<10240x64xf32, #tpu.memory_space<hbm>>
    tpu.wait_indirect_dma semaphore(%arg15 : memref<!tpu.dma_semaphore, #tpu.memory_space<semaphore_mem>>) src(%dma_wait3A_154 : memref<10240x64xf32, #tpu.memory_space<hbm>>) dst(%arg10 : memref<64x64xf32, #tpu.memory_space<vmem>>)
    %mul3A_155 = arith.constant 2 : i32
    %mul3A_156 = arith.muli %arg1, %mul3A_155 : i32
    %add3A_157 = arith.constant 1 : i32
    %add3A_158 = arith.addi %mul3A_156, %add3A_157 : i32
    %mul3A_159 = arith.constant 20000 : i32
    %mul3A_160 = arith.muli %add3A_158, %mul3A_159 : i32
    "tpu.region"() ({
      %run_scoped3A = tpu.sem_alloc : memref<!tpu.dma_semaphore, #tpu.memory_space<semaphore_mem>>
      %dma_start3A_288 = arith.constant 0 : i32
      %dma_start3A_289 = tpu.memref_slice %arg6[%dma_start3A_288] : memref<20288xi32, #tpu.memory_space<vmem>> -> memref<20000xi32, #tpu.memory_space<vmem>>
      %dma_start3A_290 = tpu.memref_slice %arg3[%mul3A_160] : memref<640000xi32, #tpu.memory_space<hbm>> -> memref<20000xi32, #tpu.memory_space<hbm>>
      %dma_start3A_291 = arith.constant 0 : i32
      %dma_start3A_292 = tpu.memref_slice %arg6[%dma_start3A_291] : memref<20288xi32, #tpu.memory_space<vmem>> -> memref<20000xi32, #tpu.memory_space<vmem>>
      %dma_start3A_293 = tpu.memref_slice %arg3[%mul3A_160] : memref<640000xi32, #tpu.memory_space<hbm>> -> memref<20000xi32, #tpu.memory_space<hbm>>
      tpu.enqueue_dma source(%dma_start3A_293 : memref<20000xi32, #tpu.memory_space<hbm>>) target(%dma_start3A_292 : memref<20000xi32, #tpu.memory_space<vmem>>) target_semaphore(%run_scoped3A : memref<!tpu.dma_semaphore, #tpu.memory_space<semaphore_mem>>)
      %dma_wait3A_294 = arith.constant 0 : i32
      %dma_wait3A_295 = tpu.memref_slice %arg6[%dma_wait3A_294] : memref<20288xi32, #tpu.memory_space<vmem>> -> memref<20000xi32, #tpu.memory_space<vmem>>
      %dma_wait3A_296 = tpu.memref_slice %arg3[%mul3A_160] : memref<640000xi32, #tpu.memory_space<hbm>> -> memref<20000xi32, #tpu.memory_space<hbm>>
      %dma_wait3A_297 = arith.constant 0 : i32
      %dma_wait3A_298 = tpu.memref_slice %arg6[%dma_wait3A_297] : memref<20288xi32, #tpu.memory_space<vmem>> -> memref<20000xi32, #tpu.memory_space<vmem>>
      %dma_wait3A_299 = tpu.memref_slice %arg3[%mul3A_160] : memref<640000xi32, #tpu.memory_space<hbm>> -> memref<20000xi32, #tpu.memory_space<hbm>>
      tpu.wait_dma2 semaphore(%run_scoped3A : memref<!tpu.dma_semaphore, #tpu.memory_space<semaphore_mem>>) src(%dma_wait3A_299 : memref<20000xi32, #tpu.memory_space<hbm>>) dst(%dma_wait3A_298 : memref<20000xi32, #tpu.memory_space<vmem>>)
      tpu.yield
    }) : () -> ()
    "tpu.region"() ({
      %run_scoped3A = tpu.sem_alloc : memref<!tpu.dma_semaphore, #tpu.memory_space<semaphore_mem>>
      %dma_start3A_288 = arith.constant 0 : i32
      %dma_start3A_289 = tpu.memref_slice %arg7[%dma_start3A_288] : memref<20288xi32, #tpu.memory_space<vmem>> -> memref<20000xi32, #tpu.memory_space<vmem>>
      %dma_start3A_290 = tpu.memref_slice %arg4[%mul3A_160] : memref<640000xi32, #tpu.memory_space<hbm>> -> memref<20000xi32, #tpu.memory_space<hbm>>
      %dma_start3A_291 = arith.constant 0 : i32
      %dma_start3A_292 = tpu.memref_slice %arg7[%dma_start3A_291] : memref<20288xi32, #tpu.memory_space<vmem>> -> memref<20000xi32, #tpu.memory_space<vmem>>
      %dma_start3A_293 = tpu.memref_slice %arg4[%mul3A_160] : memref<640000xi32, #tpu.memory_space<hbm>> -> memref<20000xi32, #tpu.memory_space<hbm>>
      tpu.enqueue_dma source(%dma_start3A_293 : memref<20000xi32, #tpu.memory_space<hbm>>) target(%dma_start3A_292 : memref<20000xi32, #tpu.memory_space<vmem>>) target_semaphore(%run_scoped3A : memref<!tpu.dma_semaphore, #tpu.memory_space<semaphore_mem>>)
      %dma_wait3A_294 = arith.constant 0 : i32
      %dma_wait3A_295 = tpu.memref_slice %arg7[%dma_wait3A_294] : memref<20288xi32, #tpu.memory_space<vmem>> -> memref<20000xi32, #tpu.memory_space<vmem>>
      %dma_wait3A_296 = tpu.memref_slice %arg4[%mul3A_160] : memref<640000xi32, #tpu.memory_space<hbm>> -> memref<20000xi32, #tpu.memory_space<hbm>>
      %dma_wait3A_297 = arith.constant 0 : i32
      %dma_wait3A_298 = tpu.memref_slice %arg7[%dma_wait3A_297] : memref<20288xi32, #tpu.memory_space<vmem>> -> memref<20000xi32, #tpu.memory_space<vmem>>
      %dma_wait3A_299 = tpu.memref_slice %arg4[%mul3A_160] : memref<640000xi32, #tpu.memory_space<hbm>> -> memref<20000xi32, #tpu.memory_space<hbm>>
      tpu.wait_dma2 semaphore(%run_scoped3A : memref<!tpu.dma_semaphore, #tpu.memory_space<semaphore_mem>>) src(%dma_wait3A_299 : memref<20000xi32, #tpu.memory_space<hbm>>) dst(%dma_wait3A_298 : memref<20000xi32, #tpu.memory_space<vmem>>)
      tpu.yield
    }) : () -> ()
    %broadcast_in_dim3A_161 = arith.constant 10000 : i32
    %broadcast_in_dim3A_162 = vector.broadcast %broadcast_in_dim3A_161 : i32 to vector<16xi32>
    %scan3A_163 = arith.constant 0 : i32
    %scan3A_164 = arith.constant 0 : i32
    %scan3A_165 = arith.constant 18 : i32
    %scan3A_166 = arith.addi %scan3A_164, %scan3A_165 : i32
    %scan3A_167 = arith.constant 1 : i32
    %scan3A_168 = scf.for %scan3A_288 = %scan3A_164 to %scan3A_166 step %scan3A_167 iter_args(%scan3A_289 = %scan3A_163) -> (i32)  : i32 {
      %mul3A_290 = arith.constant 16 : i32
      %mul3A_291 = arith.muli %scan3A_288, %mul3A_290 : i32
      %add3A_292 = arith.constant 20000 : i32
      %add3A_293 = arith.addi %add3A_292, %mul3A_291 : i32
      %swap3A = arith.index_cast %add3A_293 : i32 to index
      %swap3A_294 = tpu.vector_load %arg6[%swap3A] {strides = array<i32>} : memref<20288xi32, #tpu.memory_space<vmem>>, vector<16xi32>,
      %swap3A_295 = vector.shape_cast %swap3A_294 : vector<16xi32> to vector<16xi32>
      %swap3A_296 = vector.shape_cast %broadcast_in_dim3A_162 : vector<16xi32> to vector<16xi32>
      tpu.vector_store %arg6[%swap3A], %swap3A_296 {strides = array<i32>} : memref<20288xi32, #tpu.memory_space<vmem>>, vector<16xi32>,
      %scan3A_297 = arith.constant 0 : i32
      scf.yield %scan3A_297 : i32
    }
    %scan3A_169 = arith.constant 18 : i32
    %broadcast_in_dim3A_170 = arith.constant 10000 : i32
    %broadcast_in_dim3A_171 = vector.broadcast %broadcast_in_dim3A_170 : i32 to vector<16xi32>
    %scan3A_172 = arith.constant 0 : i32
    %scan3A_173 = arith.constant 0 : i32
    %scan3A_174 = arith.constant 18 : i32
    %scan3A_175 = arith.addi %scan3A_173, %scan3A_174 : i32
    %scan3A_176 = arith.constant 1 : i32
    %scan3A_177 = scf.for %scan3A_288 = %scan3A_173 to %scan3A_175 step %scan3A_176 iter_args(%scan3A_289 = %scan3A_172) -> (i32)  : i32 {
      %mul3A_290 = arith.constant 16 : i32
      %mul3A_291 = arith.muli %scan3A_288, %mul3A_290 : i32
      %add3A_292 = arith.constant 20000 : i32
      %add3A_293 = arith.addi %add3A_292, %mul3A_291 : i32
      %swap3A = arith.index_cast %add3A_293 : i32 to index
      %swap3A_294 = tpu.vector_load %arg7[%swap3A] {strides = array<i32>} : memref<20288xi32, #tpu.memory_space<vmem>>, vector<16xi32>,
      %swap3A_295 = vector.shape_cast %swap3A_294 : vector<16xi32> to vector<16xi32>
      %swap3A_296 = vector.shape_cast %broadcast_in_dim3A_171 : vector<16xi32> to vector<16xi32>
      tpu.vector_store %arg7[%swap3A], %swap3A_296 {strides = array<i32>} : memref<20288xi32, #tpu.memory_space<vmem>>, vector<16xi32>,
      %scan3A_297 = arith.constant 0 : i32
      scf.yield %scan3A_297 : i32
    }
    %scan3A_178 = arith.constant 18 : i32
    %scan3A_179 = arith.constant 0 : i32
    %scan3A_180 = arith.constant 0 : i32
    %scan3A_181 = arith.constant 317 : i32
    %scan3A_182 = arith.addi %scan3A_180, %scan3A_181 : i32
    %scan3A_183 = arith.constant 1 : i32
    %scan3A_184 = scf.for %scan3A_288 = %scan3A_180 to %scan3A_182 step %scan3A_183 iter_args(%scan3A_289 = %scan3A_179) -> (i32)  : i32 {
      %mul3A_290 = arith.constant 64 : i32
      %mul3A_291 = arith.muli %scan3A_288, %mul3A_290 : i32
      %add3A_292 = arith.constant 0 : i32
      %add3A_293 = arith.addi %mul3A_291, %add3A_292 : i32
      %get3A = arith.index_cast %add3A_293 : i32 to index
      %get3A_294 = tpu.vector_load %arg6[%get3A] {strides = array<i32>} : memref<20288xi32, #tpu.memory_space<vmem>>, vector<16xi32>,
      %get3A_295 = vector.shape_cast %get3A_294 : vector<16xi32> to vector<16xi32>
      %get3A_296 = arith.index_cast %add3A_293 : i32 to index
      %get3A_297 = tpu.vector_load %arg7[%get3A_296] {strides = array<i32>} : memref<20288xi32, #tpu.memory_space<vmem>>, vector<16xi32>,
      %get3A_298 = vector.shape_cast %get3A_297 : vector<16xi32> to vector<16xi32>
      %eq3A_299 = arith.cmpi eq, %get3A_295, %get3A_298 : vector<16xi32>
      %broadcast_in_dim3A_300 = arith.constant 10000 : i32
      %broadcast_in_dim3A_301 = vector.broadcast %broadcast_in_dim3A_300 : i32 to vector<16xi32>
      %select_n3A = arith.select %eq3A_299, %broadcast_in_dim3A_301, %get3A_295 : vector<16xi1>, vector<16xi32>
      %swap3A = arith.index_cast %add3A_293 : i32 to index
      %swap3A_302 = tpu.vector_load %arg6[%swap3A] {strides = array<i32>} : memref<20288xi32, #tpu.memory_space<vmem>>, vector<16xi32>,
      %swap3A_303 = vector.shape_cast %swap3A_302 : vector<16xi32> to vector<16xi32>
      %swap3A_304 = vector.shape_cast %select_n3A : vector<16xi32> to vector<16xi32>
      tpu.vector_store %arg6[%swap3A], %swap3A_304 {strides = array<i32>} : memref<20288xi32, #tpu.memory_space<vmem>>, vector<16xi32>,
      %sub3A = vector.broadcast %mul3A_0 : i32 to vector<16xi32>
      %sub3A_305 = arith.subi %get3A_298, %sub3A : vector<16xi32>
      %lt3A = arith.constant 0 : i32
      %lt3A_306 = vector.broadcast %lt3A : i32 to vector<16xi32>
      %lt3A_307 = arith.cmpi slt, %sub3A_305, %lt3A_306 : vector<16xi32>
      %ge3A = arith.constant 5120 : i32
      %ge3A_308 = vector.broadcast %ge3A : i32 to vector<16xi32>
      %ge3A_309 = arith.cmpi sge, %sub3A_305, %ge3A_308 : vector<16xi32>
      %or3A = arith.ori %lt3A_307, %ge3A_309 : vector<16xi1>
      %broadcast_in_dim3A_310 = arith.constant 5120 : i32
      %broadcast_in_dim3A_311 = vector.broadcast %broadcast_in_dim3A_310 : i32 to vector<16xi32>
      %select_n3A_312 = arith.select %or3A, %broadcast_in_dim3A_311, %sub3A_305 : vector<16xi1>, vector<16xi32>
      %swap3A_313 = arith.index_cast %scan3A_288 : i32 to index
      %swap3A_314 = arith.constant 0 : index
      %swap3A_315 = tpu.vector_load %arg8[%swap3A_313, %swap3A_314] {strides = array<i32>} : memref<317x64xi32, #tpu.memory_space<vmem>>, vector<1x16xi32>,
      %swap3A_316 = vector.shape_cast %swap3A_315 : vector<1x16xi32> to vector<16xi32>
      %swap3A_317 = vector.shape_cast %select_n3A_312 : vector<16xi32> to vector<1x16xi32>
      tpu.vector_store %arg8[%swap3A_313, %swap3A_314], %swap3A_317 {strides = array<i32>} : memref<317x64xi32, #tpu.memory_space<vmem>>, vector<1x16xi32>,
      %mul3A_318 = arith.constant 64 : i32
      %mul3A_319 = arith.muli %scan3A_288, %mul3A_318 : i32
      %add3A_320 = arith.constant 16 : i32
      %add3A_321 = arith.addi %mul3A_319, %add3A_320 : i32
      %get3A_322 = arith.index_cast %add3A_321 : i32 to index
      %get3A_323 = tpu.vector_load %arg6[%get3A_322] {strides = array<i32>} : memref<20288xi32, #tpu.memory_space<vmem>>, vector<16xi32>,
      %get3A_324 = vector.shape_cast %get3A_323 : vector<16xi32> to vector<16xi32>
      %get3A_325 = arith.index_cast %add3A_321 : i32 to index
      %get3A_326 = tpu.vector_load %arg7[%get3A_325] {strides = array<i32>} : memref<20288xi32, #tpu.memory_space<vmem>>, vector<16xi32>,
      %get3A_327 = vector.shape_cast %get3A_326 : vector<16xi32> to vector<16xi32>
      %eq3A_328 = arith.cmpi eq, %get3A_324, %get3A_327 : vector<16xi32>
      %broadcast_in_dim3A_329 = arith.constant 10000 : i32
      %broadcast_in_dim3A_330 = vector.broadcast %broadcast_in_dim3A_329 : i32 to vector<16xi32>
      %select_n3A_331 = arith.select %eq3A_328, %broadcast_in_dim3A_330, %get3A_324 : vector<16xi1>, vector<16xi32>
      %swap3A_332 = arith.index_cast %add3A_321 : i32 to index
      %swap3A_333 = tpu.vector_load %arg6[%swap3A_332] {strides = array<i32>} : memref<20288xi32, #tpu.memory_space<vmem>>, vector<16xi32>,
      %swap3A_334 = vector.shape_cast %swap3A_333 : vector<16xi32> to vector<16xi32>
      %swap3A_335 = vector.shape_cast %select_n3A_331 : vector<16xi32> to vector<16xi32>
      tpu.vector_store %arg6[%swap3A_332], %swap3A_335 {strides = array<i32>} : memref<20288xi32, #tpu.memory_space<vmem>>, vector<16xi32>,
      %sub3A_336 = vector.broadcast %mul3A_0 : i32 to vector<16xi32>
      %sub3A_337 = arith.subi %get3A_327, %sub3A_336 : vector<16xi32>
      %lt3A_338 = arith.constant 0 : i32
      %lt3A_339 = vector.broadcast %lt3A_338 : i32 to vector<16xi32>
      %lt3A_340 = arith.cmpi slt, %sub3A_337, %lt3A_339 : vector<16xi32>
      %ge3A_341 = arith.constant 5120 : i32
      %ge3A_342 = vector.broadcast %ge3A_341 : i32 to vector<16xi32>
      %ge3A_343 = arith.cmpi sge, %sub3A_337, %ge3A_342 : vector<16xi32>
      %or3A_344 = arith.ori %lt3A_340, %ge3A_343 : vector<16xi1>
      %broadcast_in_dim3A_345 = arith.constant 5120 : i32
      %broadcast_in_dim3A_346 = vector.broadcast %broadcast_in_dim3A_345 : i32 to vector<16xi32>
      %select_n3A_347 = arith.select %or3A_344, %broadcast_in_dim3A_346, %sub3A_337 : vector<16xi1>, vector<16xi32>
      %swap3A_348 = arith.index_cast %scan3A_288 : i32 to index
      %swap3A_349 = arith.constant 16 : index
      %swap3A_350 = tpu.vector_load %arg8[%swap3A_348, %swap3A_349] {strides = array<i32>} : memref<317x64xi32, #tpu.memory_space<vmem>>, vector<1x16xi32>,
      %swap3A_351 = vector.shape_cast %swap3A_350 : vector<1x16xi32> to vector<16xi32>
      %swap3A_352 = vector.shape_cast %select_n3A_347 : vector<16xi32> to vector<1x16xi32>
      tpu.vector_store %arg8[%swap3A_348, %swap3A_349], %swap3A_352 {strides = array<i32>} : memref<317x64xi32, #tpu.memory_space<vmem>>, vector<1x16xi32>,
      %mul3A_353 = arith.constant 64 : i32
      %mul3A_354 = arith.muli %scan3A_288, %mul3A_353 : i32
      %add3A_355 = arith.constant 32 : i32
      %add3A_356 = arith.addi %mul3A_354, %add3A_355 : i32
      %get3A_357 = arith.index_cast %add3A_356 : i32 to index
      %get3A_358 = tpu.vector_load %arg6[%get3A_357] {strides = array<i32>} : memref<20288xi32, #tpu.memory_space<vmem>>, vector<16xi32>,
      %get3A_359 = vector.shape_cast %get3A_358 : vector<16xi32> to vector<16xi32>
      %get3A_360 = arith.index_cast %add3A_356 : i32 to index
      %get3A_361 = tpu.vector_load %arg7[%get3A_360] {strides = array<i32>} : memref<20288xi32, #tpu.memory_space<vmem>>, vector<16xi32>,
      %get3A_362 = vector.shape_cast %get3A_361 : vector<16xi32> to vector<16xi32>
      %eq3A_363 = arith.cmpi eq, %get3A_359, %get3A_362 : vector<16xi32>
      %broadcast_in_dim3A_364 = arith.constant 10000 : i32
      %broadcast_in_dim3A_365 = vector.broadcast %broadcast_in_dim3A_364 : i32 to vector<16xi32>
      %select_n3A_366 = arith.select %eq3A_363, %broadcast_in_dim3A_365, %get3A_359 : vector<16xi1>, vector<16xi32>
      %swap3A_367 = arith.index_cast %add3A_356 : i32 to index
      %swap3A_368 = tpu.vector_load %arg6[%swap3A_367] {strides = array<i32>} : memref<20288xi32, #tpu.memory_space<vmem>>, vector<16xi32>,
      %swap3A_369 = vector.shape_cast %swap3A_368 : vector<16xi32> to vector<16xi32>
      %swap3A_370 = vector.shape_cast %select_n3A_366 : vector<16xi32> to vector<16xi32>
      tpu.vector_store %arg6[%swap3A_367], %swap3A_370 {strides = array<i32>} : memref<20288xi32, #tpu.memory_space<vmem>>, vector<16xi32>,
      %sub3A_371 = vector.broadcast %mul3A_0 : i32 to vector<16xi32>
      %sub3A_372 = arith.subi %get3A_362, %sub3A_371 : vector<16xi32>
      %lt3A_373 = arith.constant 0 : i32
      %lt3A_374 = vector.broadcast %lt3A_373 : i32 to vector<16xi32>
      %lt3A_375 = arith.cmpi slt, %sub3A_372, %lt3A_374 : vector<16xi32>
      %ge3A_376 = arith.constant 5120 : i32
      %ge3A_377 = vector.broadcast %ge3A_376 : i32 to vector<16xi32>
      %ge3A_378 = arith.cmpi sge, %sub3A_372, %ge3A_377 : vector<16xi32>
      %or3A_379 = arith.ori %lt3A_375, %ge3A_378 : vector<16xi1>
      %broadcast_in_dim3A_380 = arith.constant 5120 : i32
      %broadcast_in_dim3A_381 = vector.broadcast %broadcast_in_dim3A_380 : i32 to vector<16xi32>
      %select_n3A_382 = arith.select %or3A_379, %broadcast_in_dim3A_381, %sub3A_372 : vector<16xi1>, vector<16xi32>
      %swap3A_383 = arith.index_cast %scan3A_288 : i32 to index
      %swap3A_384 = arith.constant 32 : index
      %swap3A_385 = tpu.vector_load %arg8[%swap3A_383, %swap3A_384] {strides = array<i32>} : memref<317x64xi32, #tpu.memory_space<vmem>>, vector<1x16xi32>,
      %swap3A_386 = vector.shape_cast %swap3A_385 : vector<1x16xi32> to vector<16xi32>
      %swap3A_387 = vector.shape_cast %select_n3A_382 : vector<16xi32> to vector<1x16xi32>
      tpu.vector_store %arg8[%swap3A_383, %swap3A_384], %swap3A_387 {strides = array<i32>} : memref<317x64xi32, #tpu.memory_space<vmem>>, vector<1x16xi32>,
      %mul3A_388 = arith.constant 64 : i32
      %mul3A_389 = arith.muli %scan3A_288, %mul3A_388 : i32
      %add3A_390 = arith.constant 48 : i32
      %add3A_391 = arith.addi %mul3A_389, %add3A_390 : i32
      %get3A_392 = arith.index_cast %add3A_391 : i32 to index
      %get3A_393 = tpu.vector_load %arg6[%get3A_392] {strides = array<i32>} : memref<20288xi32, #tpu.memory_space<vmem>>, vector<16xi32>,
      %get3A_394 = vector.shape_cast %get3A_393 : vector<16xi32> to vector<16xi32>
      %get3A_395 = arith.index_cast %add3A_391 : i32 to index
      %get3A_396 = tpu.vector_load %arg7[%get3A_395] {strides = array<i32>} : memref<20288xi32, #tpu.memory_space<vmem>>, vector<16xi32>,
      %get3A_397 = vector.shape_cast %get3A_396 : vector<16xi32> to vector<16xi32>
      %eq3A_398 = arith.cmpi eq, %get3A_394, %get3A_397 : vector<16xi32>
      %broadcast_in_dim3A_399 = arith.constant 10000 : i32
      %broadcast_in_dim3A_400 = vector.broadcast %broadcast_in_dim3A_399 : i32 to vector<16xi32>
      %select_n3A_401 = arith.select %eq3A_398, %broadcast_in_dim3A_400, %get3A_394 : vector<16xi1>, vector<16xi32>
      %swap3A_402 = arith.index_cast %add3A_391 : i32 to index
      %swap3A_403 = tpu.vector_load %arg6[%swap3A_402] {strides = array<i32>} : memref<20288xi32, #tpu.memory_space<vmem>>, vector<16xi32>,
      %swap3A_404 = vector.shape_cast %swap3A_403 : vector<16xi32> to vector<16xi32>
      %swap3A_405 = vector.shape_cast %select_n3A_401 : vector<16xi32> to vector<16xi32>
      tpu.vector_store %arg6[%swap3A_402], %swap3A_405 {strides = array<i32>} : memref<20288xi32, #tpu.memory_space<vmem>>, vector<16xi32>,
      %sub3A_406 = vector.broadcast %mul3A_0 : i32 to vector<16xi32>
      %sub3A_407 = arith.subi %get3A_397, %sub3A_406 : vector<16xi32>
      %lt3A_408 = arith.constant 0 : i32
      %lt3A_409 = vector.broadcast %lt3A_408 : i32 to vector<16xi32>
      %lt3A_410 = arith.cmpi slt, %sub3A_407, %lt3A_409 : vector<16xi32>
      %ge3A_411 = arith.constant 5120 : i32
      %ge3A_412 = vector.broadcast %ge3A_411 : i32 to vector<16xi32>
      %ge3A_413 = arith.cmpi sge, %sub3A_407, %ge3A_412 : vector<16xi32>
      %or3A_414 = arith.ori %lt3A_410, %ge3A_413 : vector<16xi1>
      %broadcast_in_dim3A_415 = arith.constant 5120 : i32
      %broadcast_in_dim3A_416 = vector.broadcast %broadcast_in_dim3A_415 : i32 to vector<16xi32>
      %select_n3A_417 = arith.select %or3A_414, %broadcast_in_dim3A_416, %sub3A_407 : vector<16xi1>, vector<16xi32>
      %swap3A_418 = arith.index_cast %scan3A_288 : i32 to index
      %swap3A_419 = arith.constant 48 : index
      %swap3A_420 = tpu.vector_load %arg8[%swap3A_418, %swap3A_419] {strides = array<i32>} : memref<317x64xi32, #tpu.memory_space<vmem>>, vector<1x16xi32>,
      %swap3A_421 = vector.shape_cast %swap3A_420 : vector<1x16xi32> to vector<16xi32>
      %swap3A_422 = vector.shape_cast %select_n3A_417 : vector<16xi32> to vector<1x16xi32>
      tpu.vector_store %arg8[%swap3A_418, %swap3A_419], %swap3A_422 {strides = array<i32>} : memref<317x64xi32, #tpu.memory_space<vmem>>, vector<1x16xi32>,
      %scan3A_423 = arith.constant 0 : i32
      scf.yield %scan3A_423 : i32
    }
    %scan3A_185 = arith.constant 317 : i32
    %dma_start3A_186 = arith.constant 0 : i32
    %dma_start3A_187 = tpu.memref_slice %arg6[%dma_start3A_186] : memref<20288xi32, #tpu.memory_space<vmem>> -> memref<64xi32, #tpu.memory_space<vmem>>
    %dma_start3A_188 = arith.constant 0 : i32
    %dma_start3A_189 = arith.constant 0 : i32
    %dma_start3A_190 = tpu.memref_slice %arg2[%dma_start3A_188, %dma_start3A_189] : memref<10240x64xf32, #tpu.memory_space<hbm>> -> memref<10240x64xf32, #tpu.memory_space<hbm>>
    tpu.enqueue_indirect_dma source(%dma_start3A_190 : memref<10240x64xf32, #tpu.memory_space<hbm>>) target(%arg9 : memref<64x64xf32, #tpu.memory_space<vmem>>) offsets(%dma_start3A_187 : memref<64xi32, #tpu.memory_space<vmem>>) semaphore(%arg14 : memref<!tpu.dma_semaphore, #tpu.memory_space<semaphore_mem>>)
    %dma_start3A_191 = arith.constant 64 : i32
    %dma_start3A_192 = tpu.memref_slice %arg6[%dma_start3A_191] : memref<20288xi32, #tpu.memory_space<vmem>> -> memref<64xi32, #tpu.memory_space<vmem>>
    %dma_start3A_193 = arith.constant 0 : i32
    %dma_start3A_194 = arith.constant 0 : i32
    %dma_start3A_195 = tpu.memref_slice %arg2[%dma_start3A_193, %dma_start3A_194] : memref<10240x64xf32, #tpu.memory_space<hbm>> -> memref<10240x64xf32, #tpu.memory_space<hbm>>
    tpu.enqueue_indirect_dma source(%dma_start3A_195 : memref<10240x64xf32, #tpu.memory_space<hbm>>) target(%arg10 : memref<64x64xf32, #tpu.memory_space<vmem>>) offsets(%dma_start3A_192 : memref<64xi32, #tpu.memory_space<vmem>>) semaphore(%arg15 : memref<!tpu.dma_semaphore, #tpu.memory_space<semaphore_mem>>)
    %dma_wait3A_196 = arith.constant 0 : i32
    %dma_wait3A_197 = tpu.memref_slice %arg6[%dma_wait3A_196] : memref<20288xi32, #tpu.memory_space<vmem>> -> memref<64xi32, #tpu.memory_space<vmem>>
    %dma_wait3A_198 = arith.constant 0 : i32
    %dma_wait3A_199 = arith.constant 0 : i32
    %dma_wait3A_200 = tpu.memref_slice %arg2[%dma_wait3A_198, %dma_wait3A_199] : memref<10240x64xf32, #tpu.memory_space<hbm>> -> memref<10240x64xf32, #tpu.memory_space<hbm>>
    tpu.wait_indirect_dma semaphore(%arg14 : memref<!tpu.dma_semaphore, #tpu.memory_space<semaphore_mem>>) src(%dma_wait3A_200 : memref<10240x64xf32, #tpu.memory_space<hbm>>) dst(%arg9 : memref<64x64xf32, #tpu.memory_space<vmem>>)
    %dma_start3A_201 = arith.constant 0 : i32
    %dma_start3A_202 = arith.constant 0 : i32
    %dma_start3A_203 = tpu.memref_slice %arg8[%dma_start3A_201, %dma_start3A_202] : memref<317x64xi32, #tpu.memory_space<vmem>> -> memref<1x64xi32, #tpu.memory_space<vmem>>
    %dma_start3A_204 = tpu.memref_squeeze %dma_start3A_203 : memref<1x64xi32, #tpu.memory_space<vmem>> -> memref<64xi32, #tpu.memory_space<vmem>>
    %dma_start3A_205 = arith.constant 0 : i32
    %dma_start3A_206 = arith.constant 0 : i32
    %dma_start3A_207 = tpu.memref_slice %arg13[%dma_start3A_205, %dma_start3A_206] : memref<5128x64xf32, #tpu.memory_space<vmem_shared>> -> memref<5128x64xf32, #tpu.memory_space<vmem_shared>>
    tpu.enqueue_indirect_dma source(%arg9 : memref<64x64xf32, #tpu.memory_space<vmem>>) target(%dma_start3A_207 : memref<5128x64xf32, #tpu.memory_space<vmem_shared>>) offsets(%dma_start3A_204 : memref<64xi32, #tpu.memory_space<vmem>>) semaphore(%arg17 : memref<!tpu.dma_semaphore, #tpu.memory_space<semaphore_mem>>) {add = true}
    %dma_start3A_208 = arith.constant 128 : i32
    %dma_start3A_209 = tpu.memref_slice %arg6[%dma_start3A_208] : memref<20288xi32, #tpu.memory_space<vmem>> -> memref<64xi32, #tpu.memory_space<vmem>>
    %dma_start3A_210 = arith.constant 0 : i32
    %dma_start3A_211 = arith.constant 0 : i32
    %dma_start3A_212 = tpu.memref_slice %arg2[%dma_start3A_210, %dma_start3A_211] : memref<10240x64xf32, #tpu.memory_space<hbm>> -> memref<10240x64xf32, #tpu.memory_space<hbm>>
    tpu.enqueue_indirect_dma source(%dma_start3A_212 : memref<10240x64xf32, #tpu.memory_space<hbm>>) target(%arg11 : memref<64x64xf32, #tpu.memory_space<vmem>>) offsets(%dma_start3A_209 : memref<64xi32, #tpu.memory_space<vmem>>) semaphore(%arg16 : memref<!tpu.dma_semaphore, #tpu.memory_space<semaphore_mem>>)
    %dma_wait3A_213 = arith.constant 64 : i32
    %dma_wait3A_214 = tpu.memref_slice %arg6[%dma_wait3A_213] : memref<20288xi32, #tpu.memory_space<vmem>> -> memref<64xi32, #tpu.memory_space<vmem>>
    %dma_wait3A_215 = arith.constant 0 : i32
    %dma_wait3A_216 = arith.constant 0 : i32
    %dma_wait3A_217 = tpu.memref_slice %arg2[%dma_wait3A_215, %dma_wait3A_216] : memref<10240x64xf32, #tpu.memory_space<hbm>> -> memref<10240x64xf32, #tpu.memory_space<hbm>>
    tpu.wait_indirect_dma semaphore(%arg15 : memref<!tpu.dma_semaphore, #tpu.memory_space<semaphore_mem>>) src(%dma_wait3A_217 : memref<10240x64xf32, #tpu.memory_space<hbm>>) dst(%arg10 : memref<64x64xf32, #tpu.memory_space<vmem>>)
    %dma_start3A_218 = arith.constant 1 : i32
    %dma_start3A_219 = arith.constant 0 : i32
    %dma_start3A_220 = tpu.memref_slice %arg8[%dma_start3A_218, %dma_start3A_219] : memref<317x64xi32, #tpu.memory_space<vmem>> -> memref<1x64xi32, #tpu.memory_space<vmem>>
    %dma_start3A_221 = tpu.memref_squeeze %dma_start3A_220 : memref<1x64xi32, #tpu.memory_space<vmem>> -> memref<64xi32, #tpu.memory_space<vmem>>
    %dma_start3A_222 = arith.constant 0 : i32
    %dma_start3A_223 = arith.constant 0 : i32
    %dma_start3A_224 = tpu.memref_slice %arg13[%dma_start3A_222, %dma_start3A_223] : memref<5128x64xf32, #tpu.memory_space<vmem_shared>> -> memref<5128x64xf32, #tpu.memory_space<vmem_shared>>
    tpu.enqueue_indirect_dma source(%arg10 : memref<64x64xf32, #tpu.memory_space<vmem>>) target(%dma_start3A_224 : memref<5128x64xf32, #tpu.memory_space<vmem_shared>>) offsets(%dma_start3A_221 : memref<64xi32, #tpu.memory_space<vmem>>) semaphore(%arg18 : memref<!tpu.dma_semaphore, #tpu.memory_space<semaphore_mem>>) {add = true}
    %dma_wait3A_225 = arith.constant 0 : i32
    %dma_wait3A_226 = arith.constant 0 : i32
    %dma_wait3A_227 = tpu.memref_slice %arg8[%dma_wait3A_225, %dma_wait3A_226] : memref<317x64xi32, #tpu.memory_space<vmem>> -> memref<1x64xi32, #tpu.memory_space<vmem>>
    %dma_wait3A_228 = tpu.memref_squeeze %dma_wait3A_227 : memref<1x64xi32, #tpu.memory_space<vmem>> -> memref<64xi32, #tpu.memory_space<vmem>>
    %dma_wait3A_229 = arith.constant 0 : i32
    %dma_wait3A_230 = arith.constant 0 : i32
    %dma_wait3A_231 = tpu.memref_slice %arg13[%dma_wait3A_229, %dma_wait3A_230] : memref<5128x64xf32, #tpu.memory_space<vmem_shared>> -> memref<5128x64xf32, #tpu.memory_space<vmem_shared>>
    tpu.wait_indirect_dma semaphore(%arg17 : memref<!tpu.dma_semaphore, #tpu.memory_space<semaphore_mem>>) src(%arg9 : memref<64x64xf32, #tpu.memory_space<vmem>>) dst(%dma_wait3A_231 : memref<5128x64xf32, #tpu.memory_space<vmem_shared>>)
    %dma_start3A_232 = arith.constant 192 : i32
    %dma_start3A_233 = tpu.memref_slice %arg6[%dma_start3A_232] : memref<20288xi32, #tpu.memory_space<vmem>> -> memref<64xi32, #tpu.memory_space<vmem>>
    %dma_start3A_234 = arith.constant 0 : i32
    %dma_start3A_235 = arith.constant 0 : i32
    %dma_start3A_236 = tpu.memref_slice %arg2[%dma_start3A_234, %dma_start3A_235] : memref<10240x64xf32, #tpu.memory_space<hbm>> -> memref<10240x64xf32, #tpu.memory_space<hbm>>
    tpu.enqueue_indirect_dma source(%dma_start3A_236 : memref<10240x64xf32, #tpu.memory_space<hbm>>) target(%arg9 : memref<64x64xf32, #tpu.memory_space<vmem>>) offsets(%dma_start3A_233 : memref<64xi32, #tpu.memory_space<vmem>>) semaphore(%arg14 : memref<!tpu.dma_semaphore, #tpu.memory_space<semaphore_mem>>)
    %dma_wait3A_237 = arith.constant 128 : i32
    %dma_wait3A_238 = tpu.memref_slice %arg6[%dma_wait3A_237] : memref<20288xi32, #tpu.memory_space<vmem>> -> memref<64xi32, #tpu.memory_space<vmem>>
    %dma_wait3A_239 = arith.constant 0 : i32
    %dma_wait3A_240 = arith.constant 0 : i32
    %dma_wait3A_241 = tpu.memref_slice %arg2[%dma_wait3A_239, %dma_wait3A_240] : memref<10240x64xf32, #tpu.memory_space<hbm>> -> memref<10240x64xf32, #tpu.memory_space<hbm>>
    tpu.wait_indirect_dma semaphore(%arg16 : memref<!tpu.dma_semaphore, #tpu.memory_space<semaphore_mem>>) src(%dma_wait3A_241 : memref<10240x64xf32, #tpu.memory_space<hbm>>) dst(%arg11 : memref<64x64xf32, #tpu.memory_space<vmem>>)
    %dma_start3A_242 = arith.constant 2 : i32
    %dma_start3A_243 = arith.constant 0 : i32
    %dma_start3A_244 = tpu.memref_slice %arg8[%dma_start3A_242, %dma_start3A_243] : memref<317x64xi32, #tpu.memory_space<vmem>> -> memref<1x64xi32, #tpu.memory_space<vmem>>
    %dma_start3A_245 = tpu.memref_squeeze %dma_start3A_244 : memref<1x64xi32, #tpu.memory_space<vmem>> -> memref<64xi32, #tpu.memory_space<vmem>>
    %dma_start3A_246 = arith.constant 0 : i32
    %dma_start3A_247 = arith.constant 0 : i32
    %dma_start3A_248 = tpu.memref_slice %arg13[%dma_start3A_246, %dma_start3A_247] : memref<5128x64xf32, #tpu.memory_space<vmem_shared>> -> memref<5128x64xf32, #tpu.memory_space<vmem_shared>>
    tpu.enqueue_indirect_dma source(%arg11 : memref<64x64xf32, #tpu.memory_space<vmem>>) target(%dma_start3A_248 : memref<5128x64xf32, #tpu.memory_space<vmem_shared>>) offsets(%dma_start3A_245 : memref<64xi32, #tpu.memory_space<vmem>>) semaphore(%arg19 : memref<!tpu.dma_semaphore, #tpu.memory_space<semaphore_mem>>) {add = true}
    %dma_wait3A_249 = arith.constant 1 : i32
    %dma_wait3A_250 = arith.constant 0 : i32
    %dma_wait3A_251 = tpu.memref_slice %arg8[%dma_wait3A_249, %dma_wait3A_250] : memref<317x64xi32, #tpu.memory_space<vmem>> -> memref<1x64xi32, #tpu.memory_space<vmem>>
    %dma_wait3A_252 = tpu.memref_squeeze %dma_wait3A_251 : memref<1x64xi32, #tpu.memory_space<vmem>> -> memref<64xi32, #tpu.memory_space<vmem>>
    %dma_wait3A_253 = arith.constant 0 : i32
    %dma_wait3A_254 = arith.constant 0 : i32
    %dma_wait3A_255 = tpu.memref_slice %arg13[%dma_wait3A_253, %dma_wait3A_254] : memref<5128x64xf32, #tpu.memory_space<vmem_shared>> -> memref<5128x64xf32, #tpu.memory_space<vmem_shared>>
    tpu.wait_indirect_dma semaphore(%arg18 : memref<!tpu.dma_semaphore, #tpu.memory_space<semaphore_mem>>) src(%arg10 : memref<64x64xf32, #tpu.memory_space<vmem>>) dst(%dma_wait3A_255 : memref<5128x64xf32, #tpu.memory_space<vmem_shared>>)
    %dma_start3A_256 = arith.constant 256 : i32
    %dma_start3A_257 = tpu.memref_slice %arg6[%dma_start3A_256] : memref<20288xi32, #tpu.memory_space<vmem>> -> memref<64xi32, #tpu.memory_space<vmem>>
    %dma_start3A_258 = arith.constant 0 : i32
    %dma_start3A_259 = arith.constant 0 : i32
    %dma_start3A_260 = tpu.memref_slice %arg2[%dma_start3A_258, %dma_start3A_259] : memref<10240x64xf32, #tpu.memory_space<hbm>> -> memref<10240x64xf32, #tpu.memory_space<hbm>>
    tpu.enqueue_indirect_dma source(%dma_start3A_260 : memref<10240x64xf32, #tpu.memory_space<hbm>>) target(%arg10 : memref<64x64xf32, #tpu.memory_space<vmem>>) offsets(%dma_start3A_257 : memref<64xi32, #tpu.memory_space<vmem>>) semaphore(%arg15 : memref<!tpu.dma_semaphore, #tpu.memory_space<semaphore_mem>>)
    %scan3A_261 = arith.constant 0 : i32
    %scan3A_262 = arith.constant 1 : i32
    %scan3A_263 = arith.constant 104 : i32
    %scan3A_264 = arith.addi %scan3A_262, %scan3A_263 : i32
    %scan3A_265 = arith.constant 1 : i32
    %scan3A_266 = scf.for %scan3A_288 = %scan3A_262 to %scan3A_264 step %scan3A_265 iter_args(%scan3A_289 = %scan3A_261) -> (i32)  : i32 {
      %mul3A_290 = arith.constant 3 : i32
      %mul3A_291 = arith.muli %mul3A_290, %scan3A_288 : i32
      %add3A_292 = arith.constant 0 : i32
      %add3A_293 = arith.addi %mul3A_291, %add3A_292 : i32
      %mul3A_294 = arith.constant 64 : i32
      %mul3A_295 = arith.muli %add3A_293, %mul3A_294 : i32
      %dma_wait3A_296 = tpu.memref_slice %arg6[%mul3A_295] : memref<20288xi32, #tpu.memory_space<vmem>> -> memref<64xi32, #tpu.memory_space<vmem>>
      %dma_wait3A_297 = arith.constant 0 : i32
      %dma_wait3A_298 = arith.constant 0 : i32
      %dma_wait3A_299 = tpu.memref_slice %arg2[%dma_wait3A_297, %dma_wait3A_298] : memref<10240x64xf32, #tpu.memory_space<hbm>> -> memref<10240x64xf32, #tpu.memory_space<hbm>>
      tpu.wait_indirect_dma semaphore(%arg14 : memref<!tpu.dma_semaphore, #tpu.memory_space<semaphore_mem>>) src(%dma_wait3A_299 : memref<10240x64xf32, #tpu.memory_space<hbm>>) dst(%arg9 : memref<64x64xf32, #tpu.memory_space<vmem>>)
      %dma_start3A_300 = arith.constant 0 : i32
      %dma_start3A_301 = tpu.memref_slice %arg8[%add3A_293, %dma_start3A_300] : memref<317x64xi32, #tpu.memory_space<vmem>> -> memref<1x64xi32, #tpu.memory_space<vmem>>
      %dma_start3A_302 = tpu.memref_squeeze %dma_start3A_301 : memref<1x64xi32, #tpu.memory_space<vmem>> -> memref<64xi32, #tpu.memory_space<vmem>>
      %dma_start3A_303 = arith.constant 0 : i32
      %dma_start3A_304 = arith.constant 0 : i32
      %dma_start3A_305 = tpu.memref_slice %arg13[%dma_start3A_303, %dma_start3A_304] : memref<5128x64xf32, #tpu.memory_space<vmem_shared>> -> memref<5128x64xf32, #tpu.memory_space<vmem_shared>>
      tpu.enqueue_indirect_dma source(%arg9 : memref<64x64xf32, #tpu.memory_space<vmem>>) target(%dma_start3A_305 : memref<5128x64xf32, #tpu.memory_space<vmem_shared>>) offsets(%dma_start3A_302 : memref<64xi32, #tpu.memory_space<vmem>>) semaphore(%arg17 : memref<!tpu.dma_semaphore, #tpu.memory_space<semaphore_mem>>) {add = true}
      %sub3A = arith.constant 1 : i32
      %sub3A_306 = arith.subi %add3A_293, %sub3A : i32
      %dma_wait3A_307 = arith.constant 0 : i32
      %dma_wait3A_308 = tpu.memref_slice %arg8[%sub3A_306, %dma_wait3A_307] : memref<317x64xi32, #tpu.memory_space<vmem>> -> memref<1x64xi32, #tpu.memory_space<vmem>>
      %dma_wait3A_309 = tpu.memref_squeeze %dma_wait3A_308 : memref<1x64xi32, #tpu.memory_space<vmem>> -> memref<64xi32, #tpu.memory_space<vmem>>
      %dma_wait3A_310 = arith.constant 0 : i32
      %dma_wait3A_311 = arith.constant 0 : i32
      %dma_wait3A_312 = tpu.memref_slice %arg13[%dma_wait3A_310, %dma_wait3A_311] : memref<5128x64xf32, #tpu.memory_space<vmem_shared>> -> memref<5128x64xf32, #tpu.memory_space<vmem_shared>>
      tpu.wait_indirect_dma semaphore(%arg19 : memref<!tpu.dma_semaphore, #tpu.memory_space<semaphore_mem>>) src(%arg11 : memref<64x64xf32, #tpu.memory_space<vmem>>) dst(%dma_wait3A_312 : memref<5128x64xf32, #tpu.memory_space<vmem_shared>>)
      %add3A_313 = arith.constant 2 : i32
      %add3A_314 = arith.addi %add3A_293, %add3A_313 : i32
      %mul3A_315 = arith.constant 64 : i32
      %mul3A_316 = arith.muli %add3A_314, %mul3A_315 : i32
      %dma_start3A_317 = tpu.memref_slice %arg6[%mul3A_316] : memref<20288xi32, #tpu.memory_space<vmem>> -> memref<64xi32, #tpu.memory_space<vmem>>
      %dma_start3A_318 = arith.constant 0 : i32
      %dma_start3A_319 = arith.constant 0 : i32
      %dma_start3A_320 = tpu.memref_slice %arg2[%dma_start3A_318, %dma_start3A_319] : memref<10240x64xf32, #tpu.memory_space<hbm>> -> memref<10240x64xf32, #tpu.memory_space<hbm>>
      tpu.enqueue_indirect_dma source(%dma_start3A_320 : memref<10240x64xf32, #tpu.memory_space<hbm>>) target(%arg11 : memref<64x64xf32, #tpu.memory_space<vmem>>) offsets(%dma_start3A_317 : memref<64xi32, #tpu.memory_space<vmem>>) semaphore(%arg16 : memref<!tpu.dma_semaphore, #tpu.memory_space<semaphore_mem>>)
      %add3A_321 = arith.constant 1 : i32
      %add3A_322 = arith.addi %mul3A_291, %add3A_321 : i32
      %mul3A_323 = arith.constant 64 : i32
      %mul3A_324 = arith.muli %add3A_322, %mul3A_323 : i32
      %dma_wait3A_325 = tpu.memref_slice %arg6[%mul3A_324] : memref<20288xi32, #tpu.memory_space<vmem>> -> memref<64xi32, #tpu.memory_space<vmem>>
      %dma_wait3A_326 = arith.constant 0 : i32
      %dma_wait3A_327 = arith.constant 0 : i32
      %dma_wait3A_328 = tpu.memref_slice %arg2[%dma_wait3A_326, %dma_wait3A_327] : memref<10240x64xf32, #tpu.memory_space<hbm>> -> memref<10240x64xf32, #tpu.memory_space<hbm>>
      tpu.wait_indirect_dma semaphore(%arg15 : memref<!tpu.dma_semaphore, #tpu.memory_space<semaphore_mem>>) src(%dma_wait3A_328 : memref<10240x64xf32, #tpu.memory_space<hbm>>) dst(%arg10 : memref<64x64xf32, #tpu.memory_space<vmem>>)
      %dma_start3A_329 = arith.constant 0 : i32
      %dma_start3A_330 = tpu.memref_slice %arg8[%add3A_322, %dma_start3A_329] : memref<317x64xi32, #tpu.memory_space<vmem>> -> memref<1x64xi32, #tpu.memory_space<vmem>>
      %dma_start3A_331 = tpu.memref_squeeze %dma_start3A_330 : memref<1x64xi32, #tpu.memory_space<vmem>> -> memref<64xi32, #tpu.memory_space<vmem>>
      %dma_start3A_332 = arith.constant 0 : i32
      %dma_start3A_333 = arith.constant 0 : i32
      %dma_start3A_334 = tpu.memref_slice %arg13[%dma_start3A_332, %dma_start3A_333] : memref<5128x64xf32, #tpu.memory_space<vmem_shared>> -> memref<5128x64xf32, #tpu.memory_space<vmem_shared>>
      tpu.enqueue_indirect_dma source(%arg10 : memref<64x64xf32, #tpu.memory_space<vmem>>) target(%dma_start3A_334 : memref<5128x64xf32, #tpu.memory_space<vmem_shared>>) offsets(%dma_start3A_331 : memref<64xi32, #tpu.memory_space<vmem>>) semaphore(%arg18 : memref<!tpu.dma_semaphore, #tpu.memory_space<semaphore_mem>>) {add = true}
      %sub3A_335 = arith.constant 1 : i32
      %sub3A_336 = arith.subi %add3A_322, %sub3A_335 : i32
      %dma_wait3A_337 = arith.constant 0 : i32
      %dma_wait3A_338 = tpu.memref_slice %arg8[%sub3A_336, %dma_wait3A_337] : memref<317x64xi32, #tpu.memory_space<vmem>> -> memref<1x64xi32, #tpu.memory_space<vmem>>
      %dma_wait3A_339 = tpu.memref_squeeze %dma_wait3A_338 : memref<1x64xi32, #tpu.memory_space<vmem>> -> memref<64xi32, #tpu.memory_space<vmem>>
      %dma_wait3A_340 = arith.constant 0 : i32
      %dma_wait3A_341 = arith.constant 0 : i32
      %dma_wait3A_342 = tpu.memref_slice %arg13[%dma_wait3A_340, %dma_wait3A_341] : memref<5128x64xf32, #tpu.memory_space<vmem_shared>> -> memref<5128x64xf32, #tpu.memory_space<vmem_shared>>
      tpu.wait_indirect_dma semaphore(%arg17 : memref<!tpu.dma_semaphore, #tpu.memory_space<semaphore_mem>>) src(%arg9 : memref<64x64xf32, #tpu.memory_space<vmem>>) dst(%dma_wait3A_342 : memref<5128x64xf32, #tpu.memory_space<vmem_shared>>)
      %add3A_343 = arith.constant 2 : i32
      %add3A_344 = arith.addi %add3A_322, %add3A_343 : i32
      %mul3A_345 = arith.constant 64 : i32
      %mul3A_346 = arith.muli %add3A_344, %mul3A_345 : i32
      %dma_start3A_347 = tpu.memref_slice %arg6[%mul3A_346] : memref<20288xi32, #tpu.memory_space<vmem>> -> memref<64xi32, #tpu.memory_space<vmem>>
      %dma_start3A_348 = arith.constant 0 : i32
      %dma_start3A_349 = arith.constant 0 : i32
      %dma_start3A_350 = tpu.memref_slice %arg2[%dma_start3A_348, %dma_start3A_349] : memref<10240x64xf32, #tpu.memory_space<hbm>> -> memref<10240x64xf32, #tpu.memory_space<hbm>>
      tpu.enqueue_indirect_dma source(%dma_start3A_350 : memref<10240x64xf32, #tpu.memory_space<hbm>>) target(%arg9 : memref<64x64xf32, #tpu.memory_space<vmem>>) offsets(%dma_start3A_347 : memref<64xi32, #tpu.memory_space<vmem>>) semaphore(%arg14 : memref<!tpu.dma_semaphore, #tpu.memory_space<semaphore_mem>>)
      %add3A_351 = arith.constant 2 : i32
      %add3A_352 = arith.addi %mul3A_291, %add3A_351 : i32
      %mul3A_353 = arith.constant 64 : i32
      %mul3A_354 = arith.muli %add3A_352, %mul3A_353 : i32
      %dma_wait3A_355 = tpu.memref_slice %arg6[%mul3A_354] : memref<20288xi32, #tpu.memory_space<vmem>> -> memref<64xi32, #tpu.memory_space<vmem>>
      %dma_wait3A_356 = arith.constant 0 : i32
      %dma_wait3A_357 = arith.constant 0 : i32
      %dma_wait3A_358 = tpu.memref_slice %arg2[%dma_wait3A_356, %dma_wait3A_357] : memref<10240x64xf32, #tpu.memory_space<hbm>> -> memref<10240x64xf32, #tpu.memory_space<hbm>>
      tpu.wait_indirect_dma semaphore(%arg16 : memref<!tpu.dma_semaphore, #tpu.memory_space<semaphore_mem>>) src(%dma_wait3A_358 : memref<10240x64xf32, #tpu.memory_space<hbm>>) dst(%arg11 : memref<64x64xf32, #tpu.memory_space<vmem>>)
      %dma_start3A_359 = arith.constant 0 : i32
      %dma_start3A_360 = tpu.memref_slice %arg8[%add3A_352, %dma_start3A_359] : memref<317x64xi32, #tpu.memory_space<vmem>> -> memref<1x64xi32, #tpu.memory_space<vmem>>
      %dma_start3A_361 = tpu.memref_squeeze %dma_start3A_360 : memref<1x64xi32, #tpu.memory_space<vmem>> -> memref<64xi32, #tpu.memory_space<vmem>>
      %dma_start3A_362 = arith.constant 0 : i32
      %dma_start3A_363 = arith.constant 0 : i32
      %dma_start3A_364 = tpu.memref_slice %arg13[%dma_start3A_362, %dma_start3A_363] : memref<5128x64xf32, #tpu.memory_space<vmem_shared>> -> memref<5128x64xf32, #tpu.memory_space<vmem_shared>>
      tpu.enqueue_indirect_dma source(%arg11 : memref<64x64xf32, #tpu.memory_space<vmem>>) target(%dma_start3A_364 : memref<5128x64xf32, #tpu.memory_space<vmem_shared>>) offsets(%dma_start3A_361 : memref<64xi32, #tpu.memory_space<vmem>>) semaphore(%arg19 : memref<!tpu.dma_semaphore, #tpu.memory_space<semaphore_mem>>) {add = true}
      %sub3A_365 = arith.constant 1 : i32
      %sub3A_366 = arith.subi %add3A_352, %sub3A_365 : i32
      %dma_wait3A_367 = arith.constant 0 : i32
      %dma_wait3A_368 = tpu.memref_slice %arg8[%sub3A_366, %dma_wait3A_367] : memref<317x64xi32, #tpu.memory_space<vmem>> -> memref<1x64xi32, #tpu.memory_space<vmem>>
      %dma_wait3A_369 = tpu.memref_squeeze %dma_wait3A_368 : memref<1x64xi32, #tpu.memory_space<vmem>> -> memref<64xi32, #tpu.memory_space<vmem>>
      %dma_wait3A_370 = arith.constant 0 : i32
      %dma_wait3A_371 = arith.constant 0 : i32
      %dma_wait3A_372 = tpu.memref_slice %arg13[%dma_wait3A_370, %dma_wait3A_371] : memref<5128x64xf32, #tpu.memory_space<vmem_shared>> -> memref<5128x64xf32, #tpu.memory_space<vmem_shared>>
      tpu.wait_indirect_dma semaphore(%arg18 : memref<!tpu.dma_semaphore, #tpu.memory_space<semaphore_mem>>) src(%arg10 : memref<64x64xf32, #tpu.memory_space<vmem>>) dst(%dma_wait3A_372 : memref<5128x64xf32, #tpu.memory_space<vmem_shared>>)
      %add3A_373 = arith.constant 2 : i32
      %add3A_374 = arith.addi %add3A_352, %add3A_373 : i32
      %mul3A_375 = arith.constant 64 : i32
      %mul3A_376 = arith.muli %add3A_374, %mul3A_375 : i32
      %dma_start3A_377 = tpu.memref_slice %arg6[%mul3A_376] : memref<20288xi32, #tpu.memory_space<vmem>> -> memref<64xi32, #tpu.memory_space<vmem>>
      %dma_start3A_378 = arith.constant 0 : i32
      %dma_start3A_379 = arith.constant 0 : i32
      %dma_start3A_380 = tpu.memref_slice %arg2[%dma_start3A_378, %dma_start3A_379] : memref<10240x64xf32, #tpu.memory_space<hbm>> -> memref<10240x64xf32, #tpu.memory_space<hbm>>
      tpu.enqueue_indirect_dma source(%dma_start3A_380 : memref<10240x64xf32, #tpu.memory_space<hbm>>) target(%arg10 : memref<64x64xf32, #tpu.memory_space<vmem>>) offsets(%dma_start3A_377 : memref<64xi32, #tpu.memory_space<vmem>>) semaphore(%arg15 : memref<!tpu.dma_semaphore, #tpu.memory_space<semaphore_mem>>)
      %scan3A_381 = arith.constant 0 : i32
      scf.yield %scan3A_381 : i32
    }
    %scan3A_267 = arith.constant 104 : i32
    %dma_wait3A_268 = arith.constant 314 : i32
    %dma_wait3A_269 = arith.constant 0 : i32
    %dma_wait3A_270 = tpu.memref_slice %arg8[%dma_wait3A_268, %dma_wait3A_269] : memref<317x64xi32, #tpu.memory_space<vmem>> -> memref<1x64xi32, #tpu.memory_space<vmem>>
    %dma_wait3A_271 = tpu.memref_squeeze %dma_wait3A_270 : memref<1x64xi32, #tpu.memory_space<vmem>> -> memref<64xi32, #tpu.memory_space<vmem>>
    %dma_wait3A_272 = arith.constant 0 : i32
    %dma_wait3A_273 = arith.constant 0 : i32
    %dma_wait3A_274 = tpu.memref_slice %arg13[%dma_wait3A_272, %dma_wait3A_273] : memref<5128x64xf32, #tpu.memory_space<vmem_shared>> -> memref<5128x64xf32, #tpu.memory_space<vmem_shared>>
    tpu.wait_indirect_dma semaphore(%arg19 : memref<!tpu.dma_semaphore, #tpu.memory_space<semaphore_mem>>) src(%arg11 : memref<64x64xf32, #tpu.memory_space<vmem>>) dst(%dma_wait3A_274 : memref<5128x64xf32, #tpu.memory_space<vmem_shared>>)
    %dma_wait3A_275 = arith.constant 20160 : i32
    %dma_wait3A_276 = tpu.memref_slice %arg6[%dma_wait3A_275] : memref<20288xi32, #tpu.memory_space<vmem>> -> memref<64xi32, #tpu.memory_space<vmem>>
    %dma_wait3A_277 = arith.constant 0 : i32
    %dma_wait3A_278 = arith.constant 0 : i32
    %dma_wait3A_279 = tpu.memref_slice %arg2[%dma_wait3A_277, %dma_wait3A_278] : memref<10240x64xf32, #tpu.memory_space<hbm>> -> memref<10240x64xf32, #tpu.memory_space<hbm>>
    tpu.wait_indirect_dma semaphore(%arg14 : memref<!tpu.dma_semaphore, #tpu.memory_space<semaphore_mem>>) src(%dma_wait3A_279 : memref<10240x64xf32, #tpu.memory_space<hbm>>) dst(%arg9 : memref<64x64xf32, #tpu.memory_space<vmem>>)
    %dma_wait3A_280 = arith.constant 20224 : i32
    %dma_wait3A_281 = tpu.memref_slice %arg6[%dma_wait3A_280] : memref<20288xi32, #tpu.memory_space<vmem>> -> memref<64xi32, #tpu.memory_space<vmem>>
    %dma_wait3A_282 = arith.constant 0 : i32
    %dma_wait3A_283 = arith.constant 0 : i32
    %dma_wait3A_284 = tpu.memref_slice %arg2[%dma_wait3A_282, %dma_wait3A_283] : memref<10240x64xf32, #tpu.memory_space<hbm>> -> memref<10240x64xf32, #tpu.memory_space<hbm>>
    tpu.wait_indirect_dma semaphore(%arg15 : memref<!tpu.dma_semaphore, #tpu.memory_space<semaphore_mem>>) src(%dma_wait3A_284 : memref<10240x64xf32, #tpu.memory_space<hbm>>) dst(%arg10 : memref<64x64xf32, #tpu.memory_space<vmem>>)
    %barrier3A_285 = arith.constant 0 : index
    tpu.barrier barrier_id(%barrier3A_285)
    %mul3A_286 = arith.constant 320 : i32
    %mul3A_287 = arith.muli %arg1, %mul3A_286 : i32
    "tpu.region"() ({
      %run_scoped3A = tpu.sem_alloc : memref<!tpu.dma_semaphore, #tpu.memory_space<semaphore_mem>>
      %dma_start3A_288 = arith.constant 0 : i32
      %dma_start3A_289 = arith.constant 0 : i32
      %dma_start3A_290 = tpu.memref_slice %arg5[%arg0, %arg1, %dma_start3A_288, %dma_start3A_289] : memref<2x16x320x64xf32, #tpu.memory_space<hbm>> -> memref<1x1x320x64xf32, #tpu.memory_space<hbm>>
      %dma_start3A_291 = tpu.memref_squeeze %dma_start3A_290 : memref<1x1x320x64xf32, #tpu.memory_space<hbm>> -> memref<320x64xf32, #tpu.memory_space<hbm>>
      %dma_start3A_292 = arith.constant 0 : i32
      %dma_start3A_293 = tpu.memref_slice %arg13[%mul3A_287, %dma_start3A_292] : memref<5128x64xf32, #tpu.memory_space<vmem_shared>> -> memref<320x64xf32, #tpu.memory_space<vmem_shared>>
      tpu.enqueue_dma source(%dma_start3A_293 : memref<320x64xf32, #tpu.memory_space<vmem_shared>>) target(%dma_start3A_291 : memref<320x64xf32, #tpu.memory_space<hbm>>) target_semaphore(%run_scoped3A : memref<!tpu.dma_semaphore, #tpu.memory_space<semaphore_mem>>)
      %dma_wait3A_294 = arith.constant 0 : i32
      %dma_wait3A_295 = arith.constant 0 : i32
      %dma_wait3A_296 = tpu.memref_slice %arg5[%arg0, %arg1, %dma_wait3A_294, %dma_wait3A_295] : memref<2x16x320x64xf32, #tpu.memory_space<hbm>> -> memref<1x1x320x64xf32, #tpu.memory_space<hbm>>
      %dma_wait3A_297 = tpu.memref_squeeze %dma_wait3A_296 : memref<1x1x320x64xf32, #tpu.memory_space<hbm>> -> memref<320x64xf32, #tpu.memory_space<hbm>>
      %dma_wait3A_298 = arith.constant 0 : i32
      %dma_wait3A_299 = tpu.memref_slice %arg13[%mul3A_287, %dma_wait3A_298] : memref<5128x64xf32, #tpu.memory_space<vmem_shared>> -> memref<320x64xf32, #tpu.memory_space<vmem_shared>>
      tpu.wait_dma2 semaphore(%run_scoped3A : memref<!tpu.dma_semaphore, #tpu.memory_space<semaphore_mem>>) src(%dma_wait3A_299 : memref<320x64xf32, #tpu.memory_space<vmem_shared>>) dst(%dma_wait3A_297 : memref<320x64xf32, #tpu.memory_space<hbm>>)
      tpu.yield
    }) : () -> ()
    return
  }
}

#map = affine_map<(d0, d1) -> (0, 0)>
#map1 = affine_map<(d0, d1) -> (0)>
#map2 = affine_map<(d0, d1) -> (0, 0, 0, 0)>
module attributes {stable_mosaic.version = 14 : i64} {
  func.func @conv_kernel(%arg0: i32, %arg1: i32, %arg2: memref<10240x64xf32, #tpu.memory_space<hbm>>, %arg3: memref<640000xi32, #tpu.memory_space<hbm>>, %arg4: memref<640000xi32, #tpu.memory_space<hbm>>, %arg5: memref<2x16x320x64xf32, #tpu.memory_space<hbm>>, %arg6: memref<20288xi32, #tpu.memory_space<vmem>>, %arg7: memref<20288xi32, #tpu.memory_space<vmem>>, %arg8: memref<317x64xi32, #tpu.memory_space<vmem>>, %arg9: memref<64x64xf32, #tpu.memory_space<vmem>>, %arg10: memref<64x64xf32, #tpu.memory_space<vmem>>, %arg11: memref<64x64xf32, #tpu.memory_space<vmem>>, %arg12: memref<64x64xf32, #tpu.memory_space<vmem>>, %arg13: memref<5128x64xf32, #tpu.memory_space<vmem_shared>>, %arg14: memref<!tpu.dma_semaphore, #tpu.memory_space<semaphore_mem>>, %arg15: memref<!tpu.dma_semaphore, #tpu.memory_space<semaphore_mem>>, %arg16: memref<!tpu.dma_semaphore, #tpu.memory_space<semaphore_mem>>, %arg17: memref<!tpu.dma_semaphore, #tpu.memory_space<semaphore_mem>>, %arg18: memref<!tpu.dma_semaphore, #tpu.memory_space<semaphore_mem>>, %arg19: memref<!tpu.dma_semaphore, #tpu.memory_space<semaphore_mem>>) attributes {dimension_semantics = [#tpu.dimension_semantics<core_parallel>, #tpu.dimension_semantics<subcore_parallel>], iteration_bounds = array<i64: 2, 16>, scalar_prefetch = 0 : i64, scratch_operands = 14 : i64, tpu.core_type = #tpu.core_type<sc_vector_subcore>, window_params = [{transform_indices = #map}, {transform_indices = #map1}, {transform_indices = #map1}, {transform_indices = #map2}]} {
    %mul3A = arith.constant 5120 : i32
    %mul3A_0 = arith.muli %arg0, %mul3A : i32
    %scan3A = arith.constant 0 : i32
    %scan3A_1 = arith.constant 0 : i32
    %scan3A_2 = arith.constant 64 : i32
    %scan3A_3 = arith.addi %scan3A_1, %scan3A_2 : i32
    %scan3A_4 = arith.constant 1 : i32
    %scan3A_5 = scf.for %scan3A_288 = %scan3A_1 to %scan3A_3 step %scan3A_4 iter_args(%scan3A_289 = %scan3A) -> (i32)  : i32 {
      %broadcast_in_dim3A_290 = arith.constant 0.000000e+00 : f32
      %broadcast_in_dim3A_291 = vector.broadcast %broadcast_in_dim3A_290 : f32 to vector<16xf32>
      %swap3A = arith.index_cast %scan3A_288 : i32 to index
      %swap3A_292 = arith.constant 0 : index
      %swap3A_293 = tpu.vector_load %arg12[%swap3A, %swap3A_292] {strides = array<i32>} : memref<64x64xf32, #tpu.memory_space<vmem>>, vector<1x16xf32>,
      %swap3A_294 = vector.shape_cast %swap3A_293 : vector<1x16xf32> to vector<16xf32>
      %swap3A_295 = vector.shape_cast %broadcast_in_dim3A_291 : vector<16xf32> to vector<1x16xf32>
      tpu.vector_store %arg12[%swap3A, %swap3A_292], %swap3A_295 {strides = array<i32>} : memref<64x64xf32, #tpu.memory_space<vmem>>, vector<1x16xf32>,
      %broadcast_in_dim3A_296 = arith.constant 0.000000e+00 : f32
      %broadcast_in_dim3A_297 = vector.broadcast %broadcast_in_dim3A_296 : f32 to vector<16xf32>
      %swap3A_298 = arith.index_cast %scan3A_288 : i32 to index
      %swap3A_299 = arith.constant 16 : index
      %swap3A_300 = tpu.vector_load %arg12[%swap3A_298, %swap3A_299] {strides = array<i32>} : memref<64x64xf32, #tpu.memory_space<vmem>>, vector<1x16xf32>,
      %swap3A_301 = vector.shape_cast %swap3A_300 : vector<1x16xf32> to vector<16xf32>
      %swap3A_302 = vector.shape_cast %broadcast_in_dim3A_297 : vector<16xf32> to vector<1x16xf32>
      tpu.vector_store %arg12[%swap3A_298, %swap3A_299], %swap3A_302 {strides = array<i32>} : memref<64x64xf32, #tpu.memory_space<vmem>>, vector<1x16xf32>,
      %broadcast_in_dim3A_303 = arith.constant 0.000000e+00 : f32
      %broadcast_in_dim3A_304 = vector.broadcast %broadcast_in_dim3A_303 : f32 to vector<16xf32>
      %swap3A_305 = arith.index_cast %scan3A_288 : i32 to index
      %swap3A_306 = arith.constant 32 : index
      %swap3A_307 = tpu.vector_load %arg12[%swap3A_305, %swap3A_306] {strides = array<i32>} : memref<64x64xf32, #tpu.memory_space<vmem>>, vector<1x16xf32>,
      %swap3A_308 = vector.shape_cast %swap3A_307 : vector<1x16xf32> to vector<16xf32>
      %swap3A_309 = vector.shape_cast %broadcast_in_dim3A_304 : vector<16xf32> to vector<1x16xf32>
      tpu.vector_store %arg12[%swap3A_305, %swap3A_306], %swap3A_309 {strides = array<i32>} : memref<64x64xf32, #tpu.memory_space<vmem>>, vector<1x16xf32>,
      %broadcast_in_dim3A_310 = arith.constant 0.000000e+00 : f32
      %broadcast_in_dim3A_311 = vector.broadcast %broadcast_in_dim3A_310 : f32 to vector<16xf32>
      %swap3A_312 = arith.index_cast %scan3A_288 : i32 to index
      %swap3A_313 = arith.constant 48 : index
      %swap3A_314 = tpu.vector_load %arg12[%swap3A_312, %swap3A_313] {strides = array<i32>} : memref<64x64xf32, #tpu.memory_space<vmem>>, vector<1x16xf32>,
      %swap3A_315 = vector.shape_cast %swap3A_314 : vector<1x16xf32> to vector<16xf32>
      %swap3A_316 = vector.shape_cast %broadcast_in_dim3A_311 : vector<16xf32> to vector<1x16xf32>
      tpu.vector_store %arg12[%swap3A_312, %swap3A_313], %swap3A_316 {strides = array<i32>} : memref<64x64xf32, #tpu.memory_space<vmem>>, vector<1x16xf32>,
      %scan3A_317 = arith.constant 0 : i32
      scf.yield %scan3A_317 : i32
    }
    %scan3A_6 = arith.constant 64 : i32
    %mul3A_7 = arith.constant 320 : i32
    %mul3A_8 = arith.muli %arg1, %mul3A_7 : i32
    %add3A = arith.constant 0 : i32
    %add3A_9 = arith.addi %mul3A_8, %add3A : i32
    "tpu.region"() ({
      %run_scoped3A = tpu.sem_alloc : memref<!tpu.dma_semaphore, #tpu.memory_space<semaphore_mem>>
      %dma_start3A_288 = arith.constant 0 : i32
      %dma_start3A_289 = tpu.memref_slice %arg13[%add3A_9, %dma_start3A_288] : memref<5128x64xf32, #tpu.memory_space<vmem_shared>> -> memref<64x64xf32, #tpu.memory_space<vmem_shared>>
      %dma_start3A_290 = arith.constant 0 : i32
      %dma_start3A_291 = tpu.memref_slice %arg13[%add3A_9, %dma_start3A_290] : memref<5128x64xf32, #tpu.memory_space<vmem_shared>> -> memref<64x64xf32, #tpu.memory_space<vmem_shared>>
      tpu.enqueue_dma source(%arg12 : memref<64x64xf32, #tpu.memory_space<vmem>>) target(%dma_start3A_291 : memref<64x64xf32, #tpu.memory_space<vmem_shared>>) target_semaphore(%run_scoped3A : memref<!tpu.dma_semaphore, #tpu.memory_space<semaphore_mem>>)
      %dma_wait3A_292 = arith.constant 0 : i32
      %dma_wait3A_293 = tpu.memref_slice %arg13[%add3A_9, %dma_wait3A_292] : memref<5128x64xf32, #tpu.memory_space<vmem_shared>> -> memref<64x64xf32, #tpu.memory_space<vmem_shared>>
      %dma_wait3A_294 = arith.constant 0 : i32
      %dma_wait3A_295 = tpu.memref_slice %arg13[%add3A_9, %dma_wait3A_294] : memref<5128x64xf32, #tpu.memory_space<vmem_shared>> -> memref<64x64xf32, #tpu.memory_space<vmem_shared>>
      tpu.wait_dma2 semaphore(%run_scoped3A : memref<!tpu.dma_semaphore, #tpu.memory_space<semaphore_mem>>) src(%arg12 : memref<64x64xf32, #tpu.memory_space<vmem>>) dst(%dma_wait3A_295 : memref<64x64xf32, #tpu.memory_space<vmem_shared>>)
      tpu.yield
    }) : () -> ()
    %mul3A_10 = arith.constant 320 : i32
    %mul3A_11 = arith.muli %arg1, %mul3A_10 : i32
    %add3A_12 = arith.constant 64 : i32
    %add3A_13 = arith.addi %mul3A_11, %add3A_12 : i32
    "tpu.region"() ({
      %run_scoped3A = tpu.sem_alloc : memref<!tpu.dma_semaphore, #tpu.memory_space<semaphore_mem>>
      %dma_start3A_288 = arith.constant 0 : i32
      %dma_start3A_289 = tpu.memref_slice %arg13[%add3A_13, %dma_start3A_288] : memref<5128x64xf32, #tpu.memory_space<vmem_shared>> -> memref<64x64xf32, #tpu.memory_space<vmem_shared>>
      %dma_start3A_290 = arith.constant 0 : i32
      %dma_start3A_291 = tpu.memref_slice %arg13[%add3A_13, %dma_start3A_290] : memref<5128x64xf32, #tpu.memory_space<vmem_shared>> -> memref<64x64xf32, #tpu.memory_space<vmem_shared>>
      tpu.enqueue_dma source(%arg12 : memref<64x64xf32, #tpu.memory_space<vmem>>) target(%dma_start3A_291 : memref<64x64xf32, #tpu.memory_space<vmem_shared>>) target_semaphore(%run_scoped3A : memref<!tpu.dma_semaphore, #tpu.memory_space<semaphore_mem>>)
      %dma_wait3A_292 = arith.constant 0 : i32
      %dma_wait3A_293 = tpu.memref_slice %arg13[%add3A_13, %dma_wait3A_292] : memref<5128x64xf32, #tpu.memory_space<vmem_shared>> -> memref<64x64xf32, #tpu.memory_space<vmem_shared>>
      %dma_wait3A_294 = arith.constant 0 : i32
      %dma_wait3A_295 = tpu.memref_slice %arg13[%add3A_13, %dma_wait3A_294] : memref<5128x64xf32, #tpu.memory_space<vmem_shared>> -> memref<64x64xf32, #tpu.memory_space<vmem_shared>>
      tpu.wait_dma2 semaphore(%run_scoped3A : memref<!tpu.dma_semaphore, #tpu.memory_space<semaphore_mem>>) src(%arg12 : memref<64x64xf32, #tpu.memory_space<vmem>>) dst(%dma_wait3A_295 : memref<64x64xf32, #tpu.memory_space<vmem_shared>>)
      tpu.yield
    }) : () -> ()
    %mul3A_14 = arith.constant 320 : i32
    %mul3A_15 = arith.muli %arg1, %mul3A_14 : i32
    %add3A_16 = arith.constant 128 : i32
    %add3A_17 = arith.addi %mul3A_15, %add3A_16 : i32
    "tpu.region"() ({
      %run_scoped3A = tpu.sem_alloc : memref<!tpu.dma_semaphore, #tpu.memory_space<semaphore_mem>>
      %dma_start3A_288 = arith.constant 0 : i32
      %dma_start3A_289 = tpu.memref_slice %arg13[%add3A_17, %dma_start3A_288] : memref<5128x64xf32, #tpu.memory_space<vmem_shared>> -> memref<64x64xf32, #tpu.memory_space<vmem_shared>>
      %dma_start3A_290 = arith.constant 0 : i32
      %dma_start3A_291 = tpu.memref_slice %arg13[%add3A_17, %dma_start3A_290] : memref<5128x64xf32, #tpu.memory_space<vmem_shared>> -> memref<64x64xf32, #tpu.memory_space<vmem_shared>>
      tpu.enqueue_dma source(%arg12 : memref<64x64xf32, #tpu.memory_space<vmem>>) target(%dma_start3A_291 : memref<64x64xf32, #tpu.memory_space<vmem_shared>>) target_semaphore(%run_scoped3A : memref<!tpu.dma_semaphore, #tpu.memory_space<semaphore_mem>>)
      %dma_wait3A_292 = arith.constant 0 : i32
      %dma_wait3A_293 = tpu.memref_slice %arg13[%add3A_17, %dma_wait3A_292] : memref<5128x64xf32, #tpu.memory_space<vmem_shared>> -> memref<64x64xf32, #tpu.memory_space<vmem_shared>>
      %dma_wait3A_294 = arith.constant 0 : i32
      %dma_wait3A_295 = tpu.memref_slice %arg13[%add3A_17, %dma_wait3A_294] : memref<5128x64xf32, #tpu.memory_space<vmem_shared>> -> memref<64x64xf32, #tpu.memory_space<vmem_shared>>
      tpu.wait_dma2 semaphore(%run_scoped3A : memref<!tpu.dma_semaphore, #tpu.memory_space<semaphore_mem>>) src(%arg12 : memref<64x64xf32, #tpu.memory_space<vmem>>) dst(%dma_wait3A_295 : memref<64x64xf32, #tpu.memory_space<vmem_shared>>)
      tpu.yield
    }) : () -> ()
    %mul3A_18 = arith.constant 320 : i32
    %mul3A_19 = arith.muli %arg1, %mul3A_18 : i32
    %add3A_20 = arith.constant 192 : i32
    %add3A_21 = arith.addi %mul3A_19, %add3A_20 : i32
    "tpu.region"() ({
      %run_scoped3A = tpu.sem_alloc : memref<!tpu.dma_semaphore, #tpu.memory_space<semaphore_mem>>
      %dma_start3A_288 = arith.constant 0 : i32
      %dma_start3A_289 = tpu.memref_slice %arg13[%add3A_21, %dma_start3A_288] : memref<5128x64xf32, #tpu.memory_space<vmem_shared>> -> memref<64x64xf32, #tpu.memory_space<vmem_shared>>
      %dma_start3A_290 = arith.constant 0 : i32
      %dma_start3A_291 = tpu.memref_slice %arg13[%add3A_21, %dma_start3A_290] : memref<5128x64xf32, #tpu.memory_space<vmem_shared>> -> memref<64x64xf32, #tpu.memory_space<vmem_shared>>
      tpu.enqueue_dma source(%arg12 : memref<64x64xf32, #tpu.memory_space<vmem>>) target(%dma_start3A_291 : memref<64x64xf32, #tpu.memory_space<vmem_shared>>) target_semaphore(%run_scoped3A : memref<!tpu.dma_semaphore, #tpu.memory_space<semaphore_mem>>)
      %dma_wait3A_292 = arith.constant 0 : i32
      %dma_wait3A_293 = tpu.memref_slice %arg13[%add3A_21, %dma_wait3A_292] : memref<5128x64xf32, #tpu.memory_space<vmem_shared>> -> memref<64x64xf32, #tpu.memory_space<vmem_shared>>
      %dma_wait3A_294 = arith.constant 0 : i32
      %dma_wait3A_295 = tpu.memref_slice %arg13[%add3A_21, %dma_wait3A_294] : memref<5128x64xf32, #tpu.memory_space<vmem_shared>> -> memref<64x64xf32, #tpu.memory_space<vmem_shared>>
      tpu.wait_dma2 semaphore(%run_scoped3A : memref<!tpu.dma_semaphore, #tpu.memory_space<semaphore_mem>>) src(%arg12 : memref<64x64xf32, #tpu.memory_space<vmem>>) dst(%dma_wait3A_295 : memref<64x64xf32, #tpu.memory_space<vmem_shared>>)
      tpu.yield
    }) : () -> ()
    %mul3A_22 = arith.constant 320 : i32
    %mul3A_23 = arith.muli %arg1, %mul3A_22 : i32
    %add3A_24 = arith.constant 256 : i32
    %add3A_25 = arith.addi %mul3A_23, %add3A_24 : i32
    "tpu.region"() ({
      %run_scoped3A = tpu.sem_alloc : memref<!tpu.dma_semaphore, #tpu.memory_space<semaphore_mem>>
      %dma_start3A_288 = arith.constant 0 : i32
      %dma_start3A_289 = tpu.memref_slice %arg13[%add3A_25, %dma_start3A_288] : memref<5128x64xf32, #tpu.memory_space<vmem_shared>> -> memref<64x64xf32, #tpu.memory_space<vmem_shared>>
      %dma_start3A_290 = arith.constant 0 : i32
      %dma_start3A_291 = tpu.memref_slice %arg13[%add3A_25, %dma_start3A_290] : memref<5128x64xf32, #tpu.memory_space<vmem_shared>> -> memref<64x64xf32, #tpu.memory_space<vmem_shared>>
      tpu.enqueue_dma source(%arg12 : memref<64x64xf32, #tpu.memory_space<vmem>>) target(%dma_start3A_291 : memref<64x64xf32, #tpu.memory_space<vmem_shared>>) target_semaphore(%run_scoped3A : memref<!tpu.dma_semaphore, #tpu.memory_space<semaphore_mem>>)
      %dma_wait3A_292 = arith.constant 0 : i32
      %dma_wait3A_293 = tpu.memref_slice %arg13[%add3A_25, %dma_wait3A_292] : memref<5128x64xf32, #tpu.memory_space<vmem_shared>> -> memref<64x64xf32, #tpu.memory_space<vmem_shared>>
      %dma_wait3A_294 = arith.constant 0 : i32
      %dma_wait3A_295 = tpu.memref_slice %arg13[%add3A_25, %dma_wait3A_294] : memref<5128x64xf32, #tpu.memory_space<vmem_shared>> -> memref<64x64xf32, #tpu.memory_space<vmem_shared>>
      tpu.wait_dma2 semaphore(%run_scoped3A : memref<!tpu.dma_semaphore, #tpu.memory_space<semaphore_mem>>) src(%arg12 : memref<64x64xf32, #tpu.memory_space<vmem>>) dst(%dma_wait3A_295 : memref<64x64xf32, #tpu.memory_space<vmem_shared>>)
      tpu.yield
    }) : () -> ()
    %eq3A = arith.constant 0 : i32
    %eq3A_26 = arith.cmpi eq, %arg1, %eq3A : i32
    %convert_element_type3A = arith.extui %eq3A_26 : i1 to i32
    %cond3A = arith.constant 0 : i32
    %cond3A_27 = arith.cmpi ne, %convert_element_type3A, %cond3A : i32
    scf.if %cond3A_27 {
      "tpu.region"() ({
        %run_scoped3A = tpu.sem_alloc : memref<!tpu.dma_semaphore, #tpu.memory_space<semaphore_mem>>
        %dma_start3A_288 = arith.constant 0 : i32
        %dma_start3A_289 = arith.constant 0 : i32
        %dma_start3A_290 = tpu.memref_slice %arg12[%dma_start3A_288, %dma_start3A_289] : memref<64x64xf32, #tpu.memory_space<vmem>> -> memref<8x64xf32, #tpu.memory_space<vmem>>
        %dma_start3A_291 = arith.constant 5120 : i32
        %dma_start3A_292 = arith.constant 0 : i32
        %dma_start3A_293 = tpu.memref_slice %arg13[%dma_start3A_291, %dma_start3A_292] : memref<5128x64xf32, #tpu.memory_space<vmem_shared>> -> memref<8x64xf32, #tpu.memory_space<vmem_shared>>
        %dma_start3A_294 = arith.constant 5120 : i32
        %dma_start3A_295 = arith.constant 0 : i32
        %dma_start3A_296 = tpu.memref_slice %arg13[%dma_start3A_294, %dma_start3A_295] : memref<5128x64xf32, #tpu.memory_space<vmem_shared>> -> memref<8x64xf32, #tpu.memory_space<vmem_shared>>
        %dma_start3A_297 = arith.constant 0 : i32
        %dma_start3A_298 = arith.constant 0 : i32
        %dma_start3A_299 = tpu.memref_slice %arg12[%dma_start3A_297, %dma_start3A_298] : memref<64x64xf32, #tpu.memory_space<vmem>> -> memref<8x64xf32, #tpu.memory_space<vmem>>
        tpu.enqueue_dma source(%dma_start3A_299 : memref<8x64xf32, #tpu.memory_space<vmem>>) target(%dma_start3A_296 : memref<8x64xf32, #tpu.memory_space<vmem_shared>>) target_semaphore(%run_scoped3A : memref<!tpu.dma_semaphore, #tpu.memory_space<semaphore_mem>>)
        %dma_wait3A_300 = arith.constant 0 : i32
        %dma_wait3A_301 = arith.constant 0 : i32
        %dma_wait3A_302 = tpu.memref_slice %arg12[%dma_wait3A_300, %dma_wait3A_301] : memref<64x64xf32, #tpu.memory_space<vmem>> -> memref<8x64xf32, #tpu.memory_space<vmem>>
        %dma_wait3A_303 = arith.constant 5120 : i32
        %dma_wait3A_304 = arith.constant 0 : i32
        %dma_wait3A_305 = tpu.memref_slice %arg13[%dma_wait3A_303, %dma_wait3A_304] : memref<5128x64xf32, #tpu.memory_space<vmem_shared>> -> memref<8x64xf32, #tpu.memory_space<vmem_shared>>
        %dma_wait3A_306 = arith.constant 5120 : i32
        %dma_wait3A_307 = arith.constant 0 : i32
        %dma_wait3A_308 = tpu.memref_slice %arg13[%dma_wait3A_306, %dma_wait3A_307] : memref<5128x64xf32, #tpu.memory_space<vmem_shared>> -> memref<8x64xf32, #tpu.memory_space<vmem_shared>>
        %dma_wait3A_309 = arith.constant 0 : i32
        %dma_wait3A_310 = arith.constant 0 : i32
        %dma_wait3A_311 = tpu.memref_slice %arg12[%dma_wait3A_309, %dma_wait3A_310] : memref<64x64xf32, #tpu.memory_space<vmem>> -> memref<8x64xf32, #tpu.memory_space<vmem>>
        tpu.wait_dma2 semaphore(%run_scoped3A : memref<!tpu.dma_semaphore, #tpu.memory_space<semaphore_mem>>) src(%dma_wait3A_311 : memref<8x64xf32, #tpu.memory_space<vmem>>) dst(%dma_wait3A_308 : memref<8x64xf32, #tpu.memory_space<vmem_shared>>)
        tpu.yield
      }) : () -> ()
    } else {
    }
    %mul3A_28 = arith.constant 2 : i32
    %mul3A_29 = arith.muli %arg1, %mul3A_28 : i32
    %add3A_30 = arith.constant 0 : i32
    %add3A_31 = arith.addi %mul3A_29, %add3A_30 : i32
    %mul3A_32 = arith.constant 20000 : i32
    %mul3A_33 = arith.muli %add3A_31, %mul3A_32 : i32
    "tpu.region"() ({
      %run_scoped3A = tpu.sem_alloc : memref<!tpu.dma_semaphore, #tpu.memory_space<semaphore_mem>>
      %dma_start3A_288 = arith.constant 0 : i32
      %dma_start3A_289 = tpu.memref_slice %arg6[%dma_start3A_288] : memref<20288xi32, #tpu.memory_space<vmem>> -> memref<20000xi32, #tpu.memory_space<vmem>>
      %dma_start3A_290 = tpu.memref_slice %arg3[%mul3A_33] : memref<640000xi32, #tpu.memory_space<hbm>> -> memref<20000xi32, #tpu.memory_space<hbm>>
      %dma_start3A_291 = arith.constant 0 : i32
      %dma_start3A_292 = tpu.memref_slice %arg6[%dma_start3A_291] : memref<20288xi32, #tpu.memory_space<vmem>> -> memref<20000xi32, #tpu.memory_space<vmem>>
      %dma_start3A_293 = tpu.memref_slice %arg3[%mul3A_33] : memref<640000xi32, #tpu.memory_space<hbm>> -> memref<20000xi32, #tpu.memory_space<hbm>>
      tpu.enqueue_dma source(%dma_start3A_293 : memref<20000xi32, #tpu.memory_space<hbm>>) target(%dma_start3A_292 : memref<20000xi32, #tpu.memory_space<vmem>>) target_semaphore(%run_scoped3A : memref<!tpu.dma_semaphore, #tpu.memory_space<semaphore_mem>>)
      %dma_wait3A_294 = arith.constant 0 : i32
      %dma_wait3A_295 = tpu.memref_slice %arg6[%dma_wait3A_294] : memref<20288xi32, #tpu.memory_space<vmem>> -> memref<20000xi32, #tpu.memory_space<vmem>>
      %dma_wait3A_296 = tpu.memref_slice %arg3[%mul3A_33] : memref<640000xi32, #tpu.memory_space<hbm>> -> memref<20000xi32, #tpu.memory_space<hbm>>
      %dma_wait3A_297 = arith.constant 0 : i32
      %dma_wait3A_298 = tpu.memref_slice %arg6[%dma_wait3A_297] : memref<20288xi32, #tpu.memory_space<vmem>> -> memref<20000xi32, #tpu.memory_space<vmem>>
      %dma_wait3A_299 = tpu.memref_slice %arg3[%mul3A_33] : memref<640000xi32, #tpu.memory_space<hbm>> -> memref<20000xi32, #tpu.memory_space<hbm>>
      tpu.wait_dma2 semaphore(%run_scoped3A : memref<!tpu.dma_semaphore, #tpu.memory_space<semaphore_mem>>) src(%dma_wait3A_299 : memref<20000xi32, #tpu.memory_space<hbm>>) dst(%dma_wait3A_298 : memref<20000xi32, #tpu.memory_space<vmem>>)
      tpu.yield
    }) : () -> ()
    "tpu.region"() ({
      %run_scoped3A = tpu.sem_alloc : memref<!tpu.dma_semaphore, #tpu.memory_space<semaphore_mem>>
      %dma_start3A_288 = arith.constant 0 : i32
      %dma_start3A_289 = tpu.memref_slice %arg7[%dma_start3A_288] : memref<20288xi32, #tpu.memory_space<vmem>> -> memref<20000xi32, #tpu.memory_space<vmem>>
      %dma_start3A_290 = tpu.memref_slice %arg4[%mul3A_33] : memref<640000xi32, #tpu.memory_space<hbm>> -> memref<20000xi32, #tpu.memory_space<hbm>>
      %dma_start3A_291 = arith.constant 0 : i32
      %dma_start3A_292 = tpu.memref_slice %arg7[%dma_start3A_291] : memref<20288xi32, #tpu.memory_space<vmem>> -> memref<20000xi32, #tpu.memory_space<vmem>>
      %dma_start3A_293 = tpu.memref_slice %arg4[%mul3A_33] : memref<640000xi32, #tpu.memory_space<hbm>> -> memref<20000xi32, #tpu.memory_space<hbm>>
      tpu.enqueue_dma source(%dma_start3A_293 : memref<20000xi32, #tpu.memory_space<hbm>>) target(%dma_start3A_292 : memref<20000xi32, #tpu.memory_space<vmem>>) target_semaphore(%run_scoped3A : memref<!tpu.dma_semaphore, #tpu.memory_space<semaphore_mem>>)
      %dma_wait3A_294 = arith.constant 0 : i32
      %dma_wait3A_295 = tpu.memref_slice %arg7[%dma_wait3A_294] : memref<20288xi32, #tpu.memory_space<vmem>> -> memref<20000xi32, #tpu.memory_space<vmem>>
      %dma_wait3A_296 = tpu.memref_slice %arg4[%mul3A_33] : memref<640000xi32, #tpu.memory_space<hbm>> -> memref<20000xi32, #tpu.memory_space<hbm>>
      %dma_wait3A_297 = arith.constant 0 : i32
      %dma_wait3A_298 = tpu.memref_slice %arg7[%dma_wait3A_297] : memref<20288xi32, #tpu.memory_space<vmem>> -> memref<20000xi32, #tpu.memory_space<vmem>>
      %dma_wait3A_299 = tpu.memref_slice %arg4[%mul3A_33] : memref<640000xi32, #tpu.memory_space<hbm>> -> memref<20000xi32, #tpu.memory_space<hbm>>
      tpu.wait_dma2 semaphore(%run_scoped3A : memref<!tpu.dma_semaphore, #tpu.memory_space<semaphore_mem>>) src(%dma_wait3A_299 : memref<20000xi32, #tpu.memory_space<hbm>>) dst(%dma_wait3A_298 : memref<20000xi32, #tpu.memory_space<vmem>>)
      tpu.yield
    }) : () -> ()
    %broadcast_in_dim3A = arith.constant 10000 : i32
    %broadcast_in_dim3A_34 = vector.broadcast %broadcast_in_dim3A : i32 to vector<16xi32>
    %scan3A_35 = arith.constant 0 : i32
    %scan3A_36 = arith.constant 0 : i32
    %scan3A_37 = arith.constant 18 : i32
    %scan3A_38 = arith.addi %scan3A_36, %scan3A_37 : i32
    %scan3A_39 = arith.constant 1 : i32
    %scan3A_40 = scf.for %scan3A_288 = %scan3A_36 to %scan3A_38 step %scan3A_39 iter_args(%scan3A_289 = %scan3A_35) -> (i32)  : i32 {
      %mul3A_290 = arith.constant 16 : i32
      %mul3A_291 = arith.muli %scan3A_288, %mul3A_290 : i32
      %add3A_292 = arith.constant 20000 : i32
      %add3A_293 = arith.addi %add3A_292, %mul3A_291 : i32
      %swap3A = arith.index_cast %add3A_293 : i32 to index
      %swap3A_294 = tpu.vector_load %arg6[%swap3A] {strides = array<i32>} : memref<20288xi32, #tpu.memory_space<vmem>>, vector<16xi32>,
      %swap3A_295 = vector.shape_cast %swap3A_294 : vector<16xi32> to vector<16xi32>
      %swap3A_296 = vector.shape_cast %broadcast_in_dim3A_34 : vector<16xi32> to vector<16xi32>
      tpu.vector_store %arg6[%swap3A], %swap3A_296 {strides = array<i32>} : memref<20288xi32, #tpu.memory_space<vmem>>, vector<16xi32>,
      %scan3A_297 = arith.constant 0 : i32
      scf.yield %scan3A_297 : i32
    }
    %scan3A_41 = arith.constant 18 : i32
    %broadcast_in_dim3A_42 = arith.constant 10000 : i32
    %broadcast_in_dim3A_43 = vector.broadcast %broadcast_in_dim3A_42 : i32 to vector<16xi32>
    %scan3A_44 = arith.constant 0 : i32
    %scan3A_45 = arith.constant 0 : i32
    %scan3A_46 = arith.constant 18 : i32
    %scan3A_47 = arith.addi %scan3A_45, %scan3A_46 : i32
    %scan3A_48 = arith.constant 1 : i32
    %scan3A_49 = scf.for %scan3A_288 = %scan3A_45 to %scan3A_47 step %scan3A_48 iter_args(%scan3A_289 = %scan3A_44) -> (i32)  : i32 {
      %mul3A_290 = arith.constant 16 : i32
      %mul3A_291 = arith.muli %scan3A_288, %mul3A_290 : i32
      %add3A_292 = arith.constant 20000 : i32
      %add3A_293 = arith.addi %add3A_292, %mul3A_291 : i32
      %swap3A = arith.index_cast %add3A_293 : i32 to index
      %swap3A_294 = tpu.vector_load %arg7[%swap3A] {strides = array<i32>} : memref<20288xi32, #tpu.memory_space<vmem>>, vector<16xi32>,
      %swap3A_295 = vector.shape_cast %swap3A_294 : vector<16xi32> to vector<16xi32>
      %swap3A_296 = vector.shape_cast %broadcast_in_dim3A_43 : vector<16xi32> to vector<16xi32>
      tpu.vector_store %arg7[%swap3A], %swap3A_296 {strides = array<i32>} : memref<20288xi32, #tpu.memory_space<vmem>>, vector<16xi32>,
      %scan3A_297 = arith.constant 0 : i32
      scf.yield %scan3A_297 : i32
    }
    %scan3A_50 = arith.constant 18 : i32
    %scan3A_51 = arith.constant 0 : i32
    %scan3A_52 = arith.constant 0 : i32
    %scan3A_53 = arith.constant 317 : i32
    %scan3A_54 = arith.addi %scan3A_52, %scan3A_53 : i32
    %scan3A_55 = arith.constant 1 : i32
    %scan3A_56 = scf.for %scan3A_288 = %scan3A_52 to %scan3A_54 step %scan3A_55 iter_args(%scan3A_289 = %scan3A_51) -> (i32)  : i32 {
      %mul3A_290 = arith.constant 64 : i32
      %mul3A_291 = arith.muli %scan3A_288, %mul3A_290 : i32
      %add3A_292 = arith.constant 0 : i32
      %add3A_293 = arith.addi %mul3A_291, %add3A_292 : i32
      %get3A = arith.index_cast %add3A_293 : i32 to index
      %get3A_294 = tpu.vector_load %arg6[%get3A] {strides = array<i32>} : memref<20288xi32, #tpu.memory_space<vmem>>, vector<16xi32>,
      %get3A_295 = vector.shape_cast %get3A_294 : vector<16xi32> to vector<16xi32>
      %get3A_296 = arith.index_cast %add3A_293 : i32 to index
      %get3A_297 = tpu.vector_load %arg7[%get3A_296] {strides = array<i32>} : memref<20288xi32, #tpu.memory_space<vmem>>, vector<16xi32>,
      %get3A_298 = vector.shape_cast %get3A_297 : vector<16xi32> to vector<16xi32>
      %eq3A_299 = arith.cmpi eq, %get3A_295, %get3A_298 : vector<16xi32>
      %broadcast_in_dim3A_300 = arith.constant 10000 : i32
      %broadcast_in_dim3A_301 = vector.broadcast %broadcast_in_dim3A_300 : i32 to vector<16xi32>
      %select_n3A = arith.select %eq3A_299, %broadcast_in_dim3A_301, %get3A_295 : vector<16xi1>, vector<16xi32>
      %swap3A = arith.index_cast %add3A_293 : i32 to index
      %swap3A_302 = tpu.vector_load %arg6[%swap3A] {strides = array<i32>} : memref<20288xi32, #tpu.memory_space<vmem>>, vector<16xi32>,
      %swap3A_303 = vector.shape_cast %swap3A_302 : vector<16xi32> to vector<16xi32>
      %swap3A_304 = vector.shape_cast %select_n3A : vector<16xi32> to vector<16xi32>
      tpu.vector_store %arg6[%swap3A], %swap3A_304 {strides = array<i32>} : memref<20288xi32, #tpu.memory_space<vmem>>, vector<16xi32>,
      %sub3A = vector.broadcast %mul3A_0 : i32 to vector<16xi32>
      %sub3A_305 = arith.subi %get3A_298, %sub3A : vector<16xi32>
      %lt3A = arith.constant 0 : i32
      %lt3A_306 = vector.broadcast %lt3A : i32 to vector<16xi32>
      %lt3A_307 = arith.cmpi slt, %sub3A_305, %lt3A_306 : vector<16xi32>
      %ge3A = arith.constant 5120 : i32
      %ge3A_308 = vector.broadcast %ge3A : i32 to vector<16xi32>
      %ge3A_309 = arith.cmpi sge, %sub3A_305, %ge3A_308 : vector<16xi32>
      %or3A = arith.ori %lt3A_307, %ge3A_309 : vector<16xi1>
      %broadcast_in_dim3A_310 = arith.constant 5120 : i32
      %broadcast_in_dim3A_311 = vector.broadcast %broadcast_in_dim3A_310 : i32 to vector<16xi32>
      %select_n3A_312 = arith.select %or3A, %broadcast_in_dim3A_311, %sub3A_305 : vector<16xi1>, vector<16xi32>
      %swap3A_313 = arith.index_cast %scan3A_288 : i32 to index
      %swap3A_314 = arith.constant 0 : index
      %swap3A_315 = tpu.vector_load %arg8[%swap3A_313, %swap3A_314] {strides = array<i32>} : memref<317x64xi32, #tpu.memory_space<vmem>>, vector<1x16xi32>,
      %swap3A_316 = vector.shape_cast %swap3A_315 : vector<1x16xi32> to vector<16xi32>
      %swap3A_317 = vector.shape_cast %select_n3A_312 : vector<16xi32> to vector<1x16xi32>
      tpu.vector_store %arg8[%swap3A_313, %swap3A_314], %swap3A_317 {strides = array<i32>} : memref<317x64xi32, #tpu.memory_space<vmem>>, vector<1x16xi32>,
      %mul3A_318 = arith.constant 64 : i32
      %mul3A_319 = arith.muli %scan3A_288, %mul3A_318 : i32
      %add3A_320 = arith.constant 16 : i32
      %add3A_321 = arith.addi %mul3A_319, %add3A_320 : i32
      %get3A_322 = arith.index_cast %add3A_321 : i32 to index
      %get3A_323 = tpu.vector_load %arg6[%get3A_322] {strides = array<i32>} : memref<20288xi32, #tpu.memory_space<vmem>>, vector<16xi32>,
      %get3A_324 = vector.shape_cast %get3A_323 : vector<16xi32> to vector<16xi32>
      %get3A_325 = arith.index_cast %add3A_321 : i32 to index
      %get3A_326 = tpu.vector_load %arg7[%get3A_325] {strides = array<i32>} : memref<20288xi32, #tpu.memory_space<vmem>>, vector<16xi32>,
      %get3A_327 = vector.shape_cast %get3A_326 : vector<16xi32> to vector<16xi32>
      %eq3A_328 = arith.cmpi eq, %get3A_324, %get3A_327 : vector<16xi32>
      %broadcast_in_dim3A_329 = arith.constant 10000 : i32
      %broadcast_in_dim3A_330 = vector.broadcast %broadcast_in_dim3A_329 : i32 to vector<16xi32>
      %select_n3A_331 = arith.select %eq3A_328, %broadcast_in_dim3A_330, %get3A_324 : vector<16xi1>, vector<16xi32>
      %swap3A_332 = arith.index_cast %add3A_321 : i32 to index
      %swap3A_333 = tpu.vector_load %arg6[%swap3A_332] {strides = array<i32>} : memref<20288xi32, #tpu.memory_space<vmem>>, vector<16xi32>,
      %swap3A_334 = vector.shape_cast %swap3A_333 : vector<16xi32> to vector<16xi32>
      %swap3A_335 = vector.shape_cast %select_n3A_331 : vector<16xi32> to vector<16xi32>
      tpu.vector_store %arg6[%swap3A_332], %swap3A_335 {strides = array<i32>} : memref<20288xi32, #tpu.memory_space<vmem>>, vector<16xi32>,
      %sub3A_336 = vector.broadcast %mul3A_0 : i32 to vector<16xi32>
      %sub3A_337 = arith.subi %get3A_327, %sub3A_336 : vector<16xi32>
      %lt3A_338 = arith.constant 0 : i32
      %lt3A_339 = vector.broadcast %lt3A_338 : i32 to vector<16xi32>
      %lt3A_340 = arith.cmpi slt, %sub3A_337, %lt3A_339 : vector<16xi32>
      %ge3A_341 = arith.constant 5120 : i32
      %ge3A_342 = vector.broadcast %ge3A_341 : i32 to vector<16xi32>
      %ge3A_343 = arith.cmpi sge, %sub3A_337, %ge3A_342 : vector<16xi32>
      %or3A_344 = arith.ori %lt3A_340, %ge3A_343 : vector<16xi1>
      %broadcast_in_dim3A_345 = arith.constant 5120 : i32
      %broadcast_in_dim3A_346 = vector.broadcast %broadcast_in_dim3A_345 : i32 to vector<16xi32>
      %select_n3A_347 = arith.select %or3A_344, %broadcast_in_dim3A_346, %sub3A_337 : vector<16xi1>, vector<16xi32>
      %swap3A_348 = arith.index_cast %scan3A_288 : i32 to index
      %swap3A_349 = arith.constant 16 : index
      %swap3A_350 = tpu.vector_load %arg8[%swap3A_348, %swap3A_349] {strides = array<i32>} : memref<317x64xi32, #tpu.memory_space<vmem>>, vector<1x16xi32>,
      %swap3A_351 = vector.shape_cast %swap3A_350 : vector<1x16xi32> to vector<16xi32>
      %swap3A_352 = vector.shape_cast %select_n3A_347 : vector<16xi32> to vector<1x16xi32>
      tpu.vector_store %arg8[%swap3A_348, %swap3A_349], %swap3A_352 {strides = array<i32>} : memref<317x64xi32, #tpu.memory_space<vmem>>, vector<1x16xi32>,
      %mul3A_353 = arith.constant 64 : i32
      %mul3A_354 = arith.muli %scan3A_288, %mul3A_353 : i32
      %add3A_355 = arith.constant 32 : i32
      %add3A_356 = arith.addi %mul3A_354, %add3A_355 : i32
      %get3A_357 = arith.index_cast %add3A_356 : i32 to index
      %get3A_358 = tpu.vector_load %arg6[%get3A_357] {strides = array<i32>} : memref<20288xi32, #tpu.memory_space<vmem>>, vector<16xi32>,
      %get3A_359 = vector.shape_cast %get3A_358 : vector<16xi32> to vector<16xi32>
      %get3A_360 = arith.index_cast %add3A_356 : i32 to index
      %get3A_361 = tpu.vector_load %arg7[%get3A_360] {strides = array<i32>} : memref<20288xi32, #tpu.memory_space<vmem>>, vector<16xi32>,
      %get3A_362 = vector.shape_cast %get3A_361 : vector<16xi32> to vector<16xi32>
      %eq3A_363 = arith.cmpi eq, %get3A_359, %get3A_362 : vector<16xi32>
      %broadcast_in_dim3A_364 = arith.constant 10000 : i32
      %broadcast_in_dim3A_365 = vector.broadcast %broadcast_in_dim3A_364 : i32 to vector<16xi32>
      %select_n3A_366 = arith.select %eq3A_363, %broadcast_in_dim3A_365, %get3A_359 : vector<16xi1>, vector<16xi32>
      %swap3A_367 = arith.index_cast %add3A_356 : i32 to index
      %swap3A_368 = tpu.vector_load %arg6[%swap3A_367] {strides = array<i32>} : memref<20288xi32, #tpu.memory_space<vmem>>, vector<16xi32>,
      %swap3A_369 = vector.shape_cast %swap3A_368 : vector<16xi32> to vector<16xi32>
      %swap3A_370 = vector.shape_cast %select_n3A_366 : vector<16xi32> to vector<16xi32>
      tpu.vector_store %arg6[%swap3A_367], %swap3A_370 {strides = array<i32>} : memref<20288xi32, #tpu.memory_space<vmem>>, vector<16xi32>,
      %sub3A_371 = vector.broadcast %mul3A_0 : i32 to vector<16xi32>
      %sub3A_372 = arith.subi %get3A_362, %sub3A_371 : vector<16xi32>
      %lt3A_373 = arith.constant 0 : i32
      %lt3A_374 = vector.broadcast %lt3A_373 : i32 to vector<16xi32>
      %lt3A_375 = arith.cmpi slt, %sub3A_372, %lt3A_374 : vector<16xi32>
      %ge3A_376 = arith.constant 5120 : i32
      %ge3A_377 = vector.broadcast %ge3A_376 : i32 to vector<16xi32>
      %ge3A_378 = arith.cmpi sge, %sub3A_372, %ge3A_377 : vector<16xi32>
      %or3A_379 = arith.ori %lt3A_375, %ge3A_378 : vector<16xi1>
      %broadcast_in_dim3A_380 = arith.constant 5120 : i32
      %broadcast_in_dim3A_381 = vector.broadcast %broadcast_in_dim3A_380 : i32 to vector<16xi32>
      %select_n3A_382 = arith.select %or3A_379, %broadcast_in_dim3A_381, %sub3A_372 : vector<16xi1>, vector<16xi32>
      %swap3A_383 = arith.index_cast %scan3A_288 : i32 to index
      %swap3A_384 = arith.constant 32 : index
      %swap3A_385 = tpu.vector_load %arg8[%swap3A_383, %swap3A_384] {strides = array<i32>} : memref<317x64xi32, #tpu.memory_space<vmem>>, vector<1x16xi32>,
      %swap3A_386 = vector.shape_cast %swap3A_385 : vector<1x16xi32> to vector<16xi32>
      %swap3A_387 = vector.shape_cast %select_n3A_382 : vector<16xi32> to vector<1x16xi32>
      tpu.vector_store %arg8[%swap3A_383, %swap3A_384], %swap3A_387 {strides = array<i32>} : memref<317x64xi32, #tpu.memory_space<vmem>>, vector<1x16xi32>,
      %mul3A_388 = arith.constant 64 : i32
      %mul3A_389 = arith.muli %scan3A_288, %mul3A_388 : i32
      %add3A_390 = arith.constant 48 : i32
      %add3A_391 = arith.addi %mul3A_389, %add3A_390 : i32
      %get3A_392 = arith.index_cast %add3A_391 : i32 to index
      %get3A_393 = tpu.vector_load %arg6[%get3A_392] {strides = array<i32>} : memref<20288xi32, #tpu.memory_space<vmem>>, vector<16xi32>,
      %get3A_394 = vector.shape_cast %get3A_393 : vector<16xi32> to vector<16xi32>
      %get3A_395 = arith.index_cast %add3A_391 : i32 to index
      %get3A_396 = tpu.vector_load %arg7[%get3A_395] {strides = array<i32>} : memref<20288xi32, #tpu.memory_space<vmem>>, vector<16xi32>,
      %get3A_397 = vector.shape_cast %get3A_396 : vector<16xi32> to vector<16xi32>
      %eq3A_398 = arith.cmpi eq, %get3A_394, %get3A_397 : vector<16xi32>
      %broadcast_in_dim3A_399 = arith.constant 10000 : i32
      %broadcast_in_dim3A_400 = vector.broadcast %broadcast_in_dim3A_399 : i32 to vector<16xi32>
      %select_n3A_401 = arith.select %eq3A_398, %broadcast_in_dim3A_400, %get3A_394 : vector<16xi1>, vector<16xi32>
      %swap3A_402 = arith.index_cast %add3A_391 : i32 to index
      %swap3A_403 = tpu.vector_load %arg6[%swap3A_402] {strides = array<i32>} : memref<20288xi32, #tpu.memory_space<vmem>>, vector<16xi32>,
      %swap3A_404 = vector.shape_cast %swap3A_403 : vector<16xi32> to vector<16xi32>
      %swap3A_405 = vector.shape_cast %select_n3A_401 : vector<16xi32> to vector<16xi32>
      tpu.vector_store %arg6[%swap3A_402], %swap3A_405 {strides = array<i32>} : memref<20288xi32, #tpu.memory_space<vmem>>, vector<16xi32>,
      %sub3A_406 = vector.broadcast %mul3A_0 : i32 to vector<16xi32>
      %sub3A_407 = arith.subi %get3A_397, %sub3A_406 : vector<16xi32>
      %lt3A_408 = arith.constant 0 : i32
      %lt3A_409 = vector.broadcast %lt3A_408 : i32 to vector<16xi32>
      %lt3A_410 = arith.cmpi slt, %sub3A_407, %lt3A_409 : vector<16xi32>
      %ge3A_411 = arith.constant 5120 : i32
      %ge3A_412 = vector.broadcast %ge3A_411 : i32 to vector<16xi32>
      %ge3A_413 = arith.cmpi sge, %sub3A_407, %ge3A_412 : vector<16xi32>
      %or3A_414 = arith.ori %lt3A_410, %ge3A_413 : vector<16xi1>
      %broadcast_in_dim3A_415 = arith.constant 5120 : i32
      %broadcast_in_dim3A_416 = vector.broadcast %broadcast_in_dim3A_415 : i32 to vector<16xi32>
      %select_n3A_417 = arith.select %or3A_414, %broadcast_in_dim3A_416, %sub3A_407 : vector<16xi1>, vector<16xi32>
      %swap3A_418 = arith.index_cast %scan3A_288 : i32 to index
      %swap3A_419 = arith.constant 48 : index
      %swap3A_420 = tpu.vector_load %arg8[%swap3A_418, %swap3A_419] {strides = array<i32>} : memref<317x64xi32, #tpu.memory_space<vmem>>, vector<1x16xi32>,
      %swap3A_421 = vector.shape_cast %swap3A_420 : vector<1x16xi32> to vector<16xi32>
      %swap3A_422 = vector.shape_cast %select_n3A_417 : vector<16xi32> to vector<1x16xi32>
      tpu.vector_store %arg8[%swap3A_418, %swap3A_419], %swap3A_422 {strides = array<i32>} : memref<317x64xi32, #tpu.memory_space<vmem>>, vector<1x16xi32>,
      %scan3A_423 = arith.constant 0 : i32
      scf.yield %scan3A_423 : i32
    }
    %scan3A_57 = arith.constant 317 : i32
    %barrier3A = arith.constant 0 : index
    tpu.barrier barrier_id(%barrier3A)
    %dma_start3A = arith.constant 0 : i32
    %dma_start3A_58 = tpu.memref_slice %arg6[%dma_start3A] : memref<20288xi32, #tpu.memory_space<vmem>> -> memref<64xi32, #tpu.memory_space<vmem>>
    %dma_start3A_59 = arith.constant 0 : i32
    %dma_start3A_60 = arith.constant 0 : i32
    %dma_start3A_61 = tpu.memref_slice %arg2[%dma_start3A_59, %dma_start3A_60] : memref<10240x64xf32, #tpu.memory_space<hbm>> -> memref<10240x64xf32, #tpu.memory_space<hbm>>
    tpu.enqueue_indirect_dma source(%dma_start3A_61 : memref<10240x64xf32, #tpu.memory_space<hbm>>) target(%arg9 : memref<64x64xf32, #tpu.memory_space<vmem>>) offsets(%dma_start3A_58 : memref<64xi32, #tpu.memory_space<vmem>>) semaphore(%arg14 : memref<!tpu.dma_semaphore, #tpu.memory_space<semaphore_mem>>)
    %dma_start3A_62 = arith.constant 64 : i32
    %dma_start3A_63 = tpu.memref_slice %arg6[%dma_start3A_62] : memref<20288xi32, #tpu.memory_space<vmem>> -> memref<64xi32, #tpu.memory_space<vmem>>
    %dma_start3A_64 = arith.constant 0 : i32
    %dma_start3A_65 = arith.constant 0 : i32
    %dma_start3A_66 = tpu.memref_slice %arg2[%dma_start3A_64, %dma_start3A_65] : memref<10240x64xf32, #tpu.memory_space<hbm>> -> memref<10240x64xf32, #tpu.memory_space<hbm>>
    tpu.enqueue_indirect_dma source(%dma_start3A_66 : memref<10240x64xf32, #tpu.memory_space<hbm>>) target(%arg10 : memref<64x64xf32, #tpu.memory_space<vmem>>) offsets(%dma_start3A_63 : memref<64xi32, #tpu.memory_space<vmem>>) semaphore(%arg15 : memref<!tpu.dma_semaphore, #tpu.memory_space<semaphore_mem>>)
    %dma_wait3A = arith.constant 0 : i32
    %dma_wait3A_67 = tpu.memref_slice %arg6[%dma_wait3A] : memref<20288xi32, #tpu.memory_space<vmem>> -> memref<64xi32, #tpu.memory_space<vmem>>
    %dma_wait3A_68 = arith.constant 0 : i32
    %dma_wait3A_69 = arith.constant 0 : i32
    %dma_wait3A_70 = tpu.memref_slice %arg2[%dma_wait3A_68, %dma_wait3A_69] : memref<10240x64xf32, #tpu.memory_space<hbm>> -> memref<10240x64xf32, #tpu.memory_space<hbm>>
    tpu.wait_indirect_dma semaphore(%arg14 : memref<!tpu.dma_semaphore, #tpu.memory_space<semaphore_mem>>) src(%dma_wait3A_70 : memref<10240x64xf32, #tpu.memory_space<hbm>>) dst(%arg9 : memref<64x64xf32, #tpu.memory_space<vmem>>)
    %dma_start3A_71 = arith.constant 0 : i32
    %dma_start3A_72 = arith.constant 0 : i32
    %dma_start3A_73 = tpu.memref_slice %arg8[%dma_start3A_71, %dma_start3A_72] : memref<317x64xi32, #tpu.memory_space<vmem>> -> memref<1x64xi32, #tpu.memory_space<vmem>>
    %dma_start3A_74 = tpu.memref_squeeze %dma_start3A_73 : memref<1x64xi32, #tpu.memory_space<vmem>> -> memref<64xi32, #tpu.memory_space<vmem>>
    %dma_start3A_75 = arith.constant 0 : i32
    %dma_start3A_76 = arith.constant 0 : i32
    %dma_start3A_77 = tpu.memref_slice %arg13[%dma_start3A_75, %dma_start3A_76] : memref<5128x64xf32, #tpu.memory_space<vmem_shared>> -> memref<5128x64xf32, #tpu.memory_space<vmem_shared>>
    tpu.enqueue_indirect_dma source(%arg9 : memref<64x64xf32, #tpu.memory_space<vmem>>) target(%dma_start3A_77 : memref<5128x64xf32, #tpu.memory_space<vmem_shared>>) offsets(%dma_start3A_74 : memref<64xi32, #tpu.memory_space<vmem>>) semaphore(%arg17 : memref<!tpu.dma_semaphore, #tpu.memory_space<semaphore_mem>>) {add = true}
    %dma_start3A_78 = arith.constant 128 : i32
    %dma_start3A_79 = tpu.memref_slice %arg6[%dma_start3A_78] : memref<20288xi32, #tpu.memory_space<vmem>> -> memref<64xi32, #tpu.memory_space<vmem>>
    %dma_start3A_80 = arith.constant 0 : i32
    %dma_start3A_81 = arith.constant 0 : i32
    %dma_start3A_82 = tpu.memref_slice %arg2[%dma_start3A_80, %dma_start3A_81] : memref<10240x64xf32, #tpu.memory_space<hbm>> -> memref<10240x64xf32, #tpu.memory_space<hbm>>
    tpu.enqueue_indirect_dma source(%dma_start3A_82 : memref<10240x64xf32, #tpu.memory_space<hbm>>) target(%arg11 : memref<64x64xf32, #tpu.memory_space<vmem>>) offsets(%dma_start3A_79 : memref<64xi32, #tpu.memory_space<vmem>>) semaphore(%arg16 : memref<!tpu.dma_semaphore, #tpu.memory_space<semaphore_mem>>)
    %dma_wait3A_83 = arith.constant 64 : i32
    %dma_wait3A_84 = tpu.memref_slice %arg6[%dma_wait3A_83] : memref<20288xi32, #tpu.memory_space<vmem>> -> memref<64xi32, #tpu.memory_space<vmem>>
    %dma_wait3A_85 = arith.constant 0 : i32
    %dma_wait3A_86 = arith.constant 0 : i32
    %dma_wait3A_87 = tpu.memref_slice %arg2[%dma_wait3A_85, %dma_wait3A_86] : memref<10240x64xf32, #tpu.memory_space<hbm>> -> memref<10240x64xf32, #tpu.memory_space<hbm>>
    tpu.wait_indirect_dma semaphore(%arg15 : memref<!tpu.dma_semaphore, #tpu.memory_space<semaphore_mem>>) src(%dma_wait3A_87 : memref<10240x64xf32, #tpu.memory_space<hbm>>) dst(%arg10 : memref<64x64xf32, #tpu.memory_space<vmem>>)
    %dma_start3A_88 = arith.constant 1 : i32
    %dma_start3A_89 = arith.constant 0 : i32
    %dma_start3A_90 = tpu.memref_slice %arg8[%dma_start3A_88, %dma_start3A_89] : memref<317x64xi32, #tpu.memory_space<vmem>> -> memref<1x64xi32, #tpu.memory_space<vmem>>
    %dma_start3A_91 = tpu.memref_squeeze %dma_start3A_90 : memref<1x64xi32, #tpu.memory_space<vmem>> -> memref<64xi32, #tpu.memory_space<vmem>>
    %dma_start3A_92 = arith.constant 0 : i32
    %dma_start3A_93 = arith.constant 0 : i32
    %dma_start3A_94 = tpu.memref_slice %arg13[%dma_start3A_92, %dma_start3A_93] : memref<5128x64xf32, #tpu.memory_space<vmem_shared>> -> memref<5128x64xf32, #tpu.memory_space<vmem_shared>>
    tpu.enqueue_indirect_dma source(%arg10 : memref<64x64xf32, #tpu.memory_space<vmem>>) target(%dma_start3A_94 : memref<5128x64xf32, #tpu.memory_space<vmem_shared>>) offsets(%dma_start3A_91 : memref<64xi32, #tpu.memory_space<vmem>>) semaphore(%arg18 : memref<!tpu.dma_semaphore, #tpu.memory_space<semaphore_mem>>) {add = true}
    %dma_wait3A_95 = arith.constant 0 : i32
    %dma_wait3A_96 = arith.constant 0 : i32
    %dma_wait3A_97 = tpu.memref_slice %arg8[%dma_wait3A_95, %dma_wait3A_96] : memref<317x64xi32, #tpu.memory_space<vmem>> -> memref<1x64xi32, #tpu.memory_space<vmem>>
    %dma_wait3A_98 = tpu.memref_squeeze %dma_wait3A_97 : memref<1x64xi32, #tpu.memory_space<vmem>> -> memref<64xi32, #tpu.memory_space<vmem>>
    %dma_wait3A_99 = arith.constant 0 : i32
    %dma_wait3A_100 = arith.constant 0 : i32
    %dma_wait3A_101 = tpu.memref_slice %arg13[%dma_wait3A_99, %dma_wait3A_100] : memref<5128x64xf32, #tpu.memory_space<vmem_shared>> -> memref<5128x64xf32, #tpu.memory_space<vmem_shared>>
    tpu.wait_indirect_dma semaphore(%arg17 : memref<!tpu.dma_semaphore, #tpu.memory_space<semaphore_mem>>) src(%arg9 : memref<64x64xf32, #tpu.memory_space<vmem>>) dst(%dma_wait3A_101 : memref<5128x64xf32, #tpu.memory_space<vmem_shared>>)
    %dma_start3A_102 = arith.constant 192 : i32
    %dma_start3A_103 = tpu.memref_slice %arg6[%dma_start3A_102] : memref<20288xi32, #tpu.memory_space<vmem>> -> memref<64xi32, #tpu.memory_space<vmem>>
    %dma_start3A_104 = arith.constant 0 : i32
    %dma_start3A_105 = arith.constant 0 : i32
    %dma_start3A_106 = tpu.memref_slice %arg2[%dma_start3A_104, %dma_start3A_105] : memref<10240x64xf32, #tpu.memory_space<hbm>> -> memref<10240x64xf32, #tpu.memory_space<hbm>>
    tpu.enqueue_indirect_dma source(%dma_start3A_106 : memref<10240x64xf32, #tpu.memory_space<hbm>>) target(%arg9 : memref<64x64xf32, #tpu.memory_space<vmem>>) offsets(%dma_start3A_103 : memref<64xi32, #tpu.memory_space<vmem>>) semaphore(%arg14 : memref<!tpu.dma_semaphore, #tpu.memory_space<semaphore_mem>>)
    %dma_wait3A_107 = arith.constant 128 : i32
    %dma_wait3A_108 = tpu.memref_slice %arg6[%dma_wait3A_107] : memref<20288xi32, #tpu.memory_space<vmem>> -> memref<64xi32, #tpu.memory_space<vmem>>
    %dma_wait3A_109 = arith.constant 0 : i32
    %dma_wait3A_110 = arith.constant 0 : i32
    %dma_wait3A_111 = tpu.memref_slice %arg2[%dma_wait3A_109, %dma_wait3A_110] : memref<10240x64xf32, #tpu.memory_space<hbm>> -> memref<10240x64xf32, #tpu.memory_space<hbm>>
    tpu.wait_indirect_dma semaphore(%arg16 : memref<!tpu.dma_semaphore, #tpu.memory_space<semaphore_mem>>) src(%dma_wait3A_111 : memref<10240x64xf32, #tpu.memory_space<hbm>>) dst(%arg11 : memref<64x64xf32, #tpu.memory_space<vmem>>)
    %dma_start3A_112 = arith.constant 2 : i32
    %dma_start3A_113 = arith.constant 0 : i32
    %dma_start3A_114 = tpu.memref_slice %arg8[%dma_start3A_112, %dma_start3A_113] : memref<317x64xi32, #tpu.memory_space<vmem>> -> memref<1x64xi32, #tpu.memory_space<vmem>>
    %dma_start3A_115 = tpu.memref_squeeze %dma_start3A_114 : memref<1x64xi32, #tpu.memory_space<vmem>> -> memref<64xi32, #tpu.memory_space<vmem>>
    %dma_start3A_116 = arith.constant 0 : i32
    %dma_start3A_117 = arith.constant 0 : i32
    %dma_start3A_118 = tpu.memref_slice %arg13[%dma_start3A_116, %dma_start3A_117] : memref<5128x64xf32, #tpu.memory_space<vmem_shared>> -> memref<5128x64xf32, #tpu.memory_space<vmem_shared>>
    tpu.enqueue_indirect_dma source(%arg11 : memref<64x64xf32, #tpu.memory_space<vmem>>) target(%dma_start3A_118 : memref<5128x64xf32, #tpu.memory_space<vmem_shared>>) offsets(%dma_start3A_115 : memref<64xi32, #tpu.memory_space<vmem>>) semaphore(%arg19 : memref<!tpu.dma_semaphore, #tpu.memory_space<semaphore_mem>>) {add = true}
    %dma_wait3A_119 = arith.constant 1 : i32
    %dma_wait3A_120 = arith.constant 0 : i32
    %dma_wait3A_121 = tpu.memref_slice %arg8[%dma_wait3A_119, %dma_wait3A_120] : memref<317x64xi32, #tpu.memory_space<vmem>> -> memref<1x64xi32, #tpu.memory_space<vmem>>
    %dma_wait3A_122 = tpu.memref_squeeze %dma_wait3A_121 : memref<1x64xi32, #tpu.memory_space<vmem>> -> memref<64xi32, #tpu.memory_space<vmem>>
    %dma_wait3A_123 = arith.constant 0 : i32
    %dma_wait3A_124 = arith.constant 0 : i32
    %dma_wait3A_125 = tpu.memref_slice %arg13[%dma_wait3A_123, %dma_wait3A_124] : memref<5128x64xf32, #tpu.memory_space<vmem_shared>> -> memref<5128x64xf32, #tpu.memory_space<vmem_shared>>
    tpu.wait_indirect_dma semaphore(%arg18 : memref<!tpu.dma_semaphore, #tpu.memory_space<semaphore_mem>>) src(%arg10 : memref<64x64xf32, #tpu.memory_space<vmem>>) dst(%dma_wait3A_125 : memref<5128x64xf32, #tpu.memory_space<vmem_shared>>)
    %dma_start3A_126 = arith.constant 256 : i32
    %dma_start3A_127 = tpu.memref_slice %arg6[%dma_start3A_126] : memref<20288xi32, #tpu.memory_space<vmem>> -> memref<64xi32, #tpu.memory_space<vmem>>
    %dma_start3A_128 = arith.constant 0 : i32
    %dma_start3A_129 = arith.constant 0 : i32
    %dma_start3A_130 = tpu.memref_slice %arg2[%dma_start3A_128, %dma_start3A_129] : memref<10240x64xf32, #tpu.memory_space<hbm>> -> memref<10240x64xf32, #tpu.memory_space<hbm>>
    tpu.enqueue_indirect_dma source(%dma_start3A_130 : memref<10240x64xf32, #tpu.memory_space<hbm>>) target(%arg10 : memref<64x64xf32, #tpu.memory_space<vmem>>) offsets(%dma_start3A_127 : memref<64xi32, #tpu.memory_space<vmem>>) semaphore(%arg15 : memref<!tpu.dma_semaphore, #tpu.memory_space<semaphore_mem>>)
    %scan3A_131 = arith.constant 0 : i32
    %scan3A_132 = arith.constant 1 : i32
    %scan3A_133 = arith.constant 104 : i32
    %scan3A_134 = arith.addi %scan3A_132, %scan3A_133 : i32
    %scan3A_135 = arith.constant 1 : i32
    %scan3A_136 = scf.for %scan3A_288 = %scan3A_132 to %scan3A_134 step %scan3A_135 iter_args(%scan3A_289 = %scan3A_131) -> (i32)  : i32 {
      %mul3A_290 = arith.constant 3 : i32
      %mul3A_291 = arith.muli %mul3A_290, %scan3A_288 : i32
      %add3A_292 = arith.constant 0 : i32
      %add3A_293 = arith.addi %mul3A_291, %add3A_292 : i32
      %mul3A_294 = arith.constant 64 : i32
      %mul3A_295 = arith.muli %add3A_293, %mul3A_294 : i32
      %dma_wait3A_296 = tpu.memref_slice %arg6[%mul3A_295] : memref<20288xi32, #tpu.memory_space<vmem>> -> memref<64xi32, #tpu.memory_space<vmem>>
      %dma_wait3A_297 = arith.constant 0 : i32
      %dma_wait3A_298 = arith.constant 0 : i32
      %dma_wait3A_299 = tpu.memref_slice %arg2[%dma_wait3A_297, %dma_wait3A_298] : memref<10240x64xf32, #tpu.memory_space<hbm>> -> memref<10240x64xf32, #tpu.memory_space<hbm>>
      tpu.wait_indirect_dma semaphore(%arg14 : memref<!tpu.dma_semaphore, #tpu.memory_space<semaphore_mem>>) src(%dma_wait3A_299 : memref<10240x64xf32, #tpu.memory_space<hbm>>) dst(%arg9 : memref<64x64xf32, #tpu.memory_space<vmem>>)
      %dma_start3A_300 = arith.constant 0 : i32
      %dma_start3A_301 = tpu.memref_slice %arg8[%add3A_293, %dma_start3A_300] : memref<317x64xi32, #tpu.memory_space<vmem>> -> memref<1x64xi32, #tpu.memory_space<vmem>>
      %dma_start3A_302 = tpu.memref_squeeze %dma_start3A_301 : memref<1x64xi32, #tpu.memory_space<vmem>> -> memref<64xi32, #tpu.memory_space<vmem>>
      %dma_start3A_303 = arith.constant 0 : i32
      %dma_start3A_304 = arith.constant 0 : i32
      %dma_start3A_305 = tpu.memref_slice %arg13[%dma_start3A_303, %dma_start3A_304] : memref<5128x64xf32, #tpu.memory_space<vmem_shared>> -> memref<5128x64xf32, #tpu.memory_space<vmem_shared>>
      tpu.enqueue_indirect_dma source(%arg9 : memref<64x64xf32, #tpu.memory_space<vmem>>) target(%dma_start3A_305 : memref<5128x64xf32, #tpu.memory_space<vmem_shared>>) offsets(%dma_start3A_302 : memref<64xi32, #tpu.memory_space<vmem>>) semaphore(%arg17 : memref<!tpu.dma_semaphore, #tpu.memory_space<semaphore_mem>>) {add = true}
      %sub3A = arith.constant 1 : i32
      %sub3A_306 = arith.subi %add3A_293, %sub3A : i32
      %dma_wait3A_307 = arith.constant 0 : i32
      %dma_wait3A_308 = tpu.memref_slice %arg8[%sub3A_306, %dma_wait3A_307] : memref<317x64xi32, #tpu.memory_space<vmem>> -> memref<1x64xi32, #tpu.memory_space<vmem>>
      %dma_wait3A_309 = tpu.memref_squeeze %dma_wait3A_308 : memref<1x64xi32, #tpu.memory_space<vmem>> -> memref<64xi32, #tpu.memory_space<vmem>>
      %dma_wait3A_310 = arith.constant 0 : i32
      %dma_wait3A_311 = arith.constant 0 : i32
      %dma_wait3A_312 = tpu.memref_slice %arg13[%dma_wait3A_310, %dma_wait3A_311] : memref<5128x64xf32, #tpu.memory_space<vmem_shared>> -> memref<5128x64xf32, #tpu.memory_space<vmem_shared>>
      tpu.wait_indirect_dma semaphore(%arg19 : memref<!tpu.dma_semaphore, #tpu.memory_space<semaphore_mem>>) src(%arg11 : memref<64x64xf32, #tpu.memory_space<vmem>>) dst(%dma_wait3A_312 : memref<5128x64xf32, #tpu.memory_space<vmem_shared>>)
      %add3A_313 = arith.constant 2 : i32
      %add3A_314 = arith.addi %add3A_293, %add3A_313 : i32
      %mul3A_315 = arith.constant 64 : i32
      %mul3A_316 = arith.muli %add3A_314, %mul3A_315 : i32
      %dma_start3A_317 = tpu.memref_slice %arg6[%mul3A_316] : memref<20288xi32, #tpu.memory_space<vmem>> -> memref<64xi32, #tpu.memory_space<vmem>>
      %dma_start3A_318 = arith.constant 0 : i32
      %dma_start3A_319 = arith.constant 0 : i32
      %dma_start3A_320 = tpu.memref_slice %arg2[%dma_start3A_318, %dma_start3A_319] : memref<10240x64xf32, #tpu.memory_space<hbm>> -> memref<10240x64xf32, #tpu.memory_space<hbm>>
      tpu.enqueue_indirect_dma source(%dma_start3A_320 : memref<10240x64xf32, #tpu.memory_space<hbm>>) target(%arg11 : memref<64x64xf32, #tpu.memory_space<vmem>>) offsets(%dma_start3A_317 : memref<64xi32, #tpu.memory_space<vmem>>) semaphore(%arg16 : memref<!tpu.dma_semaphore, #tpu.memory_space<semaphore_mem>>)
      %add3A_321 = arith.constant 1 : i32
      %add3A_322 = arith.addi %mul3A_291, %add3A_321 : i32
      %mul3A_323 = arith.constant 64 : i32
      %mul3A_324 = arith.muli %add3A_322, %mul3A_323 : i32
      %dma_wait3A_325 = tpu.memref_slice %arg6[%mul3A_324] : memref<20288xi32, #tpu.memory_space<vmem>> -> memref<64xi32, #tpu.memory_space<vmem>>
      %dma_wait3A_326 = arith.constant 0 : i32
      %dma_wait3A_327 = arith.constant 0 : i32
      %dma_wait3A_328 = tpu.memref_slice %arg2[%dma_wait3A_326, %dma_wait3A_327] : memref<10240x64xf32, #tpu.memory_space<hbm>> -> memref<10240x64xf32, #tpu.memory_space<hbm>>
      tpu.wait_indirect_dma semaphore(%arg15 : memref<!tpu.dma_semaphore, #tpu.memory_space<semaphore_mem>>) src(%dma_wait3A_328 : memref<10240x64xf32, #tpu.memory_space<hbm>>) dst(%arg10 : memref<64x64xf32, #tpu.memory_space<vmem>>)
      %dma_start3A_329 = arith.constant 0 : i32
      %dma_start3A_330 = tpu.memref_slice %arg8[%add3A_322, %dma_start3A_329] : memref<317x64xi32, #tpu.memory_space<vmem>> -> memref<1x64xi32, #tpu.memory_space<vmem>>
      %dma_start3A_331 = tpu.memref_squeeze %dma_start3A_330 : memref<1x64xi32, #tpu.memory_space<vmem>> -> memref<64xi32, #tpu.memory_space<vmem>>
      %dma_start3A_332 = arith.constant 0 : i32
      %dma_start3A_333 = arith.constant 0 : i32
      %dma_start3A_334 = tpu.memref_slice %arg13[%dma_start3A_332, %dma_start3A_333] : memref<5128x64xf32, #tpu.memory_space<vmem_shared>> -> memref<5128x64xf32, #tpu.memory_space<vmem_shared>>
      tpu.enqueue_indirect_dma source(%arg10 : memref<64x64xf32, #tpu.memory_space<vmem>>) target(%dma_start3A_334 : memref<5128x64xf32, #tpu.memory_space<vmem_shared>>) offsets(%dma_start3A_331 : memref<64xi32, #tpu.memory_space<vmem>>) semaphore(%arg18 : memref<!tpu.dma_semaphore, #tpu.memory_space<semaphore_mem>>) {add = true}
      %sub3A_335 = arith.constant 1 : i32
      %sub3A_336 = arith.subi %add3A_322, %sub3A_335 : i32
      %dma_wait3A_337 = arith.constant 0 : i32
      %dma_wait3A_338 = tpu.memref_slice %arg8[%sub3A_336, %dma_wait3A_337] : memref<317x64xi32, #tpu.memory_space<vmem>> -> memref<1x64xi32, #tpu.memory_space<vmem>>
      %dma_wait3A_339 = tpu.memref_squeeze %dma_wait3A_338 : memref<1x64xi32, #tpu.memory_space<vmem>> -> memref<64xi32, #tpu.memory_space<vmem>>
      %dma_wait3A_340 = arith.constant 0 : i32
      %dma_wait3A_341 = arith.constant 0 : i32
      %dma_wait3A_342 = tpu.memref_slice %arg13[%dma_wait3A_340, %dma_wait3A_341] : memref<5128x64xf32, #tpu.memory_space<vmem_shared>> -> memref<5128x64xf32, #tpu.memory_space<vmem_shared>>
      tpu.wait_indirect_dma semaphore(%arg17 : memref<!tpu.dma_semaphore, #tpu.memory_space<semaphore_mem>>) src(%arg9 : memref<64x64xf32, #tpu.memory_space<vmem>>) dst(%dma_wait3A_342 : memref<5128x64xf32, #tpu.memory_space<vmem_shared>>)
      %add3A_343 = arith.constant 2 : i32
      %add3A_344 = arith.addi %add3A_322, %add3A_343 : i32
      %mul3A_345 = arith.constant 64 : i32
      %mul3A_346 = arith.muli %add3A_344, %mul3A_345 : i32
      %dma_start3A_347 = tpu.memref_slice %arg6[%mul3A_346] : memref<20288xi32, #tpu.memory_space<vmem>> -> memref<64xi32, #tpu.memory_space<vmem>>
      %dma_start3A_348 = arith.constant 0 : i32
      %dma_start3A_349 = arith.constant 0 : i32
      %dma_start3A_350 = tpu.memref_slice %arg2[%dma_start3A_348, %dma_start3A_349] : memref<10240x64xf32, #tpu.memory_space<hbm>> -> memref<10240x64xf32, #tpu.memory_space<hbm>>
      tpu.enqueue_indirect_dma source(%dma_start3A_350 : memref<10240x64xf32, #tpu.memory_space<hbm>>) target(%arg9 : memref<64x64xf32, #tpu.memory_space<vmem>>) offsets(%dma_start3A_347 : memref<64xi32, #tpu.memory_space<vmem>>) semaphore(%arg14 : memref<!tpu.dma_semaphore, #tpu.memory_space<semaphore_mem>>)
      %add3A_351 = arith.constant 2 : i32
      %add3A_352 = arith.addi %mul3A_291, %add3A_351 : i32
      %mul3A_353 = arith.constant 64 : i32
      %mul3A_354 = arith.muli %add3A_352, %mul3A_353 : i32
      %dma_wait3A_355 = tpu.memref_slice %arg6[%mul3A_354] : memref<20288xi32, #tpu.memory_space<vmem>> -> memref<64xi32, #tpu.memory_space<vmem>>
      %dma_wait3A_356 = arith.constant 0 : i32
      %dma_wait3A_357 = arith.constant 0 : i32
      %dma_wait3A_358 = tpu.memref_slice %arg2[%dma_wait3A_356, %dma_wait3A_357] : memref<10240x64xf32, #tpu.memory_space<hbm>> -> memref<10240x64xf32, #tpu.memory_space<hbm>>
      tpu.wait_indirect_dma semaphore(%arg16 : memref<!tpu.dma_semaphore, #tpu.memory_space<semaphore_mem>>) src(%dma_wait3A_358 : memref<10240x64xf32, #tpu.memory_space<hbm>>) dst(%arg11 : memref<64x64xf32, #tpu.memory_space<vmem>>)
      %dma_start3A_359 = arith.constant 0 : i32
      %dma_start3A_360 = tpu.memref_slice %arg8[%add3A_352, %dma_start3A_359] : memref<317x64xi32, #tpu.memory_space<vmem>> -> memref<1x64xi32, #tpu.memory_space<vmem>>
      %dma_start3A_361 = tpu.memref_squeeze %dma_start3A_360 : memref<1x64xi32, #tpu.memory_space<vmem>> -> memref<64xi32, #tpu.memory_space<vmem>>
      %dma_start3A_362 = arith.constant 0 : i32
      %dma_start3A_363 = arith.constant 0 : i32
      %dma_start3A_364 = tpu.memref_slice %arg13[%dma_start3A_362, %dma_start3A_363] : memref<5128x64xf32, #tpu.memory_space<vmem_shared>> -> memref<5128x64xf32, #tpu.memory_space<vmem_shared>>
      tpu.enqueue_indirect_dma source(%arg11 : memref<64x64xf32, #tpu.memory_space<vmem>>) target(%dma_start3A_364 : memref<5128x64xf32, #tpu.memory_space<vmem_shared>>) offsets(%dma_start3A_361 : memref<64xi32, #tpu.memory_space<vmem>>) semaphore(%arg19 : memref<!tpu.dma_semaphore, #tpu.memory_space<semaphore_mem>>) {add = true}
      %sub3A_365 = arith.constant 1 : i32
      %sub3A_366 = arith.subi %add3A_352, %sub3A_365 : i32
      %dma_wait3A_367 = arith.constant 0 : i32
      %dma_wait3A_368 = tpu.memref_slice %arg8[%sub3A_366, %dma_wait3A_367] : memref<317x64xi32, #tpu.memory_space<vmem>> -> memref<1x64xi32, #tpu.memory_space<vmem>>
      %dma_wait3A_369 = tpu.memref_squeeze %dma_wait3A_368 : memref<1x64xi32, #tpu.memory_space<vmem>> -> memref<64xi32, #tpu.memory_space<vmem>>
      %dma_wait3A_370 = arith.constant 0 : i32
      %dma_wait3A_371 = arith.constant 0 : i32
      %dma_wait3A_372 = tpu.memref_slice %arg13[%dma_wait3A_370, %dma_wait3A_371] : memref<5128x64xf32, #tpu.memory_space<vmem_shared>> -> memref<5128x64xf32, #tpu.memory_space<vmem_shared>>
      tpu.wait_indirect_dma semaphore(%arg18 : memref<!tpu.dma_semaphore, #tpu.memory_space<semaphore_mem>>) src(%arg10 : memref<64x64xf32, #tpu.memory_space<vmem>>) dst(%dma_wait3A_372 : memref<5128x64xf32, #tpu.memory_space<vmem_shared>>)
      %add3A_373 = arith.constant 2 : i32
      %add3A_374 = arith.addi %add3A_352, %add3A_373 : i32
      %mul3A_375 = arith.constant 64 : i32
      %mul3A_376 = arith.muli %add3A_374, %mul3A_375 : i32
      %dma_start3A_377 = tpu.memref_slice %arg6[%mul3A_376] : memref<20288xi32, #tpu.memory_space<vmem>> -> memref<64xi32, #tpu.memory_space<vmem>>
      %dma_start3A_378 = arith.constant 0 : i32
      %dma_start3A_379 = arith.constant 0 : i32
      %dma_start3A_380 = tpu.memref_slice %arg2[%dma_start3A_378, %dma_start3A_379] : memref<10240x64xf32, #tpu.memory_space<hbm>> -> memref<10240x64xf32, #tpu.memory_space<hbm>>
      tpu.enqueue_indirect_dma source(%dma_start3A_380 : memref<10240x64xf32, #tpu.memory_space<hbm>>) target(%arg10 : memref<64x64xf32, #tpu.memory_space<vmem>>) offsets(%dma_start3A_377 : memref<64xi32, #tpu.memory_space<vmem>>) semaphore(%arg15 : memref<!tpu.dma_semaphore, #tpu.memory_space<semaphore_mem>>)
      %scan3A_381 = arith.constant 0 : i32
      scf.yield %scan3A_381 : i32
    }
    %scan3A_137 = arith.constant 104 : i32
    %dma_wait3A_138 = arith.constant 314 : i32
    %dma_wait3A_139 = arith.constant 0 : i32
    %dma_wait3A_140 = tpu.memref_slice %arg8[%dma_wait3A_138, %dma_wait3A_139] : memref<317x64xi32, #tpu.memory_space<vmem>> -> memref<1x64xi32, #tpu.memory_space<vmem>>
    %dma_wait3A_141 = tpu.memref_squeeze %dma_wait3A_140 : memref<1x64xi32, #tpu.memory_space<vmem>> -> memref<64xi32, #tpu.memory_space<vmem>>
    %dma_wait3A_142 = arith.constant 0 : i32
    %dma_wait3A_143 = arith.constant 0 : i32
    %dma_wait3A_144 = tpu.memref_slice %arg13[%dma_wait3A_142, %dma_wait3A_143] : memref<5128x64xf32, #tpu.memory_space<vmem_shared>> -> memref<5128x64xf32, #tpu.memory_space<vmem_shared>>
    tpu.wait_indirect_dma semaphore(%arg19 : memref<!tpu.dma_semaphore, #tpu.memory_space<semaphore_mem>>) src(%arg11 : memref<64x64xf32, #tpu.memory_space<vmem>>) dst(%dma_wait3A_144 : memref<5128x64xf32, #tpu.memory_space<vmem_shared>>)
    %dma_wait3A_145 = arith.constant 20160 : i32
    %dma_wait3A_146 = tpu.memref_slice %arg6[%dma_wait3A_145] : memref<20288xi32, #tpu.memory_space<vmem>> -> memref<64xi32, #tpu.memory_space<vmem>>
    %dma_wait3A_147 = arith.constant 0 : i32
    %dma_wait3A_148 = arith.constant 0 : i32
    %dma_wait3A_149 = tpu.memref_slice %arg2[%dma_wait3A_147, %dma_wait3A_148] : memref<10240x64xf32, #tpu.memory_space<hbm>> -> memref<10240x64xf32, #tpu.memory_space<hbm>>
    tpu.wait_indirect_dma semaphore(%arg14 : memref<!tpu.dma_semaphore, #tpu.memory_space<semaphore_mem>>) src(%dma_wait3A_149 : memref<10240x64xf32, #tpu.memory_space<hbm>>) dst(%arg9 : memref<64x64xf32, #tpu.memory_space<vmem>>)
    %dma_wait3A_150 = arith.constant 20224 : i32
    %dma_wait3A_151 = tpu.memref_slice %arg6[%dma_wait3A_150] : memref<20288xi32, #tpu.memory_space<vmem>> -> memref<64xi32, #tpu.memory_space<vmem>>
    %dma_wait3A_152 = arith.constant 0 : i32
    %dma_wait3A_153 = arith.constant 0 : i32
    %dma_wait3A_154 = tpu.memref_slice %arg2[%dma_wait3A_152, %dma_wait3A_153] : memref<10240x64xf32, #tpu.memory_space<hbm>> -> memref<10240x64xf32, #tpu.memory_space<hbm>>
    tpu.wait_indirect_dma semaphore(%arg15 : memref<!tpu.dma_semaphore, #tpu.memory_space<semaphore_mem>>) src(%dma_wait3A_154 : memref<10240x64xf32, #tpu.memory_space<hbm>>) dst(%arg10 : memref<64x64xf32, #tpu.memory_space<vmem>>)
    %mul3A_155 = arith.constant 2 : i32
    %mul3A_156 = arith.muli %arg1, %mul3A_155 : i32
    %add3A_157 = arith.constant 1 : i32
    %add3A_158 = arith.addi %mul3A_156, %add3A_157 : i32
    %mul3A_159 = arith.constant 20000 : i32
    %mul3A_160 = arith.muli %add3A_158, %mul3A_159 : i32
    "tpu.region"() ({
      %run_scoped3A = tpu.sem_alloc : memref<!tpu.dma_semaphore, #tpu.memory_space<semaphore_mem>>
      %dma_start3A_288 = arith.constant 0 : i32
      %dma_start3A_289 = tpu.memref_slice %arg6[%dma_start3A_288] : memref<20288xi32, #tpu.memory_space<vmem>> -> memref<20000xi32, #tpu.memory_space<vmem>>
      %dma_start3A_290 = tpu.memref_slice %arg3[%mul3A_160] : memref<640000xi32, #tpu.memory_space<hbm>> -> memref<20000xi32, #tpu.memory_space<hbm>>
      %dma_start3A_291 = arith.constant 0 : i32
      %dma_start3A_292 = tpu.memref_slice %arg6[%dma_start3A_291] : memref<20288xi32, #tpu.memory_space<vmem>> -> memref<20000xi32, #tpu.memory_space<vmem>>
      %dma_start3A_293 = tpu.memref_slice %arg3[%mul3A_160] : memref<640000xi32, #tpu.memory_space<hbm>> -> memref<20000xi32, #tpu.memory_space<hbm>>
      tpu.enqueue_dma source(%dma_start3A_293 : memref<20000xi32, #tpu.memory_space<hbm>>) target(%dma_start3A_292 : memref<20000xi32, #tpu.memory_space<vmem>>) target_semaphore(%run_scoped3A : memref<!tpu.dma_semaphore, #tpu.memory_space<semaphore_mem>>)
      %dma_wait3A_294 = arith.constant 0 : i32
      %dma_wait3A_295 = tpu.memref_slice %arg6[%dma_wait3A_294] : memref<20288xi32, #tpu.memory_space<vmem>> -> memref<20000xi32, #tpu.memory_space<vmem>>
      %dma_wait3A_296 = tpu.memref_slice %arg3[%mul3A_160] : memref<640000xi32, #tpu.memory_space<hbm>> -> memref<20000xi32, #tpu.memory_space<hbm>>
      %dma_wait3A_297 = arith.constant 0 : i32
      %dma_wait3A_298 = tpu.memref_slice %arg6[%dma_wait3A_297] : memref<20288xi32, #tpu.memory_space<vmem>> -> memref<20000xi32, #tpu.memory_space<vmem>>
      %dma_wait3A_299 = tpu.memref_slice %arg3[%mul3A_160] : memref<640000xi32, #tpu.memory_space<hbm>> -> memref<20000xi32, #tpu.memory_space<hbm>>
      tpu.wait_dma2 semaphore(%run_scoped3A : memref<!tpu.dma_semaphore, #tpu.memory_space<semaphore_mem>>) src(%dma_wait3A_299 : memref<20000xi32, #tpu.memory_space<hbm>>) dst(%dma_wait3A_298 : memref<20000xi32, #tpu.memory_space<vmem>>)
      tpu.yield
    }) : () -> ()
    "tpu.region"() ({
      %run_scoped3A = tpu.sem_alloc : memref<!tpu.dma_semaphore, #tpu.memory_space<semaphore_mem>>
      %dma_start3A_288 = arith.constant 0 : i32
      %dma_start3A_289 = tpu.memref_slice %arg7[%dma_start3A_288] : memref<20288xi32, #tpu.memory_space<vmem>> -> memref<20000xi32, #tpu.memory_space<vmem>>
      %dma_start3A_290 = tpu.memref_slice %arg4[%mul3A_160] : memref<640000xi32, #tpu.memory_space<hbm>> -> memref<20000xi32, #tpu.memory_space<hbm>>
      %dma_start3A_291 = arith.constant 0 : i32
      %dma_start3A_292 = tpu.memref_slice %arg7[%dma_start3A_291] : memref<20288xi32, #tpu.memory_space<vmem>> -> memref<20000xi32, #tpu.memory_space<vmem>>
      %dma_start3A_293 = tpu.memref_slice %arg4[%mul3A_160] : memref<640000xi32, #tpu.memory_space<hbm>> -> memref<20000xi32, #tpu.memory_space<hbm>>
      tpu.enqueue_dma source(%dma_start3A_293 : memref<20000xi32, #tpu.memory_space<hbm>>) target(%dma_start3A_292 : memref<20000xi32, #tpu.memory_space<vmem>>) target_semaphore(%run_scoped3A : memref<!tpu.dma_semaphore, #tpu.memory_space<semaphore_mem>>)
      %dma_wait3A_294 = arith.constant 0 : i32
      %dma_wait3A_295 = tpu.memref_slice %arg7[%dma_wait3A_294] : memref<20288xi32, #tpu.memory_space<vmem>> -> memref<20000xi32, #tpu.memory_space<vmem>>
      %dma_wait3A_296 = tpu.memref_slice %arg4[%mul3A_160] : memref<640000xi32, #tpu.memory_space<hbm>> -> memref<20000xi32, #tpu.memory_space<hbm>>
      %dma_wait3A_297 = arith.constant 0 : i32
      %dma_wait3A_298 = tpu.memref_slice %arg7[%dma_wait3A_297] : memref<20288xi32, #tpu.memory_space<vmem>> -> memref<20000xi32, #tpu.memory_space<vmem>>
      %dma_wait3A_299 = tpu.memref_slice %arg4[%mul3A_160] : memref<640000xi32, #tpu.memory_space<hbm>> -> memref<20000xi32, #tpu.memory_space<hbm>>
      tpu.wait_dma2 semaphore(%run_scoped3A : memref<!tpu.dma_semaphore, #tpu.memory_space<semaphore_mem>>) src(%dma_wait3A_299 : memref<20000xi32, #tpu.memory_space<hbm>>) dst(%dma_wait3A_298 : memref<20000xi32, #tpu.memory_space<vmem>>)
      tpu.yield
    }) : () -> ()
    %broadcast_in_dim3A_161 = arith.constant 10000 : i32
    %broadcast_in_dim3A_162 = vector.broadcast %broadcast_in_dim3A_161 : i32 to vector<16xi32>
    %scan3A_163 = arith.constant 0 : i32
    %scan3A_164 = arith.constant 0 : i32
    %scan3A_165 = arith.constant 18 : i32
    %scan3A_166 = arith.addi %scan3A_164, %scan3A_165 : i32
    %scan3A_167 = arith.constant 1 : i32
    %scan3A_168 = scf.for %scan3A_288 = %scan3A_164 to %scan3A_166 step %scan3A_167 iter_args(%scan3A_289 = %scan3A_163) -> (i32)  : i32 {
      %mul3A_290 = arith.constant 16 : i32
      %mul3A_291 = arith.muli %scan3A_288, %mul3A_290 : i32
      %add3A_292 = arith.constant 20000 : i32
      %add3A_293 = arith.addi %add3A_292, %mul3A_291 : i32
      %swap3A = arith.index_cast %add3A_293 : i32 to index
      %swap3A_294 = tpu.vector_load %arg6[%swap3A] {strides = array<i32>} : memref<20288xi32, #tpu.memory_space<vmem>>, vector<16xi32>,
      %swap3A_295 = vector.shape_cast %swap3A_294 : vector<16xi32> to vector<16xi32>
      %swap3A_296 = vector.shape_cast %broadcast_in_dim3A_162 : vector<16xi32> to vector<16xi32>
      tpu.vector_store %arg6[%swap3A], %swap3A_296 {strides = array<i32>} : memref<20288xi32, #tpu.memory_space<vmem>>, vector<16xi32>,
      %scan3A_297 = arith.constant 0 : i32
      scf.yield %scan3A_297 : i32
    }
    %scan3A_169 = arith.constant 18 : i32
    %broadcast_in_dim3A_170 = arith.constant 10000 : i32
    %broadcast_in_dim3A_171 = vector.broadcast %broadcast_in_dim3A_170 : i32 to vector<16xi32>
    %scan3A_172 = arith.constant 0 : i32
    %scan3A_173 = arith.constant 0 : i32
    %scan3A_174 = arith.constant 18 : i32
    %scan3A_175 = arith.addi %scan3A_173, %scan3A_174 : i32
    %scan3A_176 = arith.constant 1 : i32
    %scan3A_177 = scf.for %scan3A_288 = %scan3A_173 to %scan3A_175 step %scan3A_176 iter_args(%scan3A_289 = %scan3A_172) -> (i32)  : i32 {
      %mul3A_290 = arith.constant 16 : i32
      %mul3A_291 = arith.muli %scan3A_288, %mul3A_290 : i32
      %add3A_292 = arith.constant 20000 : i32
      %add3A_293 = arith.addi %add3A_292, %mul3A_291 : i32
      %swap3A = arith.index_cast %add3A_293 : i32 to index
      %swap3A_294 = tpu.vector_load %arg7[%swap3A] {strides = array<i32>} : memref<20288xi32, #tpu.memory_space<vmem>>, vector<16xi32>,
      %swap3A_295 = vector.shape_cast %swap3A_294 : vector<16xi32> to vector<16xi32>
      %swap3A_296 = vector.shape_cast %broadcast_in_dim3A_171 : vector<16xi32> to vector<16xi32>
      tpu.vector_store %arg7[%swap3A], %swap3A_296 {strides = array<i32>} : memref<20288xi32, #tpu.memory_space<vmem>>, vector<16xi32>,
      %scan3A_297 = arith.constant 0 : i32
      scf.yield %scan3A_297 : i32
    }
    %scan3A_178 = arith.constant 18 : i32
    %scan3A_179 = arith.constant 0 : i32
    %scan3A_180 = arith.constant 0 : i32
    %scan3A_181 = arith.constant 317 : i32
    %scan3A_182 = arith.addi %scan3A_180, %scan3A_181 : i32
    %scan3A_183 = arith.constant 1 : i32
    %scan3A_184 = scf.for %scan3A_288 = %scan3A_180 to %scan3A_182 step %scan3A_183 iter_args(%scan3A_289 = %scan3A_179) -> (i32)  : i32 {
      %mul3A_290 = arith.constant 64 : i32
      %mul3A_291 = arith.muli %scan3A_288, %mul3A_290 : i32
      %add3A_292 = arith.constant 0 : i32
      %add3A_293 = arith.addi %mul3A_291, %add3A_292 : i32
      %get3A = arith.index_cast %add3A_293 : i32 to index
      %get3A_294 = tpu.vector_load %arg6[%get3A] {strides = array<i32>} : memref<20288xi32, #tpu.memory_space<vmem>>, vector<16xi32>,
      %get3A_295 = vector.shape_cast %get3A_294 : vector<16xi32> to vector<16xi32>
      %get3A_296 = arith.index_cast %add3A_293 : i32 to index
      %get3A_297 = tpu.vector_load %arg7[%get3A_296] {strides = array<i32>} : memref<20288xi32, #tpu.memory_space<vmem>>, vector<16xi32>,
      %get3A_298 = vector.shape_cast %get3A_297 : vector<16xi32> to vector<16xi32>
      %eq3A_299 = arith.cmpi eq, %get3A_295, %get3A_298 : vector<16xi32>
      %broadcast_in_dim3A_300 = arith.constant 10000 : i32
      %broadcast_in_dim3A_301 = vector.broadcast %broadcast_in_dim3A_300 : i32 to vector<16xi32>
      %select_n3A = arith.select %eq3A_299, %broadcast_in_dim3A_301, %get3A_295 : vector<16xi1>, vector<16xi32>
      %swap3A = arith.index_cast %add3A_293 : i32 to index
      %swap3A_302 = tpu.vector_load %arg6[%swap3A] {strides = array<i32>} : memref<20288xi32, #tpu.memory_space<vmem>>, vector<16xi32>,
      %swap3A_303 = vector.shape_cast %swap3A_302 : vector<16xi32> to vector<16xi32>
      %swap3A_304 = vector.shape_cast %select_n3A : vector<16xi32> to vector<16xi32>
      tpu.vector_store %arg6[%swap3A], %swap3A_304 {strides = array<i32>} : memref<20288xi32, #tpu.memory_space<vmem>>, vector<16xi32>,
      %sub3A = vector.broadcast %mul3A_0 : i32 to vector<16xi32>
      %sub3A_305 = arith.subi %get3A_298, %sub3A : vector<16xi32>
      %lt3A = arith.constant 0 : i32
      %lt3A_306 = vector.broadcast %lt3A : i32 to vector<16xi32>
      %lt3A_307 = arith.cmpi slt, %sub3A_305, %lt3A_306 : vector<16xi32>
      %ge3A = arith.constant 5120 : i32
      %ge3A_308 = vector.broadcast %ge3A : i32 to vector<16xi32>
      %ge3A_309 = arith.cmpi sge, %sub3A_305, %ge3A_308 : vector<16xi32>
      %or3A = arith.ori %lt3A_307, %ge3A_309 : vector<16xi1>
      %broadcast_in_dim3A_310 = arith.constant 5120 : i32
      %broadcast_in_dim3A_311 = vector.broadcast %broadcast_in_dim3A_310 : i32 to vector<16xi32>
      %select_n3A_312 = arith.select %or3A, %broadcast_in_dim3A_311, %sub3A_305 : vector<16xi1>, vector<16xi32>
      %swap3A_313 = arith.index_cast %scan3A_288 : i32 to index
      %swap3A_314 = arith.constant 0 : index
      %swap3A_315 = tpu.vector_load %arg8[%swap3A_313, %swap3A_314] {strides = array<i32>} : memref<317x64xi32, #tpu.memory_space<vmem>>, vector<1x16xi32>,
      %swap3A_316 = vector.shape_cast %swap3A_315 : vector<1x16xi32> to vector<16xi32>
      %swap3A_317 = vector.shape_cast %select_n3A_312 : vector<16xi32> to vector<1x16xi32>
      tpu.vector_store %arg8[%swap3A_313, %swap3A_314], %swap3A_317 {strides = array<i32>} : memref<317x64xi32, #tpu.memory_space<vmem>>, vector<1x16xi32>,
      %mul3A_318 = arith.constant 64 : i32
      %mul3A_319 = arith.muli %scan3A_288, %mul3A_318 : i32
      %add3A_320 = arith.constant 16 : i32
      %add3A_321 = arith.addi %mul3A_319, %add3A_320 : i32
      %get3A_322 = arith.index_cast %add3A_321 : i32 to index
      %get3A_323 = tpu.vector_load %arg6[%get3A_322] {strides = array<i32>} : memref<20288xi32, #tpu.memory_space<vmem>>, vector<16xi32>,
      %get3A_324 = vector.shape_cast %get3A_323 : vector<16xi32> to vector<16xi32>
      %get3A_325 = arith.index_cast %add3A_321 : i32 to index
      %get3A_326 = tpu.vector_load %arg7[%get3A_325] {strides = array<i32>} : memref<20288xi32, #tpu.memory_space<vmem>>, vector<16xi32>,
      %get3A_327 = vector.shape_cast %get3A_326 : vector<16xi32> to vector<16xi32>
      %eq3A_328 = arith.cmpi eq, %get3A_324, %get3A_327 : vector<16xi32>
      %broadcast_in_dim3A_329 = arith.constant 10000 : i32
      %broadcast_in_dim3A_330 = vector.broadcast %broadcast_in_dim3A_329 : i32 to vector<16xi32>
      %select_n3A_331 = arith.select %eq3A_328, %broadcast_in_dim3A_330, %get3A_324 : vector<16xi1>, vector<16xi32>
      %swap3A_332 = arith.index_cast %add3A_321 : i32 to index
      %swap3A_333 = tpu.vector_load %arg6[%swap3A_332] {strides = array<i32>} : memref<20288xi32, #tpu.memory_space<vmem>>, vector<16xi32>,
      %swap3A_334 = vector.shape_cast %swap3A_333 : vector<16xi32> to vector<16xi32>
      %swap3A_335 = vector.shape_cast %select_n3A_331 : vector<16xi32> to vector<16xi32>
      tpu.vector_store %arg6[%swap3A_332], %swap3A_335 {strides = array<i32>} : memref<20288xi32, #tpu.memory_space<vmem>>, vector<16xi32>,
      %sub3A_336 = vector.broadcast %mul3A_0 : i32 to vector<16xi32>
      %sub3A_337 = arith.subi %get3A_327, %sub3A_336 : vector<16xi32>
      %lt3A_338 = arith.constant 0 : i32
      %lt3A_339 = vector.broadcast %lt3A_338 : i32 to vector<16xi32>
      %lt3A_340 = arith.cmpi slt, %sub3A_337, %lt3A_339 : vector<16xi32>
      %ge3A_341 = arith.constant 5120 : i32
      %ge3A_342 = vector.broadcast %ge3A_341 : i32 to vector<16xi32>
      %ge3A_343 = arith.cmpi sge, %sub3A_337, %ge3A_342 : vector<16xi32>
      %or3A_344 = arith.ori %lt3A_340, %ge3A_343 : vector<16xi1>
      %broadcast_in_dim3A_345 = arith.constant 5120 : i32
      %broadcast_in_dim3A_346 = vector.broadcast %broadcast_in_dim3A_345 : i32 to vector<16xi32>
      %select_n3A_347 = arith.select %or3A_344, %broadcast_in_dim3A_346, %sub3A_337 : vector<16xi1>, vector<16xi32>
      %swap3A_348 = arith.index_cast %scan3A_288 : i32 to index
      %swap3A_349 = arith.constant 16 : index
      %swap3A_350 = tpu.vector_load %arg8[%swap3A_348, %swap3A_349] {strides = array<i32>} : memref<317x64xi32, #tpu.memory_space<vmem>>, vector<1x16xi32>,
      %swap3A_351 = vector.shape_cast %swap3A_350 : vector<1x16xi32> to vector<16xi32>
      %swap3A_352 = vector.shape_cast %select_n3A_347 : vector<16xi32> to vector<1x16xi32>
      tpu.vector_store %arg8[%swap3A_348, %swap3A_349], %swap3A_352 {strides = array<i32>} : memref<317x64xi32, #tpu.memory_space<vmem>>, vector<1x16xi32>,
      %mul3A_353 = arith.constant 64 : i32
      %mul3A_354 = arith.muli %scan3A_288, %mul3A_353 : i32
      %add3A_355 = arith.constant 32 : i32
      %add3A_356 = arith.addi %mul3A_354, %add3A_355 : i32
      %get3A_357 = arith.index_cast %add3A_356 : i32 to index
      %get3A_358 = tpu.vector_load %arg6[%get3A_357] {strides = array<i32>} : memref<20288xi32, #tpu.memory_space<vmem>>, vector<16xi32>,
      %get3A_359 = vector.shape_cast %get3A_358 : vector<16xi32> to vector<16xi32>
      %get3A_360 = arith.index_cast %add3A_356 : i32 to index
      %get3A_361 = tpu.vector_load %arg7[%get3A_360] {strides = array<i32>} : memref<20288xi32, #tpu.memory_space<vmem>>, vector<16xi32>,
      %get3A_362 = vector.shape_cast %get3A_361 : vector<16xi32> to vector<16xi32>
      %eq3A_363 = arith.cmpi eq, %get3A_359, %get3A_362 : vector<16xi32>
      %broadcast_in_dim3A_364 = arith.constant 10000 : i32
      %broadcast_in_dim3A_365 = vector.broadcast %broadcast_in_dim3A_364 : i32 to vector<16xi32>
      %select_n3A_366 = arith.select %eq3A_363, %broadcast_in_dim3A_365, %get3A_359 : vector<16xi1>, vector<16xi32>
      %swap3A_367 = arith.index_cast %add3A_356 : i32 to index
      %swap3A_368 = tpu.vector_load %arg6[%swap3A_367] {strides = array<i32>} : memref<20288xi32, #tpu.memory_space<vmem>>, vector<16xi32>,
      %swap3A_369 = vector.shape_cast %swap3A_368 : vector<16xi32> to vector<16xi32>
      %swap3A_370 = vector.shape_cast %select_n3A_366 : vector<16xi32> to vector<16xi32>
      tpu.vector_store %arg6[%swap3A_367], %swap3A_370 {strides = array<i32>} : memref<20288xi32, #tpu.memory_space<vmem>>, vector<16xi32>,
      %sub3A_371 = vector.broadcast %mul3A_0 : i32 to vector<16xi32>
      %sub3A_372 = arith.subi %get3A_362, %sub3A_371 : vector<16xi32>
      %lt3A_373 = arith.constant 0 : i32
      %lt3A_374 = vector.broadcast %lt3A_373 : i32 to vector<16xi32>
      %lt3A_375 = arith.cmpi slt, %sub3A_372, %lt3A_374 : vector<16xi32>
      %ge3A_376 = arith.constant 5120 : i32
      %ge3A_377 = vector.broadcast %ge3A_376 : i32 to vector<16xi32>
      %ge3A_378 = arith.cmpi sge, %sub3A_372, %ge3A_377 : vector<16xi32>
      %or3A_379 = arith.ori %lt3A_375, %ge3A_378 : vector<16xi1>
      %broadcast_in_dim3A_380 = arith.constant 5120 : i32
      %broadcast_in_dim3A_381 = vector.broadcast %broadcast_in_dim3A_380 : i32 to vector<16xi32>
      %select_n3A_382 = arith.select %or3A_379, %broadcast_in_dim3A_381, %sub3A_372 : vector<16xi1>, vector<16xi32>
      %swap3A_383 = arith.index_cast %scan3A_288 : i32 to index
      %swap3A_384 = arith.constant 32 : index
      %swap3A_385 = tpu.vector_load %arg8[%swap3A_383, %swap3A_384] {strides = array<i32>} : memref<317x64xi32, #tpu.memory_space<vmem>>, vector<1x16xi32>,
      %swap3A_386 = vector.shape_cast %swap3A_385 : vector<1x16xi32> to vector<16xi32>
      %swap3A_387 = vector.shape_cast %select_n3A_382 : vector<16xi32> to vector<1x16xi32>
      tpu.vector_store %arg8[%swap3A_383, %swap3A_384], %swap3A_387 {strides = array<i32>} : memref<317x64xi32, #tpu.memory_space<vmem>>, vector<1x16xi32>,
      %mul3A_388 = arith.constant 64 : i32
      %mul3A_389 = arith.muli %scan3A_288, %mul3A_388 : i32
      %add3A_390 = arith.constant 48 : i32
      %add3A_391 = arith.addi %mul3A_389, %add3A_390 : i32
      %get3A_392 = arith.index_cast %add3A_391 : i32 to index
      %get3A_393 = tpu.vector_load %arg6[%get3A_392] {strides = array<i32>} : memref<20288xi32, #tpu.memory_space<vmem>>, vector<16xi32>,
      %get3A_394 = vector.shape_cast %get3A_393 : vector<16xi32> to vector<16xi32>
      %get3A_395 = arith.index_cast %add3A_391 : i32 to index
      %get3A_396 = tpu.vector_load %arg7[%get3A_395] {strides = array<i32>} : memref<20288xi32, #tpu.memory_space<vmem>>, vector<16xi32>,
      %get3A_397 = vector.shape_cast %get3A_396 : vector<16xi32> to vector<16xi32>
      %eq3A_398 = arith.cmpi eq, %get3A_394, %get3A_397 : vector<16xi32>
      %broadcast_in_dim3A_399 = arith.constant 10000 : i32
      %broadcast_in_dim3A_400 = vector.broadcast %broadcast_in_dim3A_399 : i32 to vector<16xi32>
      %select_n3A_401 = arith.select %eq3A_398, %broadcast_in_dim3A_400, %get3A_394 : vector<16xi1>, vector<16xi32>
      %swap3A_402 = arith.index_cast %add3A_391 : i32 to index
      %swap3A_403 = tpu.vector_load %arg6[%swap3A_402] {strides = array<i32>} : memref<20288xi32, #tpu.memory_space<vmem>>, vector<16xi32>,
      %swap3A_404 = vector.shape_cast %swap3A_403 : vector<16xi32> to vector<16xi32>
      %swap3A_405 = vector.shape_cast %select_n3A_401 : vector<16xi32> to vector<16xi32>
      tpu.vector_store %arg6[%swap3A_402], %swap3A_405 {strides = array<i32>} : memref<20288xi32, #tpu.memory_space<vmem>>, vector<16xi32>,
      %sub3A_406 = vector.broadcast %mul3A_0 : i32 to vector<16xi32>
      %sub3A_407 = arith.subi %get3A_397, %sub3A_406 : vector<16xi32>
      %lt3A_408 = arith.constant 0 : i32
      %lt3A_409 = vector.broadcast %lt3A_408 : i32 to vector<16xi32>
      %lt3A_410 = arith.cmpi slt, %sub3A_407, %lt3A_409 : vector<16xi32>
      %ge3A_411 = arith.constant 5120 : i32
      %ge3A_412 = vector.broadcast %ge3A_411 : i32 to vector<16xi32>
      %ge3A_413 = arith.cmpi sge, %sub3A_407, %ge3A_412 : vector<16xi32>
      %or3A_414 = arith.ori %lt3A_410, %ge3A_413 : vector<16xi1>
      %broadcast_in_dim3A_415 = arith.constant 5120 : i32
      %broadcast_in_dim3A_416 = vector.broadcast %broadcast_in_dim3A_415 : i32 to vector<16xi32>
      %select_n3A_417 = arith.select %or3A_414, %broadcast_in_dim3A_416, %sub3A_407 : vector<16xi1>, vector<16xi32>
      %swap3A_418 = arith.index_cast %scan3A_288 : i32 to index
      %swap3A_419 = arith.constant 48 : index
      %swap3A_420 = tpu.vector_load %arg8[%swap3A_418, %swap3A_419] {strides = array<i32>} : memref<317x64xi32, #tpu.memory_space<vmem>>, vector<1x16xi32>,
      %swap3A_421 = vector.shape_cast %swap3A_420 : vector<1x16xi32> to vector<16xi32>
      %swap3A_422 = vector.shape_cast %select_n3A_417 : vector<16xi32> to vector<1x16xi32>
      tpu.vector_store %arg8[%swap3A_418, %swap3A_419], %swap3A_422 {strides = array<i32>} : memref<317x64xi32, #tpu.memory_space<vmem>>, vector<1x16xi32>,
      %scan3A_423 = arith.constant 0 : i32
      scf.yield %scan3A_423 : i32
    }
    %scan3A_185 = arith.constant 317 : i32
    %dma_start3A_186 = arith.constant 0 : i32
    %dma_start3A_187 = tpu.memref_slice %arg6[%dma_start3A_186] : memref<20288xi32, #tpu.memory_space<vmem>> -> memref<64xi32, #tpu.memory_space<vmem>>
    %dma_start3A_188 = arith.constant 0 : i32
    %dma_start3A_189 = arith.constant 0 : i32
    %dma_start3A_190 = tpu.memref_slice %arg2[%dma_start3A_188, %dma_start3A_189] : memref<10240x64xf32, #tpu.memory_space<hbm>> -> memref<10240x64xf32, #tpu.memory_space<hbm>>
    tpu.enqueue_indirect_dma source(%dma_start3A_190 : memref<10240x64xf32, #tpu.memory_space<hbm>>) target(%arg9 : memref<64x64xf32, #tpu.memory_space<vmem>>) offsets(%dma_start3A_187 : memref<64xi32, #tpu.memory_space<vmem>>) semaphore(%arg14 : memref<!tpu.dma_semaphore, #tpu.memory_space<semaphore_mem>>)
    %dma_start3A_191 = arith.constant 64 : i32
    %dma_start3A_192 = tpu.memref_slice %arg6[%dma_start3A_191] : memref<20288xi32, #tpu.memory_space<vmem>> -> memref<64xi32, #tpu.memory_space<vmem>>
    %dma_start3A_193 = arith.constant 0 : i32
    %dma_start3A_194 = arith.constant 0 : i32
    %dma_start3A_195 = tpu.memref_slice %arg2[%dma_start3A_193, %dma_start3A_194] : memref<10240x64xf32, #tpu.memory_space<hbm>> -> memref<10240x64xf32, #tpu.memory_space<hbm>>
    tpu.enqueue_indirect_dma source(%dma_start3A_195 : memref<10240x64xf32, #tpu.memory_space<hbm>>) target(%arg10 : memref<64x64xf32, #tpu.memory_space<vmem>>) offsets(%dma_start3A_192 : memref<64xi32, #tpu.memory_space<vmem>>) semaphore(%arg15 : memref<!tpu.dma_semaphore, #tpu.memory_space<semaphore_mem>>)
    %dma_wait3A_196 = arith.constant 0 : i32
    %dma_wait3A_197 = tpu.memref_slice %arg6[%dma_wait3A_196] : memref<20288xi32, #tpu.memory_space<vmem>> -> memref<64xi32, #tpu.memory_space<vmem>>
    %dma_wait3A_198 = arith.constant 0 : i32
    %dma_wait3A_199 = arith.constant 0 : i32
    %dma_wait3A_200 = tpu.memref_slice %arg2[%dma_wait3A_198, %dma_wait3A_199] : memref<10240x64xf32, #tpu.memory_space<hbm>> -> memref<10240x64xf32, #tpu.memory_space<hbm>>
    tpu.wait_indirect_dma semaphore(%arg14 : memref<!tpu.dma_semaphore, #tpu.memory_space<semaphore_mem>>) src(%dma_wait3A_200 : memref<10240x64xf32, #tpu.memory_space<hbm>>) dst(%arg9 : memref<64x64xf32, #tpu.memory_space<vmem>>)
    %dma_start3A_201 = arith.constant 0 : i32
    %dma_start3A_202 = arith.constant 0 : i32
    %dma_start3A_203 = tpu.memref_slice %arg8[%dma_start3A_201, %dma_start3A_202] : memref<317x64xi32, #tpu.memory_space<vmem>> -> memref<1x64xi32, #tpu.memory_space<vmem>>
    %dma_start3A_204 = tpu.memref_squeeze %dma_start3A_203 : memref<1x64xi32, #tpu.memory_space<vmem>> -> memref<64xi32, #tpu.memory_space<vmem>>
    %dma_start3A_205 = arith.constant 0 : i32
    %dma_start3A_206 = arith.constant 0 : i32
    %dma_start3A_207 = tpu.memref_slice %arg13[%dma_start3A_205, %dma_start3A_206] : memref<5128x64xf32, #tpu.memory_space<vmem_shared>> -> memref<5128x64xf32, #tpu.memory_space<vmem_shared>>
    tpu.enqueue_indirect_dma source(%arg9 : memref<64x64xf32, #tpu.memory_space<vmem>>) target(%dma_start3A_207 : memref<5128x64xf32, #tpu.memory_space<vmem_shared>>) offsets(%dma_start3A_204 : memref<64xi32, #tpu.memory_space<vmem>>) semaphore(%arg17 : memref<!tpu.dma_semaphore, #tpu.memory_space<semaphore_mem>>) {add = true}
    %dma_start3A_208 = arith.constant 128 : i32
    %dma_start3A_209 = tpu.memref_slice %arg6[%dma_start3A_208] : memref<20288xi32, #tpu.memory_space<vmem>> -> memref<64xi32, #tpu.memory_space<vmem>>
    %dma_start3A_210 = arith.constant 0 : i32
    %dma_start3A_211 = arith.constant 0 : i32
    %dma_start3A_212 = tpu.memref_slice %arg2[%dma_start3A_210, %dma_start3A_211] : memref<10240x64xf32, #tpu.memory_space<hbm>> -> memref<10240x64xf32, #tpu.memory_space<hbm>>
    tpu.enqueue_indirect_dma source(%dma_start3A_212 : memref<10240x64xf32, #tpu.memory_space<hbm>>) target(%arg11 : memref<64x64xf32, #tpu.memory_space<vmem>>) offsets(%dma_start3A_209 : memref<64xi32, #tpu.memory_space<vmem>>) semaphore(%arg16 : memref<!tpu.dma_semaphore, #tpu.memory_space<semaphore_mem>>)
    %dma_wait3A_213 = arith.constant 64 : i32
    %dma_wait3A_214 = tpu.memref_slice %arg6[%dma_wait3A_213] : memref<20288xi32, #tpu.memory_space<vmem>> -> memref<64xi32, #tpu.memory_space<vmem>>
    %dma_wait3A_215 = arith.constant 0 : i32
    %dma_wait3A_216 = arith.constant 0 : i32
    %dma_wait3A_217 = tpu.memref_slice %arg2[%dma_wait3A_215, %dma_wait3A_216] : memref<10240x64xf32, #tpu.memory_space<hbm>> -> memref<10240x64xf32, #tpu.memory_space<hbm>>
    tpu.wait_indirect_dma semaphore(%arg15 : memref<!tpu.dma_semaphore, #tpu.memory_space<semaphore_mem>>) src(%dma_wait3A_217 : memref<10240x64xf32, #tpu.memory_space<hbm>>) dst(%arg10 : memref<64x64xf32, #tpu.memory_space<vmem>>)
    %dma_start3A_218 = arith.constant 1 : i32
    %dma_start3A_219 = arith.constant 0 : i32
    %dma_start3A_220 = tpu.memref_slice %arg8[%dma_start3A_218, %dma_start3A_219] : memref<317x64xi32, #tpu.memory_space<vmem>> -> memref<1x64xi32, #tpu.memory_space<vmem>>
    %dma_start3A_221 = tpu.memref_squeeze %dma_start3A_220 : memref<1x64xi32, #tpu.memory_space<vmem>> -> memref<64xi32, #tpu.memory_space<vmem>>
    %dma_start3A_222 = arith.constant 0 : i32
    %dma_start3A_223 = arith.constant 0 : i32
    %dma_start3A_224 = tpu.memref_slice %arg13[%dma_start3A_222, %dma_start3A_223] : memref<5128x64xf32, #tpu.memory_space<vmem_shared>> -> memref<5128x64xf32, #tpu.memory_space<vmem_shared>>
    tpu.enqueue_indirect_dma source(%arg10 : memref<64x64xf32, #tpu.memory_space<vmem>>) target(%dma_start3A_224 : memref<5128x64xf32, #tpu.memory_space<vmem_shared>>) offsets(%dma_start3A_221 : memref<64xi32, #tpu.memory_space<vmem>>) semaphore(%arg18 : memref<!tpu.dma_semaphore, #tpu.memory_space<semaphore_mem>>) {add = true}
    %dma_wait3A_225 = arith.constant 0 : i32
    %dma_wait3A_226 = arith.constant 0 : i32
    %dma_wait3A_227 = tpu.memref_slice %arg8[%dma_wait3A_225, %dma_wait3A_226] : memref<317x64xi32, #tpu.memory_space<vmem>> -> memref<1x64xi32, #tpu.memory_space<vmem>>
    %dma_wait3A_228 = tpu.memref_squeeze %dma_wait3A_227 : memref<1x64xi32, #tpu.memory_space<vmem>> -> memref<64xi32, #tpu.memory_space<vmem>>
    %dma_wait3A_229 = arith.constant 0 : i32
    %dma_wait3A_230 = arith.constant 0 : i32
    %dma_wait3A_231 = tpu.memref_slice %arg13[%dma_wait3A_229, %dma_wait3A_230] : memref<5128x64xf32, #tpu.memory_space<vmem_shared>> -> memref<5128x64xf32, #tpu.memory_space<vmem_shared>>
    tpu.wait_indirect_dma semaphore(%arg17 : memref<!tpu.dma_semaphore, #tpu.memory_space<semaphore_mem>>) src(%arg9 : memref<64x64xf32, #tpu.memory_space<vmem>>) dst(%dma_wait3A_231 : memref<5128x64xf32, #tpu.memory_space<vmem_shared>>)
    %dma_start3A_232 = arith.constant 192 : i32
    %dma_start3A_233 = tpu.memref_slice %arg6[%dma_start3A_232] : memref<20288xi32, #tpu.memory_space<vmem>> -> memref<64xi32, #tpu.memory_space<vmem>>
    %dma_start3A_234 = arith.constant 0 : i32
    %dma_start3A_235 = arith.constant 0 : i32
    %dma_start3A_236 = tpu.memref_slice %arg2[%dma_start3A_234, %dma_start3A_235] : memref<10240x64xf32, #tpu.memory_space<hbm>> -> memref<10240x64xf32, #tpu.memory_space<hbm>>
    tpu.enqueue_indirect_dma source(%dma_start3A_236 : memref<10240x64xf32, #tpu.memory_space<hbm>>) target(%arg9 : memref<64x64xf32, #tpu.memory_space<vmem>>) offsets(%dma_start3A_233 : memref<64xi32, #tpu.memory_space<vmem>>) semaphore(%arg14 : memref<!tpu.dma_semaphore, #tpu.memory_space<semaphore_mem>>)
    %dma_wait3A_237 = arith.constant 128 : i32
    %dma_wait3A_238 = tpu.memref_slice %arg6[%dma_wait3A_237] : memref<20288xi32, #tpu.memory_space<vmem>> -> memref<64xi32, #tpu.memory_space<vmem>>
    %dma_wait3A_239 = arith.constant 0 : i32
    %dma_wait3A_240 = arith.constant 0 : i32
    %dma_wait3A_241 = tpu.memref_slice %arg2[%dma_wait3A_239, %dma_wait3A_240] : memref<10240x64xf32, #tpu.memory_space<hbm>> -> memref<10240x64xf32, #tpu.memory_space<hbm>>
    tpu.wait_indirect_dma semaphore(%arg16 : memref<!tpu.dma_semaphore, #tpu.memory_space<semaphore_mem>>) src(%dma_wait3A_241 : memref<10240x64xf32, #tpu.memory_space<hbm>>) dst(%arg11 : memref<64x64xf32, #tpu.memory_space<vmem>>)
    %dma_start3A_242 = arith.constant 2 : i32
    %dma_start3A_243 = arith.constant 0 : i32
    %dma_start3A_244 = tpu.memref_slice %arg8[%dma_start3A_242, %dma_start3A_243] : memref<317x64xi32, #tpu.memory_space<vmem>> -> memref<1x64xi32, #tpu.memory_space<vmem>>
    %dma_start3A_245 = tpu.memref_squeeze %dma_start3A_244 : memref<1x64xi32, #tpu.memory_space<vmem>> -> memref<64xi32, #tpu.memory_space<vmem>>
    %dma_start3A_246 = arith.constant 0 : i32
    %dma_start3A_247 = arith.constant 0 : i32
    %dma_start3A_248 = tpu.memref_slice %arg13[%dma_start3A_246, %dma_start3A_247] : memref<5128x64xf32, #tpu.memory_space<vmem_shared>> -> memref<5128x64xf32, #tpu.memory_space<vmem_shared>>
    tpu.enqueue_indirect_dma source(%arg11 : memref<64x64xf32, #tpu.memory_space<vmem>>) target(%dma_start3A_248 : memref<5128x64xf32, #tpu.memory_space<vmem_shared>>) offsets(%dma_start3A_245 : memref<64xi32, #tpu.memory_space<vmem>>) semaphore(%arg19 : memref<!tpu.dma_semaphore, #tpu.memory_space<semaphore_mem>>) {add = true}
    %dma_wait3A_249 = arith.constant 1 : i32
    %dma_wait3A_250 = arith.constant 0 : i32
    %dma_wait3A_251 = tpu.memref_slice %arg8[%dma_wait3A_249, %dma_wait3A_250] : memref<317x64xi32, #tpu.memory_space<vmem>> -> memref<1x64xi32, #tpu.memory_space<vmem>>
    %dma_wait3A_252 = tpu.memref_squeeze %dma_wait3A_251 : memref<1x64xi32, #tpu.memory_space<vmem>> -> memref<64xi32, #tpu.memory_space<vmem>>
    %dma_wait3A_253 = arith.constant 0 : i32
    %dma_wait3A_254 = arith.constant 0 : i32
    %dma_wait3A_255 = tpu.memref_slice %arg13[%dma_wait3A_253, %dma_wait3A_254] : memref<5128x64xf32, #tpu.memory_space<vmem_shared>> -> memref<5128x64xf32, #tpu.memory_space<vmem_shared>>
    tpu.wait_indirect_dma semaphore(%arg18 : memref<!tpu.dma_semaphore, #tpu.memory_space<semaphore_mem>>) src(%arg10 : memref<64x64xf32, #tpu.memory_space<vmem>>) dst(%dma_wait3A_255 : memref<5128x64xf32, #tpu.memory_space<vmem_shared>>)
    %dma_start3A_256 = arith.constant 256 : i32
    %dma_start3A_257 = tpu.memref_slice %arg6[%dma_start3A_256] : memref<20288xi32, #tpu.memory_space<vmem>> -> memref<64xi32, #tpu.memory_space<vmem>>
    %dma_start3A_258 = arith.constant 0 : i32
    %dma_start3A_259 = arith.constant 0 : i32
    %dma_start3A_260 = tpu.memref_slice %arg2[%dma_start3A_258, %dma_start3A_259] : memref<10240x64xf32, #tpu.memory_space<hbm>> -> memref<10240x64xf32, #tpu.memory_space<hbm>>
    tpu.enqueue_indirect_dma source(%dma_start3A_260 : memref<10240x64xf32, #tpu.memory_space<hbm>>) target(%arg10 : memref<64x64xf32, #tpu.memory_space<vmem>>) offsets(%dma_start3A_257 : memref<64xi32, #tpu.memory_space<vmem>>) semaphore(%arg15 : memref<!tpu.dma_semaphore, #tpu.memory_space<semaphore_mem>>)
    %scan3A_261 = arith.constant 0 : i32
    %scan3A_262 = arith.constant 1 : i32
    %scan3A_263 = arith.constant 104 : i32
    %scan3A_264 = arith.addi %scan3A_262, %scan3A_263 : i32
    %scan3A_265 = arith.constant 1 : i32
    %scan3A_266 = scf.for %scan3A_288 = %scan3A_262 to %scan3A_264 step %scan3A_265 iter_args(%scan3A_289 = %scan3A_261) -> (i32)  : i32 {
      %mul3A_290 = arith.constant 3 : i32
      %mul3A_291 = arith.muli %mul3A_290, %scan3A_288 : i32
      %add3A_292 = arith.constant 0 : i32
      %add3A_293 = arith.addi %mul3A_291, %add3A_292 : i32
      %mul3A_294 = arith.constant 64 : i32
      %mul3A_295 = arith.muli %add3A_293, %mul3A_294 : i32
      %dma_wait3A_296 = tpu.memref_slice %arg6[%mul3A_295] : memref<20288xi32, #tpu.memory_space<vmem>> -> memref<64xi32, #tpu.memory_space<vmem>>
      %dma_wait3A_297 = arith.constant 0 : i32
      %dma_wait3A_298 = arith.constant 0 : i32
      %dma_wait3A_299 = tpu.memref_slice %arg2[%dma_wait3A_297, %dma_wait3A_298] : memref<10240x64xf32, #tpu.memory_space<hbm>> -> memref<10240x64xf32, #tpu.memory_space<hbm>>
      tpu.wait_indirect_dma semaphore(%arg14 : memref<!tpu.dma_semaphore, #tpu.memory_space<semaphore_mem>>) src(%dma_wait3A_299 : memref<10240x64xf32, #tpu.memory_space<hbm>>) dst(%arg9 : memref<64x64xf32, #tpu.memory_space<vmem>>)
      %dma_start3A_300 = arith.constant 0 : i32
      %dma_start3A_301 = tpu.memref_slice %arg8[%add3A_293, %dma_start3A_300] : memref<317x64xi32, #tpu.memory_space<vmem>> -> memref<1x64xi32, #tpu.memory_space<vmem>>
      %dma_start3A_302 = tpu.memref_squeeze %dma_start3A_301 : memref<1x64xi32, #tpu.memory_space<vmem>> -> memref<64xi32, #tpu.memory_space<vmem>>
      %dma_start3A_303 = arith.constant 0 : i32
      %dma_start3A_304 = arith.constant 0 : i32
      %dma_start3A_305 = tpu.memref_slice %arg13[%dma_start3A_303, %dma_start3A_304] : memref<5128x64xf32, #tpu.memory_space<vmem_shared>> -> memref<5128x64xf32, #tpu.memory_space<vmem_shared>>
      tpu.enqueue_indirect_dma source(%arg9 : memref<64x64xf32, #tpu.memory_space<vmem>>) target(%dma_start3A_305 : memref<5128x64xf32, #tpu.memory_space<vmem_shared>>) offsets(%dma_start3A_302 : memref<64xi32, #tpu.memory_space<vmem>>) semaphore(%arg17 : memref<!tpu.dma_semaphore, #tpu.memory_space<semaphore_mem>>) {add = true}
      %sub3A = arith.constant 1 : i32
      %sub3A_306 = arith.subi %add3A_293, %sub3A : i32
      %dma_wait3A_307 = arith.constant 0 : i32
      %dma_wait3A_308 = tpu.memref_slice %arg8[%sub3A_306, %dma_wait3A_307] : memref<317x64xi32, #tpu.memory_space<vmem>> -> memref<1x64xi32, #tpu.memory_space<vmem>>
      %dma_wait3A_309 = tpu.memref_squeeze %dma_wait3A_308 : memref<1x64xi32, #tpu.memory_space<vmem>> -> memref<64xi32, #tpu.memory_space<vmem>>
      %dma_wait3A_310 = arith.constant 0 : i32
      %dma_wait3A_311 = arith.constant 0 : i32
      %dma_wait3A_312 = tpu.memref_slice %arg13[%dma_wait3A_310, %dma_wait3A_311] : memref<5128x64xf32, #tpu.memory_space<vmem_shared>> -> memref<5128x64xf32, #tpu.memory_space<vmem_shared>>
      tpu.wait_indirect_dma semaphore(%arg19 : memref<!tpu.dma_semaphore, #tpu.memory_space<semaphore_mem>>) src(%arg11 : memref<64x64xf32, #tpu.memory_space<vmem>>) dst(%dma_wait3A_312 : memref<5128x64xf32, #tpu.memory_space<vmem_shared>>)
      %add3A_313 = arith.constant 2 : i32
      %add3A_314 = arith.addi %add3A_293, %add3A_313 : i32
      %mul3A_315 = arith.constant 64 : i32
      %mul3A_316 = arith.muli %add3A_314, %mul3A_315 : i32
      %dma_start3A_317 = tpu.memref_slice %arg6[%mul3A_316] : memref<20288xi32, #tpu.memory_space<vmem>> -> memref<64xi32, #tpu.memory_space<vmem>>
      %dma_start3A_318 = arith.constant 0 : i32
      %dma_start3A_319 = arith.constant 0 : i32
      %dma_start3A_320 = tpu.memref_slice %arg2[%dma_start3A_318, %dma_start3A_319] : memref<10240x64xf32, #tpu.memory_space<hbm>> -> memref<10240x64xf32, #tpu.memory_space<hbm>>
      tpu.enqueue_indirect_dma source(%dma_start3A_320 : memref<10240x64xf32, #tpu.memory_space<hbm>>) target(%arg11 : memref<64x64xf32, #tpu.memory_space<vmem>>) offsets(%dma_start3A_317 : memref<64xi32, #tpu.memory_space<vmem>>) semaphore(%arg16 : memref<!tpu.dma_semaphore, #tpu.memory_space<semaphore_mem>>)
      %add3A_321 = arith.constant 1 : i32
      %add3A_322 = arith.addi %mul3A_291, %add3A_321 : i32
      %mul3A_323 = arith.constant 64 : i32
      %mul3A_324 = arith.muli %add3A_322, %mul3A_323 : i32
      %dma_wait3A_325 = tpu.memref_slice %arg6[%mul3A_324] : memref<20288xi32, #tpu.memory_space<vmem>> -> memref<64xi32, #tpu.memory_space<vmem>>
      %dma_wait3A_326 = arith.constant 0 : i32
      %dma_wait3A_327 = arith.constant 0 : i32
      %dma_wait3A_328 = tpu.memref_slice %arg2[%dma_wait3A_326, %dma_wait3A_327] : memref<10240x64xf32, #tpu.memory_space<hbm>> -> memref<10240x64xf32, #tpu.memory_space<hbm>>
      tpu.wait_indirect_dma semaphore(%arg15 : memref<!tpu.dma_semaphore, #tpu.memory_space<semaphore_mem>>) src(%dma_wait3A_328 : memref<10240x64xf32, #tpu.memory_space<hbm>>) dst(%arg10 : memref<64x64xf32, #tpu.memory_space<vmem>>)
      %dma_start3A_329 = arith.constant 0 : i32
      %dma_start3A_330 = tpu.memref_slice %arg8[%add3A_322, %dma_start3A_329] : memref<317x64xi32, #tpu.memory_space<vmem>> -> memref<1x64xi32, #tpu.memory_space<vmem>>
      %dma_start3A_331 = tpu.memref_squeeze %dma_start3A_330 : memref<1x64xi32, #tpu.memory_space<vmem>> -> memref<64xi32, #tpu.memory_space<vmem>>
      %dma_start3A_332 = arith.constant 0 : i32
      %dma_start3A_333 = arith.constant 0 : i32
      %dma_start3A_334 = tpu.memref_slice %arg13[%dma_start3A_332, %dma_start3A_333] : memref<5128x64xf32, #tpu.memory_space<vmem_shared>> -> memref<5128x64xf32, #tpu.memory_space<vmem_shared>>
      tpu.enqueue_indirect_dma source(%arg10 : memref<64x64xf32, #tpu.memory_space<vmem>>) target(%dma_start3A_334 : memref<5128x64xf32, #tpu.memory_space<vmem_shared>>) offsets(%dma_start3A_331 : memref<64xi32, #tpu.memory_space<vmem>>) semaphore(%arg18 : memref<!tpu.dma_semaphore, #tpu.memory_space<semaphore_mem>>) {add = true}
      %sub3A_335 = arith.constant 1 : i32
      %sub3A_336 = arith.subi %add3A_322, %sub3A_335 : i32
      %dma_wait3A_337 = arith.constant 0 : i32
      %dma_wait3A_338 = tpu.memref_slice %arg8[%sub3A_336, %dma_wait3A_337] : memref<317x64xi32, #tpu.memory_space<vmem>> -> memref<1x64xi32, #tpu.memory_space<vmem>>
      %dma_wait3A_339 = tpu.memref_squeeze %dma_wait3A_338 : memref<1x64xi32, #tpu.memory_space<vmem>> -> memref<64xi32, #tpu.memory_space<vmem>>
      %dma_wait3A_340 = arith.constant 0 : i32
      %dma_wait3A_341 = arith.constant 0 : i32
      %dma_wait3A_342 = tpu.memref_slice %arg13[%dma_wait3A_340, %dma_wait3A_341] : memref<5128x64xf32, #tpu.memory_space<vmem_shared>> -> memref<5128x64xf32, #tpu.memory_space<vmem_shared>>
      tpu.wait_indirect_dma semaphore(%arg17 : memref<!tpu.dma_semaphore, #tpu.memory_space<semaphore_mem>>) src(%arg9 : memref<64x64xf32, #tpu.memory_space<vmem>>) dst(%dma_wait3A_342 : memref<5128x64xf32, #tpu.memory_space<vmem_shared>>)
      %add3A_343 = arith.constant 2 : i32
      %add3A_344 = arith.addi %add3A_322, %add3A_343 : i32
      %mul3A_345 = arith.constant 64 : i32
      %mul3A_346 = arith.muli %add3A_344, %mul3A_345 : i32
      %dma_start3A_347 = tpu.memref_slice %arg6[%mul3A_346] : memref<20288xi32, #tpu.memory_space<vmem>> -> memref<64xi32, #tpu.memory_space<vmem>>
      %dma_start3A_348 = arith.constant 0 : i32
      %dma_start3A_349 = arith.constant 0 : i32
      %dma_start3A_350 = tpu.memref_slice %arg2[%dma_start3A_348, %dma_start3A_349] : memref<10240x64xf32, #tpu.memory_space<hbm>> -> memref<10240x64xf32, #tpu.memory_space<hbm>>
      tpu.enqueue_indirect_dma source(%dma_start3A_350 : memref<10240x64xf32, #tpu.memory_space<hbm>>) target(%arg9 : memref<64x64xf32, #tpu.memory_space<vmem>>) offsets(%dma_start3A_347 : memref<64xi32, #tpu.memory_space<vmem>>) semaphore(%arg14 : memref<!tpu.dma_semaphore, #tpu.memory_space<semaphore_mem>>)
      %add3A_351 = arith.constant 2 : i32
      %add3A_352 = arith.addi %mul3A_291, %add3A_351 : i32
      %mul3A_353 = arith.constant 64 : i32
      %mul3A_354 = arith.muli %add3A_352, %mul3A_353 : i32
      %dma_wait3A_355 = tpu.memref_slice %arg6[%mul3A_354] : memref<20288xi32, #tpu.memory_space<vmem>> -> memref<64xi32, #tpu.memory_space<vmem>>
      %dma_wait3A_356 = arith.constant 0 : i32
      %dma_wait3A_357 = arith.constant 0 : i32
      %dma_wait3A_358 = tpu.memref_slice %arg2[%dma_wait3A_356, %dma_wait3A_357] : memref<10240x64xf32, #tpu.memory_space<hbm>> -> memref<10240x64xf32, #tpu.memory_space<hbm>>
      tpu.wait_indirect_dma semaphore(%arg16 : memref<!tpu.dma_semaphore, #tpu.memory_space<semaphore_mem>>) src(%dma_wait3A_358 : memref<10240x64xf32, #tpu.memory_space<hbm>>) dst(%arg11 : memref<64x64xf32, #tpu.memory_space<vmem>>)
      %dma_start3A_359 = arith.constant 0 : i32
      %dma_start3A_360 = tpu.memref_slice %arg8[%add3A_352, %dma_start3A_359] : memref<317x64xi32, #tpu.memory_space<vmem>> -> memref<1x64xi32, #tpu.memory_space<vmem>>
      %dma_start3A_361 = tpu.memref_squeeze %dma_start3A_360 : memref<1x64xi32, #tpu.memory_space<vmem>> -> memref<64xi32, #tpu.memory_space<vmem>>
      %dma_start3A_362 = arith.constant 0 : i32
      %dma_start3A_363 = arith.constant 0 : i32
      %dma_start3A_364 = tpu.memref_slice %arg13[%dma_start3A_362, %dma_start3A_363] : memref<5128x64xf32, #tpu.memory_space<vmem_shared>> -> memref<5128x64xf32, #tpu.memory_space<vmem_shared>>
      tpu.enqueue_indirect_dma source(%arg11 : memref<64x64xf32, #tpu.memory_space<vmem>>) target(%dma_start3A_364 : memref<5128x64xf32, #tpu.memory_space<vmem_shared>>) offsets(%dma_start3A_361 : memref<64xi32, #tpu.memory_space<vmem>>) semaphore(%arg19 : memref<!tpu.dma_semaphore, #tpu.memory_space<semaphore_mem>>) {add = true}
      %sub3A_365 = arith.constant 1 : i32
      %sub3A_366 = arith.subi %add3A_352, %sub3A_365 : i32
      %dma_wait3A_367 = arith.constant 0 : i32
      %dma_wait3A_368 = tpu.memref_slice %arg8[%sub3A_366, %dma_wait3A_367] : memref<317x64xi32, #tpu.memory_space<vmem>> -> memref<1x64xi32, #tpu.memory_space<vmem>>
      %dma_wait3A_369 = tpu.memref_squeeze %dma_wait3A_368 : memref<1x64xi32, #tpu.memory_space<vmem>> -> memref<64xi32, #tpu.memory_space<vmem>>
      %dma_wait3A_370 = arith.constant 0 : i32
      %dma_wait3A_371 = arith.constant 0 : i32
      %dma_wait3A_372 = tpu.memref_slice %arg13[%dma_wait3A_370, %dma_wait3A_371] : memref<5128x64xf32, #tpu.memory_space<vmem_shared>> -> memref<5128x64xf32, #tpu.memory_space<vmem_shared>>
      tpu.wait_indirect_dma semaphore(%arg18 : memref<!tpu.dma_semaphore, #tpu.memory_space<semaphore_mem>>) src(%arg10 : memref<64x64xf32, #tpu.memory_space<vmem>>) dst(%dma_wait3A_372 : memref<5128x64xf32, #tpu.memory_space<vmem_shared>>)
      %add3A_373 = arith.constant 2 : i32
      %add3A_374 = arith.addi %add3A_352, %add3A_373 : i32
      %mul3A_375 = arith.constant 64 : i32
      %mul3A_376 = arith.muli %add3A_374, %mul3A_375 : i32
      %dma_start3A_377 = tpu.memref_slice %arg6[%mul3A_376] : memref<20288xi32, #tpu.memory_space<vmem>> -> memref<64xi32, #tpu.memory_space<vmem>>
      %dma_start3A_378 = arith.constant 0 : i32
      %dma_start3A_379 = arith.constant 0 : i32
      %dma_start3A_380 = tpu.memref_slice %arg2[%dma_start3A_378, %dma_start3A_379] : memref<10240x64xf32, #tpu.memory_space<hbm>> -> memref<10240x64xf32, #tpu.memory_space<hbm>>
      tpu.enqueue_indirect_dma source(%dma_start3A_380 : memref<10240x64xf32, #tpu.memory_space<hbm>>) target(%arg10 : memref<64x64xf32, #tpu.memory_space<vmem>>) offsets(%dma_start3A_377 : memref<64xi32, #tpu.memory_space<vmem>>) semaphore(%arg15 : memref<!tpu.dma_semaphore, #tpu.memory_space<semaphore_mem>>)
      %scan3A_381 = arith.constant 0 : i32
      scf.yield %scan3A_381 : i32
    }
    %scan3A_267 = arith.constant 104 : i32
    %dma_wait3A_268 = arith.constant 314 : i32
    %dma_wait3A_269 = arith.constant 0 : i32
    %dma_wait3A_270 = tpu.memref_slice %arg8[%dma_wait3A_268, %dma_wait3A_269] : memref<317x64xi32, #tpu.memory_space<vmem>> -> memref<1x64xi32, #tpu.memory_space<vmem>>
    %dma_wait3A_271 = tpu.memref_squeeze %dma_wait3A_270 : memref<1x64xi32, #tpu.memory_space<vmem>> -> memref<64xi32, #tpu.memory_space<vmem>>
    %dma_wait3A_272 = arith.constant 0 : i32
    %dma_wait3A_273 = arith.constant 0 : i32
    %dma_wait3A_274 = tpu.memref_slice %arg13[%dma_wait3A_272, %dma_wait3A_273] : memref<5128x64xf32, #tpu.memory_space<vmem_shared>> -> memref<5128x64xf32, #tpu.memory_space<vmem_shared>>
    tpu.wait_indirect_dma semaphore(%arg19 : memref<!tpu.dma_semaphore, #tpu.memory_space<semaphore_mem>>) src(%arg11 : memref<64x64xf32, #tpu.memory_space<vmem>>) dst(%dma_wait3A_274 : memref<5128x64xf32, #tpu.memory_space<vmem_shared>>)
    %dma_wait3A_275 = arith.constant 20160 : i32
    %dma_wait3A_276 = tpu.memref_slice %arg6[%dma_wait3A_275] : memref<20288xi32, #tpu.memory_space<vmem>> -> memref<64xi32, #tpu.memory_space<vmem>>
    %dma_wait3A_277 = arith.constant 0 : i32
    %dma_wait3A_278 = arith.constant 0 : i32
    %dma_wait3A_279 = tpu.memref_slice %arg2[%dma_wait3A_277, %dma_wait3A_278] : memref<10240x64xf32, #tpu.memory_space<hbm>> -> memref<10240x64xf32, #tpu.memory_space<hbm>>
    tpu.wait_indirect_dma semaphore(%arg14 : memref<!tpu.dma_semaphore, #tpu.memory_space<semaphore_mem>>) src(%dma_wait3A_279 : memref<10240x64xf32, #tpu.memory_space<hbm>>) dst(%arg9 : memref<64x64xf32, #tpu.memory_space<vmem>>)
    %dma_wait3A_280 = arith.constant 20224 : i32
    %dma_wait3A_281 = tpu.memref_slice %arg6[%dma_wait3A_280] : memref<20288xi32, #tpu.memory_space<vmem>> -> memref<64xi32, #tpu.memory_space<vmem>>
    %dma_wait3A_282 = arith.constant 0 : i32
    %dma_wait3A_283 = arith.constant 0 : i32
    %dma_wait3A_284 = tpu.memref_slice %arg2[%dma_wait3A_282, %dma_wait3A_283] : memref<10240x64xf32, #tpu.memory_space<hbm>> -> memref<10240x64xf32, #tpu.memory_space<hbm>>
    tpu.wait_indirect_dma semaphore(%arg15 : memref<!tpu.dma_semaphore, #tpu.memory_space<semaphore_mem>>) src(%dma_wait3A_284 : memref<10240x64xf32, #tpu.memory_space<hbm>>) dst(%arg10 : memref<64x64xf32, #tpu.memory_space<vmem>>)
    %barrier3A_285 = arith.constant 0 : index
    tpu.barrier barrier_id(%barrier3A_285)
    %mul3A_286 = arith.constant 320 : i32
    %mul3A_287 = arith.muli %arg1, %mul3A_286 : i32
    "tpu.region"() ({
      %run_scoped3A = tpu.sem_alloc : memref<!tpu.dma_semaphore, #tpu.memory_space<semaphore_mem>>
      %dma_start3A_288 = arith.constant 0 : i32
      %dma_start3A_289 = arith.constant 0 : i32
      %dma_start3A_290 = tpu.memref_slice %arg5[%arg0, %arg1, %dma_start3A_288, %dma_start3A_289] : memref<2x16x320x64xf32, #tpu.memory_space<hbm>> -> memref<1x1x320x64xf32, #tpu.memory_space<hbm>>
      %dma_start3A_291 = tpu.memref_squeeze %dma_start3A_290 : memref<1x1x320x64xf32, #tpu.memory_space<hbm>> -> memref<320x64xf32, #tpu.memory_space<hbm>>
      %dma_start3A_292 = arith.constant 0 : i32
      %dma_start3A_293 = tpu.memref_slice %arg13[%mul3A_287, %dma_start3A_292] : memref<5128x64xf32, #tpu.memory_space<vmem_shared>> -> memref<320x64xf32, #tpu.memory_space<vmem_shared>>
      tpu.enqueue_dma source(%dma_start3A_293 : memref<320x64xf32, #tpu.memory_space<vmem_shared>>) target(%dma_start3A_291 : memref<320x64xf32, #tpu.memory_space<hbm>>) target_semaphore(%run_scoped3A : memref<!tpu.dma_semaphore, #tpu.memory_space<semaphore_mem>>)
      %dma_wait3A_294 = arith.constant 0 : i32
      %dma_wait3A_295 = arith.constant 0 : i32
      %dma_wait3A_296 = tpu.memref_slice %arg5[%arg0, %arg1, %dma_wait3A_294, %dma_wait3A_295] : memref<2x16x320x64xf32, #tpu.memory_space<hbm>> -> memref<1x1x320x64xf32, #tpu.memory_space<hbm>>
      %dma_wait3A_297 = tpu.memref_squeeze %dma_wait3A_296 : memref<1x1x320x64xf32, #tpu.memory_space<hbm>> -> memref<320x64xf32, #tpu.memory_space<hbm>>
      %dma_wait3A_298 = arith.constant 0 : i32
      %dma_wait3A_299 = tpu.memref_slice %arg13[%mul3A_287, %dma_wait3A_298] : memref<5128x64xf32, #tpu.memory_space<vmem_shared>> -> memref<320x64xf32, #tpu.memory_space<vmem_shared>>
      tpu.wait_dma2 semaphore(%run_scoped3A : memref<!tpu.dma_semaphore, #tpu.memory_space<semaphore_mem>>) src(%dma_wait3A_299 : memref<320x64xf32, #tpu.memory_space<vmem_shared>>) dst(%dma_wait3A_297 : memref<320x64xf32, #tpu.memory_space<hbm>>)
      tpu.yield
    }) : () -> ()
    return
  }
}

module attributes {stable_mosaic.version = 14 : i64} {
  func.func @_pref_body(%arg0: memref<6000x64xf32, #tpu.memory_space<vmem>>, %arg1: memref<6000x64xf32, #tpu.memory_space<vmem>>) attributes {dimension_semantics = [], scalar_prefetch = 0 : i64, scratch_operands = 0 : i64, tpu.core_type = #tpu.core_type<tc>} {
    %get3A = arith.constant 0 : index
    %get3A_0 = arith.constant 0 : index
    %get3A_1 = vector.load %arg0[%get3A, %get3A_0] : memref<6000x64xf32, #tpu.memory_space<vmem>>, vector<6000x64xf32>
    %mul3A = arith.mulf %get3A_1, %get3A_1 : vector<6000x64xf32>
    %reduce_sum3A = arith.constant dense<0.000000e+00> : vector<6000xf32>
    %reduce_sum3A_2 = vector.multi_reduction <add>, %mul3A, %reduce_sum3A [1] : vector<6000x64xf32> to vector<6000xf32>
    %broadcast_in_dim3A = vector.shape_cast %reduce_sum3A_2 : vector<6000xf32> to vector<6000x1xf32>
    %sqrt3A = math.sqrt %broadcast_in_dim3A : vector<6000x1xf32>
    %max3A = arith.constant 9.99999996E-13 : f32
    %max3A_3 = vector.broadcast %max3A : f32 to vector<6000x1xf32>
    %max3A_4 = arith.maximumf %sqrt3A, %max3A_3 : vector<6000x1xf32>
    %div3A = vector.broadcast %max3A_4 : vector<6000x1xf32> to vector<6000x64xf32>
    %div3A_5 = arith.divf %get3A_1, %div3A : vector<6000x64xf32>
    %swap3A = arith.constant 0 : index
    %swap3A_6 = arith.constant 0 : index
    %swap3A_7 = vector.load %arg1[%swap3A, %swap3A_6] : memref<6000x64xf32, #tpu.memory_space<vmem>>, vector<6000x64xf32>
    tpu.vector_store %arg1[%swap3A, %swap3A_6], %div3A_5 {strides = array<i32>} : memref<6000x64xf32, #tpu.memory_space<vmem>>, vector<6000x64xf32>,
    return
  }
}

module attributes {stable_mosaic.version = 14 : i64} {
  func.func @_mlp_body(%arg0: memref<4000x128xf32, #tpu.memory_space<vmem>>, %arg1: memref<128x256xf32, #tpu.memory_space<vmem>>, %arg2: memref<1x256xf32, #tpu.memory_space<vmem>>, %arg3: memref<256x64xf32, #tpu.memory_space<vmem>>, %arg4: memref<1x64xf32, #tpu.memory_space<vmem>>, %arg5: memref<4000x64xf32, #tpu.memory_space<vmem>>) attributes {dimension_semantics = [], scalar_prefetch = 0 : i64, scratch_operands = 0 : i64, tpu.core_type = #tpu.core_type<tc>} {
    %get3A = arith.constant 0 : index
    %get3A_0 = arith.constant 0 : index
    %get3A_1 = vector.load %arg0[%get3A, %get3A_0] : memref<4000x128xf32, #tpu.memory_space<vmem>>, vector<4000x128xf32>
    %get3A_2 = arith.constant 0 : index
    %get3A_3 = arith.constant 0 : index
    %get3A_4 = vector.load %arg1[%get3A_2, %get3A_3] : memref<128x256xf32, #tpu.memory_space<vmem>>, vector<128x256xf32>
    %dot_general3A = arith.constant dense<0.000000e+00> : vector<4000x256xf32>
    %dot_general3A_5 = tpu.matmul %get3A_1, %get3A_4, %dot_general3A {dimension_numbers = #tpu.dot_dimension_numbers<[1], [0], [0], [1], [0, 0, 1, 1], [], []>, transpose_lhs_hint = false} : vector<4000x128xf32>, vector<128x256xf32>, vector<4000x256xf32> -> vector<4000x256xf32>
    %get3A_6 = arith.constant 0 : index
    %get3A_7 = arith.constant 0 : index
    %get3A_8 = vector.load %arg2[%get3A_6, %get3A_7] : memref<1x256xf32, #tpu.memory_space<vmem>>, vector<1x256xf32>
    %add3A = vector.broadcast %get3A_8 : vector<1x256xf32> to vector<4000x256xf32>
    %add3A_9 = arith.addf %dot_general3A_5, %add3A : vector<4000x256xf32>
    %gt3A = arith.constant 0.000000e+00 : f32
    %gt3A_10 = vector.broadcast %gt3A : f32 to vector<4000x256xf32>
    %gt3A_11 = arith.cmpf ogt, %add3A_9, %gt3A_10 : vector<4000x256xf32>
    %mul3A = arith.constant 0.00999999977 : f32
    %mul3A_12 = vector.broadcast %mul3A : f32 to vector<4000x256xf32>
    %mul3A_13 = arith.mulf %mul3A_12, %add3A_9 : vector<4000x256xf32>
    %select_n3A = arith.select %gt3A_11, %add3A_9, %mul3A_13 : vector<4000x256xi1>, vector<4000x256xf32>
    %get3A_14 = arith.constant 0 : index
    %get3A_15 = arith.constant 0 : index
    %get3A_16 = vector.load %arg3[%get3A_14, %get3A_15] : memref<256x64xf32, #tpu.memory_space<vmem>>, vector<256x64xf32>
    %dot_general3A_17 = arith.constant dense<0.000000e+00> : vector<4000x64xf32>
    %dot_general3A_18 = tpu.matmul %select_n3A, %get3A_16, %dot_general3A_17 {dimension_numbers = #tpu.dot_dimension_numbers<[1], [0], [0], [1], [0, 0, 1, 1], [], []>, transpose_lhs_hint = false} : vector<4000x256xf32>, vector<256x64xf32>, vector<4000x64xf32> -> vector<4000x64xf32>
    %get3A_19 = arith.constant 0 : index
    %get3A_20 = arith.constant 0 : index
    %get3A_21 = vector.load %arg4[%get3A_19, %get3A_20] : memref<1x64xf32, #tpu.memory_space<vmem>>, vector<1x64xf32>
    %add3A_22 = vector.broadcast %get3A_21 : vector<1x64xf32> to vector<4000x64xf32>
    %add3A_23 = arith.addf %dot_general3A_18, %add3A_22 : vector<4000x64xf32>
    %mul3A_24 = arith.mulf %add3A_23, %add3A_23 : vector<4000x64xf32>
    %reduce_sum3A = arith.constant dense<0.000000e+00> : vector<4000xf32>
    %reduce_sum3A_25 = vector.multi_reduction <add>, %mul3A_24, %reduce_sum3A [1] : vector<4000x64xf32> to vector<4000xf32>
    %broadcast_in_dim3A = vector.shape_cast %reduce_sum3A_25 : vector<4000xf32> to vector<4000x1xf32>
    %sqrt3A = math.sqrt %broadcast_in_dim3A : vector<4000x1xf32>
    %max3A = arith.constant 9.99999996E-13 : f32
    %max3A_26 = vector.broadcast %max3A : f32 to vector<4000x1xf32>
    %max3A_27 = arith.maximumf %sqrt3A, %max3A_26 : vector<4000x1xf32>
    %div3A = vector.broadcast %max3A_27 : vector<4000x1xf32> to vector<4000x64xf32>
    %div3A_28 = arith.divf %add3A_23, %div3A : vector<4000x64xf32>
    %swap3A = arith.constant 0 : index
    %swap3A_29 = arith.constant 0 : index
    %swap3A_30 = vector.load %arg5[%swap3A, %swap3A_29] : memref<4000x64xf32, #tpu.memory_space<vmem>>, vector<4000x64xf32>
    tpu.vector_store %arg5[%swap3A, %swap3A_29], %div3A_28 {strides = array<i32>} : memref<4000x64xf32, #tpu.memory_space<vmem>>, vector<4000x64xf32>,
    return
  }
}

module attributes {stable_mosaic.version = 14 : i64} {
  func.func @_scale_body(%arg0: memref<10240x2xf32, #tpu.memory_space<vmem>>, %arg1: memref<10240x64xf32, #tpu.memory_space<vmem>>, %arg2: memref<10240x1xf32, #tpu.memory_space<vmem>>, %arg3: memref<10240x64xf32, #tpu.memory_space<vmem>>) attributes {dimension_semantics = [], scalar_prefetch = 0 : i64, scratch_operands = 0 : i64, tpu.core_type = #tpu.core_type<tc>} {
    %get3A = arith.constant 0 : index
    %get3A_0 = arith.constant 0 : index
    %get3A_1 = vector.load %arg0[%get3A, %get3A_0] : memref<10240x2xf32, #tpu.memory_space<vmem>>, vector<10240x1xf32>
    %get3A_2 = arith.constant 0 : index
    %get3A_3 = arith.constant 1 : index
    %get3A_4 = vector.load %arg0[%get3A_2, %get3A_3] : memref<10240x2xf32, #tpu.memory_space<vmem>>, vector<10240x1xf32>
    %add3A = arith.addf %get3A_1, %get3A_4 : vector<10240x1xf32>
    %gt3A = arith.constant 0.000000e+00 : f32
    %gt3A_5 = vector.broadcast %gt3A : f32 to vector<10240x1xf32>
    %gt3A_6 = arith.cmpf ogt, %add3A, %gt3A_5 : vector<10240x1xf32>
    %max3A = arith.constant 9.99999996E-13 : f32
    %max3A_7 = vector.broadcast %max3A : f32 to vector<10240x1xf32>
    %max3A_8 = arith.maximumf %add3A, %max3A_7 : vector<10240x1xf32>
    %rsqrt3A = math.rsqrt %max3A_8 : vector<10240x1xf32>
    %jit3A = arith.constant 0.000000e+00 : f32
    %broadcast_in_dim3A = vector.broadcast %jit3A : f32 to vector<10240x1xf32>
    %select_n3A = arith.select %gt3A_6, %rsqrt3A, %broadcast_in_dim3A : vector<10240x1xi1>, vector<10240x1xf32>
    %swap3A = arith.constant 0 : index
    %swap3A_9 = arith.constant 0 : index
    %swap3A_10 = vector.load %arg2[%swap3A, %swap3A_9] : memref<10240x1xf32, #tpu.memory_space<vmem>>, vector<10240x1xf32>
    tpu.vector_store %arg2[%swap3A, %swap3A_9], %select_n3A {strides = array<i32>} : memref<10240x1xf32, #tpu.memory_space<vmem>>, vector<10240x1xf32>,
    %get3A_11 = arith.constant 0 : index
    %get3A_12 = arith.constant 0 : index
    %get3A_13 = vector.load %arg1[%get3A_11, %get3A_12] : memref<10240x64xf32, #tpu.memory_space<vmem>>, vector<10240x64xf32>
    %mul3A = vector.broadcast %select_n3A : vector<10240x1xf32> to vector<10240x64xf32>
    %mul3A_14 = arith.mulf %get3A_13, %mul3A : vector<10240x64xf32>
    %swap3A_15 = arith.constant 0 : index
    %swap3A_16 = arith.constant 0 : index
    %swap3A_17 = vector.load %arg3[%swap3A_15, %swap3A_16] : memref<10240x64xf32, #tpu.memory_space<vmem>>, vector<10240x64xf32>
    tpu.vector_store %arg3[%swap3A_15, %swap3A_16], %mul3A_14 {strides = array<i32>} : memref<10240x64xf32, #tpu.memory_space<vmem>>, vector<10240x64xf32>,
    return
  }
}

module attributes {stable_mosaic.version = 14 : i64} {
  func.func @_mid_body(%arg0: memref<10240x64xf32, #tpu.memory_space<vmem>>, %arg1: memref<10240x1xf32, #tpu.memory_space<vmem>>, %arg2: memref<10240x64xf32, #tpu.memory_space<vmem>>, %arg3: memref<10240x64xf32, #tpu.memory_space<vmem>>) attributes {dimension_semantics = [], scalar_prefetch = 0 : i64, scratch_operands = 0 : i64, tpu.core_type = #tpu.core_type<tc>} {
    %get3A = arith.constant 0 : index
    %get3A_0 = arith.constant 0 : index
    %get3A_1 = vector.load %arg1[%get3A, %get3A_0] : memref<10240x1xf32, #tpu.memory_space<vmem>>, vector<10240x1xf32>
    %get3A_2 = arith.constant 0 : index
    %get3A_3 = arith.constant 0 : index
    %get3A_4 = vector.load %arg0[%get3A_2, %get3A_3] : memref<10240x64xf32, #tpu.memory_space<vmem>>, vector<10240x64xf32>
    %mul3A = vector.broadcast %get3A_1 : vector<10240x1xf32> to vector<10240x64xf32>
    %mul3A_5 = arith.mulf %get3A_4, %mul3A : vector<10240x64xf32>
    %swap3A = arith.constant 0 : index
    %swap3A_6 = arith.constant 0 : index
    %swap3A_7 = vector.load %arg2[%swap3A, %swap3A_6] : memref<10240x64xf32, #tpu.memory_space<vmem>>, vector<10240x64xf32>
    tpu.vector_store %arg2[%swap3A, %swap3A_6], %mul3A_5 {strides = array<i32>} : memref<10240x64xf32, #tpu.memory_space<vmem>>, vector<10240x64xf32>,
    %mul3A_8 = vector.broadcast %get3A_1 : vector<10240x1xf32> to vector<10240x64xf32>
    %mul3A_9 = arith.mulf %mul3A_5, %mul3A_8 : vector<10240x64xf32>
    %swap3A_10 = arith.constant 0 : index
    %swap3A_11 = arith.constant 0 : index
    %swap3A_12 = vector.load %arg3[%swap3A_10, %swap3A_11] : memref<10240x64xf32, #tpu.memory_space<vmem>>, vector<10240x64xf32>
    tpu.vector_store %arg3[%swap3A_10, %swap3A_11], %mul3A_9 {strides = array<i32>} : memref<10240x64xf32, #tpu.memory_space<vmem>>, vector<10240x64xf32>,
    return
  }
}

module attributes {stable_mosaic.version = 14 : i64} {
  func.func @_final_body(%arg0: memref<10240x64xf32, #tpu.memory_space<vmem>>, %arg1: memref<10240x64xf32, #tpu.memory_space<vmem>>, %arg2: memref<10240x64xf32, #tpu.memory_space<vmem>>, %arg3: memref<10240x1xf32, #tpu.memory_space<vmem>>, %arg4: memref<10240x64xf32, #tpu.memory_space<vmem>>) attributes {dimension_semantics = [], scalar_prefetch = 0 : i64, scratch_operands = 0 : i64, tpu.core_type = #tpu.core_type<tc>} {
    %get3A = arith.constant 0 : index
    %get3A_0 = arith.constant 0 : index
    %get3A_1 = vector.load %arg0[%get3A, %get3A_0] : memref<10240x64xf32, #tpu.memory_space<vmem>>, vector<10240x64xf32>
    %get3A_2 = arith.constant 0 : index
    %get3A_3 = arith.constant 0 : index
    %get3A_4 = vector.load %arg1[%get3A_2, %get3A_3] : memref<10240x64xf32, #tpu.memory_space<vmem>>, vector<10240x64xf32>
    %add3A = arith.addf %get3A_1, %get3A_4 : vector<10240x64xf32>
    %get3A_5 = arith.constant 0 : index
    %get3A_6 = arith.constant 0 : index
    %get3A_7 = vector.load %arg2[%get3A_5, %get3A_6] : memref<10240x64xf32, #tpu.memory_space<vmem>>, vector<10240x64xf32>
    %get3A_8 = arith.constant 0 : index
    %get3A_9 = arith.constant 0 : index
    %get3A_10 = vector.load %arg3[%get3A_8, %get3A_9] : memref<10240x1xf32, #tpu.memory_space<vmem>>, vector<10240x1xf32>
    %mul3A = vector.broadcast %get3A_10 : vector<10240x1xf32> to vector<10240x64xf32>
    %mul3A_11 = arith.mulf %get3A_7, %mul3A : vector<10240x64xf32>
    %add3A_12 = arith.addf %add3A, %mul3A_11 : vector<10240x64xf32>
    %swap3A = arith.constant 0 : index
    %swap3A_13 = arith.constant 0 : index
    %swap3A_14 = vector.load %arg4[%swap3A, %swap3A_13] : memref<10240x64xf32, #tpu.memory_space<vmem>>, vector<10240x64xf32>
    tpu.vector_store %arg4[%swap3A, %swap3A_13], %add3A_12 {strides = array<i32>} : memref<10240x64xf32, #tpu.memory_space<vmem>>, vector<10240x64xf32>,
    return
  }
}

</mosaic_0001>

<sc_bundles>
// kernel: kernel.10.cloned.1.call-start
scs
__scs_entry_jumppad:
0x0: {  	(pc) =	sbr.rel $0x88, $3  }
0x1: {  	(tag) =	ssettag $0x0;
	lr =	simm.s32 $0x1  }
0x2: {  	[smem:$0x3F9A] =	sst lr;
	_ =	strace $0xD0000000  }
0x3: {  	_ = 	snop  }
0x4: {  	_ = 	snop  }
0x5: {  	_ = 	snop  }
0x6: {  	_ = 	snop  }
0x7: {  	_ = 	snop  }
__scs_overlays_trampoline_lowered:
0x8: {  	[smem:$0x3FA9] =	sst s0  }
0x9: {  	[smem:$0x3FAA] =	sst s1  }
0xa: {  	[smem:$0x3FAB] =	sst s2  }
0xb: {  	[smem:$0x3FAC] =	sst s3  }
0xc: {  	[smem:$0x3FAD] =	sst s4  }
0xd: {  	[smem:$0x3FAE] =	sst s5  }
0xe: {  	[smem:$0x3FAF] =	sst s6  }
0xf: {  	[smem:$0x3FB0] =	sst s7  }
0x10: {  	[smem:$0x3FB1] =	sst s8  }
0x11: {  	[smem:$0x3FB2] =	sst s9;
	s0 =	simm.s32 @!p0 $0x0  }
0x12: {  	s1 =	sld [smem:$0x3F98];
	s0 =	simm.s32 @p0 $0x1  }
0x13: {  	[smem:$0x3FB3] =	sst s0;
	s0 =	simm.s32 @!p1 $0x0  }
0x14: {  	s2 =	sld [smem:$0x3F97];
	s0 =	simm.s32 @p1 $0x1  }
0x15: {  	[smem:$0x3FB4] =	sst s0;
	s0 =	simm.s32 @!p2 $0x0  }
0x16: {  	s3 =	sld [smem:$0x3FDB];
	s0 =	simm.s32 @p2 $0x1  }
0x17: {  	s4 =	simm.s32 $0x1BF5;
	[smem:$0x3FB6] =	sst s0  }
0x18: {  	s0 =	sld [smem:$0x3F99];
	_ =	swait.ge [sflag:s4], $0x0  }
0x19: {  	s7 =	sld [smem:$0x3F9A]  }
0x1a: {  	s8 =	sadd.s32 $0xFFFFE003, lr  }
0x1b: {  	s9 =	sadd.s32 $0xFFFFFEF7, lr;
	s5 =	simm.s32 $0xFFFFFFFF;
	p2 =	slt.u32 s8, $0xFFFFF086  }
0x1c: {  	p1 =	slt.u32 s9, $0xF7A;
	s5 =	simm.s32 @!p2 $0x0  }
0x1d: {  	s5 =	simm.s32 @p1 $0x1;
	p0 =	seq.s32 s7, s2  }
0x1e: {  	s7 =	smul.u32 @!p0 $0xF7A, s2;
	p2 =	seq.s32 @!p0 s5, $0x0  }
0x1f: {  	s9 =	smul.u32 $0xF7A, s1;
	s8 =	simm.s32 @!p0 $0x1BF5;
	p2 =	por !p2, p0  }
0x20: {  	[sflag:s8] =	ssyncset.s32 @!p0 $0xFFFFF086;
	s6 =	sadd.s32 @!p0 s3, s7;
	s7 =	simm.s32 @!p0 $0x108  }
0x21: {  	s3 =	sadd.s32 s3, s9;
	s6 =	sadd.s32 @!p0 $0x88, s6;
	s7 =	simm.s32 @p2 $0x1082  }
0x22: {  	[simem:s7], [sflag:s8] =	dma.local @!p0 [hbm:s6], $0xF7A  }
0x23: {  	s9 =	sor.u32 $0xD0000000, s2;
	s6 =	simm.s32 $0x108;
	_ =	swait.ge @!p0 [sflag:s8], $0x0  }
0x24: {  	s3 =	sadd.s32 $0x88, s3;
	s6 =	simm.s32 @!p1 $0x1082;
	[sflag:s4] =	ssyncset.s32 $0xFFFFF086  }
0x25: {  	[simem:s6], [sflag:s4] =	dma.local [hbm:s3], $0xF7A  }
0x26: {  	[smem:$0x3F9A] =	sst s1;
	(tag) =	ssettag s2;
	_ =	strace s9  }
0x27: {  	s1 =	sld [smem:$0x3FAA]  }
0x28: {  	s2 =	sld [smem:$0x3FAB]  }
0x29: {  	s4 =	sld [smem:$0x3FAD]  }
0x2a: {  	p0 =	seq.s32 s5, $0x0;
	s5 =	sld [smem:$0x3FAE]  }
0x2b: {  	s6 =	sld [smem:$0x3FAF]  }
0x2c: {  	s7 =	sld [smem:$0x3FB0]  }
0x2d: {  	s3 =	simm.s32 $0x108;
	s8 =	sld [smem:$0x3FB1]  }
0x2e: {  	s3 =	simm.s32 @!p0 $0x1082;
	s9 =	sld [smem:$0x3FB2]  }
0x2f: {  	lr =	sadd.s32 s0, s3;
	s0 =	sld [smem:$0x3FA9]  }
0x30: {  	s3 =	sld [smem:$0x3FAC]  }
0x31: {  	[smem:$0x3FB5] =	sst s10  }
0x32: {  	s10 =	sld [smem:$0x3FB3];
	_ =	sdelay $0x3  }
0x33: {  	p0 =	seq.s32 s10, $0x1;
	s10 =	sld [smem:$0x3FB5];
	_ =	sdelay $0x3  }
0x34: {  	[smem:$0x3FB5] =	sst s10  }
0x35: {  	s10 =	sld [smem:$0x3FB4];
	_ =	sdelay $0x3  }
0x36: {  	p1 =	seq.s32 s10, $0x1;
	s10 =	sld [smem:$0x3FB5];
	_ =	sdelay $0x3  }
0x37: {  	[smem:$0x3FB5] =	sst s10  }
0x38: {  	s10 =	sld [smem:$0x3FB6]  }
0x39: {  	_ = 	snop;
	(pc) =	sbr.ind lr, $3  }
0x3a: {  	_ = 	snop  }
0x3b: {  	_ = 	snop  }
0x3c: {  	p2 =	seq.s32 s10, $0x1;
	s10 =	sld [smem:$0x3FB5]  }
0x3d: {  	_ =	shalt  }
0x3e: {  	_ =	shalt  }
0x3f: {  	_ =	shalt  }
0x40: {  	_ =	shalt  }
0x41: {  	_ =	shalt  }
0x42: {  	_ =	shalt  }
0x43: {  	_ =	shalt  }
0x44: {  	_ =	shalt  }
0x45: {  	_ =	shalt  }
0x46: {  	_ =	shalt  }
0x47: {  	_ =	shalt  }
0x48: {  	_ =	shalt  }
0x49: {  	_ =	shalt  }
0x4a: {  	_ =	shalt  }
0x4b: {  	_ =	shalt  }
0x4c: {  	_ =	shalt  }
0x4d: {  	_ =	shalt  }
0x4e: {  	_ =	shalt  }
0x4f: {  	_ =	shalt  }
0x50: {  	_ =	shalt  }
0x51: {  	_ =	shalt  }
0x52: {  	_ =	shalt  }
0x53: {  	_ =	shalt  }
0x54: {  	_ =	shalt  }
0x55: {  	_ =	shalt  }
0x56: {  	_ =	shalt  }
0x57: {  	_ =	shalt  }
0x58: {  	_ =	shalt  }
0x59: {  	_ =	shalt  }
0x5a: {  	_ =	shalt  }
0x5b: {  	_ =	shalt  }
0x5c: {  	_ =	shalt  }
0x5d: {  	_ =	shalt  }
0x5e: {  	_ =	shalt  }
0x5f: {  	_ =	shalt  }
0x60: {  	_ =	shalt  }
0x61: {  	_ =	shalt  }
0x62: {  	_ =	shalt  }
0x63: {  	_ =	shalt  }
0x64: {  	_ =	shalt  }
0x65: {  	_ =	shalt  }
0x66: {  	_ =	shalt  }
0x67: {  	_ =	shalt  }
0x68: {  	_ =	shalt  }
0x69: {  	_ =	shalt  }
0x6a: {  	_ =	shalt  }
0x6b: {  	_ =	shalt  }
0x6c: {  	_ =	shalt  }
0x6d: {  	_ =	shalt  }
0x6e: {  	_ =	shalt  }
0x6f: {  	_ =	shalt  }
0x70: {  	_ =	shalt  }
0x71: {  	_ =	shalt  }
0x72: {  	_ =	shalt  }
0x73: {  	_ =	shalt  }
0x74: {  	_ =	shalt  }
0x75: {  	_ =	shalt  }
0x76: {  	_ =	shalt  }
0x77: {  	_ =	shalt  }
0x78: {  	_ =	shalt  }
0x79: {  	_ =	shalt  }
0x7a: {  	_ =	shalt  }
0x7b: {  	_ =	shalt  }
0x7c: {  	_ =	shalt  }
0x7d: {  	_ =	shalt  }
0x7e: {  	_ =	shalt  }
0x7f: {  	_ =	shalt  }
0x80: {  	_ =	shalt  }
0x81: {  	_ =	shalt  }
0x82: {  	_ =	shalt  }
0x83: {  	_ =	shalt  }
0x84: {  	_ =	shalt  }
0x85: {  	_ =	shalt  }
0x86: {  	_ =	shalt  }
0x87: {  	_ =	shalt  }
.Lfunc_end0:
.L_simem_size_0:
called_computation_lowered:
.L_overlay_start_0:
0x88: {  	s2 =	sld [smem:$0x3FD9]  }
0x89: {  	s3 =	sld [smem:$0x3FFE];
	_ =	sdelay $0x1  }
0x8a: {  	s1 =	srdreg.scid  }
0x8b: {  	s0 =	sand.u32 $0x1, s1  }
0x8c: {  	s17 =	sshll.u32 s0, $0xA;
	s2 =	sadd.s32 s3, s2  }
0x8d: {  	s2 =	sadd.s32 s2, s17  }
0x8e: {  	[smem:$0x3FC1] =	sst s2  }
0x8f: {  	_ = 	snop  }
0x90: {  	s2 =	sld [smem:$0x3FD0];
	(tm) =	ssettm $0x1  }
0x91: {  	s18 =	sld [smem:$0x3FFB];
	_ =	sdelay $0x3  }
0x92: {  	_ =	strace s18  }
0x93: {  	s3 =	sld [smem:$0x3FFC];
	_ =	sdelay $0x3  }
0x94: {  	_ =	strace s3  }
0x95: {  	s3 =	sld [smem:$0x3FFD];
	_ =	sdelay $0x3  }
0x96: {  	_ =	strace s3  }
0x97: {  	_ =	strace $0x8FFFFFFF  }
0x98: {  	s19 =	sld [smem:$0x3FDB];
	_ =	sdelay $0x1  }
0x99: {  	s4 =	simm.s32 $_scs_section_size  }
0x9a: {  	s5 =	simm.s32 $_size__tile_overlayer_lowered;
	s6 =	simm.s32 $_tile_overlayer_lowered  }
0x9b: {  	s22 =	simm.s32 $0x1BFF;
	s21 =	sshll.u32 s6, $0x1;
	s3 =	sadd.s32 s4, s19  }
0x9c: {  	s7 =	simm.s32 $0x0;
	s20 =	sshll.u32 s5, $0x1;
	s5 =	sadd.s32 s21, s3  }
0x9d: {  	[timem:s7], [sflag:s22] =	dma.local [hbm:s5], s20  }
0x9e: {  	_ =	swait.ge [sflag:s22], s20  }
0x9f: {  	s4 =	ssub.s32 $0x0, s20;
	[sflag:s22] =	ssyncset.done $0x0  }
0xa0: {  	[sflag:s22] =	ssyncadd.s32 s4;
	_ =	sdelay $0x1  }
0xa1: {  	s23 =	simm.s32 $0x1B8B  }
0xa2: {  	_ =	swait.ge [sflag:s23], $0x1  }
0xa3: {  	[sflag:s23] =	ssyncset.done $0x0  }
0xa4: {  	s25 =	simm.s32 $0x1B8E;
	s24 =	sld [smem:$0x3FFE];
	[sflag:s23] =	ssyncadd.s32 $0xFFFFFFFF  }
0xa5: {  	s26 =	simm.s32 $execute0_lowered;
	[smem:$0x3FD2] =	sst s25  }
0xa6: {  	s5 =	sshll.u32 s26, $0x1;
	_ =	strace $0x80000046;
	[dreg:$0x1] =	wrdreg $0xFFFFFFFF  }
0xa7: {  	s28 =	simm.s32 $_size_execute0_lowered;
	s3 =	sadd.s32 s3, s5;
	[dreg:$0x0] =	wrdreg $0x0  }
0xa8: {  	s5 =	sshll.u32 s28, $0x1;
	[dreg:$0x2] =	wrdreg s3  }
0xa9: {  	[dreg:$0x3] =	wrdreg s5  }
0xaa: {  	[dreg:$0x4] =	wrdreg $0xC0  }
0xab: {  	_ =	task [dreg:s7], $0x5FFFF  }
0xac: {  	[dreg:$0x1] =	wrdreg $0xFFFFFFFF  }
0xad: {  	[dreg:$0x0] =	wrdreg $0x60  }
0xae: {  	[dreg:$0x2] =	wrdreg s24  }
0xaf: {  	[dreg:$0x3] =	wrdreg s2  }
0xb0: {  	[dreg:$0x4] =	wrdreg $0x142800  }
0xb1: {  	[dreg:$0x5] =	wrdreg $0x9  }
0xb2: {  	_ =	task.clear_ibuf [dreg:s7], $0x6FFFF;
	_ =	strace $0x90000046  }
0xb3: {  	s29 =	simm.s32 $0x9;
	_ =	strace $0x80000048  }
0xb4: {  	_ =	swait.ge [sflag:s29], $0x1  }
0xb5: {  	[sflag:s29] =	ssyncadd.s32 $0xFFFFFFFF  }
0xb6: {  	_ =	strace $0x90000048  }
0xb7: {  	_ =	sfence  }
0xb8: {  	s30 =	sld [smem:$0x0];
	_ =	sdelay $0x2  }
0xb9: {  	s31 =	sshll.u32 s1, $0xD;
	s1 =	sshrl.u32 s1, $0x2  }
0xba: {  	s3 =	sand.u32 $0x4000, s31;
	s1 =	sadd.s32 s1, s30  }
0xbb: {  	s0 =	sor.u32 s3, s0;
	s1 =	sshll.u32 s1, $0x11  }
0xbc: {  	s0 =	sor.u32 s1, s0  }
0xbd: {  	s0 =	sadd.s32 $0x8F2B, s0  }
0xbe: {  	[sflag:s0] =	ssyncadd.remote.s32 $0x1  }
0xbf: {  	_ =	sfence.sel $0xFFFF  }
0xc0: {  	[dreg:$0x0] =	wrdreg $0xFFFFFFFF;
	(pc) =	sbr.abs _section_cstart, $3  }
0xc1: {  	[dreg:$0x1] =	wrdreg $0xFFFFFFFF  }
0xc2: {  	_ =	task.clear_ibuf [dreg:s7], $0x2FFFF;
	_ =	strace $0x9FFFFFFF  }
0xc3: {  	(tm) =	ssettm $0x7FFFFFFF  }
tec
execute0_lowered:
.L_overlay_start_1:
0x0: {  	(tag) =	ssettag $0x1  }
0x1: {  	s4 =	rddreg [dreg:$0x0]  }
0x2: {  	s5 =	rddreg [dreg:$0x1]  }
0x3: {  	s2 =	rddreg [dreg:$0x2];
	s3 =	srdreg.scid  }
0x4: {  	s1 =	stileid.u32;
	s0 =	rddreg [dreg:$0x3];
	s12 =	simm.s32 $0x80  }
0x5: {  	s13 =	simm.s32 $0x1;
	s14 =	simm.s32 $0x2;
	s17 =	simm.s32 $0x0  }
0x6: {  	s6 =	sand.u32 $0x1, s3;
	s7 =	smul.u32 $0x280, s1;
	s3 =	simm.s32 $0x0  }
0x7: {  	s8 =	sshll.u32 s1, $0x1;
	s15 =	sshll.u32 s1, $0x6;
	s9 =	smul.u32 $0x2800, s6  }
0x8: {  	[smem:$0x7FF] =	sst s3;
	s8 =	sor.u32 s6, s8;
	s6 =	ssub.s32 $0x2, s6  }
0x9: {  	s15 =	sor.u32 $0x1C03, s15;
	s8 =	smul.u32 $0x9C4, s8;
	s10 =	sshrl.u32 s6, $0x1  }
0xa: {  	_ =	strace $0x80000047;
	s9 =	sadd.s32 s7, s9;
	s10 =	ssub.s32 s6, s10  }
0xb: {  	s6 =	sadd.s32 s7, s2;
	s9 =	sshrl.u32 s9, $0x3;
	s11 =	sadd.s32 s8, s4  }
0xc: {  	s5 =	sadd.s32 s5, s8;
	s8 =	smax.u32 s10, $0x1;
	s10 =	simm.s32 $0x5000  }
0xd: {  	s16 =	sshrl.u32 s6, $0x3;
	s9 =	sadd.s32 s9, s4;
	s4 =	sadd.s32 $0x2000, s11  }
0xe: {  	v0 =	vimm.s32 $0x2710;
	v1 =	vimm.f32 $1.000000000e+00;
	v2 =	vimm.f32 $0.0e+00;
	s11 =	simm.s32 $0x14000;
	s7 =	sadd.s32 $0x15A00, s9;
	s9 =	simm.s32 $0x3  }
.LBB2_1:
0xf: {  	[tilespmem:s3], [sflag:$0x3] =	stream.linear.gather [hbm4b:s4+s3], $0x4E20, $0x38;
	[tilespmem:$0x14500] =	vst v63  }
0x10: {  	_ =	swait.ge [sflag:s9], $0x4E20  }
0x11: {  	[sflag:s9] =	ssyncset.done $0x0  }
0x12: {  	[sflag:s9] =	ssyncadd.s32 $0xFFFFB1E0  }
0x13: {  	[tilespmem:s10], [sflag:$0x3] =	stream.linear.gather [hbm4b:s5+s3], $0x4E20, $0x38;
	[tilespmem:$0x14500] =	vst v63  }
0x14: {  	_ =	swait.ge [sflag:s9], $0x4E20  }
0x15: {  	[sflag:s9] =	ssyncset.done $0x0  }
0x16: {  	[sflag:s9] =	ssyncadd.s32 $0xFFFFB1E0  }
0x17: {  	[tilespmem:$0x4E20] =	vst v0  }
0x18: {  	[tilespmem:$0x4E30] =	vst v0  }
0x19: {  	[tilespmem:$0x4E40] =	vst v0  }
0x1a: {  	[tilespmem:$0x4E50] =	vst v0  }
0x1b: {  	[tilespmem:$0x4E60] =	vst v0  }
0x1c: {  	[tilespmem:$0x4E70] =	vst v0  }
0x1d: {  	[tilespmem:$0x4E80] =	vst v0  }
0x1e: {  	[tilespmem:$0x4E90] =	vst v0  }
0x1f: {  	[tilespmem:$0x4EA0] =	vst v0  }
0x20: {  	[tilespmem:$0x4EB0] =	vst v0  }
0x21: {  	[tilespmem:$0x4EC0] =	vst v0  }
0x22: {  	[tilespmem:$0x4ED0] =	vst v0  }
0x23: {  	[tilespmem:$0x4EE0] =	vst v0  }
0x24: {  	[tilespmem:$0x4EF0] =	vst v0  }
0x25: {  	[tilespmem:$0x4F00] =	vst v0  }
0x26: {  	[tilespmem:$0x4F10] =	vst v0  }
0x27: {  	[tilespmem:$0x4F20] =	vst v0  }
0x28: {  	[tilespmem:$0x4F30] =	vst v0  }
0x29: {  	[tilespmem:$0x4F40] =	vst v0  }
0x2a: {  	[tilespmem:$0x4F50] =	vst v0  }
0x2b: {  	[tilespmem:$0x4F60] =	vst v0  }
0x2c: {  	[tilespmem:$0x4F70] =	vst v0  }
0x2d: {  	[tilespmem:$0x4F80] =	vst v0  }
0x2e: {  	[tilespmem:$0x4F90] =	vst v0  }
0x2f: {  	[tilespmem:$0x4FA0] =	vst v0  }
0x30: {  	[tilespmem:$0x4FB0] =	vst v0  }
0x31: {  	[tilespmem:$0x4FC0] =	vst v0  }
0x32: {  	[tilespmem:$0x4FD0] =	vst v0  }
0x33: {  	[tilespmem:$0x4FE0] =	vst v0  }
0x34: {  	[tilespmem:$0x4FF0] =	vst v0  }
0x35: {  	[tilespmem:$0x9E20] =	vst v0  }
0x36: {  	[tilespmem:$0x9E30] =	vst v0  }
0x37: {  	[tilespmem:$0x9E40] =	vst v0  }
0x38: {  	[tilespmem:$0x9E50] =	vst v0  }
0x39: {  	[tilespmem:$0x9E60] =	vst v0  }
0x3a: {  	[tilespmem:$0x9E70] =	vst v0  }
0x3b: {  	[tilespmem:$0x9E80] =	vst v0  }
0x3c: {  	[tilespmem:$0x9E90] =	vst v0  }
0x3d: {  	[tilespmem:$0x9EA0] =	vst v0  }
0x3e: {  	[tilespmem:$0x9EB0] =	vst v0  }
0x3f: {  	[tilespmem:$0x9EC0] =	vst v0  }
0x40: {  	[tilespmem:$0x9ED0] =	vst v0  }
0x41: {  	[tilespmem:$0x9EE0] =	vst v0  }
0x42: {  	[tilespmem:$0x9EF0] =	vst v0  }
0x43: {  	[tilespmem:$0x9F00] =	vst v0  }
0x44: {  	[tilespmem:$0x9F10] =	vst v0  }
0x45: {  	[tilespmem:$0x9F20] =	vst v0  }
0x46: {  	[tilespmem:$0x9F30] =	vst v0  }
0x47: {  	[tilespmem:$0x9F40] =	vst v0  }
0x48: {  	[tilespmem:$0x9F50] =	vst v0  }
0x49: {  	[tilespmem:$0x9F60] =	vst v0  }
0x4a: {  	[tilespmem:$0x9F70] =	vst v0  }
0x4b: {  	[tilespmem:$0x9F80] =	vst v0  }
0x4c: {  	[tilespmem:$0x9F90] =	vst v0  }
0x4d: {  	[tilespmem:$0x9FA0] =	vst v0  }
0x4e: {  	[tilespmem:$0x9FB0] =	vst v0  }
0x4f: {  	[tilespmem:$0x9FC0] =	vst v0  }
0x50: {  	[tilespmem:$0x9FD0] =	vst v0  }
0x51: {  	[tilespmem:$0x9FE0] =	vst v0  }
0x52: {  	s18 =	simm.s32 $0x0;
	[tilespmem:$0x9FF0] =	vst v0  }
0x53: {  	v3 =	vld [tilespmem:s18+$0x70]  }
0x54: {  	v4 =	vld [tilespmem:s18+$0x5070]  }
0x55: {  	v5 =	vld [tilespmem:s18+$0x0]  }
0x56: {  	v6 =	vld [tilespmem:s18+$0x5000]  }
0x57: {  	v7 =	vld [tilespmem:s18+$0x10]  }
0x58: {  	v9 =	vld [tilespmem:s18+$0x20]  }
0x59: {  	v8 =	vld [tilespmem:s18+$0x5010]  }
0x5a: {  	[tilespmem:s18+$0xA070] =	vst v3  }
0x5b: {  	[tilespmem:s18+$0xA000] =	vst v5;
	vm0 =	veq.s32 v3, v4;
	v4 =	vld [tilespmem:s18+$0x5020]  }
0x5c: {  	v10 =	vld [tilespmem:s18+$0x30];
	[tilespmem:s18+$0xA010] =	vst v7  }
0x5d: {  	[tilespmem:s18+$0xA020] =	vst v9;
	v3 =	vsel vm0, $0x0, v1;
	vm0 =	veq.s32 v5, v6;
	v5 =	vld [tilespmem:s18+$0x5030]  }
0x5e: {  	v11 =	vld [tilespmem:s18+$0x40];
	[tilespmem:s18+$0xF070] =	vst v3;
	v3 =	vsel vm0, $0x0, v1;
	vm0 =	veq.s32 v7, v8  }
0x5f: {  	v8 =	vld [tilespmem:s18+$0x5040];
	[tilespmem:s18+$0xF000] =	vst v3;
	v3 =	vsel vm0, $0x0, v1  }
0x60: {  	[tilespmem:s18+$0xF010] =	vst v3;
	v3 =	vld [tilespmem:s18+$0x50];
	vm0 =	veq.s32 v9, v4  }
0x61: {  	[tilespmem:s18+$0xA030] =	vst v10;
	v6 =	vld [tilespmem:s18+$0x5050];
	v4 =	vsel vm0, $0x0, v1  }
0x62: {  	vm0 =	veq.s32 v10, v5;
	[tilespmem:s18+$0xF020] =	vst v4;
	v4 =	vld [tilespmem:s18+$0x60]  }
0x63: {  	s19 =	simm.s32 $0x80;
	[tilespmem:s18+$0xA040] =	vst v11;
	v7 =	vld [tilespmem:s18+$0x5060];
	v63 =	vsel vm0, $0x0, v1  }
0x64: {  	s20 =	simm.s32 $0x400;
	vm0 =	veq.s32 v11, v8;
	v5 =	vld [tilespmem:s19+$0x70];
	[tilespmem:s18+$0xF030] =	vst v63  }
.LBB2_2:
0x65: {  	p0 =	sne.s32 s20, $0x13E00;
	v8 =	vld [tilespmem:s19+$0x5070];
	v9 =	vsel vm0, $0x0, v1;
	[tilespmem:s18+$0xA050] =	vst v3  }
0x66: {  	v10 =	vld [tilespmem:s19+$0x0];
	[tilespmem:s18+$0xF040] =	vst v9;
	vm0 =	veq.s32 v3, v6  }
0x67: {  	v3 =	vld [tilespmem:s19+$0x5000];
	v6 =	vsel vm0, $0x0, v1;
	[tilespmem:s18+$0xA060] =	vst v4  }
0x68: {  	v9 =	vld [tilespmem:s19+$0x10];
	[tilespmem:s18+$0xF050] =	vst v6;
	vm0 =	veq.s32 v4, v7  }
0x69: {  	v4 =	vld [tilespmem:s19+$0x5010];
	[tilespmem:s19+$0xA070] =	vst v5;
	v6 =	vsel vm0, $0x0, v1  }
0x6a: {  	v7 =	vld [tilespmem:s19+$0x20];
	vm0 =	veq.s32 v5, v8;
	[tilespmem:s18+$0xF060] =	vst v6;
	s18 =	smov.u32 s19  }
0x6b: {  	[tilespmem:s18+$0xA000] =	vst v10;
	v5 =	vld [tilespmem:s18+$0x5020];
	v6 =	vsel vm0, $0x0, v1  }
0x6c: {  	vm0 =	veq.s32 v10, v3;
	v8 =	vld [tilespmem:s18+$0x30];
	[tilespmem:s18+$0xF070] =	vst v6  }
0x6d: {  	v3 =	vsel vm0, $0x0, v1;
	[tilespmem:s18+$0xA010] =	vst v9;
	v10 =	vld [tilespmem:s18+$0x5030]  }
0x6e: {  	[tilespmem:s18+$0xF000] =	vst v3;
	vm0 =	veq.s32 v9, v4;
	v9 =	vld [tilespmem:s18+$0x40]  }
0x6f: {  	v3 =	vsel vm0, $0x0, v1;
	[tilespmem:s18+$0xA020] =	vst v7;
	v11 =	vld [tilespmem:s18+$0x5040]  }
.Ltmp0:
0x70: {  	[tilespmem:s18+$0xF010] =	vst v3;
	vm0 =	veq.s32 v7, v5;
	v3 =	vld [tilespmem:s18+$0x50];
	(pc) =	sbr.rel @p0 .LBB2_2-.Ltmp0, $4  }
0x71: {  	v4 =	vsel vm0, $0x0, v1;
	[tilespmem:s18+$0xA030] =	vst v8;
	v6 =	vld [tilespmem:s18+$0x5050]  }
0x72: {  	[tilespmem:s18+$0xF020] =	vst v4;
	vm0 =	veq.s32 v8, v10;
	v4 =	vld [tilespmem:s18+$0x60]  }
0x73: {  	s19 =	sshra.s32 s20, $0x2;
	v8 =	vsel vm0, $0x0, v1;
	[tilespmem:s18+$0xA040] =	vst v9;
	v7 =	vld [tilespmem:s18+$0x5060]  }
0x74: {  	s20 =	sadd.s32 $0x200, s20;
	v5 =	vld [tilespmem:s19+$0x70];
	[tilespmem:s18+$0xF030] =	vst v8;
	vm0 =	veq.s32 v9, v11  }
0x75: {  	v8 =	vld [tilespmem:s19+$0x5070];
	[tilespmem:s18+$0xA050] =	vst v3;
	v9 =	vsel vm0, $0x0, v1  }
0x76: {  	v10 =	vld [tilespmem:s19+$0x0];
	[tilespmem:s18+$0xF040] =	vst v9;
	vm6 =	veq.s32 v3, v6  }
0x77: {  	v9 =	vld [tilespmem:s19+$0x5000];
	[tilespmem:s18+$0xA060] =	vst v4;
	v3 =	vsel vm6, $0x0, v1  }
0x78: {  	v54 =	vld [tilespmem:s19+$0x10];
	[tilespmem:s18+$0xF050] =	vst v3;
	vm7 =	veq.s32 v4, v7  }
0x79: {  	v3 =	vld [tilespmem:s19+$0x5010];
	[tilespmem:s19+$0xA070] =	vst v5;
	v4 =	vsel vm7, $0x0, v1  }
0x7a: {  	v55 =	vld [tilespmem:s19+$0x20];
	[tilespmem:s18+$0xF060] =	vst v4  }
0x7b: {  	vm8 =	veq.s32 v5, v8;
	v4 =	vld [tilespmem:s19+$0x5020]  }
0x7c: {  	[tilespmem:s19+$0xA000] =	vst v10;
	v5 =	vsel vm8, $0x0, v1;
	v56 =	vld [tilespmem:s19+$0x30]  }
0x7d: {  	v58 =	vld [tilespmem:s19+$0x5030];
	[tilespmem:s19+$0xF070] =	vst v5;
	vm9 =	veq.s32 v10, v9  }
0x7e: {  	v59 =	vld [tilespmem:s19+$0x40];
	[tilespmem:s19+$0xA010] =	vst v54;
	v57 =	vsel vm9, $0x0, v1  }
0x7f: {  	v62 =	vld [tilespmem:s19+$0x60];
	[tilespmem:s19+$0xF000] =	vst v57;
	vm10 =	veq.s32 v54, v3  }
0x80: {  	v60 =	vld [tilespmem:s19+$0x5040];
	[tilespmem:s19+$0xA020] =	vst v55;
	v3 =	vsel vm10, $0x0, v1  }
0x81: {  	v61 =	vld [tilespmem:s19+$0x5050];
	[tilespmem:s19+$0xF010] =	vst v3  }
0x82: {  	v3 =	vld [tilespmem:s19+$0x50];
	[tilespmem:s19+$0xA030] =	vst v56  }
0x83: {  	v63 =	vld [tilespmem:s19+$0x5060];
	vm11 =	veq.s32 v55, v4;
	[tilespmem:s19+$0xA040] =	vst v59  }
0x84: {  	vm12 =	veq.s32 v56, v58;
	[tilespmem:s19+$0xA060] =	vst v62;
	v4 =	vsel vm11, $0x0, v1  }
0x85: {  	vm13 =	veq.s32 v59, v60;
	v9 =	vsel vm12, $0x0, v1;
	[tilespmem:s19+$0xF020] =	vst v4  }
0x86: {  	v5 =	vsel vm13, $0x0, v1;
	[tilespmem:s19+$0xF030] =	vst v9  }
0x87: {  	[tilespmem:s19+$0xF040] =	vst v5;
	vm14 =	veq.s32 v3, v61  }
0x88: {  	vm15 =	veq.s32 v62, v63;
	[tilespmem:s19+$0xA050] =	vst v3;
	v3 =	vsel vm14, $0x0, v1  }
0x89: {  	[tilespmem:s19+$0xF050] =	vst v3;
	v3 =	vsel vm15, $0x0, v1  }
0x8a: {  	[tilespmem:s19+$0xF060] =	vst v3  }
0x8b: {  	[tilespmem:$0x14000] =	vst v2  }
0x8c: {  	[tilespmem:$0x14010] =	vst v2  }
0x8d: {  	[tilespmem:$0x14020] =	vst v2  }
0x8e: {  	[tilespmem:$0x14030] =	vst v2  }
0x8f: {  	[tilespmem:$0x14040] =	vst v2  }
0x90: {  	[tilespmem:$0x14050] =	vst v2  }
0x91: {  	[tilespmem:$0x14060] =	vst v2  }
0x92: {  	[tilespmem:$0x14070] =	vst v2  }
0x93: {  	[tilespmem:$0x14080] =	vst v2  }
0x94: {  	[tilespmem:$0x14090] =	vst v2  }
0x95: {  	[tilespmem:$0x140A0] =	vst v2  }
0x96: {  	[tilespmem:$0x140B0] =	vst v2  }
0x97: {  	[tilespmem:$0x140C0] =	vst v2  }
0x98: {  	[tilespmem:$0x140D0] =	vst v2  }
0x99: {  	[tilespmem:$0x140E0] =	vst v2  }
0x9a: {  	[tilespmem:$0x140F0] =	vst v2  }
0x9b: {  	[tilespmem:$0x14100] =	vst v2  }
0x9c: {  	[tilespmem:$0x14110] =	vst v2  }
0x9d: {  	[tilespmem:$0x14120] =	vst v2  }
0x9e: {  	[tilespmem:$0x14130] =	vst v2  }
0x9f: {  	[tilespmem:$0x14140] =	vst v2  }
0xa0: {  	[tilespmem:$0x14150] =	vst v2  }
0xa1: {  	[tilespmem:$0x14160] =	vst v2  }
0xa2: {  	[tilespmem:$0x14170] =	vst v2  }
0xa3: {  	[tilespmem:$0x14180] =	vst v2  }
0xa4: {  	[tilespmem:$0x14190] =	vst v2  }
0xa5: {  	[tilespmem:$0x141A0] =	vst v2  }
0xa6: {  	[tilespmem:$0x141B0] =	vst v2  }
0xa7: {  	[tilespmem:$0x141C0] =	vst v2  }
0xa8: {  	[tilespmem:$0x141D0] =	vst v2  }
0xa9: {  	[tilespmem:$0x141E0] =	vst v2  }
0xaa: {  	[tilespmem:$0x141F0] =	vst v2  }
0xab: {  	[tilespmem:$0x14200] =	vst v2  }
0xac: {  	[tilespmem:$0x14210] =	vst v2  }
0xad: {  	[tilespmem:$0x14220] =	vst v2  }
0xae: {  	[tilespmem:$0x14230] =	vst v2  }
0xaf: {  	[tilespmem:$0x14240] =	vst v2  }
0xb0: {  	[tilespmem:$0x14250] =	vst v2  }
0xb1: {  	[tilespmem:$0x14260] =	vst v2  }
0xb2: {  	[tilespmem:$0x14270] =	vst v2  }
0xb3: {  	[spmem:s6] =	stream.linear.scatter [tilespmem:s11], [sflag:$0x3], $0x280, $0x38;
	[tilespmem:$0x14500] =	vst v63  }
0xb4: {  	_ =	swait.ge [sflag:s9], $0x280  }
0xb5: {  	[sflag:s9] =	ssyncset.done $0x0  }
0xb6: {  	[sflag:s9] =	ssyncadd.s32 $0xFFFFFD80  }
0xb7: {  	s28 =	simm.s32 $0xF000;
	s29 =	simm.s32 $0xA000;
	[bflag:$0x0] =	sbarrier.arrive $0xFFFF  }
0xb8: {  	[spmem:s2] =	stream.indirect.scatter.add.f32 [tilespmem:s28], [sflag:$0x1], $0x1, s29, s12, $0xb8;
	[tilespmem:$0x14500] =	vst v63  }
0xb9: {  	s30 =	simm.s32 $0xF080;
	s31 =	simm.s32 $0xA080  }
0xba: {  	[spmem:s2] =	stream.indirect.scatter.add.f32 [tilespmem:s30], [sflag:$0x2], $0x1, s31, s12, $0xb8;
	[tilespmem:$0x14500] =	vst v63  }
0xbb: {  	_ =	swait.ge [sflag:s13], $0x80  }
0xbc: {  	[sflag:s13] =	ssyncset.done $0x0  }
0xbd: {  	[sflag:s13] =	ssyncadd.s32 $0xFFFFFF80  }
0xbe: {  	_ =	swait.ge [sflag:s14], $0x80  }
0xbf: {  	s18 =	simm.s32 $0x100;
	s19 =	simm.s32 $0x800;
	[sflag:s14] =	ssyncset.done $0x0  }
.LBB2_4:
0xc0: {  	s20 =	sadd.s32 $0xF000, s18;
	s21 =	sadd.s32 $0xA000, s18  }
0xc1: {  	[sflag:s14] =	ssyncadd.s32 $0xFFFFFF80;
	s22 =	smov.u32 s19;
	p0 =	sne.s32 s19, $0x13800  }
0xc2: {  	[spmem:s2] =	stream.indirect.scatter.add.f32 [tilespmem:s20], [sflag:$0x1], $0x1, s21, s12, $0xb8;
	[tilespmem:$0x14500] =	vst v63  }
0xc3: {  	s20 =	sadd.s32 $0x400, s19;
	s21 =	sadd.s32 $0xF080, s18;
	s18 =	sadd.s32 $0xA080, s18  }
0xc4: {  	[spmem:s2] =	stream.indirect.scatter.add.f32 [tilespmem:s21], [sflag:$0x2], $0x1, s18, s12, $0xb8;
	[tilespmem:$0x14500] =	vst v63  }
.Ltmp1:
0xc5: {  	_ =	swait.ge [sflag:s13], $0x80;
	(pc) =	sbr.rel @p0 .LBB2_4-.Ltmp1, $4  }
0xc6: {  	[sflag:s13] =	ssyncset.done $0x0  }
0xc7: {  	[sflag:s13] =	ssyncadd.s32 $0xFFFFFF80  }
0xc8: {  	_ =	swait.ge [sflag:s14], $0x80  }
0xc9: {  	s19 =	smov.u32 s20;
	s18 =	sshra.s32 s22, $0x2;
	[sflag:s14] =	ssyncset.done $0x0  }
0xca: {  	s19 =	sadd.s32 $0xF000, s18;
	s20 =	sadd.s32 $0xA000, s18;
	[sflag:s14] =	ssyncadd.s32 $0xFFFFFF80  }
0xcb: {  	[spmem:s2] =	stream.indirect.scatter.add.f32 [tilespmem:s19], [sflag:$0x1], $0x1, s20, s12, $0xb8;
	[tilespmem:$0x14500] =	vst v63  }
0xcc: {  	s30 =	sadd.s32 $0xF080, s18;
	s31 =	sadd.s32 $0xA080, s18  }
0xcd: {  	[spmem:s2] =	stream.indirect.scatter.add.f32 [tilespmem:s30], [sflag:$0x2], $0x1, s31, s12, $0xb8;
	[tilespmem:$0x14500] =	vst v63  }
0xce: {  	_ =	swait.ge [sflag:s13], $0x80  }
0xcf: {  	[sflag:s13] =	ssyncset.done $0x0  }
0xd0: {  	[sflag:s13] =	ssyncadd.s32 $0xFFFFFF80  }
0xd1: {  	_ =	swait.ge [sflag:s14], $0x80  }
0xd2: {  	s17 =	sadd.s32 $0x1, s17;
	[sflag:s14] =	ssyncset.done $0x0  }
0xd3: {  	p0 =	sne.s32 s17, s8;
	[sflag:s14] =	ssyncadd.s32 $0xFFFFFF80  }
.Ltmp2:
0xd4: {  	[bflag:$0x0] =	sbarrier.arrive $0xFFFF;
	(pc) =	sbr.rel @p0 .LBB2_1-.Ltmp2, $4  }
0xd5: {  	[hbm:s7], [sflag:s15] =	dma.local [spmem:s16], $0x50  }
0xd6: {  	_ =	swait.ge [sflag:s9], $0x50  }
0xd7: {  	[sflag:s9] =	ssyncset.done $0x0  }
0xd8: {  	[sflag:s9] =	ssyncadd.s32 $0xFFFFFFB0  }
0xd9: {  	_ =	sfence.sel $0x180000  }
0xda: {  	[bflag:$0x0] =	sbarrier.arrive $0xFFFF  }
0xdb: {  	p0 =	sne.s32 s1, $0x0;
	_ =	strace $0x90000047  }
0xdc: {  	s0 =	sadd.s32 @!p0 $0x100000, s0;
	[bflag:$0x2] =	sbarrier.arrive $0xFFFF  }
0xdd: {  	[sflag:s0] =	ssyncadd.tile.s32 @!p0 $0x1;
	_ =	shalt  }
.Lfunc_end2:
_tile_overlayer_lowered:
.L_overlay_start_2:
0xde: {  	(tag) =	ssettag $0x2  }
0xdf: {  	s0 =	rddreg [dreg:$0x0];
	s2 =	stileid.u32  }
0xe0: {  	s1 =	rddreg [dreg:$0x1];
	p0 =	sne.s32 s2, $0x0  }
0xe1: {  	s3 =	rddreg [dreg:$0x2];
	[bflag:$0x3] =	sbarrier.arrive $0xFFFF;
	s2 =	simm.s32 @!p0 $0x1C03  }
0xe2: {  	[timem:s3], [sflag:s2] =	dma.local @!p0 [hbm:s0], s1  }
0xe3: {  	s0 =	simm.s32 @!p0 $0x3  }
0xe4: {  	_ =	swait.ge @!p0 [sflag:s0], s1  }
0xe5: {  	s1 =	ssub.s32 @!p0 $0x0, s1;
	[sflag:s0] =	ssyncset.done @!p0 $0x0  }
0xe6: {  	[sflag:s0] =	ssyncadd.s32 @!p0 s1  }
0xe7: {  	[bflag:$0x3] =	sbarrier.arrive $0xFFFF  }
0xe8: {  	_ =	shalt  }

// kernel: kernel.13.cloned.1.call-start
scs
__scs_entry_jumppad:
0x0: {  	(pc) =	sbr.rel $0x88, $3  }
0x1: {  	(tag) =	ssettag $0x0;
	lr =	simm.s32 $0x1  }
0x2: {  	[smem:$0x3F9A] =	sst lr;
	_ =	strace $0xD0000000  }
0x3: {  	_ = 	snop  }
0x4: {  	_ = 	snop  }
0x5: {  	_ = 	snop  }
0x6: {  	_ = 	snop  }
0x7: {  	_ = 	snop  }
__scs_overlays_trampoline_lowered:
0x8: {  	[smem:$0x3FA9] =	sst s0  }
0x9: {  	[smem:$0x3FAA] =	sst s1  }
0xa: {  	[smem:$0x3FAB] =	sst s2  }
0xb: {  	[smem:$0x3FAC] =	sst s3  }
0xc: {  	[smem:$0x3FAD] =	sst s4  }
0xd: {  	[smem:$0x3FAE] =	sst s5  }
0xe: {  	[smem:$0x3FAF] =	sst s6  }
0xf: {  	[smem:$0x3FB0] =	sst s7  }
0x10: {  	[smem:$0x3FB1] =	sst s8  }
0x11: {  	[smem:$0x3FB2] =	sst s9;
	s0 =	simm.s32 @!p0 $0x0  }
0x12: {  	s1 =	sld [smem:$0x3F98];
	s0 =	simm.s32 @p0 $0x1  }
0x13: {  	[smem:$0x3FB3] =	sst s0;
	s0 =	simm.s32 @!p1 $0x0  }
0x14: {  	s2 =	sld [smem:$0x3F97];
	s0 =	simm.s32 @p1 $0x1  }
0x15: {  	[smem:$0x3FB4] =	sst s0;
	s0 =	simm.s32 @!p2 $0x0  }
0x16: {  	s3 =	sld [smem:$0x3FDB];
	s0 =	simm.s32 @p2 $0x1  }
0x17: {  	s4 =	simm.s32 $0x1BF5;
	[smem:$0x3FB6] =	sst s0  }
0x18: {  	s0 =	sld [smem:$0x3F99];
	_ =	swait.ge [sflag:s4], $0x0  }
0x19: {  	s7 =	sld [smem:$0x3F9A]  }
0x1a: {  	s8 =	sadd.s32 $0xFFFFE003, lr  }
0x1b: {  	s9 =	sadd.s32 $0xFFFFFEF7, lr;
	s5 =	simm.s32 $0xFFFFFFFF;
	p2 =	slt.u32 s8, $0xFFFFF086  }
0x1c: {  	p1 =	slt.u32 s9, $0xF7A;
	s5 =	simm.s32 @!p2 $0x0  }
0x1d: {  	s5 =	simm.s32 @p1 $0x1;
	p0 =	seq.s32 s7, s2  }
0x1e: {  	s7 =	smul.u32 @!p0 $0xF7A, s2;
	p2 =	seq.s32 @!p0 s5, $0x0  }
0x1f: {  	s9 =	smul.u32 $0xF7A, s1;
	s8 =	simm.s32 @!p0 $0x1BF5;
	p2 =	por !p2, p0  }
0x20: {  	[sflag:s8] =	ssyncset.s32 @!p0 $0xFFFFF086;
	s6 =	sadd.s32 @!p0 s3, s7;
	s7 =	simm.s32 @!p0 $0x108  }
0x21: {  	s3 =	sadd.s32 s3, s9;
	s6 =	sadd.s32 @!p0 $0x88, s6;
	s7 =	simm.s32 @p2 $0x1082  }
0x22: {  	[simem:s7], [sflag:s8] =	dma.local @!p0 [hbm:s6], $0xF7A  }
0x23: {  	s9 =	sor.u32 $0xD0000000, s2;
	s6 =	simm.s32 $0x108;
	_ =	swait.ge @!p0 [sflag:s8], $0x0  }
0x24: {  	s3 =	sadd.s32 $0x88, s3;
	s6 =	simm.s32 @!p1 $0x1082;
	[sflag:s4] =	ssyncset.s32 $0xFFFFF086  }
0x25: {  	[simem:s6], [sflag:s4] =	dma.local [hbm:s3], $0xF7A  }
0x26: {  	[smem:$0x3F9A] =	sst s1;
	(tag) =	ssettag s2;
	_ =	strace s9  }
0x27: {  	s1 =	sld [smem:$0x3FAA]  }
0x28: {  	s2 =	sld [smem:$0x3FAB]  }
0x29: {  	s4 =	sld [smem:$0x3FAD]  }
0x2a: {  	p0 =	seq.s32 s5, $0x0;
	s5 =	sld [smem:$0x3FAE]  }
0x2b: {  	s6 =	sld [smem:$0x3FAF]  }
0x2c: {  	s7 =	sld [smem:$0x3FB0]  }
0x2d: {  	s3 =	simm.s32 $0x108;
	s8 =	sld [smem:$0x3FB1]  }
0x2e: {  	s3 =	simm.s32 @!p0 $0x1082;
	s9 =	sld [smem:$0x3FB2]  }
0x2f: {  	lr =	sadd.s32 s0, s3;
	s0 =	sld [smem:$0x3FA9]  }
0x30: {  	s3 =	sld [smem:$0x3FAC]  }
0x31: {  	[smem:$0x3FB5] =	sst s10  }
0x32: {  	s10 =	sld [smem:$0x3FB3];
	_ =	sdelay $0x3  }
0x33: {  	p0 =	seq.s32 s10, $0x1;
	s10 =	sld [smem:$0x3FB5];
	_ =	sdelay $0x3  }
0x34: {  	[smem:$0x3FB5] =	sst s10  }
0x35: {  	s10 =	sld [smem:$0x3FB4];
	_ =	sdelay $0x3  }
0x36: {  	p1 =	seq.s32 s10, $0x1;
	s10 =	sld [smem:$0x3FB5];
	_ =	sdelay $0x3  }
0x37: {  	[smem:$0x3FB5] =	sst s10  }
0x38: {  	s10 =	sld [smem:$0x3FB6]  }
0x39: {  	_ = 	snop;
	(pc) =	sbr.ind lr, $3  }
0x3a: {  	_ = 	snop  }
0x3b: {  	_ = 	snop  }
0x3c: {  	p2 =	seq.s32 s10, $0x1;
	s10 =	sld [smem:$0x3FB5]  }
0x3d: {  	_ =	shalt  }
0x3e: {  	_ =	shalt  }
0x3f: {  	_ =	shalt  }
0x40: {  	_ =	shalt  }
0x41: {  	_ =	shalt  }
0x42: {  	_ =	shalt  }
0x43: {  	_ =	shalt  }
0x44: {  	_ =	shalt  }
0x45: {  	_ =	shalt  }
0x46: {  	_ =	shalt  }
0x47: {  	_ =	shalt  }
0x48: {  	_ =	shalt  }
0x49: {  	_ =	shalt  }
0x4a: {  	_ =	shalt  }
0x4b: {  	_ =	shalt  }
0x4c: {  	_ =	shalt  }
0x4d: {  	_ =	shalt  }
0x4e: {  	_ =	shalt  }
0x4f: {  	_ =	shalt  }
0x50: {  	_ =	shalt  }
0x51: {  	_ =	shalt  }
0x52: {  	_ =	shalt  }
0x53: {  	_ =	shalt  }
0x54: {  	_ =	shalt  }
0x55: {  	_ =	shalt  }
0x56: {  	_ =	shalt  }
0x57: {  	_ =	shalt  }
0x58: {  	_ =	shalt  }
0x59: {  	_ =	shalt  }
0x5a: {  	_ =	shalt  }
0x5b: {  	_ =	shalt  }
0x5c: {  	_ =	shalt  }
0x5d: {  	_ =	shalt  }
0x5e: {  	_ =	shalt  }
0x5f: {  	_ =	shalt  }
0x60: {  	_ =	shalt  }
0x61: {  	_ =	shalt  }
0x62: {  	_ =	shalt  }
0x63: {  	_ =	shalt  }
0x64: {  	_ =	shalt  }
0x65: {  	_ =	shalt  }
0x66: {  	_ =	shalt  }
0x67: {  	_ =	shalt  }
0x68: {  	_ =	shalt  }
0x69: {  	_ =	shalt  }
0x6a: {  	_ =	shalt  }
0x6b: {  	_ =	shalt  }
0x6c: {  	_ =	shalt  }
0x6d: {  	_ =	shalt  }
0x6e: {  	_ =	shalt  }
0x6f: {  	_ =	shalt  }
0x70: {  	_ =	shalt  }
0x71: {  	_ =	shalt  }
0x72: {  	_ =	shalt  }
0x73: {  	_ =	shalt  }
0x74: {  	_ =	shalt  }
0x75: {  	_ =	shalt  }
0x76: {  	_ =	shalt  }
0x77: {  	_ =	shalt  }
0x78: {  	_ =	shalt  }
0x79: {  	_ =	shalt  }
0x7a: {  	_ =	shalt  }
0x7b: {  	_ =	shalt  }
0x7c: {  	_ =	shalt  }
0x7d: {  	_ =	shalt  }
0x7e: {  	_ =	shalt  }
0x7f: {  	_ =	shalt  }
0x80: {  	_ =	shalt  }
0x81: {  	_ =	shalt  }
0x82: {  	_ =	shalt  }
0x83: {  	_ =	shalt  }
0x84: {  	_ =	shalt  }
0x85: {  	_ =	shalt  }
0x86: {  	_ =	shalt  }
0x87: {  	_ =	shalt  }
.Lfunc_end0:
.L_simem_size_0:
called_computation.1_lowered:
.L_overlay_start_0:
0x88: {  	s2 =	sld [smem:$0x3FD9]  }
0x89: {  	s3 =	sld [smem:$0x3FFE];
	_ =	sdelay $0x1  }
0x8a: {  	s1 =	srdreg.scid  }
0x8b: {  	s0 =	sand.u32 $0x1, s1  }
0x8c: {  	s17 =	sshll.u32 s0, $0xA;
	s2 =	sadd.s32 s3, s2  }
0x8d: {  	s2 =	sadd.s32 s2, s17  }
0x8e: {  	[smem:$0x3FC1] =	sst s2  }
0x8f: {  	_ = 	snop  }
0x90: {  	s2 =	sld [smem:$0x3FD0];
	(tm) =	ssettm $0x1  }
0x91: {  	s18 =	sld [smem:$0x3FFB];
	_ =	sdelay $0x3  }
0x92: {  	_ =	strace s18  }
0x93: {  	s3 =	sld [smem:$0x3FFC];
	_ =	sdelay $0x3  }
0x94: {  	_ =	strace s3  }
0x95: {  	s3 =	sld [smem:$0x3FFD];
	_ =	sdelay $0x3  }
0x96: {  	_ =	strace s3  }
0x97: {  	_ =	strace $0x8FFFFFFF  }
0x98: {  	s19 =	sld [smem:$0x3FDB];
	_ =	sdelay $0x1  }
0x99: {  	s4 =	simm.s32 $_scs_section_size  }
0x9a: {  	s5 =	simm.s32 $_size__tile_overlayer_lowered;
	s6 =	simm.s32 $_tile_overlayer_lowered  }
0x9b: {  	s22 =	simm.s32 $0x1BFF;
	s21 =	sshll.u32 s6, $0x1;
	s3 =	sadd.s32 s4, s19  }
0x9c: {  	s7 =	simm.s32 $0x0;
	s20 =	sshll.u32 s5, $0x1;
	s5 =	sadd.s32 s21, s3  }
0x9d: {  	[timem:s7], [sflag:s22] =	dma.local [hbm:s5], s20  }
0x9e: {  	_ =	swait.ge [sflag:s22], s20  }
0x9f: {  	s4 =	ssub.s32 $0x0, s20;
	[sflag:s22] =	ssyncset.done $0x0  }
0xa0: {  	[sflag:s22] =	ssyncadd.s32 s4;
	_ =	sdelay $0x1  }
0xa1: {  	s23 =	simm.s32 $0x1B8B  }
0xa2: {  	_ =	swait.ge [sflag:s23], $0x1  }
0xa3: {  	[sflag:s23] =	ssyncset.done $0x0  }
0xa4: {  	s25 =	simm.s32 $0x1B8E;
	s24 =	sld [smem:$0x3FFE];
	[sflag:s23] =	ssyncadd.s32 $0xFFFFFFFF  }
0xa5: {  	s26 =	simm.s32 $execute0_lowered;
	[smem:$0x3FD2] =	sst s25  }
0xa6: {  	s5 =	sshll.u32 s26, $0x1;
	_ =	strace $0x80000049;
	[dreg:$0x1] =	wrdreg $0xFFFFFFFF  }
0xa7: {  	s28 =	simm.s32 $_size_execute0_lowered;
	s3 =	sadd.s32 s3, s5;
	[dreg:$0x0] =	wrdreg $0x0  }
0xa8: {  	s5 =	sshll.u32 s28, $0x1;
	[dreg:$0x2] =	wrdreg s3  }
0xa9: {  	[dreg:$0x3] =	wrdreg s5  }
0xaa: {  	[dreg:$0x4] =	wrdreg $0xC0  }
0xab: {  	_ =	task [dreg:s7], $0x5FFFF  }
0xac: {  	[dreg:$0x1] =	wrdreg $0xFFFFFFFF  }
0xad: {  	[dreg:$0x0] =	wrdreg $0x60  }
0xae: {  	[dreg:$0x2] =	wrdreg s24  }
0xaf: {  	[dreg:$0x3] =	wrdreg s2  }
0xb0: {  	[dreg:$0x4] =	wrdreg $0x12DC00  }
0xb1: {  	[dreg:$0x5] =	wrdreg $0x9  }
0xb2: {  	_ =	task.clear_ibuf [dreg:s7], $0x6FFFF;
	_ =	strace $0x90000049  }
0xb3: {  	s29 =	simm.s32 $0x9;
	_ =	strace $0x8000004B  }
0xb4: {  	_ =	swait.ge [sflag:s29], $0x1  }
0xb5: {  	[sflag:s29] =	ssyncadd.s32 $0xFFFFFFFF  }
0xb6: {  	_ =	strace $0x9000004B  }
0xb7: {  	_ =	sfence  }
0xb8: {  	s30 =	sld [smem:$0x0];
	_ =	sdelay $0x2  }
0xb9: {  	s31 =	sshll.u32 s1, $0xD;
	s1 =	sshrl.u32 s1, $0x2  }
0xba: {  	s3 =	sand.u32 $0x4000, s31;
	s1 =	sadd.s32 s1, s30  }
0xbb: {  	s0 =	sor.u32 s3, s0;
	s1 =	sshll.u32 s1, $0x11  }
0xbc: {  	s0 =	sor.u32 s1, s0  }
0xbd: {  	s0 =	sadd.s32 $0x8F2B, s0  }
0xbe: {  	[sflag:s0] =	ssyncadd.remote.s32 $0x1  }
0xbf: {  	_ =	sfence.sel $0xFFFF  }
0xc0: {  	[dreg:$0x0] =	wrdreg $0xFFFFFFFF;
	(pc) =	sbr.abs _section_cstart, $3  }
0xc1: {  	[dreg:$0x1] =	wrdreg $0xFFFFFFFF  }
0xc2: {  	_ =	task.clear_ibuf [dreg:s7], $0x2FFFF;
	_ =	strace $0x9FFFFFFF  }
0xc3: {  	(tm) =	ssettm $0x7FFFFFFF  }
tec
execute0_lowered:
.L_overlay_start_1:
0x0: {  	(tag) =	ssettag $0x1  }
0x1: {  	s0 =	rddreg [dreg:$0x0]  }
0x2: {  	s2 =	rddreg [dreg:$0x1]  }
0x3: {  	s3 =	srdreg.scid;
	s1 =	rddreg [dreg:$0x2]  }
0x4: {  	s11 =	stileid.u32;
	s17 =	simm.s32 $0x11DC0;
	s18 =	simm.s32 $0x7  }
0x5: {  	s19 =	simm.s32 $0x4F40;
	s28 =	simm.s32 $0x2;
	s6 =	smul.u32 $0x5000, s11  }
0x6: {  	s29 =	simm.s32 $0x9EC0;
	s30 =	simm.s32 $0x4;
	s7 =	smul.u32 $0x14000, s11  }
0x7: {  	s31 =	simm.s32 $0xC0;
	s5 =	sand.u32 $0x1, s3;
	s21 =	smul.u32 $0x9C40, s11  }
0x8: {  	s3 =	simm.s32 $0x0;
	s8 =	sadd.s32 $0x2000, s0;
	s24 =	smul.u32 $0x1388, s11  }
0x9: {  	s25 =	sadd.s32 $0x50000, s1;
	p0 =	sne.s32 s11, $0x0;
	s4 =	smul.u32 $0x50000, s5  }
0xa: {  	[smem:$0x7FF] =	sst s3;
	s20 =	ssub.s32 $0x2, s5;
	s10 =	smul.u32 $0x1400, s5  }
0xb: {  	_ =	strace $0x8000004A;
	s7 =	sshrl.u32 s7, $0x2;
	s9 =	sshrl.u32 s20, $0x1  }
0xc: {  	[dreg:$0x8] =	wrdreg s25;
	s26 =	sadd.s32 s8, s24;
	s25 =	simm.s32 $0x80  }
0xd: {  	s6 =	sadd.s32 s6, s4;
	s4 =	sadd.s32 $0x3DA00, s0;
	s5 =	sadd.s32 s7, s1  }
0xe: {  	[dreg:$0x9] =	wrdreg s26;
	s26 =	simm.s32 $0x10DC0;
	s7 =	sadd.s32 $0x1000, s5  }
0xf: {  	s6 =	sshrl.u32 s6, $0x3;
	s22 =	sadd.s32 $0x2000, s5;
	[dreg:$0x4] =	wrdreg s7  }
0x10: {  	s23 =	sadd.s32 $0x3000, s5;
	s12 =	sadd.s32 $0x4000, s5;
	[dreg:$0x5] =	wrdreg s22  }
0x11: {  	s0 =	sadd.s32 s6, s0;
	s6 =	ssub.s32 s20, s9;
	[dreg:$0x6] =	wrdreg s23  }
0x12: {  	[dreg:$0x7] =	wrdreg s12;
	s7 =	sshrl.u32 s21, $0x3;
	s12 =	sadd.s32 s2, s24  }
0x13: {  	s20 =	simm.s32 $0x40;
	s21 =	simm.s32 $0xEDC0;
	s22 =	simm.s32 $0xFDC0  }
0x14: {  	s23 =	simm.s32 $0x1;
	s24 =	simm.s32 $0x9E80;
	s7 =	sadd.s32 $0x9C4, s7  }
0x15: {  	s15 =	sadd.s32 $0x51A00, s0;
	s16 =	smax.u32 s6, $0x1;
	s0 =	simm.s32 $0x3  }
0x16: {  	s6 =	simm.s32 $0x5;
	s13 =	sadd.s32 s8, s7;
	s14 =	sadd.s32 s2, s7  }
0x17: {  	v1 =	vimm.f32 $0.0e+00;
	v2 =	vimm.s32 $0x2710;
	v0 =	vmov s10;
	s2 =	simm.s32 $0x9F00;
	s7 =	simm.s32 $0x100;
	s8 =	simm.s32 $0x6  }
.LBB2_1:
0x18: {  	s10 =	simm.s32 $0x100;
	s9 =	simm.s32 $0x0  }
.LBB2_2:
0x19: {  	p1 =	sne.s32 s10, $0x3F00;
	[tilespmem:s9+$0x11DF0] =	vst v1;
	s11 =	smov.u32 s10;
	s10 =	sadd.s32 $0x100, s10  }
.Ltmp0:
0x1a: {  	[tilespmem:s9+$0x11DE0] =	vst v1;
	(pc) =	sbr.rel @p1 .LBB2_2-.Ltmp0, $3  }
0x1b: {  	[tilespmem:s9+$0x11DC0] =	vst v1  }
0x1c: {  	[tilespmem:s9+$0x11DD0] =	vst v1;
	_ =	sdelay $0x1  }
0x1d: {  	s9 =	sshra.s32 s11, $0x2  }
0x1e: {  	[tilespmem:s9+$0x11DF0] =	vst v1  }
0x1f: {  	[tilespmem:s9+$0x11DE0] =	vst v1  }
0x20: {  	[tilespmem:s9+$0x11DC0] =	vst v1  }
0x21: {  	[tilespmem:s9+$0x11DD0] =	vst v1  }
0x22: {  	[spmem:s5] =	stream.linear.scatter [tilespmem:s17], [sflag:$0x7], $0x1000, $0x38;
	[tilespmem:$0x17DE0] =	vst v63  }
0x23: {  	_ =	swait.ge [sflag:s18], $0x1000  }
0x24: {  	[sflag:s18] =	ssyncset.done $0x0  }
0x25: {  	s11 =	rddreg [dreg:$0x4];
	[sflag:s18] =	ssyncadd.s32 $0xFFFFF000  }
0x26: {  	[spmem:s11] =	stream.linear.scatter [tilespmem:s17], [sflag:$0x7], $0x1000, $0x38;
	[tilespmem:$0x17DE0] =	vst v63  }
0x27: {  	_ =	swait.ge [sflag:s18], $0x1000  }
0x28: {  	[sflag:s18] =	ssyncset.done $0x0  }
0x29: {  	s10 =	rddreg [dreg:$0x5];
	[sflag:s18] =	ssyncadd.s32 $0xFFFFF000  }
0x2a: {  	[spmem:s10] =	stream.linear.scatter [tilespmem:s17], [sflag:$0x7], $0x1000, $0x38;
	[tilespmem:$0x17DE0] =	vst v63  }
0x2b: {  	_ =	swait.ge [sflag:s18], $0x1000  }
0x2c: {  	[sflag:s18] =	ssyncset.done $0x0  }
0x2d: {  	s11 =	rddreg [dreg:$0x6];
	[sflag:s18] =	ssyncadd.s32 $0xFFFFF000  }
0x2e: {  	[spmem:s11] =	stream.linear.scatter [tilespmem:s17], [sflag:$0x7], $0x1000, $0x38;
	[tilespmem:$0x17DE0] =	vst v63  }
0x2f: {  	_ =	swait.ge [sflag:s18], $0x1000  }
0x30: {  	[sflag:s18] =	ssyncset.done $0x0  }
0x31: {  	s10 =	rddreg [dreg:$0x7];
	[sflag:s18] =	ssyncadd.s32 $0xFFFFF000  }
0x32: {  	[spmem:s10] =	stream.linear.scatter [tilespmem:s17], [sflag:$0x7], $0x1000, $0x38;
	[tilespmem:$0x17DE0] =	vst v63  }
0x33: {  	_ =	swait.ge [sflag:s18], $0x1000  }
0x34: {  	[sflag:s18] =	ssyncset.done $0x0  }
0x35: {  	s9 =	simm.s32 @!p0 $0x11DC0;
	s10 =	rddreg [dreg:$0x8];
	[sflag:s18] =	ssyncadd.s32 $0xFFFFF000  }
0x36: {  	[spmem:s10] =	stream.linear.scatter @!p0 [tilespmem:s9], [sflag:$0x7], $0x200, $0x38;
	[tilespmem:$0x17DE0] =	vst v63  }
0x37: {  	s9 =	simm.s32 @!p0 $0x7  }
0x38: {  	_ =	swait.ge @!p0 [sflag:s9], $0x200  }
0x39: {  	[sflag:s9] =	ssyncset.done @!p0 $0x0  }
0x3a: {  	s11 =	rddreg [dreg:$0x9];
	[sflag:s9] =	ssyncadd.s32 @!p0 $0xFFFFFE00;
	s9 =	simm.s32 $0x0  }
0x3b: {  	[tilespmem:s9], [sflag:$0x7] =	stream.linear.gather [hbm4b:s11+s9], $0x4E20, $0x38;
	[tilespmem:$0x17DE0] =	vst v63  }
0x3c: {  	_ =	swait.ge [sflag:s18], $0x4E20  }
0x3d: {  	[sflag:s18] =	ssyncset.done $0x0  }
0x3e: {  	[sflag:s18] =	ssyncadd.s32 $0xFFFFB1E0  }
0x3f: {  	[tilespmem:s19], [sflag:$0x7] =	stream.linear.gather [hbm4b:s12+s9], $0x4E20, $0x38;
	[tilespmem:$0x17DE0] =	vst v63  }
0x40: {  	_ =	swait.ge [sflag:s18], $0x4E20  }
0x41: {  	[sflag:s18] =	ssyncset.done $0x0  }
0x42: {  	[sflag:s18] =	ssyncadd.s32 $0xFFFFB1E0  }
0x43: {  	[tilespmem:$0x4E20] =	vst v2  }
0x44: {  	[tilespmem:$0x4E30] =	vst v2  }
0x45: {  	[tilespmem:$0x4E40] =	vst v2  }
0x46: {  	[tilespmem:$0x4E50] =	vst v2  }
0x47: {  	[tilespmem:$0x4E60] =	vst v2  }
0x48: {  	[tilespmem:$0x4E70] =	vst v2  }
0x49: {  	[tilespmem:$0x4E80] =	vst v2  }
0x4a: {  	[tilespmem:$0x4E90] =	vst v2  }
0x4b: {  	[tilespmem:$0x4EA0] =	vst v2  }
0x4c: {  	[tilespmem:$0x4EB0] =	vst v2  }
0x4d: {  	[tilespmem:$0x4EC0] =	vst v2  }
0x4e: {  	[tilespmem:$0x4ED0] =	vst v2  }
0x4f: {  	[tilespmem:$0x4EE0] =	vst v2  }
0x50: {  	[tilespmem:$0x4EF0] =	vst v2  }
0x51: {  	[tilespmem:$0x4F00] =	vst v2  }
0x52: {  	[tilespmem:$0x4F10] =	vst v2  }
0x53: {  	[tilespmem:$0x4F20] =	vst v2  }
0x54: {  	[tilespmem:$0x4F30] =	vst v2  }
0x55: {  	[tilespmem:$0x9D60] =	vst v2  }
0x56: {  	[tilespmem:$0x9D70] =	vst v2  }
0x57: {  	[tilespmem:$0x9D80] =	vst v2  }
0x58: {  	[tilespmem:$0x9D90] =	vst v2  }
0x59: {  	[tilespmem:$0x9DA0] =	vst v2  }
0x5a: {  	[tilespmem:$0x9DB0] =	vst v2  }
0x5b: {  	[tilespmem:$0x9DC0] =	vst v2  }
0x5c: {  	[tilespmem:$0x9DD0] =	vst v2  }
0x5d: {  	[tilespmem:$0x9DE0] =	vst v2  }
0x5e: {  	[tilespmem:$0x9DF0] =	vst v2  }
0x5f: {  	[tilespmem:$0x9E00] =	vst v2  }
0x60: {  	[tilespmem:$0x9E10] =	vst v2  }
0x61: {  	[tilespmem:$0x9E20] =	vst v2  }
0x62: {  	[tilespmem:$0x9E30] =	vst v2  }
0x63: {  	[tilespmem:$0x9E40] =	vst v2  }
0x64: {  	[tilespmem:$0x9E50] =	vst v2  }
0x65: {  	[tilespmem:$0x9E60] =	vst v2  }
0x66: {  	s9 =	simm.s32 $0x0;
	[tilespmem:$0x9E70] =	vst v2  }
0x67: {  	v9 =	vld [tilespmem:s9+$0x4F40]  }
0x68: {  	v8 =	vld [tilespmem:s9+$0x4F50]  }
0x69: {  	v4 =	vld [tilespmem:s9+$0x4F60]  }
0x6a: {  	v3 =	vld [tilespmem:s9+$0x4F70]  }
0x6b: {  	v6 =	vld [tilespmem:s9+$0x0]  }
0x6c: {  	v5 =	vld [tilespmem:s9+$0x10];
	v7 =	vsub.s32 v9, v0  }
0x6d: {  	s10 =	simm.s32 $0x100;
	v11 =	vsub.s32 v8, v0;
	v10 =	vmin.u32 v7, $0x1400;
	v7 =	vld [tilespmem:s9+$0x20]  }
.LBB2_4:
0x6e: {  	s11 =	sshra.s32 s10, $0x2;
	p1 =	sne.s32 s10, $0x13C00;
	[tilespmem:s9+$0x9E80] =	vst v10;
	v10 =	vmin.u32 v11, $0x1400;
	v15 =	vsub.s32 v4, v0;
	v12 =	vld [tilespmem:s9+$0x30];
	v13 =	vmov v4  }
0x6f: {  	v14 =	vld [tilespmem:s11+$0x4F40];
	[tilespmem:s9+$0x9E90] =	vst v10;
	v4 =	vmin.u32 v15, $0x1400;
	v10 =	vsub.s32 v3, v0;
	v11 =	vmov v3  }
0x70: {  	v15 =	vld [tilespmem:s11+$0x4F50];
	vm0 =	veq.s32 v6, v9;
	[tilespmem:s9+$0x9EA0] =	vst v4;
	v3 =	vmin.u32 v10, $0x1400  }
.Ltmp1:
0x71: {  	v4 =	vld [tilespmem:s11+$0x4F60];
	v6 =	vsel vm0, $0x2710, v6;
	vm0 =	veq.s32 v5, v8;
	[tilespmem:s9+$0x9EB0] =	vst v3;
	(pc) =	sbr.rel @p1 .LBB2_4-.Ltmp1, $4  }
0x72: {  	v3 =	vld [tilespmem:s11+$0x4F70];
	[tilespmem:s9+$0x0] =	vst v6;
	v5 =	vsel vm0, $0x2710, v5;
	vm0 =	veq.s32 v7, v13  }
0x73: {  	v6 =	vld [tilespmem:s11+$0x0];
	[tilespmem:s9+$0x10] =	vst v5;
	v7 =	vsel vm0, $0x2710, v7;
	vm0 =	veq.s32 v12, v11  }
0x74: {  	v13 =	vsub.s32 v14, v0;
	v5 =	vld [tilespmem:s11+$0x10];
	[tilespmem:s9+$0x20] =	vst v7;
	v12 =	vsel vm0, $0x2710, v12;
	v9 =	vmov v14  }
0x75: {  	s10 =	sadd.s32 $0x100, s10;
	v10 =	vmin.u32 v13, $0x1400;
	v11 =	vsub.s32 v15, v0;
	v7 =	vld [tilespmem:s11+$0x20];
	[tilespmem:s9+$0x30] =	vst v12;
	v8 =	vmov v15;
	s9 =	smov.u32 s11  }
0x76: {  	[tilespmem:s9+$0x9E80] =	vst v10;
	v59 =	vmin.u32 v11, $0x1400;
	v60 =	vsub.s32 v4, v0;
	v12 =	vld [tilespmem:s9+$0x30]  }
0x77: {  	[tilespmem:s9+$0x9E90] =	vst v59;
	v61 =	vmin.u32 v60, $0x1400;
	v62 =	vsub.s32 v3, v0  }
0x78: {  	vm0 =	veq.s32 v6, v9;
	[tilespmem:s9+$0x9EA0] =	vst v61;
	v63 =	vmin.u32 v62, $0x1400  }
0x79: {  	v6 =	vsel vm0, $0x2710, v6;
	vm13 =	veq.s32 v5, v8;
	[tilespmem:s9+$0x9EB0] =	vst v63  }
0x7a: {  	[tilespmem:s9+$0x0] =	vst v6;
	v5 =	vsel vm13, $0x2710, v5;
	vm14 =	veq.s32 v7, v4  }
0x7b: {  	[tilespmem:s9+$0x10] =	vst v5;
	v4 =	vsel vm14, $0x2710, v7;
	vm15 =	veq.s32 v12, v3  }
0x7c: {  	[tilespmem:s9+$0x20] =	vst v4;
	v3 =	vsel vm15, $0x2710, v12  }
0x7d: {  	[tilespmem:s9+$0x30] =	vst v3  }
0x7e: {  	s10 =	simm.s32 $0x0;
	[bflag:$0x0] =	sbarrier.arrive $0xFFFF  }
0x7f: {  	[tilespmem:s21], [sflag:$0x1] =	stream.indirect.gather [hbm4b:s4+s20], $0x40, s10, s20, $0xb8;
	[tilespmem:$0x17DE0] =	vst v63  }
0x80: {  	_ = 	snop  }
0x81: {  	[tilespmem:s22], [sflag:$0x2] =	stream.indirect.gather [hbm4b:s4+s20], $0x40, s20, s20, $0xb8;
	[tilespmem:$0x17DE0] =	vst v63  }
0x82: {  	_ =	swait.ge [sflag:s23], $0x1000  }
0x83: {  	[sflag:s23] =	ssyncset.done $0x0  }
0x84: {  	[sflag:s23] =	ssyncadd.s32 $0xFFFFF000  }
0x85: {  	[spmem:s1] =	stream.indirect.scatter.add.f32 [tilespmem:s21], [sflag:$0x4], $0x40, s24, s20, $0xb8;
	[tilespmem:$0x17DE0] =	vst v63  }
0x86: {  	_ = 	snop  }
0x87: {  	[tilespmem:s26], [sflag:$0x3] =	stream.indirect.gather [hbm4b:s4+s20], $0x40, s25, s20, $0xb8;
	[tilespmem:$0x17DE0] =	vst v63  }
0x88: {  	_ =	swait.ge [sflag:s28], $0x1000  }
0x89: {  	[sflag:s28] =	ssyncset.done $0x0  }
0x8a: {  	[sflag:s28] =	ssyncadd.s32 $0xFFFFF000  }
0x8b: {  	[spmem:s1] =	stream.indirect.scatter.add.f32 [tilespmem:s22], [sflag:$0x5], $0x40, s29, s20, $0xb8;
	[tilespmem:$0x17DE0] =	vst v63  }
0x8c: {  	_ =	swait.ge [sflag:s30], $0x1000  }
0x8d: {  	[sflag:s30] =	ssyncset.done $0x0  }
0x8e: {  	[sflag:s30] =	ssyncadd.s32 $0xFFFFF000  }
0x8f: {  	[tilespmem:s21], [sflag:$0x1] =	stream.indirect.gather [hbm4b:s4+s20], $0x40, s31, s20, $0xb8;
	[tilespmem:$0x17DE0] =	vst v63  }
0x90: {  	_ =	swait.ge [sflag:s0], $0x1000  }
0x91: {  	[sflag:s0] =	ssyncset.done $0x0  }
0x92: {  	[sflag:s0] =	ssyncadd.s32 $0xFFFFF000  }
0x93: {  	[spmem:s1] =	stream.indirect.scatter.add.f32 [tilespmem:s26], [sflag:$0x6], $0x40, s2, s20, $0xb8;
	[tilespmem:$0x17DE0] =	vst v63  }
0x94: {  	_ =	swait.ge [sflag:s6], $0x1000  }
0x95: {  	[sflag:s6] =	ssyncset.done $0x0  }
0x96: {  	[sflag:s6] =	ssyncadd.s32 $0xFFFFF000  }
0x97: {  	[tilespmem:s22], [sflag:$0x2] =	stream.indirect.gather [hbm4b:s4+s20], $0x40, s7, s20, $0xb8;
	[tilespmem:$0x17DE0] =	vst v63  }
0x98: {  	_ =	swait.ge [sflag:s23], $0x1000  }
0x99: {  	[sflag:s23] =	ssyncset.done $0x0  }
0x9a: {  	s11 =	simm.s32 $0x9F40;
	[sflag:s23] =	ssyncadd.s32 $0xFFFFF000  }
0x9b: {  	[spmem:s1] =	stream.indirect.scatter.add.f32 [tilespmem:s21], [sflag:$0x4], $0x40, s11, s20, $0xb8;
	[tilespmem:$0x17DE0] =	vst v63  }
0x9c: {  	_ =	swait.ge [sflag:s8], $0x1000  }
0x9d: {  	[sflag:s8] =	ssyncset.done $0x0  }
0x9e: {  	s10 =	simm.s32 $0x140;
	[sflag:s8] =	ssyncadd.s32 $0xFFFFF000  }
0x9f: {  	[tilespmem:s26], [sflag:$0x3] =	stream.indirect.gather [hbm4b:s4+s20], $0x40, s10, s20, $0xb8;
	[tilespmem:$0x17DE0] =	vst v63  }
0xa0: {  	_ =	swait.ge [sflag:s28], $0x1000  }
0xa1: {  	[sflag:s28] =	ssyncset.done $0x0  }
0xa2: {  	s11 =	simm.s32 $0x9F80;
	[sflag:s28] =	ssyncadd.s32 $0xFFFFF000  }
0xa3: {  	[spmem:s1] =	stream.indirect.scatter.add.f32 [tilespmem:s22], [sflag:$0x5], $0x40, s11, s20, $0xb8;
	[tilespmem:$0x17DE0] =	vst v63  }
0xa4: {  	_ =	swait.ge [sflag:s30], $0x1000  }
0xa5: {  	[sflag:s30] =	ssyncset.done $0x0  }
0xa6: {  	s10 =	simm.s32 $0x180;
	[sflag:s30] =	ssyncadd.s32 $0xFFFFF000  }
0xa7: {  	[tilespmem:s21], [sflag:$0x1] =	stream.indirect.gather [hbm4b:s4+s20], $0x40, s10, s20, $0xb8;
	[tilespmem:$0x17DE0] =	vst v63  }
0xa8: {  	_ =	swait.ge [sflag:s0], $0x1000  }
0xa9: {  	[sflag:s0] =	ssyncset.done $0x0  }
0xaa: {  	s11 =	simm.s32 $0x9FC0;
	[sflag:s0] =	ssyncadd.s32 $0xFFFFF000  }
0xab: {  	[spmem:s1] =	stream.indirect.scatter.add.f32 [tilespmem:s26], [sflag:$0x6], $0x40, s11, s20, $0xb8;
	[tilespmem:$0x17DE0] =	vst v63  }
0xac: {  	_ =	swait.ge [sflag:s6], $0x1000  }
0xad: {  	[sflag:s6] =	ssyncset.done $0x0  }
0xae: {  	s9 =	simm.s32 $0x300;
	s10 =	simm.s32 $0x1C0;
	[sflag:s6] =	ssyncadd.s32 $0xFFFFF000  }
.LBB2_6:
0xaf: {  	[tilespmem:s22], [sflag:$0x2] =	stream.indirect.gather [hbm4b:s4+s20], $0x40, s10, s20, $0xb8;
	[tilespmem:$0x17DE0] =	vst v63  }
0xb0: {  	s10 =	smov.u32 s9  }
0xb1: {  	p1 =	sne.s32 s9, $0x13500;
	s9 =	sadd.s32 $0x300, s9;
	_ =	swait.ge [sflag:s23], $0x1000  }
0xb2: {  	s10 =	sshra.s32 s10, $0x2;
	[sflag:s23] =	ssyncset.done $0x0  }
0xb3: {  	s11 =	sadd.s32 $0x9F40, s10;
	[sflag:s23] =	ssyncadd.s32 $0xFFFFF000  }
0xb4: {  	[spmem:s1] =	stream.indirect.scatter.add.f32 [tilespmem:s21], [sflag:$0x4], $0x40, s11, s20, $0xb8;
	[tilespmem:$0x17DE0] =	vst v63  }
0xb5: {  	_ =	swait.ge [sflag:s8], $0x1000  }
0xb6: {  	[sflag:s8] =	ssyncset.done $0x0  }
0xb7: {  	s11 =	sadd.s32 $0x140, s10;
	[sflag:s8] =	ssyncadd.s32 $0xFFFFF000  }
0xb8: {  	[tilespmem:s26], [sflag:$0x3] =	stream.indirect.gather [hbm4b:s4+s20], $0x40, s11, s20, $0xb8;
	[tilespmem:$0x17DE0] =	vst v63  }
0xb9: {  	_ =	swait.ge [sflag:s28], $0x1000  }
0xba: {  	[sflag:s28] =	ssyncset.done $0x0  }
0xbb: {  	s11 =	sadd.s32 $0x9F80, s10;
	[sflag:s28] =	ssyncadd.s32 $0xFFFFF000  }
0xbc: {  	[spmem:s1] =	stream.indirect.scatter.add.f32 [tilespmem:s22], [sflag:$0x5], $0x40, s11, s20, $0xb8;
	[tilespmem:$0x17DE0] =	vst v63  }
0xbd: {  	_ =	swait.ge [sflag:s30], $0x1000  }
0xbe: {  	[sflag:s30] =	ssyncset.done $0x0  }
0xbf: {  	s11 =	sadd.s32 $0x180, s10;
	[sflag:s30] =	ssyncadd.s32 $0xFFFFF000  }
0xc0: {  	[tilespmem:s21], [sflag:$0x1] =	stream.indirect.gather [hbm4b:s4+s20], $0x40, s11, s20, $0xb8;
	[tilespmem:$0x17DE0] =	vst v63  }
0xc1: {  	_ =	swait.ge [sflag:s0], $0x1000  }
0xc2: {  	[sflag:s0] =	ssyncset.done $0x0  }
.Ltmp2:
0xc3: {  	s11 =	sadd.s32 $0x9FC0, s10;
	[sflag:s0] =	ssyncadd.s32 $0xFFFFF000;
	(pc) =	sbr.rel @p1 .LBB2_6-.Ltmp2, $4  }
0xc4: {  	[spmem:s1] =	stream.indirect.scatter.add.f32 [tilespmem:s26], [sflag:$0x6], $0x40, s11, s20, $0xb8;
	[tilespmem:$0x17DE0] =	vst v63  }
0xc5: {  	_ =	swait.ge [sflag:s6], $0x1000  }
0xc6: {  	[sflag:s6] =	ssyncset.done $0x0  }
0xc7: {  	s10 =	sadd.s32 $0x1C0, s10;
	[sflag:s6] =	ssyncadd.s32 $0xFFFFF000  }
0xc8: {  	[tilespmem:s22], [sflag:$0x2] =	stream.indirect.gather [hbm4b:s4+s20], $0x40, s10, s20, $0xb8;
	[tilespmem:$0x17DE0] =	vst v63  }
0xc9: {  	_ =	swait.ge [sflag:s8], $0x1000  }
0xca: {  	[sflag:s8] =	ssyncset.done $0x0  }
0xcb: {  	[sflag:s8] =	ssyncadd.s32 $0xFFFFF000  }
0xcc: {  	_ =	swait.ge [sflag:s23], $0x1000  }
0xcd: {  	[sflag:s23] =	ssyncset.done $0x0  }
0xce: {  	[sflag:s23] =	ssyncadd.s32 $0xFFFFF000  }
0xcf: {  	_ =	swait.ge [sflag:s28], $0x1000  }
0xd0: {  	[sflag:s28] =	ssyncset.done $0x0  }
0xd1: {  	s9 =	simm.s32 $0x0;
	[sflag:s28] =	ssyncadd.s32 $0xFFFFF000  }
0xd2: {  	[tilespmem:s9], [sflag:$0x7] =	stream.linear.gather [hbm4b:s13+s9], $0x4E20, $0x38;
	[tilespmem:$0x17DE0] =	vst v63  }
0xd3: {  	_ =	swait.ge [sflag:s18], $0x4E20  }
0xd4: {  	[sflag:s18] =	ssyncset.done $0x0  }
0xd5: {  	[sflag:s18] =	ssyncadd.s32 $0xFFFFB1E0  }
0xd6: {  	[tilespmem:s19], [sflag:$0x7] =	stream.linear.gather [hbm4b:s14+s9], $0x4E20, $0x38;
	[tilespmem:$0x17DE0] =	vst v63  }
0xd7: {  	_ =	swait.ge [sflag:s18], $0x4E20  }
0xd8: {  	[sflag:s18] =	ssyncset.done $0x0  }
0xd9: {  	[sflag:s18] =	ssyncadd.s32 $0xFFFFB1E0  }
0xda: {  	[tilespmem:$0x4E20] =	vst v2  }
0xdb: {  	[tilespmem:$0x4E30] =	vst v2  }
0xdc: {  	[tilespmem:$0x4E40] =	vst v2  }
0xdd: {  	[tilespmem:$0x4E50] =	vst v2  }
0xde: {  	[tilespmem:$0x4E60] =	vst v2  }
0xdf: {  	[tilespmem:$0x4E70] =	vst v2  }
0xe0: {  	[tilespmem:$0x4E80] =	vst v2  }
0xe1: {  	[tilespmem:$0x4E90] =	vst v2  }
0xe2: {  	[tilespmem:$0x4EA0] =	vst v2  }
0xe3: {  	[tilespmem:$0x4EB0] =	vst v2  }
0xe4: {  	[tilespmem:$0x4EC0] =	vst v2  }
0xe5: {  	[tilespmem:$0x4ED0] =	vst v2  }
0xe6: {  	[tilespmem:$0x4EE0] =	vst v2  }
0xe7: {  	[tilespmem:$0x4EF0] =	vst v2  }
0xe8: {  	[tilespmem:$0x4F00] =	vst v2  }
0xe9: {  	[tilespmem:$0x4F10] =	vst v2  }
0xea: {  	[tilespmem:$0x4F20] =	vst v2  }
0xeb: {  	[tilespmem:$0x4F30] =	vst v2  }
0xec: {  	[tilespmem:$0x9D60] =	vst v2  }
0xed: {  	[tilespmem:$0x9D70] =	vst v2  }
0xee: {  	[tilespmem:$0x9D80] =	vst v2  }
0xef: {  	[tilespmem:$0x9D90] =	vst v2  }
0xf0: {  	[tilespmem:$0x9DA0] =	vst v2  }
0xf1: {  	[tilespmem:$0x9DB0] =	vst v2  }
0xf2: {  	[tilespmem:$0x9DC0] =	vst v2  }
0xf3: {  	[tilespmem:$0x9DD0] =	vst v2  }
0xf4: {  	[tilespmem:$0x9DE0] =	vst v2  }
0xf5: {  	[tilespmem:$0x9DF0] =	vst v2  }
0xf6: {  	[tilespmem:$0x9E00] =	vst v2  }
0xf7: {  	[tilespmem:$0x9E10] =	vst v2  }
0xf8: {  	[tilespmem:$0x9E20] =	vst v2  }
0xf9: {  	[tilespmem:$0x9E30] =	vst v2  }
0xfa: {  	[tilespmem:$0x9E40] =	vst v2  }
0xfb: {  	[tilespmem:$0x9E50] =	vst v2  }
0xfc: {  	[tilespmem:$0x9E60] =	vst v2  }
0xfd: {  	s9 =	simm.s32 $0x0;
	[tilespmem:$0x9E70] =	vst v2  }
0xfe: {  	v9 =	vld [tilespmem:s9+$0x4F40]  }
0xff: {  	v8 =	vld [tilespmem:s9+$0x4F50]  }
0x100: {  	v4 =	vld [tilespmem:s9+$0x4F60]  }
0x101: {  	v3 =	vld [tilespmem:s9+$0x4F70]  }
0x102: {  	v6 =	vld [tilespmem:s9+$0x0]  }
0x103: {  	v5 =	vld [tilespmem:s9+$0x10];
	v7 =	vsub.s32 v9, v0  }
0x104: {  	s10 =	simm.s32 $0x100;
	v11 =	vsub.s32 v8, v0;
	v10 =	vmin.u32 v7, $0x1400;
	v7 =	vld [tilespmem:s9+$0x20]  }
.LBB2_8:
0x105: {  	s11 =	sshra.s32 s10, $0x2;
	p1 =	sne.s32 s10, $0x13C00;
	[tilespmem:s9+$0x9E80] =	vst v10;
	v10 =	vmin.u32 v11, $0x1400;
	v15 =	vsub.s32 v4, v0;
	v12 =	vld [tilespmem:s9+$0x30];
	v13 =	vmov v4  }
0x106: {  	v14 =	vld [tilespmem:s11+$0x4F40];
	[tilespmem:s9+$0x9E90] =	vst v10;
	v4 =	vmin.u32 v15, $0x1400;
	v10 =	vsub.s32 v3, v0;
	v11 =	vmov v3  }
0x107: {  	v15 =	vld [tilespmem:s11+$0x4F50];
	vm0 =	veq.s32 v6, v9;
	[tilespmem:s9+$0x9EA0] =	vst v4;
	v3 =	vmin.u32 v10, $0x1400  }
.Ltmp3:
0x108: {  	v4 =	vld [tilespmem:s11+$0x4F60];
	v6 =	vsel vm0, $0x2710, v6;
	vm0 =	veq.s32 v5, v8;
	[tilespmem:s9+$0x9EB0] =	vst v3;
	(pc) =	sbr.rel @p1 .LBB2_8-.Ltmp3, $4  }
0x109: {  	v3 =	vld [tilespmem:s11+$0x4F70];
	[tilespmem:s9+$0x0] =	vst v6;
	v5 =	vsel vm0, $0x2710, v5;
	vm0 =	veq.s32 v7, v13  }
0x10a: {  	v6 =	vld [tilespmem:s11+$0x0];
	[tilespmem:s9+$0x10] =	vst v5;
	v7 =	vsel vm0, $0x2710, v7;
	vm0 =	veq.s32 v12, v11  }
0x10b: {  	v13 =	vsub.s32 v14, v0;
	v5 =	vld [tilespmem:s11+$0x10];
	[tilespmem:s9+$0x20] =	vst v7;
	v12 =	vsel vm0, $0x2710, v12;
	v9 =	vmov v14  }
0x10c: {  	s10 =	sadd.s32 $0x100, s10;
	v10 =	vmin.u32 v13, $0x1400;
	v11 =	vsub.s32 v15, v0;
	v7 =	vld [tilespmem:s11+$0x20];
	[tilespmem:s9+$0x30] =	vst v12;
	v8 =	vmov v15;
	s9 =	smov.u32 s11  }
0x10d: {  	[tilespmem:s9+$0x9E80] =	vst v10;
	v59 =	vmin.u32 v11, $0x1400;
	v60 =	vsub.s32 v4, v0;
	v12 =	vld [tilespmem:s9+$0x30]  }
0x10e: {  	[tilespmem:s9+$0x9E90] =	vst v59;
	v61 =	vmin.u32 v60, $0x1400;
	v62 =	vsub.s32 v3, v0  }
0x10f: {  	vm0 =	veq.s32 v6, v9;
	[tilespmem:s9+$0x9EA0] =	vst v61;
	v63 =	vmin.u32 v62, $0x1400  }
0x110: {  	v6 =	vsel vm0, $0x2710, v6;
	vm13 =	veq.s32 v5, v8;
	[tilespmem:s9+$0x9EB0] =	vst v63  }
0x111: {  	[tilespmem:s9+$0x0] =	vst v6;
	v5 =	vsel vm13, $0x2710, v5;
	vm14 =	veq.s32 v7, v4  }
0x112: {  	[tilespmem:s9+$0x10] =	vst v5;
	v4 =	vsel vm14, $0x2710, v7;
	vm15 =	veq.s32 v12, v3  }
0x113: {  	[tilespmem:s9+$0x20] =	vst v4;
	v3 =	vsel vm15, $0x2710, v12  }
0x114: {  	s10 =	simm.s32 $0x0;
	[tilespmem:s9+$0x30] =	vst v3  }
0x115: {  	[tilespmem:s21], [sflag:$0x1] =	stream.indirect.gather [hbm4b:s4+s20], $0x40, s10, s20, $0xb8;
	[tilespmem:$0x17DE0] =	vst v63  }
0x116: {  	_ = 	snop  }
0x117: {  	[tilespmem:s22], [sflag:$0x2] =	stream.indirect.gather [hbm4b:s4+s20], $0x40, s20, s20, $0xb8;
	[tilespmem:$0x17DE0] =	vst v63  }
0x118: {  	_ =	swait.ge [sflag:s23], $0x1000  }
0x119: {  	[sflag:s23] =	ssyncset.done $0x0  }
0x11a: {  	[sflag:s23] =	ssyncadd.s32 $0xFFFFF000  }
0x11b: {  	[spmem:s1] =	stream.indirect.scatter.add.f32 [tilespmem:s21], [sflag:$0x4], $0x40, s24, s20, $0xb8;
	[tilespmem:$0x17DE0] =	vst v63  }
0x11c: {  	_ = 	snop  }
0x11d: {  	[tilespmem:s26], [sflag:$0x3] =	stream.indirect.gather [hbm4b:s4+s20], $0x40, s25, s20, $0xb8;
	[tilespmem:$0x17DE0] =	vst v63  }
0x11e: {  	_ =	swait.ge [sflag:s28], $0x1000  }
0x11f: {  	[sflag:s28] =	ssyncset.done $0x0  }
0x120: {  	[sflag:s28] =	ssyncadd.s32 $0xFFFFF000  }
0x121: {  	[spmem:s1] =	stream.indirect.scatter.add.f32 [tilespmem:s22], [sflag:$0x5], $0x40, s29, s20, $0xb8;
	[tilespmem:$0x17DE0] =	vst v63  }
0x122: {  	_ =	swait.ge [sflag:s30], $0x1000  }
0x123: {  	[sflag:s30] =	ssyncset.done $0x0  }
0x124: {  	[sflag:s30] =	ssyncadd.s32 $0xFFFFF000  }
0x125: {  	[tilespmem:s21], [sflag:$0x1] =	stream.indirect.gather [hbm4b:s4+s20], $0x40, s31, s20, $0xb8;
	[tilespmem:$0x17DE0] =	vst v63  }
0x126: {  	_ =	swait.ge [sflag:s0], $0x1000  }
0x127: {  	[sflag:s0] =	ssyncset.done $0x0  }
0x128: {  	[sflag:s0] =	ssyncadd.s32 $0xFFFFF000  }
0x129: {  	[spmem:s1] =	stream.indirect.scatter.add.f32 [tilespmem:s26], [sflag:$0x6], $0x40, s2, s20, $0xb8;
	[tilespmem:$0x17DE0] =	vst v63  }
0x12a: {  	_ =	swait.ge [sflag:s6], $0x1000  }
0x12b: {  	[sflag:s6] =	ssyncset.done $0x0  }
0x12c: {  	[sflag:s6] =	ssyncadd.s32 $0xFFFFF000  }
0x12d: {  	[tilespmem:s22], [sflag:$0x2] =	stream.indirect.gather [hbm4b:s4+s20], $0x40, s7, s20, $0xb8;
	[tilespmem:$0x17DE0] =	vst v63  }
0x12e: {  	_ =	swait.ge [sflag:s23], $0x1000  }
0x12f: {  	[sflag:s23] =	ssyncset.done $0x0  }
0x130: {  	s11 =	simm.s32 $0x9F40;
	[sflag:s23] =	ssyncadd.s32 $0xFFFFF000  }
0x131: {  	[spmem:s1] =	stream.indirect.scatter.add.f32 [tilespmem:s21], [sflag:$0x4], $0x40, s11, s20, $0xb8;
	[tilespmem:$0x17DE0] =	vst v63  }
0x132: {  	_ =	swait.ge [sflag:s8], $0x1000  }
0x133: {  	[sflag:s8] =	ssyncset.done $0x0  }
0x134: {  	s10 =	simm.s32 $0x140;
	[sflag:s8] =	ssyncadd.s32 $0xFFFFF000  }
0x135: {  	[tilespmem:s26], [sflag:$0x3] =	stream.indirect.gather [hbm4b:s4+s20], $0x40, s10, s20, $0xb8;
	[tilespmem:$0x17DE0] =	vst v63  }
0x136: {  	_ =	swait.ge [sflag:s28], $0x1000  }
0x137: {  	[sflag:s28] =	ssyncset.done $0x0  }
0x138: {  	s11 =	simm.s32 $0x9F80;
	[sflag:s28] =	ssyncadd.s32 $0xFFFFF000  }
0x139: {  	[spmem:s1] =	stream.indirect.scatter.add.f32 [tilespmem:s22], [sflag:$0x5], $0x40, s11, s20, $0xb8;
	[tilespmem:$0x17DE0] =	vst v63  }
0x13a: {  	_ =	swait.ge [sflag:s30], $0x1000  }
0x13b: {  	[sflag:s30] =	ssyncset.done $0x0  }
0x13c: {  	s10 =	simm.s32 $0x180;
	[sflag:s30] =	ssyncadd.s32 $0xFFFFF000  }
0x13d: {  	[tilespmem:s21], [sflag:$0x1] =	stream.indirect.gather [hbm4b:s4+s20], $0x40, s10, s20, $0xb8;
	[tilespmem:$0x17DE0] =	vst v63  }
0x13e: {  	_ =	swait.ge [sflag:s0], $0x1000  }
0x13f: {  	[sflag:s0] =	ssyncset.done $0x0  }
0x140: {  	s11 =	simm.s32 $0x9FC0;
	[sflag:s0] =	ssyncadd.s32 $0xFFFFF000  }
0x141: {  	[spmem:s1] =	stream.indirect.scatter.add.f32 [tilespmem:s26], [sflag:$0x6], $0x40, s11, s20, $0xb8;
	[tilespmem:$0x17DE0] =	vst v63  }
0x142: {  	_ =	swait.ge [sflag:s6], $0x1000  }
0x143: {  	[sflag:s6] =	ssyncset.done $0x0  }
0x144: {  	s9 =	simm.s32 $0x300;
	s10 =	simm.s32 $0x1C0;
	[sflag:s6] =	ssyncadd.s32 $0xFFFFF000  }
.LBB2_10:
0x145: {  	[tilespmem:s22], [sflag:$0x2] =	stream.indirect.gather [hbm4b:s4+s20], $0x40, s10, s20, $0xb8;
	[tilespmem:$0x17DE0] =	vst v63  }
0x146: {  	s10 =	smov.u32 s9  }
0x147: {  	p1 =	sne.s32 s9, $0x13500;
	s9 =	sadd.s32 $0x300, s9;
	_ =	swait.ge [sflag:s23], $0x1000  }
0x148: {  	s10 =	sshra.s32 s10, $0x2;
	[sflag:s23] =	ssyncset.done $0x0  }
0x149: {  	s11 =	sadd.s32 $0x9F40, s10;
	[sflag:s23] =	ssyncadd.s32 $0xFFFFF000  }
0x14a: {  	[spmem:s1] =	stream.indirect.scatter.add.f32 [tilespmem:s21], [sflag:$0x4], $0x40, s11, s20, $0xb8;
	[tilespmem:$0x17DE0] =	vst v63  }
0x14b: {  	_ =	swait.ge [sflag:s8], $0x1000  }
0x14c: {  	[sflag:s8] =	ssyncset.done $0x0  }
0x14d: {  	s11 =	sadd.s32 $0x140, s10;
	[sflag:s8] =	ssyncadd.s32 $0xFFFFF000  }
0x14e: {  	[tilespmem:s26], [sflag:$0x3] =	stream.indirect.gather [hbm4b:s4+s20], $0x40, s11, s20, $0xb8;
	[tilespmem:$0x17DE0] =	vst v63  }
0x14f: {  	_ =	swait.ge [sflag:s28], $0x1000  }
0x150: {  	[sflag:s28] =	ssyncset.done $0x0  }
0x151: {  	s11 =	sadd.s32 $0x9F80, s10;
	[sflag:s28] =	ssyncadd.s32 $0xFFFFF000  }
0x152: {  	[spmem:s1] =	stream.indirect.scatter.add.f32 [tilespmem:s22], [sflag:$0x5], $0x40, s11, s20, $0xb8;
	[tilespmem:$0x17DE0] =	vst v63  }
0x153: {  	_ =	swait.ge [sflag:s30], $0x1000  }
0x154: {  	[sflag:s30] =	ssyncset.done $0x0  }
0x155: {  	s11 =	sadd.s32 $0x180, s10;
	[sflag:s30] =	ssyncadd.s32 $0xFFFFF000  }
0x156: {  	[tilespmem:s21], [sflag:$0x1] =	stream.indirect.gather [hbm4b:s4+s20], $0x40, s11, s20, $0xb8;
	[tilespmem:$0x17DE0] =	vst v63  }
0x157: {  	_ =	swait.ge [sflag:s0], $0x1000  }
0x158: {  	[sflag:s0] =	ssyncset.done $0x0  }
.Ltmp4:
0x159: {  	s11 =	sadd.s32 $0x9FC0, s10;
	[sflag:s0] =	ssyncadd.s32 $0xFFFFF000;
	(pc) =	sbr.rel @p1 .LBB2_10-.Ltmp4, $4  }
0x15a: {  	[spmem:s1] =	stream.indirect.scatter.add.f32 [tilespmem:s26], [sflag:$0x6], $0x40, s11, s20, $0xb8;
	[tilespmem:$0x17DE0] =	vst v63  }
0x15b: {  	_ =	swait.ge [sflag:s6], $0x1000  }
0x15c: {  	[sflag:s6] =	ssyncset.done $0x0  }
0x15d: {  	s10 =	sadd.s32 $0x1C0, s10;
	[sflag:s6] =	ssyncadd.s32 $0xFFFFF000  }
0x15e: {  	[tilespmem:s22], [sflag:$0x2] =	stream.indirect.gather [hbm4b:s4+s20], $0x40, s10, s20, $0xb8;
	[tilespmem:$0x17DE0] =	vst v63  }
0x15f: {  	_ =	swait.ge [sflag:s8], $0x1000  }
0x160: {  	[sflag:s8] =	ssyncset.done $0x0  }
0x161: {  	[sflag:s8] =	ssyncadd.s32 $0xFFFFF000  }
0x162: {  	_ =	swait.ge [sflag:s23], $0x1000  }
0x163: {  	[sflag:s23] =	ssyncset.done $0x0  }
0x164: {  	[sflag:s23] =	ssyncadd.s32 $0xFFFFF000  }
0x165: {  	s9 =	stileid.u32;
	_ =	swait.ge [sflag:s28], $0x1000  }
0x166: {  	s11 =	sshrl.u32 s5, $0x3;
	s3 =	sadd.s32 $0x1, s3;
	[sflag:s28] =	ssyncset.done $0x0  }
0x167: {  	s9 =	sshll.u32 s9, $0x6;
	p1 =	sne.s32 s3, s16;
	[sflag:s28] =	ssyncadd.s32 $0xFFFFF000  }
.Ltmp5:
0x168: {  	s9 =	sor.u32 $0x1C07, s9;
	[bflag:$0x0] =	sbarrier.arrive $0xFFFF;
	(pc) =	sbr.rel @p1 .LBB2_1-.Ltmp5, $4  }
0x169: {  	[hbm:s15], [sflag:s9] =	dma.local [spmem:s11], $0xA00  }
0x16a: {  	_ =	swait.ge [sflag:s18], $0xA00  }
0x16b: {  	[sflag:s18] =	ssyncset.done $0x0  }
0x16c: {  	[sflag:s18] =	ssyncadd.s32 $0xFFFFF600  }
0x16d: {  	_ =	sfence.sel $0x180000  }
0x16e: {  	[bflag:$0x0] =	sbarrier.arrive $0xFFFF  }
0x16f: {  	_ =	strace $0x9000004A  }
0x170: {  	[bflag:$0x2] =	sbarrier.arrive $0xFFFF  }
0x171: {  	s0 =	rddreg [dreg:$0x3]  }
0x172: {  	s0 =	sadd.s32 @!p0 $0x100000, s0  }
0x173: {  	[sflag:s0] =	ssyncadd.tile.s32 @!p0 $0x1;
	_ =	shalt  }
.Lfunc_end2:
_tile_overlayer_lowered:
.L_overlay_start_2:
0x174: {  	(tag) =	ssettag $0x2  }
0x175: {  	s0 =	rddreg [dreg:$0x0];
	s2 =	stileid.u32  }
0x176: {  	s1 =	rddreg [dreg:$0x1];
	p0 =	sne.s32 s2, $0x0  }
0x177: {  	s3 =	rddreg [dreg:$0x2];
	[bflag:$0x3] =	sbarrier.arrive $0xFFFF;
	s2 =	simm.s32 @!p0 $0x1C07  }
0x178: {  	[timem:s3], [sflag:s2] =	dma.local @!p0 [hbm:s0], s1  }
0x179: {  	s0 =	simm.s32 @!p0 $0x7  }
0x17a: {  	_ =	swait.ge @!p0 [sflag:s0], s1  }
0x17b: {  	s1 =	ssub.s32 @!p0 $0x0, s1;
	[sflag:s0] =	ssyncset.done @!p0 $0x0  }
0x17c: {  	[sflag:s0] =	ssyncadd.s32 @!p0 s1  }
0x17d: {  	[bflag:$0x3] =	sbarrier.arrive $0xFFFF  }
0x17e: {  	_ =	shalt  }

// kernel: kernel.16.cloned.1.call-start
scs
__scs_entry_jumppad:
0x0: {  	(pc) =	sbr.rel $0x88, $3  }
0x1: {  	(tag) =	ssettag $0x0;
	lr =	simm.s32 $0x1  }
0x2: {  	[smem:$0x3F9A] =	sst lr;
	_ =	strace $0xD0000000  }
0x3: {  	_ = 	snop  }
0x4: {  	_ = 	snop  }
0x5: {  	_ = 	snop  }
0x6: {  	_ = 	snop  }
0x7: {  	_ = 	snop  }
__scs_overlays_trampoline_lowered:
0x8: {  	[smem:$0x3FA9] =	sst s0  }
0x9: {  	[smem:$0x3FAA] =	sst s1  }
0xa: {  	[smem:$0x3FAB] =	sst s2  }
0xb: {  	[smem:$0x3FAC] =	sst s3  }
0xc: {  	[smem:$0x3FAD] =	sst s4  }
0xd: {  	[smem:$0x3FAE] =	sst s5  }
0xe: {  	[smem:$0x3FAF] =	sst s6  }
0xf: {  	[smem:$0x3FB0] =	sst s7  }
0x10: {  	[smem:$0x3FB1] =	sst s8  }
0x11: {  	[smem:$0x3FB2] =	sst s9;
	s0 =	simm.s32 @!p0 $0x0  }
0x12: {  	s1 =	sld [smem:$0x3F98];
	s0 =	simm.s32 @p0 $0x1  }
0x13: {  	[smem:$0x3FB3] =	sst s0;
	s0 =	simm.s32 @!p1 $0x0  }
0x14: {  	s2 =	sld [smem:$0x3F97];
	s0 =	simm.s32 @p1 $0x1  }
0x15: {  	[smem:$0x3FB4] =	sst s0;
	s0 =	simm.s32 @!p2 $0x0  }
0x16: {  	s3 =	sld [smem:$0x3FDB];
	s0 =	simm.s32 @p2 $0x1  }
0x17: {  	s4 =	simm.s32 $0x1BF5;
	[smem:$0x3FB6] =	sst s0  }
0x18: {  	s0 =	sld [smem:$0x3F99];
	_ =	swait.ge [sflag:s4], $0x0  }
0x19: {  	s7 =	sld [smem:$0x3F9A]  }
0x1a: {  	s8 =	sadd.s32 $0xFFFFE003, lr  }
0x1b: {  	s9 =	sadd.s32 $0xFFFFFEF7, lr;
	s5 =	simm.s32 $0xFFFFFFFF;
	p2 =	slt.u32 s8, $0xFFFFF086  }
0x1c: {  	p1 =	slt.u32 s9, $0xF7A;
	s5 =	simm.s32 @!p2 $0x0  }
0x1d: {  	s5 =	simm.s32 @p1 $0x1;
	p0 =	seq.s32 s7, s2  }
0x1e: {  	s7 =	smul.u32 @!p0 $0xF7A, s2;
	p2 =	seq.s32 @!p0 s5, $0x0  }
0x1f: {  	s9 =	smul.u32 $0xF7A, s1;
	s8 =	simm.s32 @!p0 $0x1BF5;
	p2 =	por !p2, p0  }
0x20: {  	[sflag:s8] =	ssyncset.s32 @!p0 $0xFFFFF086;
	s6 =	sadd.s32 @!p0 s3, s7;
	s7 =	simm.s32 @!p0 $0x108  }
0x21: {  	s3 =	sadd.s32 s3, s9;
	s6 =	sadd.s32 @!p0 $0x88, s6;
	s7 =	simm.s32 @p2 $0x1082  }
0x22: {  	[simem:s7], [sflag:s8] =	dma.local @!p0 [hbm:s6], $0xF7A  }
0x23: {  	s9 =	sor.u32 $0xD0000000, s2;
	s6 =	simm.s32 $0x108;
	_ =	swait.ge @!p0 [sflag:s8], $0x0  }
0x24: {  	s3 =	sadd.s32 $0x88, s3;
	s6 =	simm.s32 @!p1 $0x1082;
	[sflag:s4] =	ssyncset.s32 $0xFFFFF086  }
0x25: {  	[simem:s6], [sflag:s4] =	dma.local [hbm:s3], $0xF7A  }
0x26: {  	[smem:$0x3F9A] =	sst s1;
	(tag) =	ssettag s2;
	_ =	strace s9  }
0x27: {  	s1 =	sld [smem:$0x3FAA]  }
0x28: {  	s2 =	sld [smem:$0x3FAB]  }
0x29: {  	s4 =	sld [smem:$0x3FAD]  }
0x2a: {  	p0 =	seq.s32 s5, $0x0;
	s5 =	sld [smem:$0x3FAE]  }
0x2b: {  	s6 =	sld [smem:$0x3FAF]  }
0x2c: {  	s7 =	sld [smem:$0x3FB0]  }
0x2d: {  	s3 =	simm.s32 $0x108;
	s8 =	sld [smem:$0x3FB1]  }
0x2e: {  	s3 =	simm.s32 @!p0 $0x1082;
	s9 =	sld [smem:$0x3FB2]  }
0x2f: {  	lr =	sadd.s32 s0, s3;
	s0 =	sld [smem:$0x3FA9]  }
0x30: {  	s3 =	sld [smem:$0x3FAC]  }
0x31: {  	[smem:$0x3FB5] =	sst s10  }
0x32: {  	s10 =	sld [smem:$0x3FB3];
	_ =	sdelay $0x3  }
0x33: {  	p0 =	seq.s32 s10, $0x1;
	s10 =	sld [smem:$0x3FB5];
	_ =	sdelay $0x3  }
0x34: {  	[smem:$0x3FB5] =	sst s10  }
0x35: {  	s10 =	sld [smem:$0x3FB4];
	_ =	sdelay $0x3  }
0x36: {  	p1 =	seq.s32 s10, $0x1;
	s10 =	sld [smem:$0x3FB5];
	_ =	sdelay $0x3  }
0x37: {  	[smem:$0x3FB5] =	sst s10  }
0x38: {  	s10 =	sld [smem:$0x3FB6]  }
0x39: {  	_ = 	snop;
	(pc) =	sbr.ind lr, $3  }
0x3a: {  	_ = 	snop  }
0x3b: {  	_ = 	snop  }
0x3c: {  	p2 =	seq.s32 s10, $0x1;
	s10 =	sld [smem:$0x3FB5]  }
0x3d: {  	_ =	shalt  }
0x3e: {  	_ =	shalt  }
0x3f: {  	_ =	shalt  }
0x40: {  	_ =	shalt  }
0x41: {  	_ =	shalt  }
0x42: {  	_ =	shalt  }
0x43: {  	_ =	shalt  }
0x44: {  	_ =	shalt  }
0x45: {  	_ =	shalt  }
0x46: {  	_ =	shalt  }
0x47: {  	_ =	shalt  }
0x48: {  	_ =	shalt  }
0x49: {  	_ =	shalt  }
0x4a: {  	_ =	shalt  }
0x4b: {  	_ =	shalt  }
0x4c: {  	_ =	shalt  }
0x4d: {  	_ =	shalt  }
0x4e: {  	_ =	shalt  }
0x4f: {  	_ =	shalt  }
0x50: {  	_ =	shalt  }
0x51: {  	_ =	shalt  }
0x52: {  	_ =	shalt  }
0x53: {  	_ =	shalt  }
0x54: {  	_ =	shalt  }
0x55: {  	_ =	shalt  }
0x56: {  	_ =	shalt  }
0x57: {  	_ =	shalt  }
0x58: {  	_ =	shalt  }
0x59: {  	_ =	shalt  }
0x5a: {  	_ =	shalt  }
0x5b: {  	_ =	shalt  }
0x5c: {  	_ =	shalt  }
0x5d: {  	_ =	shalt  }
0x5e: {  	_ =	shalt  }
0x5f: {  	_ =	shalt  }
0x60: {  	_ =	shalt  }
0x61: {  	_ =	shalt  }
0x62: {  	_ =	shalt  }
0x63: {  	_ =	shalt  }
0x64: {  	_ =	shalt  }
0x65: {  	_ =	shalt  }
0x66: {  	_ =	shalt  }
0x67: {  	_ =	shalt  }
0x68: {  	_ =	shalt  }
0x69: {  	_ =	shalt  }
0x6a: {  	_ =	shalt  }
0x6b: {  	_ =	shalt  }
0x6c: {  	_ =	shalt  }
0x6d: {  	_ =	shalt  }
0x6e: {  	_ =	shalt  }
0x6f: {  	_ =	shalt  }
0x70: {  	_ =	shalt  }
0x71: {  	_ =	shalt  }
0x72: {  	_ =	shalt  }
0x73: {  	_ =	shalt  }
0x74: {  	_ =	shalt  }
0x75: {  	_ =	shalt  }
0x76: {  	_ =	shalt  }
0x77: {  	_ =	shalt  }
0x78: {  	_ =	shalt  }
0x79: {  	_ =	shalt  }
0x7a: {  	_ =	shalt  }
0x7b: {  	_ =	shalt  }
0x7c: {  	_ =	shalt  }
0x7d: {  	_ =	shalt  }
0x7e: {  	_ =	shalt  }
0x7f: {  	_ =	shalt  }
0x80: {  	_ =	shalt  }
0x81: {  	_ =	shalt  }
0x82: {  	_ =	shalt  }
0x83: {  	_ =	shalt  }
0x84: {  	_ =	shalt  }
0x85: {  	_ =	shalt  }
0x86: {  	_ =	shalt  }
0x87: {  	_ =	shalt  }
.Lfunc_end0:
.L_simem_size_0:
called_computation.2_lowered:
.L_overlay_start_0:
0x88: {  	s2 =	sld [smem:$0x3FD9]  }
0x89: {  	s3 =	sld [smem:$0x3FFE];
	_ =	sdelay $0x1  }
0x8a: {  	s1 =	srdreg.scid  }
0x8b: {  	s0 =	sand.u32 $0x1, s1  }
0x8c: {  	s17 =	sshll.u32 s0, $0xA;
	s2 =	sadd.s32 s3, s2  }
0x8d: {  	s2 =	sadd.s32 s2, s17  }
0x8e: {  	[smem:$0x3FC1] =	sst s2  }
0x8f: {  	_ = 	snop  }
0x90: {  	s2 =	sld [smem:$0x3FD0];
	(tm) =	ssettm $0x1  }
0x91: {  	s18 =	sld [smem:$0x3FFB];
	_ =	sdelay $0x3  }
0x92: {  	_ =	strace s18  }
0x93: {  	s3 =	sld [smem:$0x3FFC];
	_ =	sdelay $0x3  }
0x94: {  	_ =	strace s3  }
0x95: {  	s3 =	sld [smem:$0x3FFD];
	_ =	sdelay $0x3  }
0x96: {  	_ =	strace s3  }
0x97: {  	_ =	strace $0x8FFFFFFF  }
0x98: {  	s19 =	sld [smem:$0x3FDB];
	_ =	sdelay $0x1  }
0x99: {  	s4 =	simm.s32 $_scs_section_size  }
0x9a: {  	s5 =	simm.s32 $_size__tile_overlayer_lowered;
	s6 =	simm.s32 $_tile_overlayer_lowered  }
0x9b: {  	s22 =	simm.s32 $0x1BFF;
	s21 =	sshll.u32 s6, $0x1;
	s3 =	sadd.s32 s4, s19  }
0x9c: {  	s7 =	simm.s32 $0x0;
	s20 =	sshll.u32 s5, $0x1;
	s5 =	sadd.s32 s21, s3  }
0x9d: {  	[timem:s7], [sflag:s22] =	dma.local [hbm:s5], s20  }
0x9e: {  	_ =	swait.ge [sflag:s22], s20  }
0x9f: {  	s4 =	ssub.s32 $0x0, s20;
	[sflag:s22] =	ssyncset.done $0x0  }
0xa0: {  	[sflag:s22] =	ssyncadd.s32 s4;
	_ =	sdelay $0x1  }
0xa1: {  	s23 =	simm.s32 $0x1B8B  }
0xa2: {  	_ =	swait.ge [sflag:s23], $0x1  }
0xa3: {  	[sflag:s23] =	ssyncset.done $0x0  }
0xa4: {  	s25 =	simm.s32 $0x1B8E;
	s24 =	sld [smem:$0x3FFE];
	[sflag:s23] =	ssyncadd.s32 $0xFFFFFFFF  }
0xa5: {  	s26 =	simm.s32 $execute0_lowered;
	[smem:$0x3FD2] =	sst s25  }
0xa6: {  	s5 =	sshll.u32 s26, $0x1;
	_ =	strace $0x8000004C;
	[dreg:$0x1] =	wrdreg $0xFFFFFFFF  }
0xa7: {  	s28 =	simm.s32 $_size_execute0_lowered;
	s3 =	sadd.s32 s3, s5;
	[dreg:$0x0] =	wrdreg $0x0  }
0xa8: {  	s5 =	sshll.u32 s28, $0x1;
	[dreg:$0x2] =	wrdreg s3  }
0xa9: {  	[dreg:$0x3] =	wrdreg s5  }
0xaa: {  	[dreg:$0x4] =	wrdreg $0xC0  }
0xab: {  	_ =	task [dreg:s7], $0x5FFFF  }
0xac: {  	[dreg:$0x1] =	wrdreg $0xFFFFFFFF  }
0xad: {  	[dreg:$0x0] =	wrdreg $0x60  }
0xae: {  	[dreg:$0x2] =	wrdreg s24  }
0xaf: {  	[dreg:$0x3] =	wrdreg s2  }
0xb0: {  	[dreg:$0x4] =	wrdreg $0x12DC00  }
0xb1: {  	[dreg:$0x5] =	wrdreg $0x9  }
0xb2: {  	_ =	task.clear_ibuf [dreg:s7], $0x6FFFF;
	_ =	strace $0x9000004C  }
0xb3: {  	s29 =	simm.s32 $0x9;
	_ =	strace $0x8000004E  }
0xb4: {  	_ =	swait.ge [sflag:s29], $0x1  }
0xb5: {  	[sflag:s29] =	ssyncadd.s32 $0xFFFFFFFF  }
0xb6: {  	_ =	strace $0x9000004E  }
0xb7: {  	_ =	sfence  }
0xb8: {  	s30 =	sld [smem:$0x0];
	_ =	sdelay $0x2  }
0xb9: {  	s31 =	sshll.u32 s1, $0xD;
	s1 =	sshrl.u32 s1, $0x2  }
0xba: {  	s3 =	sand.u32 $0x4000, s31;
	s1 =	sadd.s32 s1, s30  }
0xbb: {  	s0 =	sor.u32 s3, s0;
	s1 =	sshll.u32 s1, $0x11  }
0xbc: {  	s0 =	sor.u32 s1, s0  }
0xbd: {  	s0 =	sadd.s32 $0x8F2B, s0  }
0xbe: {  	[sflag:s0] =	ssyncadd.remote.s32 $0x1  }
0xbf: {  	_ =	sfence.sel $0xFFFF  }
0xc0: {  	[dreg:$0x0] =	wrdreg $0xFFFFFFFF;
	(pc) =	sbr.abs _section_cstart, $3  }
0xc1: {  	[dreg:$0x1] =	wrdreg $0xFFFFFFFF  }
0xc2: {  	_ =	task.clear_ibuf [dreg:s7], $0x2FFFF;
	_ =	strace $0x9FFFFFFF  }
0xc3: {  	(tm) =	ssettm $0x7FFFFFFF  }
tec
execute0_lowered:
.L_overlay_start_1:
0x0: {  	(tag) =	ssettag $0x1  }
0x1: {  	s0 =	rddreg [dreg:$0x0]  }
0x2: {  	s2 =	rddreg [dreg:$0x1]  }
0x3: {  	s3 =	srdreg.scid;
	s1 =	rddreg [dreg:$0x2]  }
0x4: {  	s11 =	stileid.u32;
	s17 =	simm.s32 $0x11DC0;
	s18 =	simm.s32 $0x7  }
0x5: {  	s19 =	simm.s32 $0x4F40;
	s28 =	simm.s32 $0x2;
	s6 =	smul.u32 $0x5000, s11  }
0x6: {  	s29 =	simm.s32 $0x9EC0;
	s30 =	simm.s32 $0x4;
	s7 =	smul.u32 $0x14000, s11  }
0x7: {  	s31 =	simm.s32 $0xC0;
	s5 =	sand.u32 $0x1, s3;
	s21 =	smul.u32 $0x9C40, s11  }
0x8: {  	s3 =	simm.s32 $0x0;
	s8 =	sadd.s32 $0x2000, s0;
	s24 =	smul.u32 $0x1388, s11  }
0x9: {  	s25 =	sadd.s32 $0x50000, s1;
	p0 =	sne.s32 s11, $0x0;
	s4 =	smul.u32 $0x50000, s5  }
0xa: {  	[smem:$0x7FF] =	sst s3;
	s20 =	ssub.s32 $0x2, s5;
	s10 =	smul.u32 $0x1400, s5  }
0xb: {  	_ =	strace $0x8000004D;
	s7 =	sshrl.u32 s7, $0x2;
	s9 =	sshrl.u32 s20, $0x1  }
0xc: {  	[dreg:$0x8] =	wrdreg s25;
	s26 =	sadd.s32 s8, s24;
	s25 =	simm.s32 $0x80  }
0xd: {  	s6 =	sadd.s32 s6, s4;
	s4 =	sadd.s32 $0x3DA00, s0;
	s5 =	sadd.s32 s7, s1  }
0xe: {  	[dreg:$0x9] =	wrdreg s26;
	s26 =	simm.s32 $0x10DC0;
	s7 =	sadd.s32 $0x1000, s5  }
0xf: {  	s6 =	sshrl.u32 s6, $0x3;
	s22 =	sadd.s32 $0x2000, s5;
	[dreg:$0x4] =	wrdreg s7  }
0x10: {  	s23 =	sadd.s32 $0x3000, s5;
	s12 =	sadd.s32 $0x4000, s5;
	[dreg:$0x5] =	wrdreg s22  }
0x11: {  	s0 =	sadd.s32 s6, s0;
	s6 =	ssub.s32 s20, s9;
	[dreg:$0x6] =	wrdreg s23  }
0x12: {  	[dreg:$0x7] =	wrdreg s12;
	s7 =	sshrl.u32 s21, $0x3;
	s12 =	sadd.s32 s2, s24  }
0x13: {  	s20 =	simm.s32 $0x40;
	s21 =	simm.s32 $0xEDC0;
	s22 =	simm.s32 $0xFDC0  }
0x14: {  	s23 =	simm.s32 $0x1;
	s24 =	simm.s32 $0x9E80;
	s7 =	sadd.s32 $0x9C4, s7  }
0x15: {  	s15 =	sadd.s32 $0x51A00, s0;
	s16 =	smax.u32 s6, $0x1;
	s0 =	simm.s32 $0x3  }
0x16: {  	s6 =	simm.s32 $0x5;
	s13 =	sadd.s32 s8, s7;
	s14 =	sadd.s32 s2, s7  }
0x17: {  	v1 =	vimm.f32 $0.0e+00;
	v2 =	vimm.s32 $0x2710;
	v0 =	vmov s10;
	s2 =	simm.s32 $0x9F00;
	s7 =	simm.s32 $0x100;
	s8 =	simm.s32 $0x6  }
.LBB2_1:
0x18: {  	s10 =	simm.s32 $0x100;
	s9 =	simm.s32 $0x0  }
.LBB2_2:
0x19: {  	p1 =	sne.s32 s10, $0x3F00;
	[tilespmem:s9+$0x11DF0] =	vst v1;
	s11 =	smov.u32 s10;
	s10 =	sadd.s32 $0x100, s10  }
.Ltmp0:
0x1a: {  	[tilespmem:s9+$0x11DE0] =	vst v1;
	(pc) =	sbr.rel @p1 .LBB2_2-.Ltmp0, $3  }
0x1b: {  	[tilespmem:s9+$0x11DC0] =	vst v1  }
0x1c: {  	[tilespmem:s9+$0x11DD0] =	vst v1;
	_ =	sdelay $0x1  }
0x1d: {  	s9 =	sshra.s32 s11, $0x2  }
0x1e: {  	[tilespmem:s9+$0x11DF0] =	vst v1  }
0x1f: {  	[tilespmem:s9+$0x11DE0] =	vst v1  }
0x20: {  	[tilespmem:s9+$0x11DC0] =	vst v1  }
0x21: {  	[tilespmem:s9+$0x11DD0] =	vst v1  }
0x22: {  	[spmem:s5] =	stream.linear.scatter [tilespmem:s17], [sflag:$0x7], $0x1000, $0x38;
	[tilespmem:$0x17DE0] =	vst v63  }
0x23: {  	_ =	swait.ge [sflag:s18], $0x1000  }
0x24: {  	[sflag:s18] =	ssyncset.done $0x0  }
0x25: {  	s11 =	rddreg [dreg:$0x4];
	[sflag:s18] =	ssyncadd.s32 $0xFFFFF000  }
0x26: {  	[spmem:s11] =	stream.linear.scatter [tilespmem:s17], [sflag:$0x7], $0x1000, $0x38;
	[tilespmem:$0x17DE0] =	vst v63  }
0x27: {  	_ =	swait.ge [sflag:s18], $0x1000  }
0x28: {  	[sflag:s18] =	ssyncset.done $0x0  }
0x29: {  	s10 =	rddreg [dreg:$0x5];
	[sflag:s18] =	ssyncadd.s32 $0xFFFFF000  }
0x2a: {  	[spmem:s10] =	stream.linear.scatter [tilespmem:s17], [sflag:$0x7], $0x1000, $0x38;
	[tilespmem:$0x17DE0] =	vst v63  }
0x2b: {  	_ =	swait.ge [sflag:s18], $0x1000  }
0x2c: {  	[sflag:s18] =	ssyncset.done $0x0  }
0x2d: {  	s11 =	rddreg [dreg:$0x6];
	[sflag:s18] =	ssyncadd.s32 $0xFFFFF000  }
0x2e: {  	[spmem:s11] =	stream.linear.scatter [tilespmem:s17], [sflag:$0x7], $0x1000, $0x38;
	[tilespmem:$0x17DE0] =	vst v63  }
0x2f: {  	_ =	swait.ge [sflag:s18], $0x1000  }
0x30: {  	[sflag:s18] =	ssyncset.done $0x0  }
0x31: {  	s10 =	rddreg [dreg:$0x7];
	[sflag:s18] =	ssyncadd.s32 $0xFFFFF000  }
0x32: {  	[spmem:s10] =	stream.linear.scatter [tilespmem:s17], [sflag:$0x7], $0x1000, $0x38;
	[tilespmem:$0x17DE0] =	vst v63  }
0x33: {  	_ =	swait.ge [sflag:s18], $0x1000  }
0x34: {  	[sflag:s18] =	ssyncset.done $0x0  }
0x35: {  	s9 =	simm.s32 @!p0 $0x11DC0;
	s10 =	rddreg [dreg:$0x8];
	[sflag:s18] =	ssyncadd.s32 $0xFFFFF000  }
0x36: {  	[spmem:s10] =	stream.linear.scatter @!p0 [tilespmem:s9], [sflag:$0x7], $0x200, $0x38;
	[tilespmem:$0x17DE0] =	vst v63  }
0x37: {  	s9 =	simm.s32 @!p0 $0x7  }
0x38: {  	_ =	swait.ge @!p0 [sflag:s9], $0x200  }
0x39: {  	[sflag:s9] =	ssyncset.done @!p0 $0x0  }
0x3a: {  	s11 =	rddreg [dreg:$0x9];
	[sflag:s9] =	ssyncadd.s32 @!p0 $0xFFFFFE00;
	s9 =	simm.s32 $0x0  }
0x3b: {  	[tilespmem:s9], [sflag:$0x7] =	stream.linear.gather [hbm4b:s11+s9], $0x4E20, $0x38;
	[tilespmem:$0x17DE0] =	vst v63  }
0x3c: {  	_ =	swait.ge [sflag:s18], $0x4E20  }
0x3d: {  	[sflag:s18] =	ssyncset.done $0x0  }
0x3e: {  	[sflag:s18] =	ssyncadd.s32 $0xFFFFB1E0  }
0x3f: {  	[tilespmem:s19], [sflag:$0x7] =	stream.linear.gather [hbm4b:s12+s9], $0x4E20, $0x38;
	[tilespmem:$0x17DE0] =	vst v63  }
0x40: {  	_ =	swait.ge [sflag:s18], $0x4E20  }
0x41: {  	[sflag:s18] =	ssyncset.done $0x0  }
0x42: {  	[sflag:s18] =	ssyncadd.s32 $0xFFFFB1E0  }
0x43: {  	[tilespmem:$0x4E20] =	vst v2  }
0x44: {  	[tilespmem:$0x4E30] =	vst v2  }
0x45: {  	[tilespmem:$0x4E40] =	vst v2  }
0x46: {  	[tilespmem:$0x4E50] =	vst v2  }
0x47: {  	[tilespmem:$0x4E60] =	vst v2  }
0x48: {  	[tilespmem:$0x4E70] =	vst v2  }
0x49: {  	[tilespmem:$0x4E80] =	vst v2  }
0x4a: {  	[tilespmem:$0x4E90] =	vst v2  }
0x4b: {  	[tilespmem:$0x4EA0] =	vst v2  }
0x4c: {  	[tilespmem:$0x4EB0] =	vst v2  }
0x4d: {  	[tilespmem:$0x4EC0] =	vst v2  }
0x4e: {  	[tilespmem:$0x4ED0] =	vst v2  }
0x4f: {  	[tilespmem:$0x4EE0] =	vst v2  }
0x50: {  	[tilespmem:$0x4EF0] =	vst v2  }
0x51: {  	[tilespmem:$0x4F00] =	vst v2  }
0x52: {  	[tilespmem:$0x4F10] =	vst v2  }
0x53: {  	[tilespmem:$0x4F20] =	vst v2  }
0x54: {  	[tilespmem:$0x4F30] =	vst v2  }
0x55: {  	[tilespmem:$0x9D60] =	vst v2  }
0x56: {  	[tilespmem:$0x9D70] =	vst v2  }
0x57: {  	[tilespmem:$0x9D80] =	vst v2  }
0x58: {  	[tilespmem:$0x9D90] =	vst v2  }
0x59: {  	[tilespmem:$0x9DA0] =	vst v2  }
0x5a: {  	[tilespmem:$0x9DB0] =	vst v2  }
0x5b: {  	[tilespmem:$0x9DC0] =	vst v2  }
0x5c: {  	[tilespmem:$0x9DD0] =	vst v2  }
0x5d: {  	[tilespmem:$0x9DE0] =	vst v2  }
0x5e: {  	[tilespmem:$0x9DF0] =	vst v2  }
0x5f: {  	[tilespmem:$0x9E00] =	vst v2  }
0x60: {  	[tilespmem:$0x9E10] =	vst v2  }
0x61: {  	[tilespmem:$0x9E20] =	vst v2  }
0x62: {  	[tilespmem:$0x9E30] =	vst v2  }
0x63: {  	[tilespmem:$0x9E40] =	vst v2  }
0x64: {  	[tilespmem:$0x9E50] =	vst v2  }
0x65: {  	[tilespmem:$0x9E60] =	vst v2  }
0x66: {  	s9 =	simm.s32 $0x0;
	[tilespmem:$0x9E70] =	vst v2  }
0x67: {  	v9 =	vld [tilespmem:s9+$0x4F40]  }
0x68: {  	v8 =	vld [tilespmem:s9+$0x4F50]  }
0x69: {  	v4 =	vld [tilespmem:s9+$0x4F60]  }
0x6a: {  	v3 =	vld [tilespmem:s9+$0x4F70]  }
0x6b: {  	v6 =	vld [tilespmem:s9+$0x0]  }
0x6c: {  	v5 =	vld [tilespmem:s9+$0x10];
	v7 =	vsub.s32 v9, v0  }
0x6d: {  	s10 =	simm.s32 $0x100;
	v11 =	vsub.s32 v8, v0;
	v10 =	vmin.u32 v7, $0x1400;
	v7 =	vld [tilespmem:s9+$0x20]  }
.LBB2_4:
0x6e: {  	s11 =	sshra.s32 s10, $0x2;
	p1 =	sne.s32 s10, $0x13C00;
	[tilespmem:s9+$0x9E80] =	vst v10;
	v10 =	vmin.u32 v11, $0x1400;
	v15 =	vsub.s32 v4, v0;
	v12 =	vld [tilespmem:s9+$0x30];
	v13 =	vmov v4  }
0x6f: {  	v14 =	vld [tilespmem:s11+$0x4F40];
	[tilespmem:s9+$0x9E90] =	vst v10;
	v4 =	vmin.u32 v15, $0x1400;
	v10 =	vsub.s32 v3, v0;
	v11 =	vmov v3  }
0x70: {  	v15 =	vld [tilespmem:s11+$0x4F50];
	vm0 =	veq.s32 v6, v9;
	[tilespmem:s9+$0x9EA0] =	vst v4;
	v3 =	vmin.u32 v10, $0x1400  }
.Ltmp1:
0x71: {  	v4 =	vld [tilespmem:s11+$0x4F60];
	v6 =	vsel vm0, $0x2710, v6;
	vm0 =	veq.s32 v5, v8;
	[tilespmem:s9+$0x9EB0] =	vst v3;
	(pc) =	sbr.rel @p1 .LBB2_4-.Ltmp1, $4  }
0x72: {  	v3 =	vld [tilespmem:s11+$0x4F70];
	[tilespmem:s9+$0x0] =	vst v6;
	v5 =	vsel vm0, $0x2710, v5;
	vm0 =	veq.s32 v7, v13  }
0x73: {  	v6 =	vld [tilespmem:s11+$0x0];
	[tilespmem:s9+$0x10] =	vst v5;
	v7 =	vsel vm0, $0x2710, v7;
	vm0 =	veq.s32 v12, v11  }
0x74: {  	v13 =	vsub.s32 v14, v0;
	v5 =	vld [tilespmem:s11+$0x10];
	[tilespmem:s9+$0x20] =	vst v7;
	v12 =	vsel vm0, $0x2710, v12;
	v9 =	vmov v14  }
0x75: {  	s10 =	sadd.s32 $0x100, s10;
	v10 =	vmin.u32 v13, $0x1400;
	v11 =	vsub.s32 v15, v0;
	v7 =	vld [tilespmem:s11+$0x20];
	[tilespmem:s9+$0x30] =	vst v12;
	v8 =	vmov v15;
	s9 =	smov.u32 s11  }
0x76: {  	[tilespmem:s9+$0x9E80] =	vst v10;
	v59 =	vmin.u32 v11, $0x1400;
	v60 =	vsub.s32 v4, v0;
	v12 =	vld [tilespmem:s9+$0x30]  }
0x77: {  	[tilespmem:s9+$0x9E90] =	vst v59;
	v61 =	vmin.u32 v60, $0x1400;
	v62 =	vsub.s32 v3, v0  }
0x78: {  	vm0 =	veq.s32 v6, v9;
	[tilespmem:s9+$0x9EA0] =	vst v61;
	v63 =	vmin.u32 v62, $0x1400  }
0x79: {  	v6 =	vsel vm0, $0x2710, v6;
	vm13 =	veq.s32 v5, v8;
	[tilespmem:s9+$0x9EB0] =	vst v63  }
0x7a: {  	[tilespmem:s9+$0x0] =	vst v6;
	v5 =	vsel vm13, $0x2710, v5;
	vm14 =	veq.s32 v7, v4  }
0x7b: {  	[tilespmem:s9+$0x10] =	vst v5;
	v4 =	vsel vm14, $0x2710, v7;
	vm15 =	veq.s32 v12, v3  }
0x7c: {  	[tilespmem:s9+$0x20] =	vst v4;
	v3 =	vsel vm15, $0x2710, v12  }
0x7d: {  	[tilespmem:s9+$0x30] =	vst v3  }
0x7e: {  	s10 =	simm.s32 $0x0;
	[bflag:$0x0] =	sbarrier.arrive $0xFFFF  }
0x7f: {  	[tilespmem:s21], [sflag:$0x1] =	stream.indirect.gather [hbm4b:s4+s20], $0x40, s10, s20, $0xb8;
	[tilespmem:$0x17DE0] =	vst v63  }
0x80: {  	_ = 	snop  }
0x81: {  	[tilespmem:s22], [sflag:$0x2] =	stream.indirect.gather [hbm4b:s4+s20], $0x40, s20, s20, $0xb8;
	[tilespmem:$0x17DE0] =	vst v63  }
0x82: {  	_ =	swait.ge [sflag:s23], $0x1000  }
0x83: {  	[sflag:s23] =	ssyncset.done $0x0  }
0x84: {  	[sflag:s23] =	ssyncadd.s32 $0xFFFFF000  }
0x85: {  	[spmem:s1] =	stream.indirect.scatter.add.f32 [tilespmem:s21], [sflag:$0x4], $0x40, s24, s20, $0xb8;
	[tilespmem:$0x17DE0] =	vst v63  }
0x86: {  	_ = 	snop  }
0x87: {  	[tilespmem:s26], [sflag:$0x3] =	stream.indirect.gather [hbm4b:s4+s20], $0x40, s25, s20, $0xb8;
	[tilespmem:$0x17DE0] =	vst v63  }
0x88: {  	_ =	swait.ge [sflag:s28], $0x1000  }
0x89: {  	[sflag:s28] =	ssyncset.done $0x0  }
0x8a: {  	[sflag:s28] =	ssyncadd.s32 $0xFFFFF000  }
0x8b: {  	[spmem:s1] =	stream.indirect.scatter.add.f32 [tilespmem:s22], [sflag:$0x5], $0x40, s29, s20, $0xb8;
	[tilespmem:$0x17DE0] =	vst v63  }
0x8c: {  	_ =	swait.ge [sflag:s30], $0x1000  }
0x8d: {  	[sflag:s30] =	ssyncset.done $0x0  }
0x8e: {  	[sflag:s30] =	ssyncadd.s32 $0xFFFFF000  }
0x8f: {  	[tilespmem:s21], [sflag:$0x1] =	stream.indirect.gather [hbm4b:s4+s20], $0x40, s31, s20, $0xb8;
	[tilespmem:$0x17DE0] =	vst v63  }
0x90: {  	_ =	swait.ge [sflag:s0], $0x1000  }
0x91: {  	[sflag:s0] =	ssyncset.done $0x0  }
0x92: {  	[sflag:s0] =	ssyncadd.s32 $0xFFFFF000  }
0x93: {  	[spmem:s1] =	stream.indirect.scatter.add.f32 [tilespmem:s26], [sflag:$0x6], $0x40, s2, s20, $0xb8;
	[tilespmem:$0x17DE0] =	vst v63  }
0x94: {  	_ =	swait.ge [sflag:s6], $0x1000  }
0x95: {  	[sflag:s6] =	ssyncset.done $0x0  }
0x96: {  	[sflag:s6] =	ssyncadd.s32 $0xFFFFF000  }
0x97: {  	[tilespmem:s22], [sflag:$0x2] =	stream.indirect.gather [hbm4b:s4+s20], $0x40, s7, s20, $0xb8;
	[tilespmem:$0x17DE0] =	vst v63  }
0x98: {  	_ =	swait.ge [sflag:s23], $0x1000  }
0x99: {  	[sflag:s23] =	ssyncset.done $0x0  }
0x9a: {  	s11 =	simm.s32 $0x9F40;
	[sflag:s23] =	ssyncadd.s32 $0xFFFFF000  }
0x9b: {  	[spmem:s1] =	stream.indirect.scatter.add.f32 [tilespmem:s21], [sflag:$0x4], $0x40, s11, s20, $0xb8;
	[tilespmem:$0x17DE0] =	vst v63  }
0x9c: {  	_ =	swait.ge [sflag:s8], $0x1000  }
0x9d: {  	[sflag:s8] =	ssyncset.done $0x0  }
0x9e: {  	s10 =	simm.s32 $0x140;
	[sflag:s8] =	ssyncadd.s32 $0xFFFFF000  }
0x9f: {  	[tilespmem:s26], [sflag:$0x3] =	stream.indirect.gather [hbm4b:s4+s20], $0x40, s10, s20, $0xb8;
	[tilespmem:$0x17DE0] =	vst v63  }
0xa0: {  	_ =	swait.ge [sflag:s28], $0x1000  }
0xa1: {  	[sflag:s28] =	ssyncset.done $0x0  }
0xa2: {  	s11 =	simm.s32 $0x9F80;
	[sflag:s28] =	ssyncadd.s32 $0xFFFFF000  }
0xa3: {  	[spmem:s1] =	stream.indirect.scatter.add.f32 [tilespmem:s22], [sflag:$0x5], $0x40, s11, s20, $0xb8;
	[tilespmem:$0x17DE0] =	vst v63  }
0xa4: {  	_ =	swait.ge [sflag:s30], $0x1000  }
0xa5: {  	[sflag:s30] =	ssyncset.done $0x0  }
0xa6: {  	s10 =	simm.s32 $0x180;
	[sflag:s30] =	ssyncadd.s32 $0xFFFFF000  }
0xa7: {  	[tilespmem:s21], [sflag:$0x1] =	stream.indirect.gather [hbm4b:s4+s20], $0x40, s10, s20, $0xb8;
	[tilespmem:$0x17DE0] =	vst v63  }
0xa8: {  	_ =	swait.ge [sflag:s0], $0x1000  }
0xa9: {  	[sflag:s0] =	ssyncset.done $0x0  }
0xaa: {  	s11 =	simm.s32 $0x9FC0;
	[sflag:s0] =	ssyncadd.s32 $0xFFFFF000  }
0xab: {  	[spmem:s1] =	stream.indirect.scatter.add.f32 [tilespmem:s26], [sflag:$0x6], $0x40, s11, s20, $0xb8;
	[tilespmem:$0x17DE0] =	vst v63  }
0xac: {  	_ =	swait.ge [sflag:s6], $0x1000  }
0xad: {  	[sflag:s6] =	ssyncset.done $0x0  }
0xae: {  	s9 =	simm.s32 $0x300;
	s10 =	simm.s32 $0x1C0;
	[sflag:s6] =	ssyncadd.s32 $0xFFFFF000  }
.LBB2_6:
0xaf: {  	[tilespmem:s22], [sflag:$0x2] =	stream.indirect.gather [hbm4b:s4+s20], $0x40, s10, s20, $0xb8;
	[tilespmem:$0x17DE0] =	vst v63  }
0xb0: {  	s10 =	smov.u32 s9  }
0xb1: {  	p1 =	sne.s32 s9, $0x13500;
	s9 =	sadd.s32 $0x300, s9;
	_ =	swait.ge [sflag:s23], $0x1000  }
0xb2: {  	s10 =	sshra.s32 s10, $0x2;
	[sflag:s23] =	ssyncset.done $0x0  }
0xb3: {  	s11 =	sadd.s32 $0x9F40, s10;
	[sflag:s23] =	ssyncadd.s32 $0xFFFFF000  }
0xb4: {  	[spmem:s1] =	stream.indirect.scatter.add.f32 [tilespmem:s21], [sflag:$0x4], $0x40, s11, s20, $0xb8;
	[tilespmem:$0x17DE0] =	vst v63  }
0xb5: {  	_ =	swait.ge [sflag:s8], $0x1000  }
0xb6: {  	[sflag:s8] =	ssyncset.done $0x0  }
0xb7: {  	s11 =	sadd.s32 $0x140, s10;
	[sflag:s8] =	ssyncadd.s32 $0xFFFFF000  }
0xb8: {  	[tilespmem:s26], [sflag:$0x3] =	stream.indirect.gather [hbm4b:s4+s20], $0x40, s11, s20, $0xb8;
	[tilespmem:$0x17DE0] =	vst v63  }
0xb9: {  	_ =	swait.ge [sflag:s28], $0x1000  }
0xba: {  	[sflag:s28] =	ssyncset.done $0x0  }
0xbb: {  	s11 =	sadd.s32 $0x9F80, s10;
	[sflag:s28] =	ssyncadd.s32 $0xFFFFF000  }
0xbc: {  	[spmem:s1] =	stream.indirect.scatter.add.f32 [tilespmem:s22], [sflag:$0x5], $0x40, s11, s20, $0xb8;
	[tilespmem:$0x17DE0] =	vst v63  }
0xbd: {  	_ =	swait.ge [sflag:s30], $0x1000  }
0xbe: {  	[sflag:s30] =	ssyncset.done $0x0  }
0xbf: {  	s11 =	sadd.s32 $0x180, s10;
	[sflag:s30] =	ssyncadd.s32 $0xFFFFF000  }
0xc0: {  	[tilespmem:s21], [sflag:$0x1] =	stream.indirect.gather [hbm4b:s4+s20], $0x40, s11, s20, $0xb8;
	[tilespmem:$0x17DE0] =	vst v63  }
0xc1: {  	_ =	swait.ge [sflag:s0], $0x1000  }
0xc2: {  	[sflag:s0] =	ssyncset.done $0x0  }
.Ltmp2:
0xc3: {  	s11 =	sadd.s32 $0x9FC0, s10;
	[sflag:s0] =	ssyncadd.s32 $0xFFFFF000;
	(pc) =	sbr.rel @p1 .LBB2_6-.Ltmp2, $4  }
0xc4: {  	[spmem:s1] =	stream.indirect.scatter.add.f32 [tilespmem:s26], [sflag:$0x6], $0x40, s11, s20, $0xb8;
	[tilespmem:$0x17DE0] =	vst v63  }
0xc5: {  	_ =	swait.ge [sflag:s6], $0x1000  }
0xc6: {  	[sflag:s6] =	ssyncset.done $0x0  }
0xc7: {  	s10 =	sadd.s32 $0x1C0, s10;
	[sflag:s6] =	ssyncadd.s32 $0xFFFFF000  }
0xc8: {  	[tilespmem:s22], [sflag:$0x2] =	stream.indirect.gather [hbm4b:s4+s20], $0x40, s10, s20, $0xb8;
	[tilespmem:$0x17DE0] =	vst v63  }
0xc9: {  	_ =	swait.ge [sflag:s8], $0x1000  }
0xca: {  	[sflag:s8] =	ssyncset.done $0x0  }
0xcb: {  	[sflag:s8] =	ssyncadd.s32 $0xFFFFF000  }
0xcc: {  	_ =	swait.ge [sflag:s23], $0x1000  }
0xcd: {  	[sflag:s23] =	ssyncset.done $0x0  }
0xce: {  	[sflag:s23] =	ssyncadd.s32 $0xFFFFF000  }
0xcf: {  	_ =	swait.ge [sflag:s28], $0x1000  }
0xd0: {  	[sflag:s28] =	ssyncset.done $0x0  }
0xd1: {  	s9 =	simm.s32 $0x0;
	[sflag:s28] =	ssyncadd.s32 $0xFFFFF000  }
0xd2: {  	[tilespmem:s9], [sflag:$0x7] =	stream.linear.gather [hbm4b:s13+s9], $0x4E20, $0x38;
	[tilespmem:$0x17DE0] =	vst v63  }
0xd3: {  	_ =	swait.ge [sflag:s18], $0x4E20  }
0xd4: {  	[sflag:s18] =	ssyncset.done $0x0  }
0xd5: {  	[sflag:s18] =	ssyncadd.s32 $0xFFFFB1E0  }
0xd6: {  	[tilespmem:s19], [sflag:$0x7] =	stream.linear.gather [hbm4b:s14+s9], $0x4E20, $0x38;
	[tilespmem:$0x17DE0] =	vst v63  }
0xd7: {  	_ =	swait.ge [sflag:s18], $0x4E20  }
0xd8: {  	[sflag:s18] =	ssyncset.done $0x0  }
0xd9: {  	[sflag:s18] =	ssyncadd.s32 $0xFFFFB1E0  }
0xda: {  	[tilespmem:$0x4E20] =	vst v2  }
0xdb: {  	[tilespmem:$0x4E30] =	vst v2  }
0xdc: {  	[tilespmem:$0x4E40] =	vst v2  }
0xdd: {  	[tilespmem:$0x4E50] =	vst v2  }
0xde: {  	[tilespmem:$0x4E60] =	vst v2  }
0xdf: {  	[tilespmem:$0x4E70] =	vst v2  }
0xe0: {  	[tilespmem:$0x4E80] =	vst v2  }
0xe1: {  	[tilespmem:$0x4E90] =	vst v2  }
0xe2: {  	[tilespmem:$0x4EA0] =	vst v2  }
0xe3: {  	[tilespmem:$0x4EB0] =	vst v2  }
0xe4: {  	[tilespmem:$0x4EC0] =	vst v2  }
0xe5: {  	[tilespmem:$0x4ED0] =	vst v2  }
0xe6: {  	[tilespmem:$0x4EE0] =	vst v2  }
0xe7: {  	[tilespmem:$0x4EF0] =	vst v2  }
0xe8: {  	[tilespmem:$0x4F00] =	vst v2  }
0xe9: {  	[tilespmem:$0x4F10] =	vst v2  }
0xea: {  	[tilespmem:$0x4F20] =	vst v2  }
0xeb: {  	[tilespmem:$0x4F30] =	vst v2  }
0xec: {  	[tilespmem:$0x9D60] =	vst v2  }
0xed: {  	[tilespmem:$0x9D70] =	vst v2  }
0xee: {  	[tilespmem:$0x9D80] =	vst v2  }
0xef: {  	[tilespmem:$0x9D90] =	vst v2  }
0xf0: {  	[tilespmem:$0x9DA0] =	vst v2  }
0xf1: {  	[tilespmem:$0x9DB0] =	vst v2  }
0xf2: {  	[tilespmem:$0x9DC0] =	vst v2  }
0xf3: {  	[tilespmem:$0x9DD0] =	vst v2  }
0xf4: {  	[tilespmem:$0x9DE0] =	vst v2  }
0xf5: {  	[tilespmem:$0x9DF0] =	vst v2  }
0xf6: {  	[tilespmem:$0x9E00] =	vst v2  }
0xf7: {  	[tilespmem:$0x9E10] =	vst v2  }
0xf8: {  	[tilespmem:$0x9E20] =	vst v2  }
0xf9: {  	[tilespmem:$0x9E30] =	vst v2  }
0xfa: {  	[tilespmem:$0x9E40] =	vst v2  }
0xfb: {  	[tilespmem:$0x9E50] =	vst v2  }
0xfc: {  	[tilespmem:$0x9E60] =	vst v2  }
0xfd: {  	s9 =	simm.s32 $0x0;
	[tilespmem:$0x9E70] =	vst v2  }
0xfe: {  	v9 =	vld [tilespmem:s9+$0x4F40]  }
0xff: {  	v8 =	vld [tilespmem:s9+$0x4F50]  }
0x100: {  	v4 =	vld [tilespmem:s9+$0x4F60]  }
0x101: {  	v3 =	vld [tilespmem:s9+$0x4F70]  }
0x102: {  	v6 =	vld [tilespmem:s9+$0x0]  }
0x103: {  	v5 =	vld [tilespmem:s9+$0x10];
	v7 =	vsub.s32 v9, v0  }
0x104: {  	s10 =	simm.s32 $0x100;
	v11 =	vsub.s32 v8, v0;
	v10 =	vmin.u32 v7, $0x1400;
	v7 =	vld [tilespmem:s9+$0x20]  }
.LBB2_8:
0x105: {  	s11 =	sshra.s32 s10, $0x2;
	p1 =	sne.s32 s10, $0x13C00;
	[tilespmem:s9+$0x9E80] =	vst v10;
	v10 =	vmin.u32 v11, $0x1400;
	v15 =	vsub.s32 v4, v0;
	v12 =	vld [tilespmem:s9+$0x30];
	v13 =	vmov v4  }
0x106: {  	v14 =	vld [tilespmem:s11+$0x4F40];
	[tilespmem:s9+$0x9E90] =	vst v10;
	v4 =	vmin.u32 v15, $0x1400;
	v10 =	vsub.s32 v3, v0;
	v11 =	vmov v3  }
0x107: {  	v15 =	vld [tilespmem:s11+$0x4F50];
	vm0 =	veq.s32 v6, v9;
	[tilespmem:s9+$0x9EA0] =	vst v4;
	v3 =	vmin.u32 v10, $0x1400  }
.Ltmp3:
0x108: {  	v4 =	vld [tilespmem:s11+$0x4F60];
	v6 =	vsel vm0, $0x2710, v6;
	vm0 =	veq.s32 v5, v8;
	[tilespmem:s9+$0x9EB0] =	vst v3;
	(pc) =	sbr.rel @p1 .LBB2_8-.Ltmp3, $4  }
0x109: {  	v3 =	vld [tilespmem:s11+$0x4F70];
	[tilespmem:s9+$0x0] =	vst v6;
	v5 =	vsel vm0, $0x2710, v5;
	vm0 =	veq.s32 v7, v13  }
0x10a: {  	v6 =	vld [tilespmem:s11+$0x0];
	[tilespmem:s9+$0x10] =	vst v5;
	v7 =	vsel vm0, $0x2710, v7;
	vm0 =	veq.s32 v12, v11  }
0x10b: {  	v13 =	vsub.s32 v14, v0;
	v5 =	vld [tilespmem:s11+$0x10];
	[tilespmem:s9+$0x20] =	vst v7;
	v12 =	vsel vm0, $0x2710, v12;
	v9 =	vmov v14  }
0x10c: {  	s10 =	sadd.s32 $0x100, s10;
	v10 =	vmin.u32 v13, $0x1400;
	v11 =	vsub.s32 v15, v0;
	v7 =	vld [tilespmem:s11+$0x20];
	[tilespmem:s9+$0x30] =	vst v12;
	v8 =	vmov v15;
	s9 =	smov.u32 s11  }
0x10d: {  	[tilespmem:s9+$0x9E80] =	vst v10;
	v59 =	vmin.u32 v11, $0x1400;
	v60 =	vsub.s32 v4, v0;
	v12 =	vld [tilespmem:s9+$0x30]  }
0x10e: {  	[tilespmem:s9+$0x9E90] =	vst v59;
	v61 =	vmin.u32 v60, $0x1400;
	v62 =	vsub.s32 v3, v0  }
0x10f: {  	vm0 =	veq.s32 v6, v9;
	[tilespmem:s9+$0x9EA0] =	vst v61;
	v63 =	vmin.u32 v62, $0x1400  }
0x110: {  	v6 =	vsel vm0, $0x2710, v6;
	vm13 =	veq.s32 v5, v8;
	[tilespmem:s9+$0x9EB0] =	vst v63  }
0x111: {  	[tilespmem:s9+$0x0] =	vst v6;
	v5 =	vsel vm13, $0x2710, v5;
	vm14 =	veq.s32 v7, v4  }
0x112: {  	[tilespmem:s9+$0x10] =	vst v5;
	v4 =	vsel vm14, $0x2710, v7;
	vm15 =	veq.s32 v12, v3  }
0x113: {  	[tilespmem:s9+$0x20] =	vst v4;
	v3 =	vsel vm15, $0x2710, v12  }
0x114: {  	s10 =	simm.s32 $0x0;
	[tilespmem:s9+$0x30] =	vst v3  }
0x115: {  	[tilespmem:s21], [sflag:$0x1] =	stream.indirect.gather [hbm4b:s4+s20], $0x40, s10, s20, $0xb8;
	[tilespmem:$0x17DE0] =	vst v63  }
0x116: {  	_ = 	snop  }
0x117: {  	[tilespmem:s22], [sflag:$0x2] =	stream.indirect.gather [hbm4b:s4+s20], $0x40, s20, s20, $0xb8;
	[tilespmem:$0x17DE0] =	vst v63  }
0x118: {  	_ =	swait.ge [sflag:s23], $0x1000  }
0x119: {  	[sflag:s23] =	ssyncset.done $0x0  }
0x11a: {  	[sflag:s23] =	ssyncadd.s32 $0xFFFFF000  }
0x11b: {  	[spmem:s1] =	stream.indirect.scatter.add.f32 [tilespmem:s21], [sflag:$0x4], $0x40, s24, s20, $0xb8;
	[tilespmem:$0x17DE0] =	vst v63  }
0x11c: {  	_ = 	snop  }
0x11d: {  	[tilespmem:s26], [sflag:$0x3] =	stream.indirect.gather [hbm4b:s4+s20], $0x40, s25, s20, $0xb8;
	[tilespmem:$0x17DE0] =	vst v63  }
0x11e: {  	_ =	swait.ge [sflag:s28], $0x1000  }
0x11f: {  	[sflag:s28] =	ssyncset.done $0x0  }
0x120: {  	[sflag:s28] =	ssyncadd.s32 $0xFFFFF000  }
0x121: {  	[spmem:s1] =	stream.indirect.scatter.add.f32 [tilespmem:s22], [sflag:$0x5], $0x40, s29, s20, $0xb8;
	[tilespmem:$0x17DE0] =	vst v63  }
0x122: {  	_ =	swait.ge [sflag:s30], $0x1000  }
0x123: {  	[sflag:s30] =	ssyncset.done $0x0  }
0x124: {  	[sflag:s30] =	ssyncadd.s32 $0xFFFFF000  }
0x125: {  	[tilespmem:s21], [sflag:$0x1] =	stream.indirect.gather [hbm4b:s4+s20], $0x40, s31, s20, $0xb8;
	[tilespmem:$0x17DE0] =	vst v63  }
0x126: {  	_ =	swait.ge [sflag:s0], $0x1000  }
0x127: {  	[sflag:s0] =	ssyncset.done $0x0  }
0x128: {  	[sflag:s0] =	ssyncadd.s32 $0xFFFFF000  }
0x129: {  	[spmem:s1] =	stream.indirect.scatter.add.f32 [tilespmem:s26], [sflag:$0x6], $0x40, s2, s20, $0xb8;
	[tilespmem:$0x17DE0] =	vst v63  }
0x12a: {  	_ =	swait.ge [sflag:s6], $0x1000  }
0x12b: {  	[sflag:s6] =	ssyncset.done $0x0  }
0x12c: {  	[sflag:s6] =	ssyncadd.s32 $0xFFFFF000  }
0x12d: {  	[tilespmem:s22], [sflag:$0x2] =	stream.indirect.gather [hbm4b:s4+s20], $0x40, s7, s20, $0xb8;
	[tilespmem:$0x17DE0] =	vst v63  }
0x12e: {  	_ =	swait.ge [sflag:s23], $0x1000  }
0x12f: {  	[sflag:s23] =	ssyncset.done $0x0  }
0x130: {  	s11 =	simm.s32 $0x9F40;
	[sflag:s23] =	ssyncadd.s32 $0xFFFFF000  }
0x131: {  	[spmem:s1] =	stream.indirect.scatter.add.f32 [tilespmem:s21], [sflag:$0x4], $0x40, s11, s20, $0xb8;
	[tilespmem:$0x17DE0] =	vst v63  }
0x132: {  	_ =	swait.ge [sflag:s8], $0x1000  }
0x133: {  	[sflag:s8] =	ssyncset.done $0x0  }
0x134: {  	s10 =	simm.s32 $0x140;
	[sflag:s8] =	ssyncadd.s32 $0xFFFFF000  }
0x135: {  	[tilespmem:s26], [sflag:$0x3] =	stream.indirect.gather [hbm4b:s4+s20], $0x40, s10, s20, $0xb8;
	[tilespmem:$0x17DE0] =	vst v63  }
0x136: {  	_ =	swait.ge [sflag:s28], $0x1000  }
0x137: {  	[sflag:s28] =	ssyncset.done $0x0  }
0x138: {  	s11 =	simm.s32 $0x9F80;
	[sflag:s28] =	ssyncadd.s32 $0xFFFFF000  }
0x139: {  	[spmem:s1] =	stream.indirect.scatter.add.f32 [tilespmem:s22], [sflag:$0x5], $0x40, s11, s20, $0xb8;
	[tilespmem:$0x17DE0] =	vst v63  }
0x13a: {  	_ =	swait.ge [sflag:s30], $0x1000  }
0x13b: {  	[sflag:s30] =	ssyncset.done $0x0  }
0x13c: {  	s10 =	simm.s32 $0x180;
	[sflag:s30] =	ssyncadd.s32 $0xFFFFF000  }
0x13d: {  	[tilespmem:s21], [sflag:$0x1] =	stream.indirect.gather [hbm4b:s4+s20], $0x40, s10, s20, $0xb8;
	[tilespmem:$0x17DE0] =	vst v63  }
0x13e: {  	_ =	swait.ge [sflag:s0], $0x1000  }
0x13f: {  	[sflag:s0] =	ssyncset.done $0x0  }
0x140: {  	s11 =	simm.s32 $0x9FC0;
	[sflag:s0] =	ssyncadd.s32 $0xFFFFF000  }
0x141: {  	[spmem:s1] =	stream.indirect.scatter.add.f32 [tilespmem:s26], [sflag:$0x6], $0x40, s11, s20, $0xb8;
	[tilespmem:$0x17DE0] =	vst v63  }
0x142: {  	_ =	swait.ge [sflag:s6], $0x1000  }
0x143: {  	[sflag:s6] =	ssyncset.done $0x0  }
0x144: {  	s9 =	simm.s32 $0x300;
	s10 =	simm.s32 $0x1C0;
	[sflag:s6] =	ssyncadd.s32 $0xFFFFF000  }
.LBB2_10:
0x145: {  	[tilespmem:s22], [sflag:$0x2] =	stream.indirect.gather [hbm4b:s4+s20], $0x40, s10, s20, $0xb8;
	[tilespmem:$0x17DE0] =	vst v63  }
0x146: {  	s10 =	smov.u32 s9  }
0x147: {  	p1 =	sne.s32 s9, $0x13500;
	s9 =	sadd.s32 $0x300, s9;
	_ =	swait.ge [sflag:s23], $0x1000  }
0x148: {  	s10 =	sshra.s32 s10, $0x2;
	[sflag:s23] =	ssyncset.done $0x0  }
0x149: {  	s11 =	sadd.s32 $0x9F40, s10;
	[sflag:s23] =	ssyncadd.s32 $0xFFFFF000  }
0x14a: {  	[spmem:s1] =	stream.indirect.scatter.add.f32 [tilespmem:s21], [sflag:$0x4], $0x40, s11, s20, $0xb8;
	[tilespmem:$0x17DE0] =	vst v63  }
0x14b: {  	_ =	swait.ge [sflag:s8], $0x1000  }
0x14c: {  	[sflag:s8] =	ssyncset.done $0x0  }
0x14d: {  	s11 =	sadd.s32 $0x140, s10;
	[sflag:s8] =	ssyncadd.s32 $0xFFFFF000  }
0x14e: {  	[tilespmem:s26], [sflag:$0x3] =	stream.indirect.gather [hbm4b:s4+s20], $0x40, s11, s20, $0xb8;
	[tilespmem:$0x17DE0] =	vst v63  }
0x14f: {  	_ =	swait.ge [sflag:s28], $0x1000  }
0x150: {  	[sflag:s28] =	ssyncset.done $0x0  }
0x151: {  	s11 =	sadd.s32 $0x9F80, s10;
	[sflag:s28] =	ssyncadd.s32 $0xFFFFF000  }
0x152: {  	[spmem:s1] =	stream.indirect.scatter.add.f32 [tilespmem:s22], [sflag:$0x5], $0x40, s11, s20, $0xb8;
	[tilespmem:$0x17DE0] =	vst v63  }
0x153: {  	_ =	swait.ge [sflag:s30], $0x1000  }
0x154: {  	[sflag:s30] =	ssyncset.done $0x0  }
0x155: {  	s11 =	sadd.s32 $0x180, s10;
	[sflag:s30] =	ssyncadd.s32 $0xFFFFF000  }
0x156: {  	[tilespmem:s21], [sflag:$0x1] =	stream.indirect.gather [hbm4b:s4+s20], $0x40, s11, s20, $0xb8;
	[tilespmem:$0x17DE0] =	vst v63  }
0x157: {  	_ =	swait.ge [sflag:s0], $0x1000  }
0x158: {  	[sflag:s0] =	ssyncset.done $0x0  }
.Ltmp4:
0x159: {  	s11 =	sadd.s32 $0x9FC0, s10;
	[sflag:s0] =	ssyncadd.s32 $0xFFFFF000;
	(pc) =	sbr.rel @p1 .LBB2_10-.Ltmp4, $4  }
0x15a: {  	[spmem:s1] =	stream.indirect.scatter.add.f32 [tilespmem:s26], [sflag:$0x6], $0x40, s11, s20, $0xb8;
	[tilespmem:$0x17DE0] =	vst v63  }
0x15b: {  	_ =	swait.ge [sflag:s6], $0x1000  }
0x15c: {  	[sflag:s6] =	ssyncset.done $0x0  }
0x15d: {  	s10 =	sadd.s32 $0x1C0, s10;
	[sflag:s6] =	ssyncadd.s32 $0xFFFFF000  }
0x15e: {  	[tilespmem:s22], [sflag:$0x2] =	stream.indirect.gather [hbm4b:s4+s20], $0x40, s10, s20, $0xb8;
	[tilespmem:$0x17DE0] =	vst v63  }
0x15f: {  	_ =	swait.ge [sflag:s8], $0x1000  }
0x160: {  	[sflag:s8] =	ssyncset.done $0x0  }
0x161: {  	[sflag:s8] =	ssyncadd.s32 $0xFFFFF000  }
0x162: {  	_ =	swait.ge [sflag:s23], $0x1000  }
0x163: {  	[sflag:s23] =	ssyncset.done $0x0  }
0x164: {  	[sflag:s23] =	ssyncadd.s32 $0xFFFFF000  }
0x165: {  	s9 =	stileid.u32;
	_ =	swait.ge [sflag:s28], $0x1000  }
0x166: {  	s11 =	sshrl.u32 s5, $0x3;
	s3 =	sadd.s32 $0x1, s3;
	[sflag:s28] =	ssyncset.done $0x0  }
0x167: {  	s9 =	sshll.u32 s9, $0x6;
	p1 =	sne.s32 s3, s16;
	[sflag:s28] =	ssyncadd.s32 $0xFFFFF000  }
.Ltmp5:
0x168: {  	s9 =	sor.u32 $0x1C07, s9;
	[bflag:$0x0] =	sbarrier.arrive $0xFFFF;
	(pc) =	sbr.rel @p1 .LBB2_1-.Ltmp5, $4  }
0x169: {  	[hbm:s15], [sflag:s9] =	dma.local [spmem:s11], $0xA00  }
0x16a: {  	_ =	swait.ge [sflag:s18], $0xA00  }
0x16b: {  	[sflag:s18] =	ssyncset.done $0x0  }
0x16c: {  	[sflag:s18] =	ssyncadd.s32 $0xFFFFF600  }
0x16d: {  	_ =	sfence.sel $0x180000  }
0x16e: {  	[bflag:$0x0] =	sbarrier.arrive $0xFFFF  }
0x16f: {  	_ =	strace $0x9000004D  }
0x170: {  	[bflag:$0x2] =	sbarrier.arrive $0xFFFF  }
0x171: {  	s0 =	rddreg [dreg:$0x3]  }
0x172: {  	s0 =	sadd.s32 @!p0 $0x100000, s0  }
0x173: {  	[sflag:s0] =	ssyncadd.tile.s32 @!p0 $0x1;
	_ =	shalt  }
.Lfunc_end2:
_tile_overlayer_lowered:
.L_overlay_start_2:
0x174: {  	(tag) =	ssettag $0x2  }
0x175: {  	s0 =	rddreg [dreg:$0x0];
	s2 =	stileid.u32  }
0x176: {  	s1 =	rddreg [dreg:$0x1];
	p0 =	sne.s32 s2, $0x0  }
0x177: {  	s3 =	rddreg [dreg:$0x2];
	[bflag:$0x3] =	sbarrier.arrive $0xFFFF;
	s2 =	simm.s32 @!p0 $0x1C07  }
0x178: {  	[timem:s3], [sflag:s2] =	dma.local @!p0 [hbm:s0], s1  }
0x179: {  	s0 =	simm.s32 @!p0 $0x7  }
0x17a: {  	_ =	swait.ge @!p0 [sflag:s0], s1  }
0x17b: {  	s1 =	ssub.s32 @!p0 $0x0, s1;
	[sflag:s0] =	ssyncset.done @!p0 $0x0  }
0x17c: {  	[sflag:s0] =	ssyncadd.s32 @!p0 s1  }
0x17d: {  	[bflag:$0x3] =	sbarrier.arrive $0xFFFF  }
0x17e: {  	_ =	shalt  }

</sc_bundles>
